<compile_context>
chip_gen: v7x
topology: tpu7x:2x2x1
jax: 0.10.2.dev20260603
libtpu: 0.0.44.dev20260713+nightly
codegen_flags: <defaults>
</compile_context>

<pallas_src>
import jax
import jax.numpy as jnp
from jax import lax
from jax.experimental import pallas as pl
from jax.experimental.pallas import tpu as pltpu
from jax.experimental.pallas import tpu_sc as plsc

N = 50000
E = 800000
H = 64
HH = 32
NC, NS = 2, 16
SCH = 1024
SRPC = SCH // 128
GPT = 25
SPT = 50
E_PAD = NC * NS * SCH * GPT
IDX_ROWS = E_PAD // 128
DUMMY = N
RA, RB, RC = 32752, 16368, 2040
NA, NB_, NCR = 32256, 15872, 1872
PTA, PTB = NA // NS, NB_ // NS
WPA, WPB = PTA // 4, PTB // 4
APA, APB, APC = NA // 4, NB_ // 4, 480
VOCABS = (120, 10, 7, 5, 2)
OFFS = (0, 120, 130, 137, 142)
NV = 144
_f32 = jnp.float32

_sc_mesh = plsc.VectorSubcoreMesh(
    core_axis_name="c", subcore_axis_name="s", num_cores=NC, num_subcores=NS)



def _sc_gather_body(src_hbm, h_hbm, g_hbm, idx_v, rows_v, sem):
    c = lax.axis_index("c")
    s = lax.axis_index("s")
    t = s * NC + c

    @pl.loop(0, GPT)
    def _chunk(k):
        g = t * GPT + k
        pltpu.sync_copy(src_hbm.at[pl.ds(g * SRPC, SRPC)], idx_v)
        for half in range(2):
            descs = [pltpu.async_copy(h_hbm.at[idx_v.at[half * 4 + j]],
                                      rows_v.at[pl.ds(j * 128, 128)], sem)
                     for j in range(4)]
            for d in descs:
                d.wait()
            pltpu.sync_copy(rows_v,
                            g_hbm.at[pl.ds(g * SCH + half * 512, 512)])


_sc_gather = pl.kernel(
    _sc_gather_body,
    out_type=jax.ShapeDtypeStruct((E_PAD, 128), _f32),
    mesh=_sc_mesh,
    scratch_types=[pltpu.VMEM((SRPC, 128), jnp.int32),
                   pltpu.VMEM((512, 128), _f32),
                   pltpu.SemaphoreType.DMA],
)


def _fill_zero(buf, nrows):
    zero = jnp.zeros((16,), _f32)
    for r in range(nrows):
        for l in range(2):
            buf[r, pl.ds(l * 16, 16)] = zero


def _repack(cbuf, wbuf, nrows):
    for r in range(nrows):
        for l in range(2):
            wbuf[r // 4, pl.ds(32 * (r % 4) + 16 * l, 16)] = \
                cbuf[r, pl.ds(16 * l, 16)]


def _sc_scatter_body(iA_hbm, iB_hbm, iC_hbm, m0_hbm, m1_hbm,
                     a0A_hbm, a0B_hbm, a0C_hbm, a1A_hbm, a1B_hbm, a1C_hbm,
                     iA_v, iB_v, iC_v, nrows_v, cbuf, wbuf, wbuf2,
                     accA, accB, accC):
    c = lax.axis_index("c")
    s = lax.axis_index("s")

    _fill_zero(cbuf, 256)

    @pl.loop(0, 7)
    def _za(i):
        pltpu.sync_copy(cbuf, accA.at[pl.ds(s * PTA + i * 256, 256)])

    pltpu.sync_copy(cbuf.at[pl.ds(0, 224)],
                    accA.at[pl.ds(s * PTA + 1792, 224)])

    @pl.loop(0, 3)
    def _zb(i):
        pltpu.sync_copy(cbuf, accB.at[pl.ds(s * PTB + i * 256, 256)])

    pltpu.sync_copy(cbuf.at[pl.ds(0, 224)],
                    accB.at[pl.ds(s * PTB + 768, 224)])

    @pl.when(s == 0)
    def _():
        @pl.loop(0, 7)
        def _zc(i):
            pltpu.sync_copy(cbuf, accC.at[pl.ds(i * 256, 256)])

        pltpu.sync_copy(cbuf.at[pl.ds(0, 80)], accC.at[pl.ds(1792, 80)])

    plsc.subcore_barrier()

    @pl.loop(0, SPT)
    def _chunk(k):
        g = s * SPT + k
        pltpu.sync_copy(iA_hbm.at[pl.ds(g * SRPC, SRPC)], iA_v)
        pltpu.sync_copy(iB_hbm.at[pl.ds(g * SRPC, SRPC)], iB_v)
        pltpu.sync_copy(iC_hbm.at[pl.ds(g * SRPC, SRPC)], iC_v)

        @pl.when(c == 0)
        def _():
            pltpu.sync_copy(m0_hbm.at[pl.ds(g * 256, 256)], wbuf2)

        @pl.when(c == 1)
        def _():
            pltpu.sync_copy(m1_hbm.at[pl.ds(g * 256, 256)], wbuf2)

        for e in range(0, SCH, 4):
            for qq in range(4):
                for l in range(2):
                    nrows_v[e + qq, pl.ds(16 * l, 16)] = \
                        wbuf2[e // 4, pl.ds(32 * qq + 16 * l, 16)]

        for j in range(SRPC):
            row = nrows_v.at[pl.ds(j * 128, 128)]
            pltpu.sync_copy(row, accA.at[iA_v.at[j]], add=True)
            pltpu.sync_copy(row, accB.at[iB_v.at[j]], add=True)
            pltpu.sync_copy(row, accC.at[iC_v.at[j]], add=True)

    plsc.subcore_barrier()

    def copy_out(aA_hbm, aB_hbm, aC_hbm):
        @pl.loop(0, 7)
        def _ca(i):
            pltpu.sync_copy(accA.at[pl.ds(s * PTA + i * 256, 256)], cbuf)
            _repack(cbuf, wbuf, 256)
            pltpu.sync_copy(wbuf, aA_hbm.at[pl.ds(s * WPA + i * 64, 64)])

        pltpu.sync_copy(accA.at[pl.ds(s * PTA + 1792, 224)],
                        cbuf.at[pl.ds(0, 224)])
        _repack(cbuf, wbuf, 224)
        pltpu.sync_copy(wbuf.at[pl.ds(0, 56)],
                        aA_hbm.at[pl.ds(s * WPA + 448, 56)])

        @pl.loop(0, 3)
        def _cb(i):
            pltpu.sync_copy(accB.at[pl.ds(s * PTB + i * 256, 256)], cbuf)
            _repack(cbuf, wbuf, 256)
            pltpu.sync_copy(wbuf, aB_hbm.at[pl.ds(s * WPB + i * 64, 64)])

        pltpu.sync_copy(accB.at[pl.ds(s * PTB + 768, 224)],
                        cbuf.at[pl.ds(0, 224)])
        _repack(cbuf, wbuf, 224)
        pltpu.sync_copy(wbuf.at[pl.ds(0, 56)],
                        aB_hbm.at[pl.ds(s * WPB + 192, 56)])

        @pl.when(s == 0)
        def _():
            @pl.loop(0, 7)
            def _cc(i):
                pltpu.sync_copy(accC.at[pl.ds(i * 256, 256)], cbuf)
                _repack(cbuf, wbuf, 256)
                pltpu.sync_copy(wbuf, aC_hbm.at[pl.ds(i * 64, 64)])

            pltpu.sync_copy(accC.at[pl.ds(1792, 128)],
                            cbuf.at[pl.ds(0, 128)])
            _repack(cbuf, wbuf, 128)
            pltpu.sync_copy(wbuf.at[pl.ds(0, 32)],
                            aC_hbm.at[pl.ds(448, 32)])

    @pl.when(c == 0)
    def _():
        copy_out(a0A_hbm, a0B_hbm, a0C_hbm)

    @pl.when(c == 1)
    def _():
        copy_out(a1A_hbm, a1B_hbm, a1C_hbm)


_sc_scatter = pl.kernel(
    _sc_scatter_body,
    out_type=tuple(jax.ShapeDtypeStruct((r, 128), _f32)
                   for r in (APA, APB, APC, APA, APB, APC)),
    mesh=_sc_mesh,
    scratch_types=[pltpu.VMEM((SRPC, 128), jnp.int32),
                   pltpu.VMEM((SRPC, 128), jnp.int32),
                   pltpu.VMEM((SRPC, 128), jnp.int32),
                   pltpu.VMEM((SCH, HH), _f32),
                   pltpu.VMEM((256, HH), _f32),
                   pltpu.VMEM((64, 128), _f32),
                   pltpu.VMEM((256, 128), _f32),
                   pltpu.VMEM_SHARED((RA, HH), _f32),
                   pltpu.VMEM_SHARED((RB, HH), _f32),
                   pltpu.VMEM_SHARED((RC, HH), _f32)],
)



_BN = 2000
_NBK = N // _BN
_BI = 128


def _dot(a, b):
    return jnp.dot(a, b, preferred_element_type=_f32)


def _full(shape):
    return pl.BlockSpec(shape, lambda i: (0,) * len(shape))


def _idx_body(d_ref, iA_ref, iB_ref, iC_ref):
    d = d_ref[...]
    iA_ref[...] = jnp.where(d < NA, d, NA)
    iB_ref[...] = jnp.where((d >= NA) & (d < NA + NB_), d - NA, NB_)
    iC_ref[...] = jnp.where(d >= NA + NB_, d - (NA + NB_), NCR)


_idx = pl.pallas_call(
    _idx_body,
    grid=(IDX_ROWS // _BI,),
    in_specs=[pl.BlockSpec((_BI, 128), lambda i: (i, 0))],
    out_specs=[pl.BlockSpec((_BI, 128), lambda i: (i, 0))] * 3,
    out_shape=[jax.ShapeDtypeStruct((IDX_ROWS, 128), jnp.int32)] * 3,
)


def _prep_body(x0, x1, x2, x3, x4, T, b, h_ref):
    iota = lax.broadcasted_iota(jnp.int32, (_BN, NV), 1)
    oh = jnp.zeros((_BN, NV), _f32)
    for xr, off, v in zip((x0, x1, x2, x3, x4), OFFS, VOCABS):
        idx = jnp.clip(xr[...], 0, v - 1) + off
        oh = oh + (iota == idx).astype(_f32)
    h_ref[...] = _dot(oh, T[...]) + b[...]


_prep = pl.pallas_call(
    _prep_body,
    grid=(_NBK,),
    in_specs=[pl.BlockSpec((_BN, 1), lambda i: (i, 0))] * 5
    + [_full((NV, 128)), _full((1, 128))],
    out_specs=pl.BlockSpec((_BN, 128), lambda i: (i, 0)),
    out_shape=jax.ShapeDtypeStruct((N, 128), _f32),
)


_BE = 1600
_NE = E // _BE


def _msg_body(e0, e1, e2, g, et, m_ref):
    code = (e0[...] + 3 * e1[...] + 7 * e2[...]) & 15
    iota = lax.broadcasted_iota(jnp.int32, (_BE, 16), 1)
    oh = (iota == code).astype(_f32)
    m = jnp.maximum(g[...] + _dot(oh, et[...]), 0.0)
    m_ref[...] = m[:, :H]


_msg = pl.pallas_call(
    _msg_body,
    grid=(_NE,),
    in_specs=[pl.BlockSpec((_BE, 1), lambda i: (i, 0))] * 3
    + [pl.BlockSpec((_BE, 128), lambda i: (i, 0)), _full((16, 128))],
    out_specs=pl.BlockSpec((_BE, H), lambda i: (i, 0)),
    out_shape=jax.ShapeDtypeStruct((E, H), _f32),
)


def _mlp_body(h, a, epsv, W1x, W1, b1, W2x, b2x, o_ref):
    z1 = _dot(h[...] * epsv[...], W1x[...]) + _dot(a[...], W1[...])
    z1 = jnp.maximum(z1 + b1[...], 0.0)
    o_ref[...] = jnp.maximum(_dot(z1, W2x[...]) + b2x[...], 0.0)


_mlp = pl.pallas_call(
    _mlp_body,
    grid=(_NBK,),
    in_specs=[pl.BlockSpec((_BN, 128), lambda i: (i, 0)),
              pl.BlockSpec((_BN, H), lambda i: (i, 0)),
              _full((1, 1)), _full((128, H)), _full((H, H)),
              _full((1, H)), _full((H, 128)), _full((1, 128))],
    out_specs=pl.BlockSpec((_BN, 128), lambda i: (i, 0)),
    out_shape=jax.ShapeDtypeStruct((N, 128), _f32),
)

_INV_BN = 0.9999950000374996


def _final_body(h, gm, bt, Wg, bg, Wh1, bh1, Wh2, bh2, out_ref,
                m_ref, s_ref, v_ref):
    i = pl.program_id(0)
    nb = pl.num_programs(0)

    @pl.when(i == 0)
    def _():
        m_ref[...] = jnp.full((1, 1), -1e30, _f32)
        s_ref[...] = jnp.zeros((1, 1), _f32)
        v_ref[...] = jnp.zeros((1, 128), _f32)

    hb = h[...] * _INV_BN * gm[...] + bt[...]
    gate = _dot(hb, Wg[...]) + bg[...]
    bm = jnp.max(gate, keepdims=True)
    mprev = m_ref[...]
    mnew = jnp.maximum(mprev, bm)
    scale = jnp.exp(mprev - mnew)
    p = jnp.exp(gate - mnew)
    s_ref[...] = s_ref[...] * scale + jnp.sum(p, keepdims=True)
    v_ref[...] = v_ref[...] * scale + jnp.sum(p * hb, axis=0, keepdims=True)
    m_ref[...] = mnew

    @pl.when(i == nb - 1)
    def _():
        g = v_ref[...] / s_ref[...]
        o1 = jnp.maximum(_dot(g, Wh1[...]) + bh1[...], 0.0)
        out_ref[...] = _dot(o1, Wh2[...]) + bh2[...]


_final = pl.pallas_call(
    _final_body,
    grid=(_NBK,),
    in_specs=[pl.BlockSpec((_BN, 128), lambda i: (i, 0)),
              _full((1, 128)), _full((1, 128)),
              _full((128, 1)), _full((1, 1)),
              _full((128, 128)), _full((1, 128)),
              _full((128, 1)), _full((1, 1))],
    out_specs=pl.BlockSpec((1, 1), lambda i: (0, 0)),
    out_shape=jax.ShapeDtypeStruct((1, 1), _f32),
    scratch_shapes=[pltpu.VMEM((1, 1), _f32), pltpu.VMEM((1, 1), _f32),
                    pltpu.VMEM((1, 128), _f32)],
)


def _zx(w, rows=None, cols=None):
    r = rows if rows is not None else w.shape[0]
    c = cols if cols is not None else w.shape[1]
    out = jnp.zeros((r, c), _f32)
    return out.at[:w.shape[0], :w.shape[1]].set(w)



def kernel(x, edge_index, edge_attr, params):
    p = params

    Wp = p["W_proj"]
    T_all = jnp.concatenate(
        [emb @ Wp[off:off + emb.shape[1]]
         for emb, off in zip(p["node_embs"], (0, 64, 80, 88, 96))], axis=0)
    Tx = _zx(T_all, cols=128)
    bx = _zx(p["b_proj"][None, :], cols=128)

    src_p = jnp.concatenate(
        [edge_index[0],
         jnp.zeros((E_PAD - E,), jnp.int32)]).reshape(IDX_ROWS, 128)
    ecols = [edge_attr[:, k].reshape(E, 1) for k in range(3)]
    xcols = [x[:, i].reshape(N, 1) for i in range(5)]
    h = _prep(*xcols, Tx, bx)

    for gname in ("g1", "g2", "g3"):
        gp = p[gname]
        etx = _zx(gp["edge_emb"] @ gp["W_edge"] + gp["b_edge"], cols=128)
        g = _sc_gather(src_p, h)
        m = _msg(*ecols, g, etx)
        a = jax.ops.segment_sum(m, edge_index[1], num_segments=N)
        epsv = (1.0 + gp["eps"]).reshape(1, 1)
        W1, W2 = gp["W1"], gp["W2"]
        h = _mlp(h, a, epsv,
                 _zx(W1, rows=128), W1, gp["b1"][None, :],
                 _zx(W2, cols=128), _zx(gp["b2"][None, :], cols=128))

    out = _final(h,
                 _zx(p["bn_gamma"][None, :], cols=128),
                 _zx(p["bn_beta"][None, :], cols=128),
                 _zx(p["W_gate"], rows=128), p["b_gate"][None, :],
                 _zx(p["W_h1"], rows=128), p["b_h1"][None, :],
                 p["W_h2"], p["b_h2"][None, :])
    return out.reshape((1,))

# --- scband reference (transcript-rebuilt; emitter-appended) ---
"""Pipeline reference for scband-classical-gnn-58574763983391 (READ-ONLY COPY).

The authoritative reference and input builder live on the scoring server;
editing this copy changes nothing except your own understanding.
"""

import jax, jax.numpy as jnp
import numpy as np

N_NODES = 50000
N_EDGES = 800000
HIDDEN = 64
VOCABS = (120, 10, 7, 5, 2)
EMB_DIMS = (64, 16, 8, 8, 4)
EDGE_EMB_DIM = 8


def _normal(key, shape, scale):
    return jax.random.normal(key, shape, dtype=jnp.float32) * scale


def _gine_params(key):
    ks = jax.random.split(key, 4)
    return {
        "edge_emb": _normal(ks[0], (16, EDGE_EMB_DIM), 1.0),
        "W_edge": _normal(ks[1], (EDGE_EMB_DIM, HIDDEN), 0.3),
        "b_edge": jnp.zeros((HIDDEN,), jnp.float32),
        "eps": jnp.zeros((), jnp.float32),
        "W1": _normal(ks[2], (HIDDEN, HIDDEN), 0.125),
        "b1": jnp.zeros((HIDDEN,), jnp.float32),
        "W2": _normal(ks[3], (HIDDEN, HIDDEN), 0.125),
        "b2": jnp.zeros((HIDDEN,), jnp.float32),
    }


def _make_params(key):
    ks = jax.random.split(key, 16)
    node_embs = [_normal(ks[i], (v, d), 1.0) for i, (v, d) in enumerate(zip(VOCABS, EMB_DIMS))]
    in_dim = sum(EMB_DIMS)
    return {
        "node_embs": node_embs,
        "W_proj": _normal(ks[5], (in_dim, HIDDEN), 0.1),
        "b_proj": jnp.zeros((HIDDEN,), jnp.float32),
        "g1": _gine_params(ks[6]),
        "g2": _gine_params(ks[7]),
        "g3": _gine_params(ks[8]),
        "bn_gamma": jnp.ones((HIDDEN,), jnp.float32),
        "bn_beta": jnp.zeros((HIDDEN,), jnp.float32),
        "W_gate": _normal(ks[9], (HIDDEN, 1), 0.125),
        "b_gate": jnp.zeros((1,), jnp.float32),
        "W_h1": _normal(ks[10], (HIDDEN, 128), 0.125),
        "b_h1": jnp.zeros((128,), jnp.float32),
        "W_h2": _normal(ks[11], (128, 1), 0.09),
        "b_h2": jnp.zeros((1,), jnp.float32),
    }


def setup_inputs(seed: int = 0):
    key = jax.random.key(seed)
    ks = jax.random.split(key, 4)
    x = jax.random.randint(ks[0], (N_NODES, 5), 0, 120, dtype=jnp.int32)
    edge_index = jax.random.randint(ks[1], (2, N_EDGES), 0, N_NODES, dtype=jnp.int32)
    edge_attr = jax.random.randint(ks[2], (N_EDGES, 3), 0, 16, dtype=jnp.int32)
    params = _make_params(ks[3])
    return {"x": x, "edge_index": edge_index, "edge_attr": edge_attr, "params": params}


def _gine(h, edge_index, edge_attr, p):
    code = (edge_attr[:, 0] + 3 * edge_attr[:, 1] + 7 * edge_attr[:, 2]) % 16
    e = jnp.take(p["edge_emb"], code, axis=0)
    e = e @ p["W_edge"] + p["b_edge"]
    src = edge_index[0]
    dst = edge_index[1]
    msg = jax.nn.relu(jnp.take(h, src, axis=0) + e)
    agg = jax.ops.segment_sum(msg, dst, num_segments=h.shape[0])
    z = (1.0 + p["eps"]) * h + agg
    z = jax.nn.relu(z @ p["W1"] + p["b1"])
    return z @ p["W2"] + p["b2"]


def _forward(params, x, edge_index, edge_attr):
    feats = []
    for i, (v, d) in enumerate(zip(VOCABS, EMB_DIMS)):
        idx = jnp.clip(x[:, i], 0, v - 1)
        feats.append(jnp.take(params["node_embs"][i], idx, axis=0))
    h = jnp.concatenate(feats, axis=-1)
    h = h @ params["W_proj"] + params["b_proj"]
    # dropout is identity in eval mode
    h = jax.nn.relu(_gine(h, edge_index, edge_attr, params["g1"]))
    h = jax.nn.relu(_gine(h, edge_index, edge_attr, params["g2"]))
    h = jax.nn.relu(_gine(h, edge_index, edge_attr, params["g3"]))
    # BatchNorm1d eval mode with fresh running stats (mean=0, var=1, eps=1e-5)
    h = (h / jnp.sqrt(1.0 + 1e-5)) * params["bn_gamma"] + params["bn_beta"]
    # AttentionalAggregation: batch defaults to all-zeros -> single graph softmax
    gate = h @ params["W_gate"] + params["b_gate"]
    att = jax.nn.softmax(gate, axis=0)
    g = jnp.sum(att * h, axis=0, keepdims=True)
    o = jax.nn.relu(g @ params["W_h1"] + params["b_h1"])
    o = o @ params["W_h2"] + params["b_h2"]
    return jnp.squeeze(o, axis=-1)


def reference(x, edge_index, edge_attr, params):
    return _forward(params, x, edge_index, edge_attr)

if __name__ == "__main__":
    import jax
    _d = setup_inputs()
    print(jax.jit(kernel)(*tuple(_d.values())))

</pallas_src>

<mosaic_0001>
#map = affine_map<(d0, d1) -> (0, 0)>
module attributes {stable_mosaic.version = 14 : i64} {
  func.func @_sc_gather_body(%arg0: i32, %arg1: i32, %arg2: memref<6400x128xi32, #tpu.memory_space<hbm>>, %arg3: memref<50000x128xf32, #tpu.memory_space<hbm>>, %arg4: memref<819200x128xf32, #tpu.memory_space<hbm>>, %arg5: memref<8x128xi32, #tpu.memory_space<vmem>>, %arg6: memref<512x128xf32, #tpu.memory_space<vmem>>, %arg7: memref<!tpu.dma_semaphore, #tpu.memory_space<semaphore_mem>>) attributes {dimension_semantics = [#tpu.dimension_semantics<core_parallel>, #tpu.dimension_semantics<subcore_parallel>], iteration_bounds = array<i64: 2, 16>, scalar_prefetch = 0 : i64, scratch_operands = 3 : i64, tpu.core_type = #tpu.core_type<sc_vector_subcore>, window_params = [{transform_indices = #map}, {transform_indices = #map}, {transform_indices = #map}]} {
    %mul3A = arith.constant 2 : i32
    %mul3A_0 = arith.muli %arg1, %mul3A : i32
    %add3A = arith.addi %mul3A_0, %arg0 : i32
    %scan3A = arith.constant 0 : i32
    %scan3A_1 = arith.constant 25 : i32
    %scan3A_2 = arith.addi %scan3A, %scan3A_1 : i32
    %scan3A_3 = arith.constant 1 : i32
    scf.for %scan3A_5 = %scan3A to %scan3A_2 step %scan3A_3  : i32 {
      %mul3A_6 = arith.constant 1 : i32
      %mul3A_7 = arith.muli %scan3A_5, %mul3A_6 : i32
      %add3A_8 = arith.constant 0 : i32
      %add3A_9 = arith.addi %add3A_8, %mul3A_7 : i32
      %mul3A_10 = arith.constant 25 : i32
      %mul3A_11 = arith.muli %add3A, %mul3A_10 : i32
      %add3A_12 = arith.addi %mul3A_11, %add3A_9 : i32
      %mul3A_13 = arith.constant 8 : i32
      %mul3A_14 = arith.muli %add3A_12, %mul3A_13 : i32
      "tpu.region"() ({
        %run_scoped3A = tpu.sem_alloc : memref<!tpu.dma_semaphore, #tpu.memory_space<semaphore_mem>>
        %dma_start3A_181 = arith.constant 0 : i32
        %dma_start3A_182 = tpu.memref_slice %arg2[%mul3A_14, %dma_start3A_181] : memref<6400x128xi32, #tpu.memory_space<hbm>> -> memref<8x128xi32, #tpu.memory_space<hbm>>
        %dma_start3A_183 = arith.constant 0 : i32
        %dma_start3A_184 = tpu.memref_slice %arg2[%mul3A_14, %dma_start3A_183] : memref<6400x128xi32, #tpu.memory_space<hbm>> -> memref<8x128xi32, #tpu.memory_space<hbm>>
        tpu.enqueue_dma source(%dma_start3A_184 : memref<8x128xi32, #tpu.memory_space<hbm>>) target(%arg5 : memref<8x128xi32, #tpu.memory_space<vmem>>) target_semaphore(%run_scoped3A : memref<!tpu.dma_semaphore, #tpu.memory_space<semaphore_mem>>)
        %dma_wait3A_185 = arith.constant 0 : i32
        %dma_wait3A_186 = tpu.memref_slice %arg2[%mul3A_14, %dma_wait3A_185] : memref<6400x128xi32, #tpu.memory_space<hbm>> -> memref<8x128xi32, #tpu.memory_space<hbm>>
        %dma_wait3A_187 = arith.constant 0 : i32
        %dma_wait3A_188 = tpu.memref_slice %arg2[%mul3A_14, %dma_wait3A_187] : memref<6400x128xi32, #tpu.memory_space<hbm>> -> memref<8x128xi32, #tpu.memory_space<hbm>>
        tpu.wait_dma2 semaphore(%run_scoped3A : memref<!tpu.dma_semaphore, #tpu.memory_space<semaphore_mem>>) src(%dma_wait3A_188 : memref<8x128xi32, #tpu.memory_space<hbm>>) dst(%arg5 : memref<8x128xi32, #tpu.memory_space<vmem>>)
        tpu.yield
      }) : () -> ()
      %dma_start3A = arith.constant 0 : i32
      %dma_start3A_15 = arith.constant 0 : i32
      %dma_start3A_16 = arith.constant 0 : i32
      %dma_start3A_17 = tpu.memref_slice %arg6[%dma_start3A_15, %dma_start3A_16] : memref<512x128xf32, #tpu.memory_space<vmem>> -> memref<128x128xf32, #tpu.memory_space<vmem>>
      %dma_start3A_18 = arith.constant 0 : i32
      %dma_start3A_19 = tpu.memref_slice %arg5[%dma_start3A, %dma_start3A_18] : memref<8x128xi32, #tpu.memory_space<vmem>> -> memref<1x128xi32, #tpu.memory_space<vmem>>
      %dma_start3A_20 = tpu.memref_squeeze %dma_start3A_19 : memref<1x128xi32, #tpu.memory_space<vmem>> -> memref<128xi32, #tpu.memory_space<vmem>>
      %dma_start3A_21 = arith.constant 0 : i32
      %dma_start3A_22 = arith.constant 0 : i32
      %dma_start3A_23 = tpu.memref_slice %arg3[%dma_start3A_21, %dma_start3A_22] : memref<50000x128xf32, #tpu.memory_space<hbm>> -> memref<50000x128xf32, #tpu.memory_space<hbm>>
      tpu.enqueue_indirect_dma source(%dma_start3A_23 : memref<50000x128xf32, #tpu.memory_space<hbm>>) target(%dma_start3A_17 : memref<128x128xf32, #tpu.memory_space<vmem>>) offsets(%dma_start3A_20 : memref<128xi32, #tpu.memory_space<vmem>>) semaphore(%arg7 : memref<!tpu.dma_semaphore, #tpu.memory_space<semaphore_mem>>)
      %dma_start3A_24 = arith.constant 1 : i32
      %dma_start3A_25 = arith.constant 128 : i32
      %dma_start3A_26 = arith.constant 0 : i32
      %dma_start3A_27 = tpu.memref_slice %arg6[%dma_start3A_25, %dma_start3A_26] : memref<512x128xf32, #tpu.memory_space<vmem>> -> memref<128x128xf32, #tpu.memory_space<vmem>>
      %dma_start3A_28 = arith.constant 0 : i32
      %dma_start3A_29 = tpu.memref_slice %arg5[%dma_start3A_24, %dma_start3A_28] : memref<8x128xi32, #tpu.memory_space<vmem>> -> memref<1x128xi32, #tpu.memory_space<vmem>>
      %dma_start3A_30 = tpu.memref_squeeze %dma_start3A_29 : memref<1x128xi32, #tpu.memory_space<vmem>> -> memref<128xi32, #tpu.memory_space<vmem>>
      %dma_start3A_31 = arith.constant 0 : i32
      %dma_start3A_32 = arith.constant 0 : i32
      %dma_start3A_33 = tpu.memref_slice %arg3[%dma_start3A_31, %dma_start3A_32] : memref<50000x128xf32, #tpu.memory_space<hbm>> -> memref<50000x128xf32, #tpu.memory_space<hbm>>
      tpu.enqueue_indirect_dma source(%dma_start3A_33 : memref<50000x128xf32, #tpu.memory_space<hbm>>) target(%dma_start3A_27 : memref<128x128xf32, #tpu.memory_space<vmem>>) offsets(%dma_start3A_30 : memref<128xi32, #tpu.memory_space<vmem>>) semaphore(%arg7 : memref<!tpu.dma_semaphore, #tpu.memory_space<semaphore_mem>>)
      %dma_start3A_34 = arith.constant 2 : i32
      %dma_start3A_35 = arith.constant 256 : i32
      %dma_start3A_36 = arith.constant 0 : i32
      %dma_start3A_37 = tpu.memref_slice %arg6[%dma_start3A_35, %dma_start3A_36] : memref<512x128xf32, #tpu.memory_space<vmem>> -> memref<128x128xf32, #tpu.memory_space<vmem>>
      %dma_start3A_38 = arith.constant 0 : i32
      %dma_start3A_39 = tpu.memref_slice %arg5[%dma_start3A_34, %dma_start3A_38] : memref<8x128xi32, #tpu.memory_space<vmem>> -> memref<1x128xi32, #tpu.memory_space<vmem>>
      %dma_start3A_40 = tpu.memref_squeeze %dma_start3A_39 : memref<1x128xi32, #tpu.memory_space<vmem>> -> memref<128xi32, #tpu.memory_space<vmem>>
      %dma_start3A_41 = arith.constant 0 : i32
      %dma_start3A_42 = arith.constant 0 : i32
      %dma_start3A_43 = tpu.memref_slice %arg3[%dma_start3A_41, %dma_start3A_42] : memref<50000x128xf32, #tpu.memory_space<hbm>> -> memref<50000x128xf32, #tpu.memory_space<hbm>>
      tpu.enqueue_indirect_dma source(%dma_start3A_43 : memref<50000x128xf32, #tpu.memory_space<hbm>>) target(%dma_start3A_37 : memref<128x128xf32, #tpu.memory_space<vmem>>) offsets(%dma_start3A_40 : memref<128xi32, #tpu.memory_space<vmem>>) semaphore(%arg7 : memref<!tpu.dma_semaphore, #tpu.memory_space<semaphore_mem>>)
      %dma_start3A_44 = arith.constant 3 : i32
      %dma_start3A_45 = arith.constant 384 : i32
      %dma_start3A_46 = arith.constant 0 : i32
      %dma_start3A_47 = tpu.memref_slice %arg6[%dma_start3A_45, %dma_start3A_46] : memref<512x128xf32, #tpu.memory_space<vmem>> -> memref<128x128xf32, #tpu.memory_space<vmem>>
      %dma_start3A_48 = arith.constant 0 : i32
      %dma_start3A_49 = tpu.memref_slice %arg5[%dma_start3A_44, %dma_start3A_48] : memref<8x128xi32, #tpu.memory_space<vmem>> -> memref<1x128xi32, #tpu.memory_space<vmem>>
      %dma_start3A_50 = tpu.memref_squeeze %dma_start3A_49 : memref<1x128xi32, #tpu.memory_space<vmem>> -> memref<128xi32, #tpu.memory_space<vmem>>
      %dma_start3A_51 = arith.constant 0 : i32
      %dma_start3A_52 = arith.constant 0 : i32
      %dma_start3A_53 = tpu.memref_slice %arg3[%dma_start3A_51, %dma_start3A_52] : memref<50000x128xf32, #tpu.memory_space<hbm>> -> memref<50000x128xf32, #tpu.memory_space<hbm>>
      tpu.enqueue_indirect_dma source(%dma_start3A_53 : memref<50000x128xf32, #tpu.memory_space<hbm>>) target(%dma_start3A_47 : memref<128x128xf32, #tpu.memory_space<vmem>>) offsets(%dma_start3A_50 : memref<128xi32, #tpu.memory_space<vmem>>) semaphore(%arg7 : memref<!tpu.dma_semaphore, #tpu.memory_space<semaphore_mem>>)
      %dma_wait3A = arith.constant 0 : i32
      %dma_wait3A_54 = arith.constant 0 : i32
      %dma_wait3A_55 = arith.constant 0 : i32
      %dma_wait3A_56 = tpu.memref_slice %arg6[%dma_wait3A_54, %dma_wait3A_55] : memref<512x128xf32, #tpu.memory_space<vmem>> -> memref<128x128xf32, #tpu.memory_space<vmem>>
      %dma_wait3A_57 = arith.constant 0 : i32
      %dma_wait3A_58 = tpu.memref_slice %arg5[%dma_wait3A, %dma_wait3A_57] : memref<8x128xi32, #tpu.memory_space<vmem>> -> memref<1x128xi32, #tpu.memory_space<vmem>>
      %dma_wait3A_59 = tpu.memref_squeeze %dma_wait3A_58 : memref<1x128xi32, #tpu.memory_space<vmem>> -> memref<128xi32, #tpu.memory_space<vmem>>
      %dma_wait3A_60 = arith.constant 0 : i32
      %dma_wait3A_61 = arith.constant 0 : i32
      %dma_wait3A_62 = tpu.memref_slice %arg3[%dma_wait3A_60, %dma_wait3A_61] : memref<50000x128xf32, #tpu.memory_space<hbm>> -> memref<50000x128xf32, #tpu.memory_space<hbm>>
      tpu.wait_indirect_dma semaphore(%arg7 : memref<!tpu.dma_semaphore, #tpu.memory_space<semaphore_mem>>) src(%dma_wait3A_62 : memref<50000x128xf32, #tpu.memory_space<hbm>>) dst(%dma_wait3A_56 : memref<128x128xf32, #tpu.memory_space<vmem>>)
      %dma_wait3A_63 = arith.constant 1 : i32
      %dma_wait3A_64 = arith.constant 128 : i32
      %dma_wait3A_65 = arith.constant 0 : i32
      %dma_wait3A_66 = tpu.memref_slice %arg6[%dma_wait3A_64, %dma_wait3A_65] : memref<512x128xf32, #tpu.memory_space<vmem>> -> memref<128x128xf32, #tpu.memory_space<vmem>>
      %dma_wait3A_67 = arith.constant 0 : i32
      %dma_wait3A_68 = tpu.memref_slice %arg5[%dma_wait3A_63, %dma_wait3A_67] : memref<8x128xi32, #tpu.memory_space<vmem>> -> memref<1x128xi32, #tpu.memory_space<vmem>>
      %dma_wait3A_69 = tpu.memref_squeeze %dma_wait3A_68 : memref<1x128xi32, #tpu.memory_space<vmem>> -> memref<128xi32, #tpu.memory_space<vmem>>
      %dma_wait3A_70 = arith.constant 0 : i32
      %dma_wait3A_71 = arith.constant 0 : i32
      %dma_wait3A_72 = tpu.memref_slice %arg3[%dma_wait3A_70, %dma_wait3A_71] : memref<50000x128xf32, #tpu.memory_space<hbm>> -> memref<50000x128xf32, #tpu.memory_space<hbm>>
      tpu.wait_indirect_dma semaphore(%arg7 : memref<!tpu.dma_semaphore, #tpu.memory_space<semaphore_mem>>) src(%dma_wait3A_72 : memref<50000x128xf32, #tpu.memory_space<hbm>>) dst(%dma_wait3A_66 : memref<128x128xf32, #tpu.memory_space<vmem>>)
      %dma_wait3A_73 = arith.constant 2 : i32
      %dma_wait3A_74 = arith.constant 256 : i32
      %dma_wait3A_75 = arith.constant 0 : i32
      %dma_wait3A_76 = tpu.memref_slice %arg6[%dma_wait3A_74, %dma_wait3A_75] : memref<512x128xf32, #tpu.memory_space<vmem>> -> memref<128x128xf32, #tpu.memory_space<vmem>>
      %dma_wait3A_77 = arith.constant 0 : i32
      %dma_wait3A_78 = tpu.memref_slice %arg5[%dma_wait3A_73, %dma_wait3A_77] : memref<8x128xi32, #tpu.memory_space<vmem>> -> memref<1x128xi32, #tpu.memory_space<vmem>>
      %dma_wait3A_79 = tpu.memref_squeeze %dma_wait3A_78 : memref<1x128xi32, #tpu.memory_space<vmem>> -> memref<128xi32, #tpu.memory_space<vmem>>
      %dma_wait3A_80 = arith.constant 0 : i32
      %dma_wait3A_81 = arith.constant 0 : i32
      %dma_wait3A_82 = tpu.memref_slice %arg3[%dma_wait3A_80, %dma_wait3A_81] : memref<50000x128xf32, #tpu.memory_space<hbm>> -> memref<50000x128xf32, #tpu.memory_space<hbm>>
      tpu.wait_indirect_dma semaphore(%arg7 : memref<!tpu.dma_semaphore, #tpu.memory_space<semaphore_mem>>) src(%dma_wait3A_82 : memref<50000x128xf32, #tpu.memory_space<hbm>>) dst(%dma_wait3A_76 : memref<128x128xf32, #tpu.memory_space<vmem>>)
      %dma_wait3A_83 = arith.constant 3 : i32
      %dma_wait3A_84 = arith.constant 384 : i32
      %dma_wait3A_85 = arith.constant 0 : i32
      %dma_wait3A_86 = tpu.memref_slice %arg6[%dma_wait3A_84, %dma_wait3A_85] : memref<512x128xf32, #tpu.memory_space<vmem>> -> memref<128x128xf32, #tpu.memory_space<vmem>>
      %dma_wait3A_87 = arith.constant 0 : i32
      %dma_wait3A_88 = tpu.memref_slice %arg5[%dma_wait3A_83, %dma_wait3A_87] : memref<8x128xi32, #tpu.memory_space<vmem>> -> memref<1x128xi32, #tpu.memory_space<vmem>>
      %dma_wait3A_89 = tpu.memref_squeeze %dma_wait3A_88 : memref<1x128xi32, #tpu.memory_space<vmem>> -> memref<128xi32, #tpu.memory_space<vmem>>
      %dma_wait3A_90 = arith.constant 0 : i32
      %dma_wait3A_91 = arith.constant 0 : i32
      %dma_wait3A_92 = tpu.memref_slice %arg3[%dma_wait3A_90, %dma_wait3A_91] : memref<50000x128xf32, #tpu.memory_space<hbm>> -> memref<50000x128xf32, #tpu.memory_space<hbm>>
      tpu.wait_indirect_dma semaphore(%arg7 : memref<!tpu.dma_semaphore, #tpu.memory_space<semaphore_mem>>) src(%dma_wait3A_92 : memref<50000x128xf32, #tpu.memory_space<hbm>>) dst(%dma_wait3A_86 : memref<128x128xf32, #tpu.memory_space<vmem>>)
      %mul3A_93 = arith.constant 1024 : i32
      %mul3A_94 = arith.muli %add3A_12, %mul3A_93 : i32
      %add3A_95 = arith.constant 0 : i32
      %add3A_96 = arith.addi %mul3A_94, %add3A_95 : i32
      "tpu.region"() ({
        %run_scoped3A = tpu.sem_alloc : memref<!tpu.dma_semaphore, #tpu.memory_space<semaphore_mem>>
        %dma_start3A_181 = arith.constant 0 : i32
        %dma_start3A_182 = tpu.memref_slice %arg4[%add3A_96, %dma_start3A_181] : memref<819200x128xf32, #tpu.memory_space<hbm>> -> memref<512x128xf32, #tpu.memory_space<hbm>>
        %dma_start3A_183 = arith.constant 0 : i32
        %dma_start3A_184 = tpu.memref_slice %arg4[%add3A_96, %dma_start3A_183] : memref<819200x128xf32, #tpu.memory_space<hbm>> -> memref<512x128xf32, #tpu.memory_space<hbm>>
        tpu.enqueue_dma source(%arg6 : memref<512x128xf32, #tpu.memory_space<vmem>>) target(%dma_start3A_184 : memref<512x128xf32, #tpu.memory_space<hbm>>) target_semaphore(%run_scoped3A : memref<!tpu.dma_semaphore, #tpu.memory_space<semaphore_mem>>)
        %dma_wait3A_185 = arith.constant 0 : i32
        %dma_wait3A_186 = tpu.memref_slice %arg4[%add3A_96, %dma_wait3A_185] : memref<819200x128xf32, #tpu.memory_space<hbm>> -> memref<512x128xf32, #tpu.memory_space<hbm>>
        %dma_wait3A_187 = arith.constant 0 : i32
        %dma_wait3A_188 = tpu.memref_slice %arg4[%add3A_96, %dma_wait3A_187] : memref<819200x128xf32, #tpu.memory_space<hbm>> -> memref<512x128xf32, #tpu.memory_space<hbm>>
        tpu.wait_dma2 semaphore(%run_scoped3A : memref<!tpu.dma_semaphore, #tpu.memory_space<semaphore_mem>>) src(%arg6 : memref<512x128xf32, #tpu.memory_space<vmem>>) dst(%dma_wait3A_188 : memref<512x128xf32, #tpu.memory_space<hbm>>)
        tpu.yield
      }) : () -> ()
      %dma_start3A_97 = arith.constant 4 : i32
      %dma_start3A_98 = arith.constant 0 : i32
      %dma_start3A_99 = arith.constant 0 : i32
      %dma_start3A_100 = tpu.memref_slice %arg6[%dma_start3A_98, %dma_start3A_99] : memref<512x128xf32, #tpu.memory_space<vmem>> -> memref<128x128xf32, #tpu.memory_space<vmem>>
      %dma_start3A_101 = arith.constant 0 : i32
      %dma_start3A_102 = tpu.memref_slice %arg5[%dma_start3A_97, %dma_start3A_101] : memref<8x128xi32, #tpu.memory_space<vmem>> -> memref<1x128xi32, #tpu.memory_space<vmem>>
      %dma_start3A_103 = tpu.memref_squeeze %dma_start3A_102 : memref<1x128xi32, #tpu.memory_space<vmem>> -> memref<128xi32, #tpu.memory_space<vmem>>
      %dma_start3A_104 = arith.constant 0 : i32
      %dma_start3A_105 = arith.constant 0 : i32
      %dma_start3A_106 = tpu.memref_slice %arg3[%dma_start3A_104, %dma_start3A_105] : memref<50000x128xf32, #tpu.memory_space<hbm>> -> memref<50000x128xf32, #tpu.memory_space<hbm>>
      tpu.enqueue_indirect_dma source(%dma_start3A_106 : memref<50000x128xf32, #tpu.memory_space<hbm>>) target(%dma_start3A_100 : memref<128x128xf32, #tpu.memory_space<vmem>>) offsets(%dma_start3A_103 : memref<128xi32, #tpu.memory_space<vmem>>) semaphore(%arg7 : memref<!tpu.dma_semaphore, #tpu.memory_space<semaphore_mem>>)
      %dma_start3A_107 = arith.constant 5 : i32
      %dma_start3A_108 = arith.constant 128 : i32
      %dma_start3A_109 = arith.constant 0 : i32
      %dma_start3A_110 = tpu.memref_slice %arg6[%dma_start3A_108, %dma_start3A_109] : memref<512x128xf32, #tpu.memory_space<vmem>> -> memref<128x128xf32, #tpu.memory_space<vmem>>
      %dma_start3A_111 = arith.constant 0 : i32
      %dma_start3A_112 = tpu.memref_slice %arg5[%dma_start3A_107, %dma_start3A_111] : memref<8x128xi32, #tpu.memory_space<vmem>> -> memref<1x128xi32, #tpu.memory_space<vmem>>
      %dma_start3A_113 = tpu.memref_squeeze %dma_start3A_112 : memref<1x128xi32, #tpu.memory_space<vmem>> -> memref<128xi32, #tpu.memory_space<vmem>>
      %dma_start3A_114 = arith.constant 0 : i32
      %dma_start3A_115 = arith.constant 0 : i32
      %dma_start3A_116 = tpu.memref_slice %arg3[%dma_start3A_114, %dma_start3A_115] : memref<50000x128xf32, #tpu.memory_space<hbm>> -> memref<50000x128xf32, #tpu.memory_space<hbm>>
      tpu.enqueue_indirect_dma source(%dma_start3A_116 : memref<50000x128xf32, #tpu.memory_space<hbm>>) target(%dma_start3A_110 : memref<128x128xf32, #tpu.memory_space<vmem>>) offsets(%dma_start3A_113 : memref<128xi32, #tpu.memory_space<vmem>>) semaphore(%arg7 : memref<!tpu.dma_semaphore, #tpu.memory_space<semaphore_mem>>)
      %dma_start3A_117 = arith.constant 6 : i32
      %dma_start3A_118 = arith.constant 256 : i32
      %dma_start3A_119 = arith.constant 0 : i32
      %dma_start3A_120 = tpu.memref_slice %arg6[%dma_start3A_118, %dma_start3A_119] : memref<512x128xf32, #tpu.memory_space<vmem>> -> memref<128x128xf32, #tpu.memory_space<vmem>>
      %dma_start3A_121 = arith.constant 0 : i32
      %dma_start3A_122 = tpu.memref_slice %arg5[%dma_start3A_117, %dma_start3A_121] : memref<8x128xi32, #tpu.memory_space<vmem>> -> memref<1x128xi32, #tpu.memory_space<vmem>>
      %dma_start3A_123 = tpu.memref_squeeze %dma_start3A_122 : memref<1x128xi32, #tpu.memory_space<vmem>> -> memref<128xi32, #tpu.memory_space<vmem>>
      %dma_start3A_124 = arith.constant 0 : i32
      %dma_start3A_125 = arith.constant 0 : i32
      %dma_start3A_126 = tpu.memref_slice %arg3[%dma_start3A_124, %dma_start3A_125] : memref<50000x128xf32, #tpu.memory_space<hbm>> -> memref<50000x128xf32, #tpu.memory_space<hbm>>
      tpu.enqueue_indirect_dma source(%dma_start3A_126 : memref<50000x128xf32, #tpu.memory_space<hbm>>) target(%dma_start3A_120 : memref<128x128xf32, #tpu.memory_space<vmem>>) offsets(%dma_start3A_123 : memref<128xi32, #tpu.memory_space<vmem>>) semaphore(%arg7 : memref<!tpu.dma_semaphore, #tpu.memory_space<semaphore_mem>>)
      %dma_start3A_127 = arith.constant 7 : i32
      %dma_start3A_128 = arith.constant 384 : i32
      %dma_start3A_129 = arith.constant 0 : i32
      %dma_start3A_130 = tpu.memref_slice %arg6[%dma_start3A_128, %dma_start3A_129] : memref<512x128xf32, #tpu.memory_space<vmem>> -> memref<128x128xf32, #tpu.memory_space<vmem>>
      %dma_start3A_131 = arith.constant 0 : i32
      %dma_start3A_132 = tpu.memref_slice %arg5[%dma_start3A_127, %dma_start3A_131] : memref<8x128xi32, #tpu.memory_space<vmem>> -> memref<1x128xi32, #tpu.memory_space<vmem>>
      %dma_start3A_133 = tpu.memref_squeeze %dma_start3A_132 : memref<1x128xi32, #tpu.memory_space<vmem>> -> memref<128xi32, #tpu.memory_space<vmem>>
      %dma_start3A_134 = arith.constant 0 : i32
      %dma_start3A_135 = arith.constant 0 : i32
      %dma_start3A_136 = tpu.memref_slice %arg3[%dma_start3A_134, %dma_start3A_135] : memref<50000x128xf32, #tpu.memory_space<hbm>> -> memref<50000x128xf32, #tpu.memory_space<hbm>>
      tpu.enqueue_indirect_dma source(%dma_start3A_136 : memref<50000x128xf32, #tpu.memory_space<hbm>>) target(%dma_start3A_130 : memref<128x128xf32, #tpu.memory_space<vmem>>) offsets(%dma_start3A_133 : memref<128xi32, #tpu.memory_space<vmem>>) semaphore(%arg7 : memref<!tpu.dma_semaphore, #tpu.memory_space<semaphore_mem>>)
      %dma_wait3A_137 = arith.constant 4 : i32
      %dma_wait3A_138 = arith.constant 0 : i32
      %dma_wait3A_139 = arith.constant 0 : i32
      %dma_wait3A_140 = tpu.memref_slice %arg6[%dma_wait3A_138, %dma_wait3A_139] : memref<512x128xf32, #tpu.memory_space<vmem>> -> memref<128x128xf32, #tpu.memory_space<vmem>>
      %dma_wait3A_141 = arith.constant 0 : i32
      %dma_wait3A_142 = tpu.memref_slice %arg5[%dma_wait3A_137, %dma_wait3A_141] : memref<8x128xi32, #tpu.memory_space<vmem>> -> memref<1x128xi32, #tpu.memory_space<vmem>>
      %dma_wait3A_143 = tpu.memref_squeeze %dma_wait3A_142 : memref<1x128xi32, #tpu.memory_space<vmem>> -> memref<128xi32, #tpu.memory_space<vmem>>
      %dma_wait3A_144 = arith.constant 0 : i32
      %dma_wait3A_145 = arith.constant 0 : i32
      %dma_wait3A_146 = tpu.memref_slice %arg3[%dma_wait3A_144, %dma_wait3A_145] : memref<50000x128xf32, #tpu.memory_space<hbm>> -> memref<50000x128xf32, #tpu.memory_space<hbm>>
      tpu.wait_indirect_dma semaphore(%arg7 : memref<!tpu.dma_semaphore, #tpu.memory_space<semaphore_mem>>) src(%dma_wait3A_146 : memref<50000x128xf32, #tpu.memory_space<hbm>>) dst(%dma_wait3A_140 : memref<128x128xf32, #tpu.memory_space<vmem>>)
      %dma_wait3A_147 = arith.constant 5 : i32
      %dma_wait3A_148 = arith.constant 128 : i32
      %dma_wait3A_149 = arith.constant 0 : i32
      %dma_wait3A_150 = tpu.memref_slice %arg6[%dma_wait3A_148, %dma_wait3A_149] : memref<512x128xf32, #tpu.memory_space<vmem>> -> memref<128x128xf32, #tpu.memory_space<vmem>>
      %dma_wait3A_151 = arith.constant 0 : i32
      %dma_wait3A_152 = tpu.memref_slice %arg5[%dma_wait3A_147, %dma_wait3A_151] : memref<8x128xi32, #tpu.memory_space<vmem>> -> memref<1x128xi32, #tpu.memory_space<vmem>>
      %dma_wait3A_153 = tpu.memref_squeeze %dma_wait3A_152 : memref<1x128xi32, #tpu.memory_space<vmem>> -> memref<128xi32, #tpu.memory_space<vmem>>
      %dma_wait3A_154 = arith.constant 0 : i32
      %dma_wait3A_155 = arith.constant 0 : i32
      %dma_wait3A_156 = tpu.memref_slice %arg3[%dma_wait3A_154, %dma_wait3A_155] : memref<50000x128xf32, #tpu.memory_space<hbm>> -> memref<50000x128xf32, #tpu.memory_space<hbm>>
      tpu.wait_indirect_dma semaphore(%arg7 : memref<!tpu.dma_semaphore, #tpu.memory_space<semaphore_mem>>) src(%dma_wait3A_156 : memref<50000x128xf32, #tpu.memory_space<hbm>>) dst(%dma_wait3A_150 : memref<128x128xf32, #tpu.memory_space<vmem>>)
      %dma_wait3A_157 = arith.constant 6 : i32
      %dma_wait3A_158 = arith.constant 256 : i32
      %dma_wait3A_159 = arith.constant 0 : i32
      %dma_wait3A_160 = tpu.memref_slice %arg6[%dma_wait3A_158, %dma_wait3A_159] : memref<512x128xf32, #tpu.memory_space<vmem>> -> memref<128x128xf32, #tpu.memory_space<vmem>>
      %dma_wait3A_161 = arith.constant 0 : i32
      %dma_wait3A_162 = tpu.memref_slice %arg5[%dma_wait3A_157, %dma_wait3A_161] : memref<8x128xi32, #tpu.memory_space<vmem>> -> memref<1x128xi32, #tpu.memory_space<vmem>>
      %dma_wait3A_163 = tpu.memref_squeeze %dma_wait3A_162 : memref<1x128xi32, #tpu.memory_space<vmem>> -> memref<128xi32, #tpu.memory_space<vmem>>
      %dma_wait3A_164 = arith.constant 0 : i32
      %dma_wait3A_165 = arith.constant 0 : i32
      %dma_wait3A_166 = tpu.memref_slice %arg3[%dma_wait3A_164, %dma_wait3A_165] : memref<50000x128xf32, #tpu.memory_space<hbm>> -> memref<50000x128xf32, #tpu.memory_space<hbm>>
      tpu.wait_indirect_dma semaphore(%arg7 : memref<!tpu.dma_semaphore, #tpu.memory_space<semaphore_mem>>) src(%dma_wait3A_166 : memref<50000x128xf32, #tpu.memory_space<hbm>>) dst(%dma_wait3A_160 : memref<128x128xf32, #tpu.memory_space<vmem>>)
      %dma_wait3A_167 = arith.constant 7 : i32
      %dma_wait3A_168 = arith.constant 384 : i32
      %dma_wait3A_169 = arith.constant 0 : i32
      %dma_wait3A_170 = tpu.memref_slice %arg6[%dma_wait3A_168, %dma_wait3A_169] : memref<512x128xf32, #tpu.memory_space<vmem>> -> memref<128x128xf32, #tpu.memory_space<vmem>>
      %dma_wait3A_171 = arith.constant 0 : i32
      %dma_wait3A_172 = tpu.memref_slice %arg5[%dma_wait3A_167, %dma_wait3A_171] : memref<8x128xi32, #tpu.memory_space<vmem>> -> memref<1x128xi32, #tpu.memory_space<vmem>>
      %dma_wait3A_173 = tpu.memref_squeeze %dma_wait3A_172 : memref<1x128xi32, #tpu.memory_space<vmem>> -> memref<128xi32, #tpu.memory_space<vmem>>
      %dma_wait3A_174 = arith.constant 0 : i32
      %dma_wait3A_175 = arith.constant 0 : i32
      %dma_wait3A_176 = tpu.memref_slice %arg3[%dma_wait3A_174, %dma_wait3A_175] : memref<50000x128xf32, #tpu.memory_space<hbm>> -> memref<50000x128xf32, #tpu.memory_space<hbm>>
      tpu.wait_indirect_dma semaphore(%arg7 : memref<!tpu.dma_semaphore, #tpu.memory_space<semaphore_mem>>) src(%dma_wait3A_176 : memref<50000x128xf32, #tpu.memory_space<hbm>>) dst(%dma_wait3A_170 : memref<128x128xf32, #tpu.memory_space<vmem>>)
      %mul3A_177 = arith.constant 1024 : i32
      %mul3A_178 = arith.muli %add3A_12, %mul3A_177 : i32
      %add3A_179 = arith.constant 512 : i32
      %add3A_180 = arith.addi %mul3A_178, %add3A_179 : i32
      "tpu.region"() ({
        %run_scoped3A = tpu.sem_alloc : memref<!tpu.dma_semaphore, #tpu.memory_space<semaphore_mem>>
        %dma_start3A_181 = arith.constant 0 : i32
        %dma_start3A_182 = tpu.memref_slice %arg4[%add3A_180, %dma_start3A_181] : memref<819200x128xf32, #tpu.memory_space<hbm>> -> memref<512x128xf32, #tpu.memory_space<hbm>>
        %dma_start3A_183 = arith.constant 0 : i32
        %dma_start3A_184 = tpu.memref_slice %arg4[%add3A_180, %dma_start3A_183] : memref<819200x128xf32, #tpu.memory_space<hbm>> -> memref<512x128xf32, #tpu.memory_space<hbm>>
        tpu.enqueue_dma source(%arg6 : memref<512x128xf32, #tpu.memory_space<vmem>>) target(%dma_start3A_184 : memref<512x128xf32, #tpu.memory_space<hbm>>) target_semaphore(%run_scoped3A : memref<!tpu.dma_semaphore, #tpu.memory_space<semaphore_mem>>)
        %dma_wait3A_185 = arith.constant 0 : i32
        %dma_wait3A_186 = tpu.memref_slice %arg4[%add3A_180, %dma_wait3A_185] : memref<819200x128xf32, #tpu.memory_space<hbm>> -> memref<512x128xf32, #tpu.memory_space<hbm>>
        %dma_wait3A_187 = arith.constant 0 : i32
        %dma_wait3A_188 = tpu.memref_slice %arg4[%add3A_180, %dma_wait3A_187] : memref<819200x128xf32, #tpu.memory_space<hbm>> -> memref<512x128xf32, #tpu.memory_space<hbm>>
        tpu.wait_dma2 semaphore(%run_scoped3A : memref<!tpu.dma_semaphore, #tpu.memory_space<semaphore_mem>>) src(%arg6 : memref<512x128xf32, #tpu.memory_space<vmem>>) dst(%dma_wait3A_188 : memref<512x128xf32, #tpu.memory_space<hbm>>)
        tpu.yield
      }) : () -> ()
    }
    %scan3A_4 = arith.constant 25 : i32
    return
  }
}

#map = affine_map<(d0, d1) -> (0, 0)>
module attributes {stable_mosaic.version = 14 : i64} {
  func.func @_sc_gather_body(%arg0: i32, %arg1: i32, %arg2: memref<6400x128xi32, #tpu.memory_space<hbm>>, %arg3: memref<50000x128xf32, #tpu.memory_space<hbm>>, %arg4: memref<819200x128xf32, #tpu.memory_space<hbm>>, %arg5: memref<8x128xi32, #tpu.memory_space<vmem>>, %arg6: memref<512x128xf32, #tpu.memory_space<vmem>>, %arg7: memref<!tpu.dma_semaphore, #tpu.memory_space<semaphore_mem>>) attributes {dimension_semantics = [#tpu.dimension_semantics<core_parallel>, #tpu.dimension_semantics<subcore_parallel>], iteration_bounds = array<i64: 2, 16>, scalar_prefetch = 0 : i64, scratch_operands = 3 : i64, tpu.core_type = #tpu.core_type<sc_vector_subcore>, window_params = [{transform_indices = #map}, {transform_indices = #map}, {transform_indices = #map}]} {
    %mul3A = arith.constant 2 : i32
    %mul3A_0 = arith.muli %arg1, %mul3A : i32
    %add3A = arith.addi %mul3A_0, %arg0 : i32
    %scan3A = arith.constant 0 : i32
    %scan3A_1 = arith.constant 25 : i32
    %scan3A_2 = arith.addi %scan3A, %scan3A_1 : i32
    %scan3A_3 = arith.constant 1 : i32
    scf.for %scan3A_5 = %scan3A to %scan3A_2 step %scan3A_3  : i32 {
      %mul3A_6 = arith.constant 1 : i32
      %mul3A_7 = arith.muli %scan3A_5, %mul3A_6 : i32
      %add3A_8 = arith.constant 0 : i32
      %add3A_9 = arith.addi %add3A_8, %mul3A_7 : i32
      %mul3A_10 = arith.constant 25 : i32
      %mul3A_11 = arith.muli %add3A, %mul3A_10 : i32
      %add3A_12 = arith.addi %mul3A_11, %add3A_9 : i32
      %mul3A_13 = arith.constant 8 : i32
      %mul3A_14 = arith.muli %add3A_12, %mul3A_13 : i32
      "tpu.region"() ({
        %run_scoped3A = tpu.sem_alloc : memref<!tpu.dma_semaphore, #tpu.memory_space<semaphore_mem>>
        %dma_start3A_181 = arith.constant 0 : i32
        %dma_start3A_182 = tpu.memref_slice %arg2[%mul3A_14, %dma_start3A_181] : memref<6400x128xi32, #tpu.memory_space<hbm>> -> memref<8x128xi32, #tpu.memory_space<hbm>>
        %dma_start3A_183 = arith.constant 0 : i32
        %dma_start3A_184 = tpu.memref_slice %arg2[%mul3A_14, %dma_start3A_183] : memref<6400x128xi32, #tpu.memory_space<hbm>> -> memref<8x128xi32, #tpu.memory_space<hbm>>
        tpu.enqueue_dma source(%dma_start3A_184 : memref<8x128xi32, #tpu.memory_space<hbm>>) target(%arg5 : memref<8x128xi32, #tpu.memory_space<vmem>>) target_semaphore(%run_scoped3A : memref<!tpu.dma_semaphore, #tpu.memory_space<semaphore_mem>>)
        %dma_wait3A_185 = arith.constant 0 : i32
        %dma_wait3A_186 = tpu.memref_slice %arg2[%mul3A_14, %dma_wait3A_185] : memref<6400x128xi32, #tpu.memory_space<hbm>> -> memref<8x128xi32, #tpu.memory_space<hbm>>
        %dma_wait3A_187 = arith.constant 0 : i32
        %dma_wait3A_188 = tpu.memref_slice %arg2[%mul3A_14, %dma_wait3A_187] : memref<6400x128xi32, #tpu.memory_space<hbm>> -> memref<8x128xi32, #tpu.memory_space<hbm>>
        tpu.wait_dma2 semaphore(%run_scoped3A : memref<!tpu.dma_semaphore, #tpu.memory_space<semaphore_mem>>) src(%dma_wait3A_188 : memref<8x128xi32, #tpu.memory_space<hbm>>) dst(%arg5 : memref<8x128xi32, #tpu.memory_space<vmem>>)
        tpu.yield
      }) : () -> ()
      %dma_start3A = arith.constant 0 : i32
      %dma_start3A_15 = arith.constant 0 : i32
      %dma_start3A_16 = arith.constant 0 : i32
      %dma_start3A_17 = tpu.memref_slice %arg6[%dma_start3A_15, %dma_start3A_16] : memref<512x128xf32, #tpu.memory_space<vmem>> -> memref<128x128xf32, #tpu.memory_space<vmem>>
      %dma_start3A_18 = arith.constant 0 : i32
      %dma_start3A_19 = tpu.memref_slice %arg5[%dma_start3A, %dma_start3A_18] : memref<8x128xi32, #tpu.memory_space<vmem>> -> memref<1x128xi32, #tpu.memory_space<vmem>>
      %dma_start3A_20 = tpu.memref_squeeze %dma_start3A_19 : memref<1x128xi32, #tpu.memory_space<vmem>> -> memref<128xi32, #tpu.memory_space<vmem>>
      %dma_start3A_21 = arith.constant 0 : i32
      %dma_start3A_22 = arith.constant 0 : i32
      %dma_start3A_23 = tpu.memref_slice %arg3[%dma_start3A_21, %dma_start3A_22] : memref<50000x128xf32, #tpu.memory_space<hbm>> -> memref<50000x128xf32, #tpu.memory_space<hbm>>
      tpu.enqueue_indirect_dma source(%dma_start3A_23 : memref<50000x128xf32, #tpu.memory_space<hbm>>) target(%dma_start3A_17 : memref<128x128xf32, #tpu.memory_space<vmem>>) offsets(%dma_start3A_20 : memref<128xi32, #tpu.memory_space<vmem>>) semaphore(%arg7 : memref<!tpu.dma_semaphore, #tpu.memory_space<semaphore_mem>>)
      %dma_start3A_24 = arith.constant 1 : i32
      %dma_start3A_25 = arith.constant 128 : i32
      %dma_start3A_26 = arith.constant 0 : i32
      %dma_start3A_27 = tpu.memref_slice %arg6[%dma_start3A_25, %dma_start3A_26] : memref<512x128xf32, #tpu.memory_space<vmem>> -> memref<128x128xf32, #tpu.memory_space<vmem>>
      %dma_start3A_28 = arith.constant 0 : i32
      %dma_start3A_29 = tpu.memref_slice %arg5[%dma_start3A_24, %dma_start3A_28] : memref<8x128xi32, #tpu.memory_space<vmem>> -> memref<1x128xi32, #tpu.memory_space<vmem>>
      %dma_start3A_30 = tpu.memref_squeeze %dma_start3A_29 : memref<1x128xi32, #tpu.memory_space<vmem>> -> memref<128xi32, #tpu.memory_space<vmem>>
      %dma_start3A_31 = arith.constant 0 : i32
      %dma_start3A_32 = arith.constant 0 : i32
      %dma_start3A_33 = tpu.memref_slice %arg3[%dma_start3A_31, %dma_start3A_32] : memref<50000x128xf32, #tpu.memory_space<hbm>> -> memref<50000x128xf32, #tpu.memory_space<hbm>>
      tpu.enqueue_indirect_dma source(%dma_start3A_33 : memref<50000x128xf32, #tpu.memory_space<hbm>>) target(%dma_start3A_27 : memref<128x128xf32, #tpu.memory_space<vmem>>) offsets(%dma_start3A_30 : memref<128xi32, #tpu.memory_space<vmem>>) semaphore(%arg7 : memref<!tpu.dma_semaphore, #tpu.memory_space<semaphore_mem>>)
      %dma_start3A_34 = arith.constant 2 : i32
      %dma_start3A_35 = arith.constant 256 : i32
      %dma_start3A_36 = arith.constant 0 : i32
      %dma_start3A_37 = tpu.memref_slice %arg6[%dma_start3A_35, %dma_start3A_36] : memref<512x128xf32, #tpu.memory_space<vmem>> -> memref<128x128xf32, #tpu.memory_space<vmem>>
      %dma_start3A_38 = arith.constant 0 : i32
      %dma_start3A_39 = tpu.memref_slice %arg5[%dma_start3A_34, %dma_start3A_38] : memref<8x128xi32, #tpu.memory_space<vmem>> -> memref<1x128xi32, #tpu.memory_space<vmem>>
      %dma_start3A_40 = tpu.memref_squeeze %dma_start3A_39 : memref<1x128xi32, #tpu.memory_space<vmem>> -> memref<128xi32, #tpu.memory_space<vmem>>
      %dma_start3A_41 = arith.constant 0 : i32
      %dma_start3A_42 = arith.constant 0 : i32
      %dma_start3A_43 = tpu.memref_slice %arg3[%dma_start3A_41, %dma_start3A_42] : memref<50000x128xf32, #tpu.memory_space<hbm>> -> memref<50000x128xf32, #tpu.memory_space<hbm>>
      tpu.enqueue_indirect_dma source(%dma_start3A_43 : memref<50000x128xf32, #tpu.memory_space<hbm>>) target(%dma_start3A_37 : memref<128x128xf32, #tpu.memory_space<vmem>>) offsets(%dma_start3A_40 : memref<128xi32, #tpu.memory_space<vmem>>) semaphore(%arg7 : memref<!tpu.dma_semaphore, #tpu.memory_space<semaphore_mem>>)
      %dma_start3A_44 = arith.constant 3 : i32
      %dma_start3A_45 = arith.constant 384 : i32
      %dma_start3A_46 = arith.constant 0 : i32
      %dma_start3A_47 = tpu.memref_slice %arg6[%dma_start3A_45, %dma_start3A_46] : memref<512x128xf32, #tpu.memory_space<vmem>> -> memref<128x128xf32, #tpu.memory_space<vmem>>
      %dma_start3A_48 = arith.constant 0 : i32
      %dma_start3A_49 = tpu.memref_slice %arg5[%dma_start3A_44, %dma_start3A_48] : memref<8x128xi32, #tpu.memory_space<vmem>> -> memref<1x128xi32, #tpu.memory_space<vmem>>
      %dma_start3A_50 = tpu.memref_squeeze %dma_start3A_49 : memref<1x128xi32, #tpu.memory_space<vmem>> -> memref<128xi32, #tpu.memory_space<vmem>>
      %dma_start3A_51 = arith.constant 0 : i32
      %dma_start3A_52 = arith.constant 0 : i32
      %dma_start3A_53 = tpu.memref_slice %arg3[%dma_start3A_51, %dma_start3A_52] : memref<50000x128xf32, #tpu.memory_space<hbm>> -> memref<50000x128xf32, #tpu.memory_space<hbm>>
      tpu.enqueue_indirect_dma source(%dma_start3A_53 : memref<50000x128xf32, #tpu.memory_space<hbm>>) target(%dma_start3A_47 : memref<128x128xf32, #tpu.memory_space<vmem>>) offsets(%dma_start3A_50 : memref<128xi32, #tpu.memory_space<vmem>>) semaphore(%arg7 : memref<!tpu.dma_semaphore, #tpu.memory_space<semaphore_mem>>)
      %dma_wait3A = arith.constant 0 : i32
      %dma_wait3A_54 = arith.constant 0 : i32
      %dma_wait3A_55 = arith.constant 0 : i32
      %dma_wait3A_56 = tpu.memref_slice %arg6[%dma_wait3A_54, %dma_wait3A_55] : memref<512x128xf32, #tpu.memory_space<vmem>> -> memref<128x128xf32, #tpu.memory_space<vmem>>
      %dma_wait3A_57 = arith.constant 0 : i32
      %dma_wait3A_58 = tpu.memref_slice %arg5[%dma_wait3A, %dma_wait3A_57] : memref<8x128xi32, #tpu.memory_space<vmem>> -> memref<1x128xi32, #tpu.memory_space<vmem>>
      %dma_wait3A_59 = tpu.memref_squeeze %dma_wait3A_58 : memref<1x128xi32, #tpu.memory_space<vmem>> -> memref<128xi32, #tpu.memory_space<vmem>>
      %dma_wait3A_60 = arith.constant 0 : i32
      %dma_wait3A_61 = arith.constant 0 : i32
      %dma_wait3A_62 = tpu.memref_slice %arg3[%dma_wait3A_60, %dma_wait3A_61] : memref<50000x128xf32, #tpu.memory_space<hbm>> -> memref<50000x128xf32, #tpu.memory_space<hbm>>
      tpu.wait_indirect_dma semaphore(%arg7 : memref<!tpu.dma_semaphore, #tpu.memory_space<semaphore_mem>>) src(%dma_wait3A_62 : memref<50000x128xf32, #tpu.memory_space<hbm>>) dst(%dma_wait3A_56 : memref<128x128xf32, #tpu.memory_space<vmem>>)
      %dma_wait3A_63 = arith.constant 1 : i32
      %dma_wait3A_64 = arith.constant 128 : i32
      %dma_wait3A_65 = arith.constant 0 : i32
      %dma_wait3A_66 = tpu.memref_slice %arg6[%dma_wait3A_64, %dma_wait3A_65] : memref<512x128xf32, #tpu.memory_space<vmem>> -> memref<128x128xf32, #tpu.memory_space<vmem>>
      %dma_wait3A_67 = arith.constant 0 : i32
      %dma_wait3A_68 = tpu.memref_slice %arg5[%dma_wait3A_63, %dma_wait3A_67] : memref<8x128xi32, #tpu.memory_space<vmem>> -> memref<1x128xi32, #tpu.memory_space<vmem>>
      %dma_wait3A_69 = tpu.memref_squeeze %dma_wait3A_68 : memref<1x128xi32, #tpu.memory_space<vmem>> -> memref<128xi32, #tpu.memory_space<vmem>>
      %dma_wait3A_70 = arith.constant 0 : i32
      %dma_wait3A_71 = arith.constant 0 : i32
      %dma_wait3A_72 = tpu.memref_slice %arg3[%dma_wait3A_70, %dma_wait3A_71] : memref<50000x128xf32, #tpu.memory_space<hbm>> -> memref<50000x128xf32, #tpu.memory_space<hbm>>
      tpu.wait_indirect_dma semaphore(%arg7 : memref<!tpu.dma_semaphore, #tpu.memory_space<semaphore_mem>>) src(%dma_wait3A_72 : memref<50000x128xf32, #tpu.memory_space<hbm>>) dst(%dma_wait3A_66 : memref<128x128xf32, #tpu.memory_space<vmem>>)
      %dma_wait3A_73 = arith.constant 2 : i32
      %dma_wait3A_74 = arith.constant 256 : i32
      %dma_wait3A_75 = arith.constant 0 : i32
      %dma_wait3A_76 = tpu.memref_slice %arg6[%dma_wait3A_74, %dma_wait3A_75] : memref<512x128xf32, #tpu.memory_space<vmem>> -> memref<128x128xf32, #tpu.memory_space<vmem>>
      %dma_wait3A_77 = arith.constant 0 : i32
      %dma_wait3A_78 = tpu.memref_slice %arg5[%dma_wait3A_73, %dma_wait3A_77] : memref<8x128xi32, #tpu.memory_space<vmem>> -> memref<1x128xi32, #tpu.memory_space<vmem>>
      %dma_wait3A_79 = tpu.memref_squeeze %dma_wait3A_78 : memref<1x128xi32, #tpu.memory_space<vmem>> -> memref<128xi32, #tpu.memory_space<vmem>>
      %dma_wait3A_80 = arith.constant 0 : i32
      %dma_wait3A_81 = arith.constant 0 : i32
      %dma_wait3A_82 = tpu.memref_slice %arg3[%dma_wait3A_80, %dma_wait3A_81] : memref<50000x128xf32, #tpu.memory_space<hbm>> -> memref<50000x128xf32, #tpu.memory_space<hbm>>
      tpu.wait_indirect_dma semaphore(%arg7 : memref<!tpu.dma_semaphore, #tpu.memory_space<semaphore_mem>>) src(%dma_wait3A_82 : memref<50000x128xf32, #tpu.memory_space<hbm>>) dst(%dma_wait3A_76 : memref<128x128xf32, #tpu.memory_space<vmem>>)
      %dma_wait3A_83 = arith.constant 3 : i32
      %dma_wait3A_84 = arith.constant 384 : i32
      %dma_wait3A_85 = arith.constant 0 : i32
      %dma_wait3A_86 = tpu.memref_slice %arg6[%dma_wait3A_84, %dma_wait3A_85] : memref<512x128xf32, #tpu.memory_space<vmem>> -> memref<128x128xf32, #tpu.memory_space<vmem>>
      %dma_wait3A_87 = arith.constant 0 : i32
      %dma_wait3A_88 = tpu.memref_slice %arg5[%dma_wait3A_83, %dma_wait3A_87] : memref<8x128xi32, #tpu.memory_space<vmem>> -> memref<1x128xi32, #tpu.memory_space<vmem>>
      %dma_wait3A_89 = tpu.memref_squeeze %dma_wait3A_88 : memref<1x128xi32, #tpu.memory_space<vmem>> -> memref<128xi32, #tpu.memory_space<vmem>>
      %dma_wait3A_90 = arith.constant 0 : i32
      %dma_wait3A_91 = arith.constant 0 : i32
      %dma_wait3A_92 = tpu.memref_slice %arg3[%dma_wait3A_90, %dma_wait3A_91] : memref<50000x128xf32, #tpu.memory_space<hbm>> -> memref<50000x128xf32, #tpu.memory_space<hbm>>
      tpu.wait_indirect_dma semaphore(%arg7 : memref<!tpu.dma_semaphore, #tpu.memory_space<semaphore_mem>>) src(%dma_wait3A_92 : memref<50000x128xf32, #tpu.memory_space<hbm>>) dst(%dma_wait3A_86 : memref<128x128xf32, #tpu.memory_space<vmem>>)
      %mul3A_93 = arith.constant 1024 : i32
      %mul3A_94 = arith.muli %add3A_12, %mul3A_93 : i32
      %add3A_95 = arith.constant 0 : i32
      %add3A_96 = arith.addi %mul3A_94, %add3A_95 : i32
      "tpu.region"() ({
        %run_scoped3A = tpu.sem_alloc : memref<!tpu.dma_semaphore, #tpu.memory_space<semaphore_mem>>
        %dma_start3A_181 = arith.constant 0 : i32
        %dma_start3A_182 = tpu.memref_slice %arg4[%add3A_96, %dma_start3A_181] : memref<819200x128xf32, #tpu.memory_space<hbm>> -> memref<512x128xf32, #tpu.memory_space<hbm>>
        %dma_start3A_183 = arith.constant 0 : i32
        %dma_start3A_184 = tpu.memref_slice %arg4[%add3A_96, %dma_start3A_183] : memref<819200x128xf32, #tpu.memory_space<hbm>> -> memref<512x128xf32, #tpu.memory_space<hbm>>
        tpu.enqueue_dma source(%arg6 : memref<512x128xf32, #tpu.memory_space<vmem>>) target(%dma_start3A_184 : memref<512x128xf32, #tpu.memory_space<hbm>>) target_semaphore(%run_scoped3A : memref<!tpu.dma_semaphore, #tpu.memory_space<semaphore_mem>>)
        %dma_wait3A_185 = arith.constant 0 : i32
        %dma_wait3A_186 = tpu.memref_slice %arg4[%add3A_96, %dma_wait3A_185] : memref<819200x128xf32, #tpu.memory_space<hbm>> -> memref<512x128xf32, #tpu.memory_space<hbm>>
        %dma_wait3A_187 = arith.constant 0 : i32
        %dma_wait3A_188 = tpu.memref_slice %arg4[%add3A_96, %dma_wait3A_187] : memref<819200x128xf32, #tpu.memory_space<hbm>> -> memref<512x128xf32, #tpu.memory_space<hbm>>
        tpu.wait_dma2 semaphore(%run_scoped3A : memref<!tpu.dma_semaphore, #tpu.memory_space<semaphore_mem>>) src(%arg6 : memref<512x128xf32, #tpu.memory_space<vmem>>) dst(%dma_wait3A_188 : memref<512x128xf32, #tpu.memory_space<hbm>>)
        tpu.yield
      }) : () -> ()
      %dma_start3A_97 = arith.constant 4 : i32
      %dma_start3A_98 = arith.constant 0 : i32
      %dma_start3A_99 = arith.constant 0 : i32
      %dma_start3A_100 = tpu.memref_slice %arg6[%dma_start3A_98, %dma_start3A_99] : memref<512x128xf32, #tpu.memory_space<vmem>> -> memref<128x128xf32, #tpu.memory_space<vmem>>
      %dma_start3A_101 = arith.constant 0 : i32
      %dma_start3A_102 = tpu.memref_slice %arg5[%dma_start3A_97, %dma_start3A_101] : memref<8x128xi32, #tpu.memory_space<vmem>> -> memref<1x128xi32, #tpu.memory_space<vmem>>
      %dma_start3A_103 = tpu.memref_squeeze %dma_start3A_102 : memref<1x128xi32, #tpu.memory_space<vmem>> -> memref<128xi32, #tpu.memory_space<vmem>>
      %dma_start3A_104 = arith.constant 0 : i32
      %dma_start3A_105 = arith.constant 0 : i32
      %dma_start3A_106 = tpu.memref_slice %arg3[%dma_start3A_104, %dma_start3A_105] : memref<50000x128xf32, #tpu.memory_space<hbm>> -> memref<50000x128xf32, #tpu.memory_space<hbm>>
      tpu.enqueue_indirect_dma source(%dma_start3A_106 : memref<50000x128xf32, #tpu.memory_space<hbm>>) target(%dma_start3A_100 : memref<128x128xf32, #tpu.memory_space<vmem>>) offsets(%dma_start3A_103 : memref<128xi32, #tpu.memory_space<vmem>>) semaphore(%arg7 : memref<!tpu.dma_semaphore, #tpu.memory_space<semaphore_mem>>)
      %dma_start3A_107 = arith.constant 5 : i32
      %dma_start3A_108 = arith.constant 128 : i32
      %dma_start3A_109 = arith.constant 0 : i32
      %dma_start3A_110 = tpu.memref_slice %arg6[%dma_start3A_108, %dma_start3A_109] : memref<512x128xf32, #tpu.memory_space<vmem>> -> memref<128x128xf32, #tpu.memory_space<vmem>>
      %dma_start3A_111 = arith.constant 0 : i32
      %dma_start3A_112 = tpu.memref_slice %arg5[%dma_start3A_107, %dma_start3A_111] : memref<8x128xi32, #tpu.memory_space<vmem>> -> memref<1x128xi32, #tpu.memory_space<vmem>>
      %dma_start3A_113 = tpu.memref_squeeze %dma_start3A_112 : memref<1x128xi32, #tpu.memory_space<vmem>> -> memref<128xi32, #tpu.memory_space<vmem>>
      %dma_start3A_114 = arith.constant 0 : i32
      %dma_start3A_115 = arith.constant 0 : i32
      %dma_start3A_116 = tpu.memref_slice %arg3[%dma_start3A_114, %dma_start3A_115] : memref<50000x128xf32, #tpu.memory_space<hbm>> -> memref<50000x128xf32, #tpu.memory_space<hbm>>
      tpu.enqueue_indirect_dma source(%dma_start3A_116 : memref<50000x128xf32, #tpu.memory_space<hbm>>) target(%dma_start3A_110 : memref<128x128xf32, #tpu.memory_space<vmem>>) offsets(%dma_start3A_113 : memref<128xi32, #tpu.memory_space<vmem>>) semaphore(%arg7 : memref<!tpu.dma_semaphore, #tpu.memory_space<semaphore_mem>>)
      %dma_start3A_117 = arith.constant 6 : i32
      %dma_start3A_118 = arith.constant 256 : i32
      %dma_start3A_119 = arith.constant 0 : i32
      %dma_start3A_120 = tpu.memref_slice %arg6[%dma_start3A_118, %dma_start3A_119] : memref<512x128xf32, #tpu.memory_space<vmem>> -> memref<128x128xf32, #tpu.memory_space<vmem>>
      %dma_start3A_121 = arith.constant 0 : i32
      %dma_start3A_122 = tpu.memref_slice %arg5[%dma_start3A_117, %dma_start3A_121] : memref<8x128xi32, #tpu.memory_space<vmem>> -> memref<1x128xi32, #tpu.memory_space<vmem>>
      %dma_start3A_123 = tpu.memref_squeeze %dma_start3A_122 : memref<1x128xi32, #tpu.memory_space<vmem>> -> memref<128xi32, #tpu.memory_space<vmem>>
      %dma_start3A_124 = arith.constant 0 : i32
      %dma_start3A_125 = arith.constant 0 : i32
      %dma_start3A_126 = tpu.memref_slice %arg3[%dma_start3A_124, %dma_start3A_125] : memref<50000x128xf32, #tpu.memory_space<hbm>> -> memref<50000x128xf32, #tpu.memory_space<hbm>>
      tpu.enqueue_indirect_dma source(%dma_start3A_126 : memref<50000x128xf32, #tpu.memory_space<hbm>>) target(%dma_start3A_120 : memref<128x128xf32, #tpu.memory_space<vmem>>) offsets(%dma_start3A_123 : memref<128xi32, #tpu.memory_space<vmem>>) semaphore(%arg7 : memref<!tpu.dma_semaphore, #tpu.memory_space<semaphore_mem>>)
      %dma_start3A_127 = arith.constant 7 : i32
      %dma_start3A_128 = arith.constant 384 : i32
      %dma_start3A_129 = arith.constant 0 : i32
      %dma_start3A_130 = tpu.memref_slice %arg6[%dma_start3A_128, %dma_start3A_129] : memref<512x128xf32, #tpu.memory_space<vmem>> -> memref<128x128xf32, #tpu.memory_space<vmem>>
      %dma_start3A_131 = arith.constant 0 : i32
      %dma_start3A_132 = tpu.memref_slice %arg5[%dma_start3A_127, %dma_start3A_131] : memref<8x128xi32, #tpu.memory_space<vmem>> -> memref<1x128xi32, #tpu.memory_space<vmem>>
      %dma_start3A_133 = tpu.memref_squeeze %dma_start3A_132 : memref<1x128xi32, #tpu.memory_space<vmem>> -> memref<128xi32, #tpu.memory_space<vmem>>
      %dma_start3A_134 = arith.constant 0 : i32
      %dma_start3A_135 = arith.constant 0 : i32
      %dma_start3A_136 = tpu.memref_slice %arg3[%dma_start3A_134, %dma_start3A_135] : memref<50000x128xf32, #tpu.memory_space<hbm>> -> memref<50000x128xf32, #tpu.memory_space<hbm>>
      tpu.enqueue_indirect_dma source(%dma_start3A_136 : memref<50000x128xf32, #tpu.memory_space<hbm>>) target(%dma_start3A_130 : memref<128x128xf32, #tpu.memory_space<vmem>>) offsets(%dma_start3A_133 : memref<128xi32, #tpu.memory_space<vmem>>) semaphore(%arg7 : memref<!tpu.dma_semaphore, #tpu.memory_space<semaphore_mem>>)
      %dma_wait3A_137 = arith.constant 4 : i32
      %dma_wait3A_138 = arith.constant 0 : i32
      %dma_wait3A_139 = arith.constant 0 : i32
      %dma_wait3A_140 = tpu.memref_slice %arg6[%dma_wait3A_138, %dma_wait3A_139] : memref<512x128xf32, #tpu.memory_space<vmem>> -> memref<128x128xf32, #tpu.memory_space<vmem>>
      %dma_wait3A_141 = arith.constant 0 : i32
      %dma_wait3A_142 = tpu.memref_slice %arg5[%dma_wait3A_137, %dma_wait3A_141] : memref<8x128xi32, #tpu.memory_space<vmem>> -> memref<1x128xi32, #tpu.memory_space<vmem>>
      %dma_wait3A_143 = tpu.memref_squeeze %dma_wait3A_142 : memref<1x128xi32, #tpu.memory_space<vmem>> -> memref<128xi32, #tpu.memory_space<vmem>>
      %dma_wait3A_144 = arith.constant 0 : i32
      %dma_wait3A_145 = arith.constant 0 : i32
      %dma_wait3A_146 = tpu.memref_slice %arg3[%dma_wait3A_144, %dma_wait3A_145] : memref<50000x128xf32, #tpu.memory_space<hbm>> -> memref<50000x128xf32, #tpu.memory_space<hbm>>
      tpu.wait_indirect_dma semaphore(%arg7 : memref<!tpu.dma_semaphore, #tpu.memory_space<semaphore_mem>>) src(%dma_wait3A_146 : memref<50000x128xf32, #tpu.memory_space<hbm>>) dst(%dma_wait3A_140 : memref<128x128xf32, #tpu.memory_space<vmem>>)
      %dma_wait3A_147 = arith.constant 5 : i32
      %dma_wait3A_148 = arith.constant 128 : i32
      %dma_wait3A_149 = arith.constant 0 : i32
      %dma_wait3A_150 = tpu.memref_slice %arg6[%dma_wait3A_148, %dma_wait3A_149] : memref<512x128xf32, #tpu.memory_space<vmem>> -> memref<128x128xf32, #tpu.memory_space<vmem>>
      %dma_wait3A_151 = arith.constant 0 : i32
      %dma_wait3A_152 = tpu.memref_slice %arg5[%dma_wait3A_147, %dma_wait3A_151] : memref<8x128xi32, #tpu.memory_space<vmem>> -> memref<1x128xi32, #tpu.memory_space<vmem>>
      %dma_wait3A_153 = tpu.memref_squeeze %dma_wait3A_152 : memref<1x128xi32, #tpu.memory_space<vmem>> -> memref<128xi32, #tpu.memory_space<vmem>>
      %dma_wait3A_154 = arith.constant 0 : i32
      %dma_wait3A_155 = arith.constant 0 : i32
      %dma_wait3A_156 = tpu.memref_slice %arg3[%dma_wait3A_154, %dma_wait3A_155] : memref<50000x128xf32, #tpu.memory_space<hbm>> -> memref<50000x128xf32, #tpu.memory_space<hbm>>
      tpu.wait_indirect_dma semaphore(%arg7 : memref<!tpu.dma_semaphore, #tpu.memory_space<semaphore_mem>>) src(%dma_wait3A_156 : memref<50000x128xf32, #tpu.memory_space<hbm>>) dst(%dma_wait3A_150 : memref<128x128xf32, #tpu.memory_space<vmem>>)
      %dma_wait3A_157 = arith.constant 6 : i32
      %dma_wait3A_158 = arith.constant 256 : i32
      %dma_wait3A_159 = arith.constant 0 : i32
      %dma_wait3A_160 = tpu.memref_slice %arg6[%dma_wait3A_158, %dma_wait3A_159] : memref<512x128xf32, #tpu.memory_space<vmem>> -> memref<128x128xf32, #tpu.memory_space<vmem>>
      %dma_wait3A_161 = arith.constant 0 : i32
      %dma_wait3A_162 = tpu.memref_slice %arg5[%dma_wait3A_157, %dma_wait3A_161] : memref<8x128xi32, #tpu.memory_space<vmem>> -> memref<1x128xi32, #tpu.memory_space<vmem>>
      %dma_wait3A_163 = tpu.memref_squeeze %dma_wait3A_162 : memref<1x128xi32, #tpu.memory_space<vmem>> -> memref<128xi32, #tpu.memory_space<vmem>>
      %dma_wait3A_164 = arith.constant 0 : i32
      %dma_wait3A_165 = arith.constant 0 : i32
      %dma_wait3A_166 = tpu.memref_slice %arg3[%dma_wait3A_164, %dma_wait3A_165] : memref<50000x128xf32, #tpu.memory_space<hbm>> -> memref<50000x128xf32, #tpu.memory_space<hbm>>
      tpu.wait_indirect_dma semaphore(%arg7 : memref<!tpu.dma_semaphore, #tpu.memory_space<semaphore_mem>>) src(%dma_wait3A_166 : memref<50000x128xf32, #tpu.memory_space<hbm>>) dst(%dma_wait3A_160 : memref<128x128xf32, #tpu.memory_space<vmem>>)
      %dma_wait3A_167 = arith.constant 7 : i32
      %dma_wait3A_168 = arith.constant 384 : i32
      %dma_wait3A_169 = arith.constant 0 : i32
      %dma_wait3A_170 = tpu.memref_slice %arg6[%dma_wait3A_168, %dma_wait3A_169] : memref<512x128xf32, #tpu.memory_space<vmem>> -> memref<128x128xf32, #tpu.memory_space<vmem>>
      %dma_wait3A_171 = arith.constant 0 : i32
      %dma_wait3A_172 = tpu.memref_slice %arg5[%dma_wait3A_167, %dma_wait3A_171] : memref<8x128xi32, #tpu.memory_space<vmem>> -> memref<1x128xi32, #tpu.memory_space<vmem>>
      %dma_wait3A_173 = tpu.memref_squeeze %dma_wait3A_172 : memref<1x128xi32, #tpu.memory_space<vmem>> -> memref<128xi32, #tpu.memory_space<vmem>>
      %dma_wait3A_174 = arith.constant 0 : i32
      %dma_wait3A_175 = arith.constant 0 : i32
      %dma_wait3A_176 = tpu.memref_slice %arg3[%dma_wait3A_174, %dma_wait3A_175] : memref<50000x128xf32, #tpu.memory_space<hbm>> -> memref<50000x128xf32, #tpu.memory_space<hbm>>
      tpu.wait_indirect_dma semaphore(%arg7 : memref<!tpu.dma_semaphore, #tpu.memory_space<semaphore_mem>>) src(%dma_wait3A_176 : memref<50000x128xf32, #tpu.memory_space<hbm>>) dst(%dma_wait3A_170 : memref<128x128xf32, #tpu.memory_space<vmem>>)
      %mul3A_177 = arith.constant 1024 : i32
      %mul3A_178 = arith.muli %add3A_12, %mul3A_177 : i32
      %add3A_179 = arith.constant 512 : i32
      %add3A_180 = arith.addi %mul3A_178, %add3A_179 : i32
      "tpu.region"() ({
        %run_scoped3A = tpu.sem_alloc : memref<!tpu.dma_semaphore, #tpu.memory_space<semaphore_mem>>
        %dma_start3A_181 = arith.constant 0 : i32
        %dma_start3A_182 = tpu.memref_slice %arg4[%add3A_180, %dma_start3A_181] : memref<819200x128xf32, #tpu.memory_space<hbm>> -> memref<512x128xf32, #tpu.memory_space<hbm>>
        %dma_start3A_183 = arith.constant 0 : i32
        %dma_start3A_184 = tpu.memref_slice %arg4[%add3A_180, %dma_start3A_183] : memref<819200x128xf32, #tpu.memory_space<hbm>> -> memref<512x128xf32, #tpu.memory_space<hbm>>
        tpu.enqueue_dma source(%arg6 : memref<512x128xf32, #tpu.memory_space<vmem>>) target(%dma_start3A_184 : memref<512x128xf32, #tpu.memory_space<hbm>>) target_semaphore(%run_scoped3A : memref<!tpu.dma_semaphore, #tpu.memory_space<semaphore_mem>>)
        %dma_wait3A_185 = arith.constant 0 : i32
        %dma_wait3A_186 = tpu.memref_slice %arg4[%add3A_180, %dma_wait3A_185] : memref<819200x128xf32, #tpu.memory_space<hbm>> -> memref<512x128xf32, #tpu.memory_space<hbm>>
        %dma_wait3A_187 = arith.constant 0 : i32
        %dma_wait3A_188 = tpu.memref_slice %arg4[%add3A_180, %dma_wait3A_187] : memref<819200x128xf32, #tpu.memory_space<hbm>> -> memref<512x128xf32, #tpu.memory_space<hbm>>
        tpu.wait_dma2 semaphore(%run_scoped3A : memref<!tpu.dma_semaphore, #tpu.memory_space<semaphore_mem>>) src(%arg6 : memref<512x128xf32, #tpu.memory_space<vmem>>) dst(%dma_wait3A_188 : memref<512x128xf32, #tpu.memory_space<hbm>>)
        tpu.yield
      }) : () -> ()
    }
    %scan3A_4 = arith.constant 25 : i32
    return
  }
}

#map = affine_map<(d0, d1) -> (0, 0)>
module attributes {stable_mosaic.version = 14 : i64} {
  func.func @_sc_gather_body(%arg0: i32, %arg1: i32, %arg2: memref<6400x128xi32, #tpu.memory_space<hbm>>, %arg3: memref<50000x128xf32, #tpu.memory_space<hbm>>, %arg4: memref<819200x128xf32, #tpu.memory_space<hbm>>, %arg5: memref<8x128xi32, #tpu.memory_space<vmem>>, %arg6: memref<512x128xf32, #tpu.memory_space<vmem>>, %arg7: memref<!tpu.dma_semaphore, #tpu.memory_space<semaphore_mem>>) attributes {dimension_semantics = [#tpu.dimension_semantics<core_parallel>, #tpu.dimension_semantics<subcore_parallel>], iteration_bounds = array<i64: 2, 16>, scalar_prefetch = 0 : i64, scratch_operands = 3 : i64, tpu.core_type = #tpu.core_type<sc_vector_subcore>, window_params = [{transform_indices = #map}, {transform_indices = #map}, {transform_indices = #map}]} {
    %mul3A = arith.constant 2 : i32
    %mul3A_0 = arith.muli %arg1, %mul3A : i32
    %add3A = arith.addi %mul3A_0, %arg0 : i32
    %scan3A = arith.constant 0 : i32
    %scan3A_1 = arith.constant 25 : i32
    %scan3A_2 = arith.addi %scan3A, %scan3A_1 : i32
    %scan3A_3 = arith.constant 1 : i32
    scf.for %scan3A_5 = %scan3A to %scan3A_2 step %scan3A_3  : i32 {
      %mul3A_6 = arith.constant 1 : i32
      %mul3A_7 = arith.muli %scan3A_5, %mul3A_6 : i32
      %add3A_8 = arith.constant 0 : i32
      %add3A_9 = arith.addi %add3A_8, %mul3A_7 : i32
      %mul3A_10 = arith.constant 25 : i32
      %mul3A_11 = arith.muli %add3A, %mul3A_10 : i32
      %add3A_12 = arith.addi %mul3A_11, %add3A_9 : i32
      %mul3A_13 = arith.constant 8 : i32
      %mul3A_14 = arith.muli %add3A_12, %mul3A_13 : i32
      "tpu.region"() ({
        %run_scoped3A = tpu.sem_alloc : memref<!tpu.dma_semaphore, #tpu.memory_space<semaphore_mem>>
        %dma_start3A_181 = arith.constant 0 : i32
        %dma_start3A_182 = tpu.memref_slice %arg2[%mul3A_14, %dma_start3A_181] : memref<6400x128xi32, #tpu.memory_space<hbm>> -> memref<8x128xi32, #tpu.memory_space<hbm>>
        %dma_start3A_183 = arith.constant 0 : i32
        %dma_start3A_184 = tpu.memref_slice %arg2[%mul3A_14, %dma_start3A_183] : memref<6400x128xi32, #tpu.memory_space<hbm>> -> memref<8x128xi32, #tpu.memory_space<hbm>>
        tpu.enqueue_dma source(%dma_start3A_184 : memref<8x128xi32, #tpu.memory_space<hbm>>) target(%arg5 : memref<8x128xi32, #tpu.memory_space<vmem>>) target_semaphore(%run_scoped3A : memref<!tpu.dma_semaphore, #tpu.memory_space<semaphore_mem>>)
        %dma_wait3A_185 = arith.constant 0 : i32
        %dma_wait3A_186 = tpu.memref_slice %arg2[%mul3A_14, %dma_wait3A_185] : memref<6400x128xi32, #tpu.memory_space<hbm>> -> memref<8x128xi32, #tpu.memory_space<hbm>>
        %dma_wait3A_187 = arith.constant 0 : i32
        %dma_wait3A_188 = tpu.memref_slice %arg2[%mul3A_14, %dma_wait3A_187] : memref<6400x128xi32, #tpu.memory_space<hbm>> -> memref<8x128xi32, #tpu.memory_space<hbm>>
        tpu.wait_dma2 semaphore(%run_scoped3A : memref<!tpu.dma_semaphore, #tpu.memory_space<semaphore_mem>>) src(%dma_wait3A_188 : memref<8x128xi32, #tpu.memory_space<hbm>>) dst(%arg5 : memref<8x128xi32, #tpu.memory_space<vmem>>)
        tpu.yield
      }) : () -> ()
      %dma_start3A = arith.constant 0 : i32
      %dma_start3A_15 = arith.constant 0 : i32
      %dma_start3A_16 = arith.constant 0 : i32
      %dma_start3A_17 = tpu.memref_slice %arg6[%dma_start3A_15, %dma_start3A_16] : memref<512x128xf32, #tpu.memory_space<vmem>> -> memref<128x128xf32, #tpu.memory_space<vmem>>
      %dma_start3A_18 = arith.constant 0 : i32
      %dma_start3A_19 = tpu.memref_slice %arg5[%dma_start3A, %dma_start3A_18] : memref<8x128xi32, #tpu.memory_space<vmem>> -> memref<1x128xi32, #tpu.memory_space<vmem>>
      %dma_start3A_20 = tpu.memref_squeeze %dma_start3A_19 : memref<1x128xi32, #tpu.memory_space<vmem>> -> memref<128xi32, #tpu.memory_space<vmem>>
      %dma_start3A_21 = arith.constant 0 : i32
      %dma_start3A_22 = arith.constant 0 : i32
      %dma_start3A_23 = tpu.memref_slice %arg3[%dma_start3A_21, %dma_start3A_22] : memref<50000x128xf32, #tpu.memory_space<hbm>> -> memref<50000x128xf32, #tpu.memory_space<hbm>>
      tpu.enqueue_indirect_dma source(%dma_start3A_23 : memref<50000x128xf32, #tpu.memory_space<hbm>>) target(%dma_start3A_17 : memref<128x128xf32, #tpu.memory_space<vmem>>) offsets(%dma_start3A_20 : memref<128xi32, #tpu.memory_space<vmem>>) semaphore(%arg7 : memref<!tpu.dma_semaphore, #tpu.memory_space<semaphore_mem>>)
      %dma_start3A_24 = arith.constant 1 : i32
      %dma_start3A_25 = arith.constant 128 : i32
      %dma_start3A_26 = arith.constant 0 : i32
      %dma_start3A_27 = tpu.memref_slice %arg6[%dma_start3A_25, %dma_start3A_26] : memref<512x128xf32, #tpu.memory_space<vmem>> -> memref<128x128xf32, #tpu.memory_space<vmem>>
      %dma_start3A_28 = arith.constant 0 : i32
      %dma_start3A_29 = tpu.memref_slice %arg5[%dma_start3A_24, %dma_start3A_28] : memref<8x128xi32, #tpu.memory_space<vmem>> -> memref<1x128xi32, #tpu.memory_space<vmem>>
      %dma_start3A_30 = tpu.memref_squeeze %dma_start3A_29 : memref<1x128xi32, #tpu.memory_space<vmem>> -> memref<128xi32, #tpu.memory_space<vmem>>
      %dma_start3A_31 = arith.constant 0 : i32
      %dma_start3A_32 = arith.constant 0 : i32
      %dma_start3A_33 = tpu.memref_slice %arg3[%dma_start3A_31, %dma_start3A_32] : memref<50000x128xf32, #tpu.memory_space<hbm>> -> memref<50000x128xf32, #tpu.memory_space<hbm>>
      tpu.enqueue_indirect_dma source(%dma_start3A_33 : memref<50000x128xf32, #tpu.memory_space<hbm>>) target(%dma_start3A_27 : memref<128x128xf32, #tpu.memory_space<vmem>>) offsets(%dma_start3A_30 : memref<128xi32, #tpu.memory_space<vmem>>) semaphore(%arg7 : memref<!tpu.dma_semaphore, #tpu.memory_space<semaphore_mem>>)
      %dma_start3A_34 = arith.constant 2 : i32
      %dma_start3A_35 = arith.constant 256 : i32
      %dma_start3A_36 = arith.constant 0 : i32
      %dma_start3A_37 = tpu.memref_slice %arg6[%dma_start3A_35, %dma_start3A_36] : memref<512x128xf32, #tpu.memory_space<vmem>> -> memref<128x128xf32, #tpu.memory_space<vmem>>
      %dma_start3A_38 = arith.constant 0 : i32
      %dma_start3A_39 = tpu.memref_slice %arg5[%dma_start3A_34, %dma_start3A_38] : memref<8x128xi32, #tpu.memory_space<vmem>> -> memref<1x128xi32, #tpu.memory_space<vmem>>
      %dma_start3A_40 = tpu.memref_squeeze %dma_start3A_39 : memref<1x128xi32, #tpu.memory_space<vmem>> -> memref<128xi32, #tpu.memory_space<vmem>>
      %dma_start3A_41 = arith.constant 0 : i32
      %dma_start3A_42 = arith.constant 0 : i32
      %dma_start3A_43 = tpu.memref_slice %arg3[%dma_start3A_41, %dma_start3A_42] : memref<50000x128xf32, #tpu.memory_space<hbm>> -> memref<50000x128xf32, #tpu.memory_space<hbm>>
      tpu.enqueue_indirect_dma source(%dma_start3A_43 : memref<50000x128xf32, #tpu.memory_space<hbm>>) target(%dma_start3A_37 : memref<128x128xf32, #tpu.memory_space<vmem>>) offsets(%dma_start3A_40 : memref<128xi32, #tpu.memory_space<vmem>>) semaphore(%arg7 : memref<!tpu.dma_semaphore, #tpu.memory_space<semaphore_mem>>)
      %dma_start3A_44 = arith.constant 3 : i32
      %dma_start3A_45 = arith.constant 384 : i32
      %dma_start3A_46 = arith.constant 0 : i32
      %dma_start3A_47 = tpu.memref_slice %arg6[%dma_start3A_45, %dma_start3A_46] : memref<512x128xf32, #tpu.memory_space<vmem>> -> memref<128x128xf32, #tpu.memory_space<vmem>>
      %dma_start3A_48 = arith.constant 0 : i32
      %dma_start3A_49 = tpu.memref_slice %arg5[%dma_start3A_44, %dma_start3A_48] : memref<8x128xi32, #tpu.memory_space<vmem>> -> memref<1x128xi32, #tpu.memory_space<vmem>>
      %dma_start3A_50 = tpu.memref_squeeze %dma_start3A_49 : memref<1x128xi32, #tpu.memory_space<vmem>> -> memref<128xi32, #tpu.memory_space<vmem>>
      %dma_start3A_51 = arith.constant 0 : i32
      %dma_start3A_52 = arith.constant 0 : i32
      %dma_start3A_53 = tpu.memref_slice %arg3[%dma_start3A_51, %dma_start3A_52] : memref<50000x128xf32, #tpu.memory_space<hbm>> -> memref<50000x128xf32, #tpu.memory_space<hbm>>
      tpu.enqueue_indirect_dma source(%dma_start3A_53 : memref<50000x128xf32, #tpu.memory_space<hbm>>) target(%dma_start3A_47 : memref<128x128xf32, #tpu.memory_space<vmem>>) offsets(%dma_start3A_50 : memref<128xi32, #tpu.memory_space<vmem>>) semaphore(%arg7 : memref<!tpu.dma_semaphore, #tpu.memory_space<semaphore_mem>>)
      %dma_wait3A = arith.constant 0 : i32
      %dma_wait3A_54 = arith.constant 0 : i32
      %dma_wait3A_55 = arith.constant 0 : i32
      %dma_wait3A_56 = tpu.memref_slice %arg6[%dma_wait3A_54, %dma_wait3A_55] : memref<512x128xf32, #tpu.memory_space<vmem>> -> memref<128x128xf32, #tpu.memory_space<vmem>>
      %dma_wait3A_57 = arith.constant 0 : i32
      %dma_wait3A_58 = tpu.memref_slice %arg5[%dma_wait3A, %dma_wait3A_57] : memref<8x128xi32, #tpu.memory_space<vmem>> -> memref<1x128xi32, #tpu.memory_space<vmem>>
      %dma_wait3A_59 = tpu.memref_squeeze %dma_wait3A_58 : memref<1x128xi32, #tpu.memory_space<vmem>> -> memref<128xi32, #tpu.memory_space<vmem>>
      %dma_wait3A_60 = arith.constant 0 : i32
      %dma_wait3A_61 = arith.constant 0 : i32
      %dma_wait3A_62 = tpu.memref_slice %arg3[%dma_wait3A_60, %dma_wait3A_61] : memref<50000x128xf32, #tpu.memory_space<hbm>> -> memref<50000x128xf32, #tpu.memory_space<hbm>>
      tpu.wait_indirect_dma semaphore(%arg7 : memref<!tpu.dma_semaphore, #tpu.memory_space<semaphore_mem>>) src(%dma_wait3A_62 : memref<50000x128xf32, #tpu.memory_space<hbm>>) dst(%dma_wait3A_56 : memref<128x128xf32, #tpu.memory_space<vmem>>)
      %dma_wait3A_63 = arith.constant 1 : i32
      %dma_wait3A_64 = arith.constant 128 : i32
      %dma_wait3A_65 = arith.constant 0 : i32
      %dma_wait3A_66 = tpu.memref_slice %arg6[%dma_wait3A_64, %dma_wait3A_65] : memref<512x128xf32, #tpu.memory_space<vmem>> -> memref<128x128xf32, #tpu.memory_space<vmem>>
      %dma_wait3A_67 = arith.constant 0 : i32
      %dma_wait3A_68 = tpu.memref_slice %arg5[%dma_wait3A_63, %dma_wait3A_67] : memref<8x128xi32, #tpu.memory_space<vmem>> -> memref<1x128xi32, #tpu.memory_space<vmem>>
      %dma_wait3A_69 = tpu.memref_squeeze %dma_wait3A_68 : memref<1x128xi32, #tpu.memory_space<vmem>> -> memref<128xi32, #tpu.memory_space<vmem>>
      %dma_wait3A_70 = arith.constant 0 : i32
      %dma_wait3A_71 = arith.constant 0 : i32
      %dma_wait3A_72 = tpu.memref_slice %arg3[%dma_wait3A_70, %dma_wait3A_71] : memref<50000x128xf32, #tpu.memory_space<hbm>> -> memref<50000x128xf32, #tpu.memory_space<hbm>>
      tpu.wait_indirect_dma semaphore(%arg7 : memref<!tpu.dma_semaphore, #tpu.memory_space<semaphore_mem>>) src(%dma_wait3A_72 : memref<50000x128xf32, #tpu.memory_space<hbm>>) dst(%dma_wait3A_66 : memref<128x128xf32, #tpu.memory_space<vmem>>)
      %dma_wait3A_73 = arith.constant 2 : i32
      %dma_wait3A_74 = arith.constant 256 : i32
      %dma_wait3A_75 = arith.constant 0 : i32
      %dma_wait3A_76 = tpu.memref_slice %arg6[%dma_wait3A_74, %dma_wait3A_75] : memref<512x128xf32, #tpu.memory_space<vmem>> -> memref<128x128xf32, #tpu.memory_space<vmem>>
      %dma_wait3A_77 = arith.constant 0 : i32
      %dma_wait3A_78 = tpu.memref_slice %arg5[%dma_wait3A_73, %dma_wait3A_77] : memref<8x128xi32, #tpu.memory_space<vmem>> -> memref<1x128xi32, #tpu.memory_space<vmem>>
      %dma_wait3A_79 = tpu.memref_squeeze %dma_wait3A_78 : memref<1x128xi32, #tpu.memory_space<vmem>> -> memref<128xi32, #tpu.memory_space<vmem>>
      %dma_wait3A_80 = arith.constant 0 : i32
      %dma_wait3A_81 = arith.constant 0 : i32
      %dma_wait3A_82 = tpu.memref_slice %arg3[%dma_wait3A_80, %dma_wait3A_81] : memref<50000x128xf32, #tpu.memory_space<hbm>> -> memref<50000x128xf32, #tpu.memory_space<hbm>>
      tpu.wait_indirect_dma semaphore(%arg7 : memref<!tpu.dma_semaphore, #tpu.memory_space<semaphore_mem>>) src(%dma_wait3A_82 : memref<50000x128xf32, #tpu.memory_space<hbm>>) dst(%dma_wait3A_76 : memref<128x128xf32, #tpu.memory_space<vmem>>)
      %dma_wait3A_83 = arith.constant 3 : i32
      %dma_wait3A_84 = arith.constant 384 : i32
      %dma_wait3A_85 = arith.constant 0 : i32
      %dma_wait3A_86 = tpu.memref_slice %arg6[%dma_wait3A_84, %dma_wait3A_85] : memref<512x128xf32, #tpu.memory_space<vmem>> -> memref<128x128xf32, #tpu.memory_space<vmem>>
      %dma_wait3A_87 = arith.constant 0 : i32
      %dma_wait3A_88 = tpu.memref_slice %arg5[%dma_wait3A_83, %dma_wait3A_87] : memref<8x128xi32, #tpu.memory_space<vmem>> -> memref<1x128xi32, #tpu.memory_space<vmem>>
      %dma_wait3A_89 = tpu.memref_squeeze %dma_wait3A_88 : memref<1x128xi32, #tpu.memory_space<vmem>> -> memref<128xi32, #tpu.memory_space<vmem>>
      %dma_wait3A_90 = arith.constant 0 : i32
      %dma_wait3A_91 = arith.constant 0 : i32
      %dma_wait3A_92 = tpu.memref_slice %arg3[%dma_wait3A_90, %dma_wait3A_91] : memref<50000x128xf32, #tpu.memory_space<hbm>> -> memref<50000x128xf32, #tpu.memory_space<hbm>>
      tpu.wait_indirect_dma semaphore(%arg7 : memref<!tpu.dma_semaphore, #tpu.memory_space<semaphore_mem>>) src(%dma_wait3A_92 : memref<50000x128xf32, #tpu.memory_space<hbm>>) dst(%dma_wait3A_86 : memref<128x128xf32, #tpu.memory_space<vmem>>)
      %mul3A_93 = arith.constant 1024 : i32
      %mul3A_94 = arith.muli %add3A_12, %mul3A_93 : i32
      %add3A_95 = arith.constant 0 : i32
      %add3A_96 = arith.addi %mul3A_94, %add3A_95 : i32
      "tpu.region"() ({
        %run_scoped3A = tpu.sem_alloc : memref<!tpu.dma_semaphore, #tpu.memory_space<semaphore_mem>>
        %dma_start3A_181 = arith.constant 0 : i32
        %dma_start3A_182 = tpu.memref_slice %arg4[%add3A_96, %dma_start3A_181] : memref<819200x128xf32, #tpu.memory_space<hbm>> -> memref<512x128xf32, #tpu.memory_space<hbm>>
        %dma_start3A_183 = arith.constant 0 : i32
        %dma_start3A_184 = tpu.memref_slice %arg4[%add3A_96, %dma_start3A_183] : memref<819200x128xf32, #tpu.memory_space<hbm>> -> memref<512x128xf32, #tpu.memory_space<hbm>>
        tpu.enqueue_dma source(%arg6 : memref<512x128xf32, #tpu.memory_space<vmem>>) target(%dma_start3A_184 : memref<512x128xf32, #tpu.memory_space<hbm>>) target_semaphore(%run_scoped3A : memref<!tpu.dma_semaphore, #tpu.memory_space<semaphore_mem>>)
        %dma_wait3A_185 = arith.constant 0 : i32
        %dma_wait3A_186 = tpu.memref_slice %arg4[%add3A_96, %dma_wait3A_185] : memref<819200x128xf32, #tpu.memory_space<hbm>> -> memref<512x128xf32, #tpu.memory_space<hbm>>
        %dma_wait3A_187 = arith.constant 0 : i32
        %dma_wait3A_188 = tpu.memref_slice %arg4[%add3A_96, %dma_wait3A_187] : memref<819200x128xf32, #tpu.memory_space<hbm>> -> memref<512x128xf32, #tpu.memory_space<hbm>>
        tpu.wait_dma2 semaphore(%run_scoped3A : memref<!tpu.dma_semaphore, #tpu.memory_space<semaphore_mem>>) src(%arg6 : memref<512x128xf32, #tpu.memory_space<vmem>>) dst(%dma_wait3A_188 : memref<512x128xf32, #tpu.memory_space<hbm>>)
        tpu.yield
      }) : () -> ()
      %dma_start3A_97 = arith.constant 4 : i32
      %dma_start3A_98 = arith.constant 0 : i32
      %dma_start3A_99 = arith.constant 0 : i32
      %dma_start3A_100 = tpu.memref_slice %arg6[%dma_start3A_98, %dma_start3A_99] : memref<512x128xf32, #tpu.memory_space<vmem>> -> memref<128x128xf32, #tpu.memory_space<vmem>>
      %dma_start3A_101 = arith.constant 0 : i32
      %dma_start3A_102 = tpu.memref_slice %arg5[%dma_start3A_97, %dma_start3A_101] : memref<8x128xi32, #tpu.memory_space<vmem>> -> memref<1x128xi32, #tpu.memory_space<vmem>>
      %dma_start3A_103 = tpu.memref_squeeze %dma_start3A_102 : memref<1x128xi32, #tpu.memory_space<vmem>> -> memref<128xi32, #tpu.memory_space<vmem>>
      %dma_start3A_104 = arith.constant 0 : i32
      %dma_start3A_105 = arith.constant 0 : i32
      %dma_start3A_106 = tpu.memref_slice %arg3[%dma_start3A_104, %dma_start3A_105] : memref<50000x128xf32, #tpu.memory_space<hbm>> -> memref<50000x128xf32, #tpu.memory_space<hbm>>
      tpu.enqueue_indirect_dma source(%dma_start3A_106 : memref<50000x128xf32, #tpu.memory_space<hbm>>) target(%dma_start3A_100 : memref<128x128xf32, #tpu.memory_space<vmem>>) offsets(%dma_start3A_103 : memref<128xi32, #tpu.memory_space<vmem>>) semaphore(%arg7 : memref<!tpu.dma_semaphore, #tpu.memory_space<semaphore_mem>>)
      %dma_start3A_107 = arith.constant 5 : i32
      %dma_start3A_108 = arith.constant 128 : i32
      %dma_start3A_109 = arith.constant 0 : i32
      %dma_start3A_110 = tpu.memref_slice %arg6[%dma_start3A_108, %dma_start3A_109] : memref<512x128xf32, #tpu.memory_space<vmem>> -> memref<128x128xf32, #tpu.memory_space<vmem>>
      %dma_start3A_111 = arith.constant 0 : i32
      %dma_start3A_112 = tpu.memref_slice %arg5[%dma_start3A_107, %dma_start3A_111] : memref<8x128xi32, #tpu.memory_space<vmem>> -> memref<1x128xi32, #tpu.memory_space<vmem>>
      %dma_start3A_113 = tpu.memref_squeeze %dma_start3A_112 : memref<1x128xi32, #tpu.memory_space<vmem>> -> memref<128xi32, #tpu.memory_space<vmem>>
      %dma_start3A_114 = arith.constant 0 : i32
      %dma_start3A_115 = arith.constant 0 : i32
      %dma_start3A_116 = tpu.memref_slice %arg3[%dma_start3A_114, %dma_start3A_115] : memref<50000x128xf32, #tpu.memory_space<hbm>> -> memref<50000x128xf32, #tpu.memory_space<hbm>>
      tpu.enqueue_indirect_dma source(%dma_start3A_116 : memref<50000x128xf32, #tpu.memory_space<hbm>>) target(%dma_start3A_110 : memref<128x128xf32, #tpu.memory_space<vmem>>) offsets(%dma_start3A_113 : memref<128xi32, #tpu.memory_space<vmem>>) semaphore(%arg7 : memref<!tpu.dma_semaphore, #tpu.memory_space<semaphore_mem>>)
      %dma_start3A_117 = arith.constant 6 : i32
      %dma_start3A_118 = arith.constant 256 : i32
      %dma_start3A_119 = arith.constant 0 : i32
      %dma_start3A_120 = tpu.memref_slice %arg6[%dma_start3A_118, %dma_start3A_119] : memref<512x128xf32, #tpu.memory_space<vmem>> -> memref<128x128xf32, #tpu.memory_space<vmem>>
      %dma_start3A_121 = arith.constant 0 : i32
      %dma_start3A_122 = tpu.memref_slice %arg5[%dma_start3A_117, %dma_start3A_121] : memref<8x128xi32, #tpu.memory_space<vmem>> -> memref<1x128xi32, #tpu.memory_space<vmem>>
      %dma_start3A_123 = tpu.memref_squeeze %dma_start3A_122 : memref<1x128xi32, #tpu.memory_space<vmem>> -> memref<128xi32, #tpu.memory_space<vmem>>
      %dma_start3A_124 = arith.constant 0 : i32
      %dma_start3A_125 = arith.constant 0 : i32
      %dma_start3A_126 = tpu.memref_slice %arg3[%dma_start3A_124, %dma_start3A_125] : memref<50000x128xf32, #tpu.memory_space<hbm>> -> memref<50000x128xf32, #tpu.memory_space<hbm>>
      tpu.enqueue_indirect_dma source(%dma_start3A_126 : memref<50000x128xf32, #tpu.memory_space<hbm>>) target(%dma_start3A_120 : memref<128x128xf32, #tpu.memory_space<vmem>>) offsets(%dma_start3A_123 : memref<128xi32, #tpu.memory_space<vmem>>) semaphore(%arg7 : memref<!tpu.dma_semaphore, #tpu.memory_space<semaphore_mem>>)
      %dma_start3A_127 = arith.constant 7 : i32
      %dma_start3A_128 = arith.constant 384 : i32
      %dma_start3A_129 = arith.constant 0 : i32
      %dma_start3A_130 = tpu.memref_slice %arg6[%dma_start3A_128, %dma_start3A_129] : memref<512x128xf32, #tpu.memory_space<vmem>> -> memref<128x128xf32, #tpu.memory_space<vmem>>
      %dma_start3A_131 = arith.constant 0 : i32
      %dma_start3A_132 = tpu.memref_slice %arg5[%dma_start3A_127, %dma_start3A_131] : memref<8x128xi32, #tpu.memory_space<vmem>> -> memref<1x128xi32, #tpu.memory_space<vmem>>
      %dma_start3A_133 = tpu.memref_squeeze %dma_start3A_132 : memref<1x128xi32, #tpu.memory_space<vmem>> -> memref<128xi32, #tpu.memory_space<vmem>>
      %dma_start3A_134 = arith.constant 0 : i32
      %dma_start3A_135 = arith.constant 0 : i32
      %dma_start3A_136 = tpu.memref_slice %arg3[%dma_start3A_134, %dma_start3A_135] : memref<50000x128xf32, #tpu.memory_space<hbm>> -> memref<50000x128xf32, #tpu.memory_space<hbm>>
      tpu.enqueue_indirect_dma source(%dma_start3A_136 : memref<50000x128xf32, #tpu.memory_space<hbm>>) target(%dma_start3A_130 : memref<128x128xf32, #tpu.memory_space<vmem>>) offsets(%dma_start3A_133 : memref<128xi32, #tpu.memory_space<vmem>>) semaphore(%arg7 : memref<!tpu.dma_semaphore, #tpu.memory_space<semaphore_mem>>)
      %dma_wait3A_137 = arith.constant 4 : i32
      %dma_wait3A_138 = arith.constant 0 : i32
      %dma_wait3A_139 = arith.constant 0 : i32
      %dma_wait3A_140 = tpu.memref_slice %arg6[%dma_wait3A_138, %dma_wait3A_139] : memref<512x128xf32, #tpu.memory_space<vmem>> -> memref<128x128xf32, #tpu.memory_space<vmem>>
      %dma_wait3A_141 = arith.constant 0 : i32
      %dma_wait3A_142 = tpu.memref_slice %arg5[%dma_wait3A_137, %dma_wait3A_141] : memref<8x128xi32, #tpu.memory_space<vmem>> -> memref<1x128xi32, #tpu.memory_space<vmem>>
      %dma_wait3A_143 = tpu.memref_squeeze %dma_wait3A_142 : memref<1x128xi32, #tpu.memory_space<vmem>> -> memref<128xi32, #tpu.memory_space<vmem>>
      %dma_wait3A_144 = arith.constant 0 : i32
      %dma_wait3A_145 = arith.constant 0 : i32
      %dma_wait3A_146 = tpu.memref_slice %arg3[%dma_wait3A_144, %dma_wait3A_145] : memref<50000x128xf32, #tpu.memory_space<hbm>> -> memref<50000x128xf32, #tpu.memory_space<hbm>>
      tpu.wait_indirect_dma semaphore(%arg7 : memref<!tpu.dma_semaphore, #tpu.memory_space<semaphore_mem>>) src(%dma_wait3A_146 : memref<50000x128xf32, #tpu.memory_space<hbm>>) dst(%dma_wait3A_140 : memref<128x128xf32, #tpu.memory_space<vmem>>)
      %dma_wait3A_147 = arith.constant 5 : i32
      %dma_wait3A_148 = arith.constant 128 : i32
      %dma_wait3A_149 = arith.constant 0 : i32
      %dma_wait3A_150 = tpu.memref_slice %arg6[%dma_wait3A_148, %dma_wait3A_149] : memref<512x128xf32, #tpu.memory_space<vmem>> -> memref<128x128xf32, #tpu.memory_space<vmem>>
      %dma_wait3A_151 = arith.constant 0 : i32
      %dma_wait3A_152 = tpu.memref_slice %arg5[%dma_wait3A_147, %dma_wait3A_151] : memref<8x128xi32, #tpu.memory_space<vmem>> -> memref<1x128xi32, #tpu.memory_space<vmem>>
      %dma_wait3A_153 = tpu.memref_squeeze %dma_wait3A_152 : memref<1x128xi32, #tpu.memory_space<vmem>> -> memref<128xi32, #tpu.memory_space<vmem>>
      %dma_wait3A_154 = arith.constant 0 : i32
      %dma_wait3A_155 = arith.constant 0 : i32
      %dma_wait3A_156 = tpu.memref_slice %arg3[%dma_wait3A_154, %dma_wait3A_155] : memref<50000x128xf32, #tpu.memory_space<hbm>> -> memref<50000x128xf32, #tpu.memory_space<hbm>>
      tpu.wait_indirect_dma semaphore(%arg7 : memref<!tpu.dma_semaphore, #tpu.memory_space<semaphore_mem>>) src(%dma_wait3A_156 : memref<50000x128xf32, #tpu.memory_space<hbm>>) dst(%dma_wait3A_150 : memref<128x128xf32, #tpu.memory_space<vmem>>)
      %dma_wait3A_157 = arith.constant 6 : i32
      %dma_wait3A_158 = arith.constant 256 : i32
      %dma_wait3A_159 = arith.constant 0 : i32
      %dma_wait3A_160 = tpu.memref_slice %arg6[%dma_wait3A_158, %dma_wait3A_159] : memref<512x128xf32, #tpu.memory_space<vmem>> -> memref<128x128xf32, #tpu.memory_space<vmem>>
      %dma_wait3A_161 = arith.constant 0 : i32
      %dma_wait3A_162 = tpu.memref_slice %arg5[%dma_wait3A_157, %dma_wait3A_161] : memref<8x128xi32, #tpu.memory_space<vmem>> -> memref<1x128xi32, #tpu.memory_space<vmem>>
      %dma_wait3A_163 = tpu.memref_squeeze %dma_wait3A_162 : memref<1x128xi32, #tpu.memory_space<vmem>> -> memref<128xi32, #tpu.memory_space<vmem>>
      %dma_wait3A_164 = arith.constant 0 : i32
      %dma_wait3A_165 = arith.constant 0 : i32
      %dma_wait3A_166 = tpu.memref_slice %arg3[%dma_wait3A_164, %dma_wait3A_165] : memref<50000x128xf32, #tpu.memory_space<hbm>> -> memref<50000x128xf32, #tpu.memory_space<hbm>>
      tpu.wait_indirect_dma semaphore(%arg7 : memref<!tpu.dma_semaphore, #tpu.memory_space<semaphore_mem>>) src(%dma_wait3A_166 : memref<50000x128xf32, #tpu.memory_space<hbm>>) dst(%dma_wait3A_160 : memref<128x128xf32, #tpu.memory_space<vmem>>)
      %dma_wait3A_167 = arith.constant 7 : i32
      %dma_wait3A_168 = arith.constant 384 : i32
      %dma_wait3A_169 = arith.constant 0 : i32
      %dma_wait3A_170 = tpu.memref_slice %arg6[%dma_wait3A_168, %dma_wait3A_169] : memref<512x128xf32, #tpu.memory_space<vmem>> -> memref<128x128xf32, #tpu.memory_space<vmem>>
      %dma_wait3A_171 = arith.constant 0 : i32
      %dma_wait3A_172 = tpu.memref_slice %arg5[%dma_wait3A_167, %dma_wait3A_171] : memref<8x128xi32, #tpu.memory_space<vmem>> -> memref<1x128xi32, #tpu.memory_space<vmem>>
      %dma_wait3A_173 = tpu.memref_squeeze %dma_wait3A_172 : memref<1x128xi32, #tpu.memory_space<vmem>> -> memref<128xi32, #tpu.memory_space<vmem>>
      %dma_wait3A_174 = arith.constant 0 : i32
      %dma_wait3A_175 = arith.constant 0 : i32
      %dma_wait3A_176 = tpu.memref_slice %arg3[%dma_wait3A_174, %dma_wait3A_175] : memref<50000x128xf32, #tpu.memory_space<hbm>> -> memref<50000x128xf32, #tpu.memory_space<hbm>>
      tpu.wait_indirect_dma semaphore(%arg7 : memref<!tpu.dma_semaphore, #tpu.memory_space<semaphore_mem>>) src(%dma_wait3A_176 : memref<50000x128xf32, #tpu.memory_space<hbm>>) dst(%dma_wait3A_170 : memref<128x128xf32, #tpu.memory_space<vmem>>)
      %mul3A_177 = arith.constant 1024 : i32
      %mul3A_178 = arith.muli %add3A_12, %mul3A_177 : i32
      %add3A_179 = arith.constant 512 : i32
      %add3A_180 = arith.addi %mul3A_178, %add3A_179 : i32
      "tpu.region"() ({
        %run_scoped3A = tpu.sem_alloc : memref<!tpu.dma_semaphore, #tpu.memory_space<semaphore_mem>>
        %dma_start3A_181 = arith.constant 0 : i32
        %dma_start3A_182 = tpu.memref_slice %arg4[%add3A_180, %dma_start3A_181] : memref<819200x128xf32, #tpu.memory_space<hbm>> -> memref<512x128xf32, #tpu.memory_space<hbm>>
        %dma_start3A_183 = arith.constant 0 : i32
        %dma_start3A_184 = tpu.memref_slice %arg4[%add3A_180, %dma_start3A_183] : memref<819200x128xf32, #tpu.memory_space<hbm>> -> memref<512x128xf32, #tpu.memory_space<hbm>>
        tpu.enqueue_dma source(%arg6 : memref<512x128xf32, #tpu.memory_space<vmem>>) target(%dma_start3A_184 : memref<512x128xf32, #tpu.memory_space<hbm>>) target_semaphore(%run_scoped3A : memref<!tpu.dma_semaphore, #tpu.memory_space<semaphore_mem>>)
        %dma_wait3A_185 = arith.constant 0 : i32
        %dma_wait3A_186 = tpu.memref_slice %arg4[%add3A_180, %dma_wait3A_185] : memref<819200x128xf32, #tpu.memory_space<hbm>> -> memref<512x128xf32, #tpu.memory_space<hbm>>
        %dma_wait3A_187 = arith.constant 0 : i32
        %dma_wait3A_188 = tpu.memref_slice %arg4[%add3A_180, %dma_wait3A_187] : memref<819200x128xf32, #tpu.memory_space<hbm>> -> memref<512x128xf32, #tpu.memory_space<hbm>>
        tpu.wait_dma2 semaphore(%run_scoped3A : memref<!tpu.dma_semaphore, #tpu.memory_space<semaphore_mem>>) src(%arg6 : memref<512x128xf32, #tpu.memory_space<vmem>>) dst(%dma_wait3A_188 : memref<512x128xf32, #tpu.memory_space<hbm>>)
        tpu.yield
      }) : () -> ()
    }
    %scan3A_4 = arith.constant 25 : i32
    return
  }
}

module attributes {stable_mosaic.version = 14 : i64} {
  func.func @_prep_body(%arg0: i32, %arg1: memref<2000x1xi32, #tpu.memory_space<vmem>>, %arg2: memref<2000x1xi32, #tpu.memory_space<vmem>>, %arg3: memref<2000x1xi32, #tpu.memory_space<vmem>>, %arg4: memref<2000x1xi32, #tpu.memory_space<vmem>>, %arg5: memref<2000x1xi32, #tpu.memory_space<vmem>>, %arg6: memref<144x128xf32, #tpu.memory_space<vmem>>, %arg7: memref<1x128xf32, #tpu.memory_space<vmem>>, %arg8: memref<2000x128xf32, #tpu.memory_space<vmem>>) attributes {dimension_semantics = [#tpu.dimension_semantics<arbitrary>], iteration_bounds = array<i64: 25>, scalar_prefetch = 0 : i64, scratch_operands = 0 : i64, tpu.core_type = #tpu.core_type<tc>, window_params = [{transform_indices = @transform_0, window_bounds = array<i64: 2000, 1>}, {transform_indices = @transform_1, window_bounds = array<i64: 2000, 1>}, {transform_indices = @transform_2, window_bounds = array<i64: 2000, 1>}, {transform_indices = @transform_3, window_bounds = array<i64: 2000, 1>}, {transform_indices = @transform_4, window_bounds = array<i64: 2000, 1>}, {pipeline_mode = #tpu.pipeline_mode<synchronous>, transform_indices = @transform_5, window_bounds = array<i64: 144, 128>}, {pipeline_mode = #tpu.pipeline_mode<synchronous>, transform_indices = @transform_6, window_bounds = array<i64: 1, 128>}, {transform_indices = @transform_7, window_bounds = array<i64: 2000, 128>}]} {
    %iota3A = tpu.iota {dimensions = array<i32: 1>} : vector<2000x144xi32>
    %broadcast_in_dim3A = arith.constant 0.000000e+00 : f32
    %broadcast_in_dim3A_0 = vector.broadcast %broadcast_in_dim3A : f32 to vector<2000x144xf32>
    %get3A = arith.constant 0 : index
    %get3A_1 = arith.constant 0 : index
    %get3A_2 = vector.load %arg1[%get3A, %get3A_1] : memref<2000x1xi32, #tpu.memory_space<vmem>>, vector<2000x1xi32>
    %jit3A = arith.constant 0 : i32
    %jit3A_3 = arith.constant 119 : i32
    %max3A = vector.broadcast %jit3A : i32 to vector<2000x1xi32>
    %max3A_4 = arith.maxsi %max3A, %get3A_2 : vector<2000x1xi32>
    %min3A = vector.broadcast %jit3A_3 : i32 to vector<2000x1xi32>
    %min3A_5 = arith.minsi %min3A, %max3A_4 : vector<2000x1xi32>
    %add3A = arith.constant 0 : i32
    %add3A_6 = vector.broadcast %add3A : i32 to vector<2000x1xi32>
    %add3A_7 = arith.addi %min3A_5, %add3A_6 : vector<2000x1xi32>
    %eq3A = vector.broadcast %add3A_7 : vector<2000x1xi32> to vector<2000x144xi32>
    %eq3A_8 = arith.cmpi eq, %iota3A, %eq3A : vector<2000x144xi32>
    %convert_element_type3A = arith.extui %eq3A_8 : vector<2000x144xi1> to vector<2000x144xi32>
    %convert_element_type3A_9 = arith.sitofp %convert_element_type3A : vector<2000x144xi32> to vector<2000x144xf32>
    %add3A_10 = arith.addf %broadcast_in_dim3A_0, %convert_element_type3A_9 : vector<2000x144xf32>
    %get3A_11 = arith.constant 0 : index
    %get3A_12 = arith.constant 0 : index
    %get3A_13 = vector.load %arg2[%get3A_11, %get3A_12] : memref<2000x1xi32, #tpu.memory_space<vmem>>, vector<2000x1xi32>
    %jit3A_14 = arith.constant 0 : i32
    %jit3A_15 = arith.constant 9 : i32
    %max3A_16 = vector.broadcast %jit3A_14 : i32 to vector<2000x1xi32>
    %max3A_17 = arith.maxsi %max3A_16, %get3A_13 : vector<2000x1xi32>
    %min3A_18 = vector.broadcast %jit3A_15 : i32 to vector<2000x1xi32>
    %min3A_19 = arith.minsi %min3A_18, %max3A_17 : vector<2000x1xi32>
    %add3A_20 = arith.constant 120 : i32
    %add3A_21 = vector.broadcast %add3A_20 : i32 to vector<2000x1xi32>
    %add3A_22 = arith.addi %min3A_19, %add3A_21 : vector<2000x1xi32>
    %eq3A_23 = vector.broadcast %add3A_22 : vector<2000x1xi32> to vector<2000x144xi32>
    %eq3A_24 = arith.cmpi eq, %iota3A, %eq3A_23 : vector<2000x144xi32>
    %convert_element_type3A_25 = arith.extui %eq3A_24 : vector<2000x144xi1> to vector<2000x144xi32>
    %convert_element_type3A_26 = arith.sitofp %convert_element_type3A_25 : vector<2000x144xi32> to vector<2000x144xf32>
    %add3A_27 = arith.addf %add3A_10, %convert_element_type3A_26 : vector<2000x144xf32>
    %get3A_28 = arith.constant 0 : index
    %get3A_29 = arith.constant 0 : index
    %get3A_30 = vector.load %arg3[%get3A_28, %get3A_29] : memref<2000x1xi32, #tpu.memory_space<vmem>>, vector<2000x1xi32>
    %jit3A_31 = arith.constant 0 : i32
    %jit3A_32 = arith.constant 6 : i32
    %max3A_33 = vector.broadcast %jit3A_31 : i32 to vector<2000x1xi32>
    %max3A_34 = arith.maxsi %max3A_33, %get3A_30 : vector<2000x1xi32>
    %min3A_35 = vector.broadcast %jit3A_32 : i32 to vector<2000x1xi32>
    %min3A_36 = arith.minsi %min3A_35, %max3A_34 : vector<2000x1xi32>
    %add3A_37 = arith.constant 130 : i32
    %add3A_38 = vector.broadcast %add3A_37 : i32 to vector<2000x1xi32>
    %add3A_39 = arith.addi %min3A_36, %add3A_38 : vector<2000x1xi32>
    %eq3A_40 = vector.broadcast %add3A_39 : vector<2000x1xi32> to vector<2000x144xi32>
    %eq3A_41 = arith.cmpi eq, %iota3A, %eq3A_40 : vector<2000x144xi32>
    %convert_element_type3A_42 = arith.extui %eq3A_41 : vector<2000x144xi1> to vector<2000x144xi32>
    %convert_element_type3A_43 = arith.sitofp %convert_element_type3A_42 : vector<2000x144xi32> to vector<2000x144xf32>
    %add3A_44 = arith.addf %add3A_27, %convert_element_type3A_43 : vector<2000x144xf32>
    %get3A_45 = arith.constant 0 : index
    %get3A_46 = arith.constant 0 : index
    %get3A_47 = vector.load %arg4[%get3A_45, %get3A_46] : memref<2000x1xi32, #tpu.memory_space<vmem>>, vector<2000x1xi32>
    %jit3A_48 = arith.constant 0 : i32
    %jit3A_49 = arith.constant 4 : i32
    %max3A_50 = vector.broadcast %jit3A_48 : i32 to vector<2000x1xi32>
    %max3A_51 = arith.maxsi %max3A_50, %get3A_47 : vector<2000x1xi32>
    %min3A_52 = vector.broadcast %jit3A_49 : i32 to vector<2000x1xi32>
    %min3A_53 = arith.minsi %min3A_52, %max3A_51 : vector<2000x1xi32>
    %add3A_54 = arith.constant 137 : i32
    %add3A_55 = vector.broadcast %add3A_54 : i32 to vector<2000x1xi32>
    %add3A_56 = arith.addi %min3A_53, %add3A_55 : vector<2000x1xi32>
    %eq3A_57 = vector.broadcast %add3A_56 : vector<2000x1xi32> to vector<2000x144xi32>
    %eq3A_58 = arith.cmpi eq, %iota3A, %eq3A_57 : vector<2000x144xi32>
    %convert_element_type3A_59 = arith.extui %eq3A_58 : vector<2000x144xi1> to vector<2000x144xi32>
    %convert_element_type3A_60 = arith.sitofp %convert_element_type3A_59 : vector<2000x144xi32> to vector<2000x144xf32>
    %add3A_61 = arith.addf %add3A_44, %convert_element_type3A_60 : vector<2000x144xf32>
    %get3A_62 = arith.constant 0 : index
    %get3A_63 = arith.constant 0 : index
    %get3A_64 = vector.load %arg5[%get3A_62, %get3A_63] : memref<2000x1xi32, #tpu.memory_space<vmem>>, vector<2000x1xi32>
    %jit3A_65 = arith.constant 0 : i32
    %jit3A_66 = arith.constant 1 : i32
    %max3A_67 = vector.broadcast %jit3A_65 : i32 to vector<2000x1xi32>
    %max3A_68 = arith.maxsi %max3A_67, %get3A_64 : vector<2000x1xi32>
    %min3A_69 = vector.broadcast %jit3A_66 : i32 to vector<2000x1xi32>
    %min3A_70 = arith.minsi %min3A_69, %max3A_68 : vector<2000x1xi32>
    %add3A_71 = arith.constant 142 : i32
    %add3A_72 = vector.broadcast %add3A_71 : i32 to vector<2000x1xi32>
    %add3A_73 = arith.addi %min3A_70, %add3A_72 : vector<2000x1xi32>
    %eq3A_74 = vector.broadcast %add3A_73 : vector<2000x1xi32> to vector<2000x144xi32>
    %eq3A_75 = arith.cmpi eq, %iota3A, %eq3A_74 : vector<2000x144xi32>
    %convert_element_type3A_76 = arith.extui %eq3A_75 : vector<2000x144xi1> to vector<2000x144xi32>
    %convert_element_type3A_77 = arith.sitofp %convert_element_type3A_76 : vector<2000x144xi32> to vector<2000x144xf32>
    %add3A_78 = arith.addf %add3A_61, %convert_element_type3A_77 : vector<2000x144xf32>
    %get3A_79 = arith.constant 0 : index
    %get3A_80 = arith.constant 0 : index
    %get3A_81 = vector.load %arg6[%get3A_79, %get3A_80] : memref<144x128xf32, #tpu.memory_space<vmem>>, vector<144x128xf32>
    %dot_general3A = arith.constant dense<0.000000e+00> : vector<2000x128xf32>
    %dot_general3A_82 = tpu.matmul %add3A_78, %get3A_81, %dot_general3A {dimension_numbers = #tpu.dot_dimension_numbers<[1], [0], [0], [1], [0, 0, 1, 1], [], []>, transpose_lhs_hint = false} : vector<2000x144xf32>, vector<144x128xf32>, vector<2000x128xf32> -> vector<2000x128xf32>
    %get3A_83 = arith.constant 0 : index
    %get3A_84 = arith.constant 0 : index
    %get3A_85 = vector.load %arg7[%get3A_83, %get3A_84] : memref<1x128xf32, #tpu.memory_space<vmem>>, vector<1x128xf32>
    %add3A_86 = vector.broadcast %get3A_85 : vector<1x128xf32> to vector<2000x128xf32>
    %add3A_87 = arith.addf %dot_general3A_82, %add3A_86 : vector<2000x128xf32>
    %swap3A = arith.constant 0 : index
    %swap3A_88 = arith.constant 0 : index
    %swap3A_89 = vector.load %arg8[%swap3A, %swap3A_88] : memref<2000x128xf32, #tpu.memory_space<vmem>>, vector<2000x128xf32>
    tpu.vector_store %arg8[%swap3A, %swap3A_88], %add3A_87 {strides = array<i32>} : memref<2000x128xf32, #tpu.memory_space<vmem>>, vector<2000x128xf32>,
    return
  }
  func.func @transform_0(%arg0: i32) -> (i32, i32) {
    %c0_i32 = arith.constant 0 : i32
    %c0_i32_0 = arith.constant 0 : i32
    return %arg0, %c0_i32 : i32, i32
  }
  func.func @transform_1(%arg0: i32) -> (i32, i32) {
    %c0_i32 = arith.constant 0 : i32
    %c0_i32_0 = arith.constant 0 : i32
    return %arg0, %c0_i32 : i32, i32
  }
  func.func @transform_2(%arg0: i32) -> (i32, i32) {
    %c0_i32 = arith.constant 0 : i32
    %c0_i32_0 = arith.constant 0 : i32
    return %arg0, %c0_i32 : i32, i32
  }
  func.func @transform_3(%arg0: i32) -> (i32, i32) {
    %c0_i32 = arith.constant 0 : i32
    %c0_i32_0 = arith.constant 0 : i32
    return %arg0, %c0_i32 : i32, i32
  }
  func.func @transform_4(%arg0: i32) -> (i32, i32) {
    %c0_i32 = arith.constant 0 : i32
    %c0_i32_0 = arith.constant 0 : i32
    return %arg0, %c0_i32 : i32, i32
  }
  func.func @transform_5(%arg0: i32) -> (i32, i32) {
    %c0_i32 = arith.constant 0 : i32
    %c0_i32_0 = arith.constant 0 : i32
    %c0_i32_1 = arith.constant 0 : i32
    return %c0_i32, %c0_i32_0 : i32, i32
  }
  func.func @transform_6(%arg0: i32) -> (i32, i32) {
    %c0_i32 = arith.constant 0 : i32
    %c0_i32_0 = arith.constant 0 : i32
    %c0_i32_1 = arith.constant 0 : i32
    return %c0_i32, %c0_i32_0 : i32, i32
  }
  func.func @transform_7(%arg0: i32) -> (i32, i32) {
    %c0_i32 = arith.constant 0 : i32
    %c0_i32_0 = arith.constant 0 : i32
    return %arg0, %c0_i32 : i32, i32
  }
}

module attributes {stable_mosaic.version = 14 : i64} {
  func.func @_msg_body(%arg0: i32, %arg1: memref<1600x1xi32, #tpu.memory_space<vmem>>, %arg2: memref<1600x1xi32, #tpu.memory_space<vmem>>, %arg3: memref<1600x1xi32, #tpu.memory_space<vmem>>, %arg4: memref<1600x128xf32, #tpu.memory_space<vmem>>, %arg5: memref<16x128xf32, #tpu.memory_space<vmem>>, %arg6: memref<1600x64xf32, #tpu.memory_space<vmem>>) attributes {dimension_semantics = [#tpu.dimension_semantics<arbitrary>], iteration_bounds = array<i64: 500>, scalar_prefetch = 0 : i64, scratch_operands = 0 : i64, tpu.core_type = #tpu.core_type<tc>, window_params = [{transform_indices = @transform_0, window_bounds = array<i64: 1600, 1>}, {transform_indices = @transform_1, window_bounds = array<i64: 1600, 1>}, {transform_indices = @transform_2, window_bounds = array<i64: 1600, 1>}, {transform_indices = @transform_3, window_bounds = array<i64: 1600, 128>}, {pipeline_mode = #tpu.pipeline_mode<synchronous>, transform_indices = @transform_4, window_bounds = array<i64: 16, 128>}, {transform_indices = @transform_5, window_bounds = array<i64: 1600, 64>}]} {
    %get3A = arith.constant 0 : index
    %get3A_0 = arith.constant 0 : index
    %get3A_1 = vector.load %arg1[%get3A, %get3A_0] : memref<1600x1xi32, #tpu.memory_space<vmem>>, vector<1600x1xi32>
    %get3A_2 = arith.constant 0 : index
    %get3A_3 = arith.constant 0 : index
    %get3A_4 = vector.load %arg2[%get3A_2, %get3A_3] : memref<1600x1xi32, #tpu.memory_space<vmem>>, vector<1600x1xi32>
    %mul3A = arith.constant 3 : i32
    %mul3A_5 = vector.broadcast %mul3A : i32 to vector<1600x1xi32>
    %mul3A_6 = arith.muli %mul3A_5, %get3A_4 : vector<1600x1xi32>
    %add3A = arith.addi %get3A_1, %mul3A_6 : vector<1600x1xi32>
    %get3A_7 = arith.constant 0 : index
    %get3A_8 = arith.constant 0 : index
    %get3A_9 = vector.load %arg3[%get3A_7, %get3A_8] : memref<1600x1xi32, #tpu.memory_space<vmem>>, vector<1600x1xi32>
    %mul3A_10 = arith.constant 7 : i32
    %mul3A_11 = vector.broadcast %mul3A_10 : i32 to vector<1600x1xi32>
    %mul3A_12 = arith.muli %mul3A_11, %get3A_9 : vector<1600x1xi32>
    %add3A_13 = arith.addi %add3A, %mul3A_12 : vector<1600x1xi32>
    %and3A = arith.constant 15 : i32
    %and3A_14 = vector.broadcast %and3A : i32 to vector<1600x1xi32>
    %and3A_15 = arith.andi %add3A_13, %and3A_14 : vector<1600x1xi32>
    %iota3A = tpu.iota {dimensions = array<i32: 1>} : vector<1600x16xi32>
    %eq3A = vector.broadcast %and3A_15 : vector<1600x1xi32> to vector<1600x16xi32>
    %eq3A_16 = arith.cmpi eq, %iota3A, %eq3A : vector<1600x16xi32>
    %convert_element_type3A = arith.extui %eq3A_16 : vector<1600x16xi1> to vector<1600x16xi32>
    %convert_element_type3A_17 = arith.sitofp %convert_element_type3A : vector<1600x16xi32> to vector<1600x16xf32>
    %get3A_18 = arith.constant 0 : index
    %get3A_19 = arith.constant 0 : index
    %get3A_20 = vector.load %arg4[%get3A_18, %get3A_19] : memref<1600x128xf32, #tpu.memory_space<vmem>>, vector<1600x128xf32>
    %get3A_21 = arith.constant 0 : index
    %get3A_22 = arith.constant 0 : index
    %get3A_23 = vector.load %arg5[%get3A_21, %get3A_22] : memref<16x128xf32, #tpu.memory_space<vmem>>, vector<16x128xf32>
    %dot_general3A = arith.constant dense<0.000000e+00> : vector<1600x128xf32>
    %dot_general3A_24 = tpu.matmul %convert_element_type3A_17, %get3A_23, %dot_general3A {dimension_numbers = #tpu.dot_dimension_numbers<[1], [0], [0], [1], [0, 0, 1, 1], [], []>, transpose_lhs_hint = false} : vector<1600x16xf32>, vector<16x128xf32>, vector<1600x128xf32> -> vector<1600x128xf32>
    %add3A_25 = arith.addf %get3A_20, %dot_general3A_24 : vector<1600x128xf32>
    %max3A = arith.constant 0.000000e+00 : f32
    %max3A_26 = vector.broadcast %max3A : f32 to vector<1600x128xf32>
    %max3A_27 = arith.maximumf %add3A_25, %max3A_26 : vector<1600x128xf32>
    %slice3A = vector.extract_strided_slice %max3A_27 {offsets = [0, 0], sizes = [1600, 64], strides = [1, 1]} : vector<1600x128xf32> to vector<1600x64xf32>
    %swap3A = arith.constant 0 : index
    %swap3A_28 = arith.constant 0 : index
    %swap3A_29 = vector.load %arg6[%swap3A, %swap3A_28] : memref<1600x64xf32, #tpu.memory_space<vmem>>, vector<1600x64xf32>
    tpu.vector_store %arg6[%swap3A, %swap3A_28], %slice3A {strides = array<i32>} : memref<1600x64xf32, #tpu.memory_space<vmem>>, vector<1600x64xf32>,
    return
  }
  func.func @transform_0(%arg0: i32) -> (i32, i32) {
    %c0_i32 = arith.constant 0 : i32
    %c0_i32_0 = arith.constant 0 : i32
    return %arg0, %c0_i32 : i32, i32
  }
  func.func @transform_1(%arg0: i32) -> (i32, i32) {
    %c0_i32 = arith.constant 0 : i32
    %c0_i32_0 = arith.constant 0 : i32
    return %arg0, %c0_i32 : i32, i32
  }
  func.func @transform_2(%arg0: i32) -> (i32, i32) {
    %c0_i32 = arith.constant 0 : i32
    %c0_i32_0 = arith.constant 0 : i32
    return %arg0, %c0_i32 : i32, i32
  }
  func.func @transform_3(%arg0: i32) -> (i32, i32) {
    %c0_i32 = arith.constant 0 : i32
    %c0_i32_0 = arith.constant 0 : i32
    return %arg0, %c0_i32 : i32, i32
  }
  func.func @transform_4(%arg0: i32) -> (i32, i32) {
    %c0_i32 = arith.constant 0 : i32
    %c0_i32_0 = arith.constant 0 : i32
    %c0_i32_1 = arith.constant 0 : i32
    return %c0_i32, %c0_i32_0 : i32, i32
  }
  func.func @transform_5(%arg0: i32) -> (i32, i32) {
    %c0_i32 = arith.constant 0 : i32
    %c0_i32_0 = arith.constant 0 : i32
    return %arg0, %c0_i32 : i32, i32
  }
}

module attributes {stable_mosaic.version = 14 : i64} {
  func.func @_mlp_body(%arg0: i32, %arg1: memref<2000x128xf32, #tpu.memory_space<vmem>>, %arg2: memref<2000x64xf32, #tpu.memory_space<vmem>>, %arg3: memref<1x1xf32, #tpu.memory_space<vmem>>, %arg4: memref<128x64xf32, #tpu.memory_space<vmem>>, %arg5: memref<64x64xf32, #tpu.memory_space<vmem>>, %arg6: memref<1x64xf32, #tpu.memory_space<vmem>>, %arg7: memref<64x128xf32, #tpu.memory_space<vmem>>, %arg8: memref<1x128xf32, #tpu.memory_space<vmem>>, %arg9: memref<2000x128xf32, #tpu.memory_space<vmem>>) attributes {dimension_semantics = [#tpu.dimension_semantics<arbitrary>], iteration_bounds = array<i64: 25>, scalar_prefetch = 0 : i64, scratch_operands = 0 : i64, tpu.core_type = #tpu.core_type<tc>, window_params = [{transform_indices = @transform_0, window_bounds = array<i64: 2000, 128>}, {transform_indices = @transform_1, window_bounds = array<i64: 2000, 64>}, {pipeline_mode = #tpu.pipeline_mode<synchronous>, transform_indices = @transform_2, window_bounds = array<i64: 1, 1>}, {pipeline_mode = #tpu.pipeline_mode<synchronous>, transform_indices = @transform_3, window_bounds = array<i64: 128, 64>}, {pipeline_mode = #tpu.pipeline_mode<synchronous>, transform_indices = @transform_4, window_bounds = array<i64: 64, 64>}, {pipeline_mode = #tpu.pipeline_mode<synchronous>, transform_indices = @transform_5, window_bounds = array<i64: 1, 64>}, {pipeline_mode = #tpu.pipeline_mode<synchronous>, transform_indices = @transform_6, window_bounds = array<i64: 64, 128>}, {pipeline_mode = #tpu.pipeline_mode<synchronous>, transform_indices = @transform_7, window_bounds = array<i64: 1, 128>}, {transform_indices = @transform_8, window_bounds = array<i64: 2000, 128>}]} {
    %get3A = arith.constant 0 : index
    %get3A_0 = arith.constant 0 : index
    %get3A_1 = vector.load %arg1[%get3A, %get3A_0] : memref<2000x128xf32, #tpu.memory_space<vmem>>, vector<2000x128xf32>
    %get3A_2 = arith.constant 0 : index
    %get3A_3 = arith.constant 0 : index
    %get3A_4 = vector.load %arg3[%get3A_2, %get3A_3] : memref<1x1xf32, #tpu.memory_space<vmem>>, vector<1x1xf32>
    %mul3A = vector.broadcast %get3A_4 : vector<1x1xf32> to vector<2000x128xf32>
    %mul3A_5 = arith.mulf %get3A_1, %mul3A : vector<2000x128xf32>
    %get3A_6 = arith.constant 0 : index
    %get3A_7 = arith.constant 0 : index
    %get3A_8 = vector.load %arg4[%get3A_6, %get3A_7] : memref<128x64xf32, #tpu.memory_space<vmem>>, vector<128x64xf32>
    %dot_general3A = arith.constant dense<0.000000e+00> : vector<2000x64xf32>
    %dot_general3A_9 = tpu.matmul %mul3A_5, %get3A_8, %dot_general3A {dimension_numbers = #tpu.dot_dimension_numbers<[1], [0], [0], [1], [0, 0, 1, 1], [], []>, transpose_lhs_hint = false} : vector<2000x128xf32>, vector<128x64xf32>, vector<2000x64xf32> -> vector<2000x64xf32>
    %get3A_10 = arith.constant 0 : index
    %get3A_11 = arith.constant 0 : index
    %get3A_12 = vector.load %arg2[%get3A_10, %get3A_11] : memref<2000x64xf32, #tpu.memory_space<vmem>>, vector<2000x64xf32>
    %get3A_13 = arith.constant 0 : index
    %get3A_14 = arith.constant 0 : index
    %get3A_15 = vector.load %arg5[%get3A_13, %get3A_14] : memref<64x64xf32, #tpu.memory_space<vmem>>, vector<64x64xf32>
    %dot_general3A_16 = arith.constant dense<0.000000e+00> : vector<2000x64xf32>
    %dot_general3A_17 = tpu.matmul %get3A_12, %get3A_15, %dot_general3A_16 {dimension_numbers = #tpu.dot_dimension_numbers<[1], [0], [0], [1], [0, 0, 1, 1], [], []>, transpose_lhs_hint = false} : vector<2000x64xf32>, vector<64x64xf32>, vector<2000x64xf32> -> vector<2000x64xf32>
    %add3A = arith.addf %dot_general3A_9, %dot_general3A_17 : vector<2000x64xf32>
    %get3A_18 = arith.constant 0 : index
    %get3A_19 = arith.constant 0 : index
    %get3A_20 = vector.load %arg6[%get3A_18, %get3A_19] : memref<1x64xf32, #tpu.memory_space<vmem>>, vector<1x64xf32>
    %add3A_21 = vector.broadcast %get3A_20 : vector<1x64xf32> to vector<2000x64xf32>
    %add3A_22 = arith.addf %add3A, %add3A_21 : vector<2000x64xf32>
    %max3A = arith.constant 0.000000e+00 : f32
    %max3A_23 = vector.broadcast %max3A : f32 to vector<2000x64xf32>
    %max3A_24 = arith.maximumf %add3A_22, %max3A_23 : vector<2000x64xf32>
    %get3A_25 = arith.constant 0 : index
    %get3A_26 = arith.constant 0 : index
    %get3A_27 = vector.load %arg7[%get3A_25, %get3A_26] : memref<64x128xf32, #tpu.memory_space<vmem>>, vector<64x128xf32>
    %dot_general3A_28 = arith.constant dense<0.000000e+00> : vector<2000x128xf32>
    %dot_general3A_29 = tpu.matmul %max3A_24, %get3A_27, %dot_general3A_28 {dimension_numbers = #tpu.dot_dimension_numbers<[1], [0], [0], [1], [0, 0, 1, 1], [], []>, transpose_lhs_hint = false} : vector<2000x64xf32>, vector<64x128xf32>, vector<2000x128xf32> -> vector<2000x128xf32>
    %get3A_30 = arith.constant 0 : index
    %get3A_31 = arith.constant 0 : index
    %get3A_32 = vector.load %arg8[%get3A_30, %get3A_31] : memref<1x128xf32, #tpu.memory_space<vmem>>, vector<1x128xf32>
    %add3A_33 = vector.broadcast %get3A_32 : vector<1x128xf32> to vector<2000x128xf32>
    %add3A_34 = arith.addf %dot_general3A_29, %add3A_33 : vector<2000x128xf32>
    %max3A_35 = arith.constant 0.000000e+00 : f32
    %max3A_36 = vector.broadcast %max3A_35 : f32 to vector<2000x128xf32>
    %max3A_37 = arith.maximumf %add3A_34, %max3A_36 : vector<2000x128xf32>
    %swap3A = arith.constant 0 : index
    %swap3A_38 = arith.constant 0 : index
    %swap3A_39 = vector.load %arg9[%swap3A, %swap3A_38] : memref<2000x128xf32, #tpu.memory_space<vmem>>, vector<2000x128xf32>
    tpu.vector_store %arg9[%swap3A, %swap3A_38], %max3A_37 {strides = array<i32>} : memref<2000x128xf32, #tpu.memory_space<vmem>>, vector<2000x128xf32>,
    return
  }
  func.func @transform_0(%arg0: i32) -> (i32, i32) {
    %c0_i32 = arith.constant 0 : i32
    %c0_i32_0 = arith.constant 0 : i32
    return %arg0, %c0_i32 : i32, i32
  }
  func.func @transform_1(%arg0: i32) -> (i32, i32) {
    %c0_i32 = arith.constant 0 : i32
    %c0_i32_0 = arith.constant 0 : i32
    return %arg0, %c0_i32 : i32, i32
  }
  func.func @transform_2(%arg0: i32) -> (i32, i32) {
    %c0_i32 = arith.constant 0 : i32
    %c0_i32_0 = arith.constant 0 : i32
    %c0_i32_1 = arith.constant 0 : i32
    return %c0_i32, %c0_i32_0 : i32, i32
  }
  func.func @transform_3(%arg0: i32) -> (i32, i32) {
    %c0_i32 = arith.constant 0 : i32
    %c0_i32_0 = arith.constant 0 : i32
    %c0_i32_1 = arith.constant 0 : i32
    return %c0_i32, %c0_i32_0 : i32, i32
  }
  func.func @transform_4(%arg0: i32) -> (i32, i32) {
    %c0_i32 = arith.constant 0 : i32
    %c0_i32_0 = arith.constant 0 : i32
    %c0_i32_1 = arith.constant 0 : i32
    return %c0_i32, %c0_i32_0 : i32, i32
  }
  func.func @transform_5(%arg0: i32) -> (i32, i32) {
    %c0_i32 = arith.constant 0 : i32
    %c0_i32_0 = arith.constant 0 : i32
    %c0_i32_1 = arith.constant 0 : i32
    return %c0_i32, %c0_i32_0 : i32, i32
  }
  func.func @transform_6(%arg0: i32) -> (i32, i32) {
    %c0_i32 = arith.constant 0 : i32
    %c0_i32_0 = arith.constant 0 : i32
    %c0_i32_1 = arith.constant 0 : i32
    return %c0_i32, %c0_i32_0 : i32, i32
  }
  func.func @transform_7(%arg0: i32) -> (i32, i32) {
    %c0_i32 = arith.constant 0 : i32
    %c0_i32_0 = arith.constant 0 : i32
    %c0_i32_1 = arith.constant 0 : i32
    return %c0_i32, %c0_i32_0 : i32, i32
  }
  func.func @transform_8(%arg0: i32) -> (i32, i32) {
    %c0_i32 = arith.constant 0 : i32
    %c0_i32_0 = arith.constant 0 : i32
    return %arg0, %c0_i32 : i32, i32
  }
}

module attributes {stable_mosaic.version = 14 : i64} {
  func.func @_final_body(%arg0: i32, %arg1: memref<2000x128xf32, #tpu.memory_space<vmem>>, %arg2: memref<1x128xf32, #tpu.memory_space<vmem>>, %arg3: memref<1x128xf32, #tpu.memory_space<vmem>>, %arg4: memref<128x1xf32, #tpu.memory_space<vmem>>, %arg5: memref<1x1xf32, #tpu.memory_space<vmem>>, %arg6: memref<128x128xf32, #tpu.memory_space<vmem>>, %arg7: memref<1x128xf32, #tpu.memory_space<vmem>>, %arg8: memref<128x1xf32, #tpu.memory_space<vmem>>, %arg9: memref<1x1xf32, #tpu.memory_space<vmem>>, %arg10: memref<1x1xf32, #tpu.memory_space<vmem>>, %arg11: memref<1x1xf32, #tpu.memory_space<vmem>>, %arg12: memref<1x1xf32, #tpu.memory_space<vmem>>, %arg13: memref<1x128xf32, #tpu.memory_space<vmem>>) attributes {dimension_semantics = [#tpu.dimension_semantics<arbitrary>], iteration_bounds = array<i64: 25>, scalar_prefetch = 0 : i64, scratch_operands = 3 : i64, tpu.core_type = #tpu.core_type<tc>, window_params = [{transform_indices = @transform_0, window_bounds = array<i64: 2000, 128>}, {pipeline_mode = #tpu.pipeline_mode<synchronous>, transform_indices = @transform_1, window_bounds = array<i64: 1, 128>}, {pipeline_mode = #tpu.pipeline_mode<synchronous>, transform_indices = @transform_2, window_bounds = array<i64: 1, 128>}, {pipeline_mode = #tpu.pipeline_mode<synchronous>, transform_indices = @transform_3, window_bounds = array<i64: 128, 1>}, {pipeline_mode = #tpu.pipeline_mode<synchronous>, transform_indices = @transform_4, window_bounds = array<i64: 1, 1>}, {pipeline_mode = #tpu.pipeline_mode<synchronous>, transform_indices = @transform_5, window_bounds = array<i64: 128, 128>}, {pipeline_mode = #tpu.pipeline_mode<synchronous>, transform_indices = @transform_6, window_bounds = array<i64: 1, 128>}, {pipeline_mode = #tpu.pipeline_mode<synchronous>, transform_indices = @transform_7, window_bounds = array<i64: 128, 1>}, {pipeline_mode = #tpu.pipeline_mode<synchronous>, transform_indices = @transform_8, window_bounds = array<i64: 1, 1>}, {pipeline_mode = #tpu.pipeline_mode<synchronous>, transform_indices = @transform_9, window_bounds = array<i64: 1, 1>}]} {
    %eq3A = arith.constant 0 : i32
    %eq3A_0 = arith.cmpi eq, %arg0, %eq3A : i32
    %convert_element_type3A = arith.extui %eq3A_0 : i1 to i32
    %cond3A = arith.constant 0 : i32
    %cond3A_1 = arith.cmpi ne, %convert_element_type3A, %cond3A : i32
    scf.if %cond3A_1 {
      %broadcast_in_dim3A_68 = arith.constant -1.000000e+30 : f32
      %broadcast_in_dim3A_69 = vector.broadcast %broadcast_in_dim3A_68 : f32 to vector<1x1xf32>
      %swap3A_70 = arith.constant 0 : index
      %swap3A_71 = arith.constant 0 : index
      %swap3A_72 = vector.load %arg11[%swap3A_70, %swap3A_71] : memref<1x1xf32, #tpu.memory_space<vmem>>, vector<1x1xf32>
      tpu.vector_store %arg11[%swap3A_70, %swap3A_71], %broadcast_in_dim3A_69 {strides = array<i32>} : memref<1x1xf32, #tpu.memory_space<vmem>>, vector<1x1xf32>,
      %broadcast_in_dim3A_73 = arith.constant 0.000000e+00 : f32
      %broadcast_in_dim3A_74 = vector.broadcast %broadcast_in_dim3A_73 : f32 to vector<1x1xf32>
      %swap3A_75 = arith.constant 0 : index
      %swap3A_76 = arith.constant 0 : index
      %swap3A_77 = vector.load %arg12[%swap3A_75, %swap3A_76] : memref<1x1xf32, #tpu.memory_space<vmem>>, vector<1x1xf32>
      tpu.vector_store %arg12[%swap3A_75, %swap3A_76], %broadcast_in_dim3A_74 {strides = array<i32>} : memref<1x1xf32, #tpu.memory_space<vmem>>, vector<1x1xf32>,
      %broadcast_in_dim3A_78 = arith.constant 0.000000e+00 : f32
      %broadcast_in_dim3A_79 = vector.broadcast %broadcast_in_dim3A_78 : f32 to vector<1x128xf32>
      %swap3A_80 = arith.constant 0 : index
      %swap3A_81 = arith.constant 0 : index
      %swap3A_82 = vector.load %arg13[%swap3A_80, %swap3A_81] : memref<1x128xf32, #tpu.memory_space<vmem>>, vector<1x128xf32>
      tpu.vector_store %arg13[%swap3A_80, %swap3A_81], %broadcast_in_dim3A_79 {strides = array<i32>} : memref<1x128xf32, #tpu.memory_space<vmem>>, vector<1x128xf32>,
    } else {
    }
    %get3A = arith.constant 0 : index
    %get3A_2 = arith.constant 0 : index
    %get3A_3 = vector.load %arg1[%get3A, %get3A_2] : memref<2000x128xf32, #tpu.memory_space<vmem>>, vector<2000x128xf32>
    %mul3A = arith.constant 0.999994993 : f32
    %mul3A_4 = vector.broadcast %mul3A : f32 to vector<2000x128xf32>
    %mul3A_5 = arith.mulf %get3A_3, %mul3A_4 : vector<2000x128xf32>
    %get3A_6 = arith.constant 0 : index
    %get3A_7 = arith.constant 0 : index
    %get3A_8 = vector.load %arg2[%get3A_6, %get3A_7] : memref<1x128xf32, #tpu.memory_space<vmem>>, vector<1x128xf32>
    %mul3A_9 = vector.broadcast %get3A_8 : vector<1x128xf32> to vector<2000x128xf32>
    %mul3A_10 = arith.mulf %mul3A_5, %mul3A_9 : vector<2000x128xf32>
    %get3A_11 = arith.constant 0 : index
    %get3A_12 = arith.constant 0 : index
    %get3A_13 = vector.load %arg3[%get3A_11, %get3A_12] : memref<1x128xf32, #tpu.memory_space<vmem>>, vector<1x128xf32>
    %add3A = vector.broadcast %get3A_13 : vector<1x128xf32> to vector<2000x128xf32>
    %add3A_14 = arith.addf %mul3A_10, %add3A : vector<2000x128xf32>
    %get3A_15 = arith.constant 0 : index
    %get3A_16 = arith.constant 0 : index
    %get3A_17 = vector.load %arg4[%get3A_15, %get3A_16] : memref<128x1xf32, #tpu.memory_space<vmem>>, vector<128x1xf32>
    %dot_general3A = arith.constant dense<0.000000e+00> : vector<2000x1xf32>
    %dot_general3A_18 = tpu.matmul %add3A_14, %get3A_17, %dot_general3A {dimension_numbers = #tpu.dot_dimension_numbers<[1], [0], [0], [1], [0, 0, 1, 1], [], []>, transpose_lhs_hint = false} : vector<2000x128xf32>, vector<128x1xf32>, vector<2000x1xf32> -> vector<2000x1xf32>
    %get3A_19 = arith.constant 0 : index
    %get3A_20 = arith.constant 0 : index
    %get3A_21 = vector.load %arg5[%get3A_19, %get3A_20] : memref<1x1xf32, #tpu.memory_space<vmem>>, vector<1x1xf32>
    %add3A_22 = vector.broadcast %get3A_21 : vector<1x1xf32> to vector<2000x1xf32>
    %add3A_23 = arith.addf %dot_general3A_18, %add3A_22 : vector<2000x1xf32>
    %reduce_max3A = vector.shape_cast %add3A_23 : vector<2000x1xf32> to vector<1x2000x1xf32>
    %reduce_max3A_24 = arith.constant dense<0xFF800000> : vector<1xf32>
    %reduce_max3A_25 = vector.multi_reduction <maximumf>, %reduce_max3A, %reduce_max3A_24 [1, 2] : vector<1x2000x1xf32> to vector<1xf32>
    %reduce_max3A_26 = vector.shape_cast %reduce_max3A_25 : vector<1xf32> to vector<1x1x1xf32>
    %reduce_max3A_27 = vector.extract %reduce_max3A_26[0, 0, 0] : f32 from vector<1x1x1xf32>
    %broadcast_in_dim3A = vector.broadcast %reduce_max3A_27 : f32 to vector<1x1xf32>
    %get3A_28 = arith.constant 0 : index
    %get3A_29 = arith.constant 0 : index
    %get3A_30 = vector.load %arg11[%get3A_28, %get3A_29] : memref<1x1xf32, #tpu.memory_space<vmem>>, vector<1x1xf32>
    %max3A = arith.maximumf %get3A_30, %broadcast_in_dim3A : vector<1x1xf32>
    %sub3A = arith.subf %get3A_30, %max3A : vector<1x1xf32>
    %exp3A = math.exp %sub3A : vector<1x1xf32>
    %sub3A_31 = vector.broadcast %max3A : vector<1x1xf32> to vector<2000x1xf32>
    %sub3A_32 = arith.subf %add3A_23, %sub3A_31 : vector<2000x1xf32>
    %exp3A_33 = math.exp %sub3A_32 : vector<2000x1xf32>
    %get3A_34 = arith.constant 0 : index
    %get3A_35 = arith.constant 0 : index
    %get3A_36 = vector.load %arg12[%get3A_34, %get3A_35] : memref<1x1xf32, #tpu.memory_space<vmem>>, vector<1x1xf32>
    %mul3A_37 = arith.mulf %get3A_36, %exp3A : vector<1x1xf32>
    %reduce_sum3A = vector.shape_cast %exp3A_33 : vector<2000x1xf32> to vector<1x2000x1xf32>
    %reduce_sum3A_38 = arith.constant dense<0.000000e+00> : vector<1xf32>
    %reduce_sum3A_39 = vector.multi_reduction <add>, %reduce_sum3A, %reduce_sum3A_38 [1, 2] : vector<1x2000x1xf32> to vector<1xf32>
    %reduce_sum3A_40 = vector.shape_cast %reduce_sum3A_39 : vector<1xf32> to vector<1x1x1xf32>
    %reduce_sum3A_41 = vector.extract %reduce_sum3A_40[0, 0, 0] : f32 from vector<1x1x1xf32>
    %broadcast_in_dim3A_42 = vector.broadcast %reduce_sum3A_41 : f32 to vector<1x1xf32>
    %add3A_43 = arith.addf %mul3A_37, %broadcast_in_dim3A_42 : vector<1x1xf32>
    %swap3A = arith.constant 0 : index
    %swap3A_44 = arith.constant 0 : index
    %swap3A_45 = vector.load %arg12[%swap3A, %swap3A_44] : memref<1x1xf32, #tpu.memory_space<vmem>>, vector<1x1xf32>
    tpu.vector_store %arg12[%swap3A, %swap3A_44], %add3A_43 {strides = array<i32>} : memref<1x1xf32, #tpu.memory_space<vmem>>, vector<1x1xf32>,
    %get3A_46 = arith.constant 0 : index
    %get3A_47 = arith.constant 0 : index
    %get3A_48 = vector.load %arg13[%get3A_46, %get3A_47] : memref<1x128xf32, #tpu.memory_space<vmem>>, vector<1x128xf32>
    %mul3A_49 = vector.broadcast %exp3A : vector<1x1xf32> to vector<1x128xf32>
    %mul3A_50 = arith.mulf %get3A_48, %mul3A_49 : vector<1x128xf32>
    %mul3A_51 = vector.broadcast %exp3A_33 : vector<2000x1xf32> to vector<2000x128xf32>
    %mul3A_52 = arith.mulf %mul3A_51, %add3A_14 : vector<2000x128xf32>
    %reduce_sum3A_53 = arith.constant dense<0.000000e+00> : vector<128xf32>
    %reduce_sum3A_54 = vector.multi_reduction <add>, %mul3A_52, %reduce_sum3A_53 [0] : vector<2000x128xf32> to vector<128xf32>
    %broadcast_in_dim3A_55 = vector.shape_cast %reduce_sum3A_54 : vector<128xf32> to vector<1x128xf32>
    %add3A_56 = arith.addf %mul3A_50, %broadcast_in_dim3A_55 : vector<1x128xf32>
    %swap3A_57 = arith.constant 0 : index
    %swap3A_58 = arith.constant 0 : index
    %swap3A_59 = vector.load %arg13[%swap3A_57, %swap3A_58] : memref<1x128xf32, #tpu.memory_space<vmem>>, vector<1x128xf32>
    tpu.vector_store %arg13[%swap3A_57, %swap3A_58], %add3A_56 {strides = array<i32>} : memref<1x128xf32, #tpu.memory_space<vmem>>, vector<1x128xf32>,
    %swap3A_60 = arith.constant 0 : index
    %swap3A_61 = arith.constant 0 : index
    %swap3A_62 = vector.load %arg11[%swap3A_60, %swap3A_61] : memref<1x1xf32, #tpu.memory_space<vmem>>, vector<1x1xf32>
    tpu.vector_store %arg11[%swap3A_60, %swap3A_61], %max3A {strides = array<i32>} : memref<1x1xf32, #tpu.memory_space<vmem>>, vector<1x1xf32>,
    %eq3A_63 = arith.constant 24 : i32
    %eq3A_64 = arith.cmpi eq, %arg0, %eq3A_63 : i32
    %convert_element_type3A_65 = arith.extui %eq3A_64 : i1 to i32
    %cond3A_66 = arith.constant 0 : i32
    %cond3A_67 = arith.cmpi ne, %convert_element_type3A_65, %cond3A_66 : i32
    scf.if %cond3A_67 {
      %get3A_68 = arith.constant 0 : index
      %get3A_69 = arith.constant 0 : index
      %get3A_70 = vector.load %arg13[%get3A_68, %get3A_69] : memref<1x128xf32, #tpu.memory_space<vmem>>, vector<1x128xf32>
      %get3A_71 = arith.constant 0 : index
      %get3A_72 = arith.constant 0 : index
      %get3A_73 = vector.load %arg12[%get3A_71, %get3A_72] : memref<1x1xf32, #tpu.memory_space<vmem>>, vector<1x1xf32>
      %div3A = vector.broadcast %get3A_73 : vector<1x1xf32> to vector<1x128xf32>
      %div3A_74 = arith.divf %get3A_70, %div3A : vector<1x128xf32>
      %get3A_75 = arith.constant 0 : index
      %get3A_76 = arith.constant 0 : index
      %get3A_77 = vector.load %arg6[%get3A_75, %get3A_76] : memref<128x128xf32, #tpu.memory_space<vmem>>, vector<128x128xf32>
      %dot_general3A_78 = arith.constant dense<0.000000e+00> : vector<1x128xf32>
      %dot_general3A_79 = tpu.matmul %div3A_74, %get3A_77, %dot_general3A_78 {dimension_numbers = #tpu.dot_dimension_numbers<[1], [0], [0], [1], [0, 0, 1, 1], [], []>, transpose_lhs_hint = false} : vector<1x128xf32>, vector<128x128xf32>, vector<1x128xf32> -> vector<1x128xf32>
      %get3A_80 = arith.constant 0 : index
      %get3A_81 = arith.constant 0 : index
      %get3A_82 = vector.load %arg7[%get3A_80, %get3A_81] : memref<1x128xf32, #tpu.memory_space<vmem>>, vector<1x128xf32>
      %add3A_83 = arith.addf %dot_general3A_79, %get3A_82 : vector<1x128xf32>
      %max3A_84 = arith.constant 0.000000e+00 : f32
      %max3A_85 = vector.broadcast %max3A_84 : f32 to vector<1x128xf32>
      %max3A_86 = arith.maximumf %add3A_83, %max3A_85 : vector<1x128xf32>
      %get3A_87 = arith.constant 0 : index
      %get3A_88 = arith.constant 0 : index
      %get3A_89 = vector.load %arg8[%get3A_87, %get3A_88] : memref<128x1xf32, #tpu.memory_space<vmem>>, vector<128x1xf32>
      %dot_general3A_90 = arith.constant dense<0.000000e+00> : vector<1x1xf32>
      %dot_general3A_91 = tpu.matmul %max3A_86, %get3A_89, %dot_general3A_90 {dimension_numbers = #tpu.dot_dimension_numbers<[1], [0], [0], [1], [0, 0, 1, 1], [], []>, transpose_lhs_hint = false} : vector<1x128xf32>, vector<128x1xf32>, vector<1x1xf32> -> vector<1x1xf32>
      %get3A_92 = arith.constant 0 : index
      %get3A_93 = arith.constant 0 : index
      %get3A_94 = vector.load %arg9[%get3A_92, %get3A_93] : memref<1x1xf32, #tpu.memory_space<vmem>>, vector<1x1xf32>
      %add3A_95 = arith.addf %dot_general3A_91, %get3A_94 : vector<1x1xf32>
      %swap3A_96 = arith.constant 0 : index
      %swap3A_97 = arith.constant 0 : index
      %swap3A_98 = vector.load %arg10[%swap3A_96, %swap3A_97] : memref<1x1xf32, #tpu.memory_space<vmem>>, vector<1x1xf32>
      tpu.vector_store %arg10[%swap3A_96, %swap3A_97], %add3A_95 {strides = array<i32>} : memref<1x1xf32, #tpu.memory_space<vmem>>, vector<1x1xf32>,
    } else {
    }
    return
  }
  func.func @transform_0(%arg0: i32) -> (i32, i32) {
    %c0_i32 = arith.constant 0 : i32
    %c0_i32_0 = arith.constant 0 : i32
    return %arg0, %c0_i32 : i32, i32
  }
  func.func @transform_1(%arg0: i32) -> (i32, i32) {
    %c0_i32 = arith.constant 0 : i32
    %c0_i32_0 = arith.constant 0 : i32
    %c0_i32_1 = arith.constant 0 : i32
    return %c0_i32, %c0_i32_0 : i32, i32
  }
  func.func @transform_2(%arg0: i32) -> (i32, i32) {
    %c0_i32 = arith.constant 0 : i32
    %c0_i32_0 = arith.constant 0 : i32
    %c0_i32_1 = arith.constant 0 : i32
    return %c0_i32, %c0_i32_0 : i32, i32
  }
  func.func @transform_3(%arg0: i32) -> (i32, i32) {
    %c0_i32 = arith.constant 0 : i32
    %c0_i32_0 = arith.constant 0 : i32
    %c0_i32_1 = arith.constant 0 : i32
    return %c0_i32, %c0_i32_0 : i32, i32
  }
  func.func @transform_4(%arg0: i32) -> (i32, i32) {
    %c0_i32 = arith.constant 0 : i32
    %c0_i32_0 = arith.constant 0 : i32
    %c0_i32_1 = arith.constant 0 : i32
    return %c0_i32, %c0_i32_0 : i32, i32
  }
  func.func @transform_5(%arg0: i32) -> (i32, i32) {
    %c0_i32 = arith.constant 0 : i32
    %c0_i32_0 = arith.constant 0 : i32
    %c0_i32_1 = arith.constant 0 : i32
    return %c0_i32, %c0_i32_0 : i32, i32
  }
  func.func @transform_6(%arg0: i32) -> (i32, i32) {
    %c0_i32 = arith.constant 0 : i32
    %c0_i32_0 = arith.constant 0 : i32
    %c0_i32_1 = arith.constant 0 : i32
    return %c0_i32, %c0_i32_0 : i32, i32
  }
  func.func @transform_7(%arg0: i32) -> (i32, i32) {
    %c0_i32 = arith.constant 0 : i32
    %c0_i32_0 = arith.constant 0 : i32
    %c0_i32_1 = arith.constant 0 : i32
    return %c0_i32, %c0_i32_0 : i32, i32
  }
  func.func @transform_8(%arg0: i32) -> (i32, i32) {
    %c0_i32 = arith.constant 0 : i32
    %c0_i32_0 = arith.constant 0 : i32
    %c0_i32_1 = arith.constant 0 : i32
    return %c0_i32, %c0_i32_0 : i32, i32
  }
  func.func @transform_9(%arg0: i32) -> (i32, i32) {
    %c0_i32 = arith.constant 0 : i32
    %c0_i32_0 = arith.constant 0 : i32
    %c0_i32_1 = arith.constant 0 : i32
    return %c0_i32, %c0_i32_0 : i32, i32
  }
}

</mosaic_0001>

<sc_bundles>
// kernel: kernel.13.cloned.1.call-start
scs
__scs_entry_jumppad:
0x0: {  	(pc) =	sbr.rel $0x88, $3  }
0x1: {  	(tag) =	ssettag $0x0;
	lr =	simm.s32 $0x1  }
0x2: {  	[smem:$0x3F77] =	sst lr;
	_ =	strace $0xD0000000  }
0x3: {  	_ = 	snop  }
0x4: {  	_ = 	snop  }
0x5: {  	_ = 	snop  }
0x6: {  	_ = 	snop  }
0x7: {  	_ = 	snop  }
__scs_overlays_trampoline_lowered:
0x8: {  	[smem:$0x3F86] =	sst s0  }
0x9: {  	[smem:$0x3F87] =	sst s1  }
0xa: {  	[smem:$0x3F88] =	sst s2  }
0xb: {  	[smem:$0x3F89] =	sst s3  }
0xc: {  	[smem:$0x3F8A] =	sst s4  }
0xd: {  	[smem:$0x3F8B] =	sst s5  }
0xe: {  	[smem:$0x3F8C] =	sst s6  }
0xf: {  	[smem:$0x3F8D] =	sst s7  }
0x10: {  	[smem:$0x3F8E] =	sst s8  }
0x11: {  	[smem:$0x3F8F] =	sst s9;
	s0 =	simm.s32 @!p0 $0x0  }
0x12: {  	s1 =	sld [smem:$0x3F75];
	s0 =	simm.s32 @p0 $0x1  }
0x13: {  	[smem:$0x3F90] =	sst s0;
	s0 =	simm.s32 @!p1 $0x0  }
0x14: {  	s2 =	sld [smem:$0x3F74];
	s0 =	simm.s32 @p1 $0x1  }
0x15: {  	[smem:$0x3F91] =	sst s0;
	s0 =	simm.s32 @!p2 $0x0  }
0x16: {  	s3 =	sld [smem:$0x3FDB];
	s0 =	simm.s32 @p2 $0x1  }
0x17: {  	s4 =	simm.s32 $0x1BF5;
	[smem:$0x3F93] =	sst s0  }
0x18: {  	s0 =	sld [smem:$0x3F76];
	_ =	swait.ge [sflag:s4], $0x0  }
0x19: {  	s7 =	sld [smem:$0x3F77]  }
0x1a: {  	s8 =	sadd.s32 $0xFFFFE003, lr  }
0x1b: {  	s9 =	sadd.s32 $0xFFFFFEF7, lr;
	s5 =	simm.s32 $0xFFFFFFFF;
	p2 =	slt.u32 s8, $0xFFFFF086  }
0x1c: {  	p1 =	slt.u32 s9, $0xF7A;
	s5 =	simm.s32 @!p2 $0x0  }
0x1d: {  	s5 =	simm.s32 @p1 $0x1;
	p0 =	seq.s32 s7, s2  }
0x1e: {  	s7 =	smul.u32 @!p0 $0xF7A, s2;
	p2 =	seq.s32 @!p0 s5, $0x0  }
0x1f: {  	s9 =	smul.u32 $0xF7A, s1;
	s8 =	simm.s32 @!p0 $0x1BF5;
	p2 =	por !p2, p0  }
0x20: {  	[sflag:s8] =	ssyncset.s32 @!p0 $0xFFFFF086;
	s6 =	sadd.s32 @!p0 s3, s7;
	s7 =	simm.s32 @!p0 $0x108  }
0x21: {  	s3 =	sadd.s32 s3, s9;
	s6 =	sadd.s32 @!p0 $0x88, s6;
	s7 =	simm.s32 @p2 $0x1082  }
0x22: {  	[simem:s7], [sflag:s8] =	dma.local @!p0 [hbm:s6], $0xF7A  }
0x23: {  	s9 =	sor.u32 $0xD0000000, s2;
	s6 =	simm.s32 $0x108;
	_ =	swait.ge @!p0 [sflag:s8], $0x0  }
0x24: {  	s3 =	sadd.s32 $0x88, s3;
	s6 =	simm.s32 @!p1 $0x1082;
	[sflag:s4] =	ssyncset.s32 $0xFFFFF086  }
0x25: {  	[simem:s6], [sflag:s4] =	dma.local [hbm:s3], $0xF7A  }
0x26: {  	[smem:$0x3F77] =	sst s1;
	(tag) =	ssettag s2;
	_ =	strace s9  }
0x27: {  	s1 =	sld [smem:$0x3F87]  }
0x28: {  	s2 =	sld [smem:$0x3F88]  }
0x29: {  	s4 =	sld [smem:$0x3F8A]  }
0x2a: {  	p0 =	seq.s32 s5, $0x0;
	s5 =	sld [smem:$0x3F8B]  }
0x2b: {  	s6 =	sld [smem:$0x3F8C]  }
0x2c: {  	s7 =	sld [smem:$0x3F8D]  }
0x2d: {  	s3 =	simm.s32 $0x108;
	s8 =	sld [smem:$0x3F8E]  }
0x2e: {  	s3 =	simm.s32 @!p0 $0x1082;
	s9 =	sld [smem:$0x3F8F]  }
0x2f: {  	lr =	sadd.s32 s0, s3;
	s0 =	sld [smem:$0x3F86]  }
0x30: {  	s3 =	sld [smem:$0x3F89]  }
0x31: {  	[smem:$0x3F92] =	sst s10  }
0x32: {  	s10 =	sld [smem:$0x3F90];
	_ =	sdelay $0x3  }
0x33: {  	p0 =	seq.s32 s10, $0x1;
	s10 =	sld [smem:$0x3F92];
	_ =	sdelay $0x3  }
0x34: {  	[smem:$0x3F92] =	sst s10  }
0x35: {  	s10 =	sld [smem:$0x3F91];
	_ =	sdelay $0x3  }
0x36: {  	p1 =	seq.s32 s10, $0x1;
	s10 =	sld [smem:$0x3F92];
	_ =	sdelay $0x3  }
0x37: {  	[smem:$0x3F92] =	sst s10  }
0x38: {  	s10 =	sld [smem:$0x3F93]  }
0x39: {  	_ = 	snop;
	(pc) =	sbr.ind lr, $3  }
0x3a: {  	_ = 	snop  }
0x3b: {  	_ = 	snop  }
0x3c: {  	p2 =	seq.s32 s10, $0x1;
	s10 =	sld [smem:$0x3F92]  }
0x3d: {  	_ =	shalt  }
0x3e: {  	_ =	shalt  }
0x3f: {  	_ =	shalt  }
0x40: {  	_ =	shalt  }
0x41: {  	_ =	shalt  }
0x42: {  	_ =	shalt  }
0x43: {  	_ =	shalt  }
0x44: {  	_ =	shalt  }
0x45: {  	_ =	shalt  }
0x46: {  	_ =	shalt  }
0x47: {  	_ =	shalt  }
0x48: {  	_ =	shalt  }
0x49: {  	_ =	shalt  }
0x4a: {  	_ =	shalt  }
0x4b: {  	_ =	shalt  }
0x4c: {  	_ =	shalt  }
0x4d: {  	_ =	shalt  }
0x4e: {  	_ =	shalt  }
0x4f: {  	_ =	shalt  }
0x50: {  	_ =	shalt  }
0x51: {  	_ =	shalt  }
0x52: {  	_ =	shalt  }
0x53: {  	_ =	shalt  }
0x54: {  	_ =	shalt  }
0x55: {  	_ =	shalt  }
0x56: {  	_ =	shalt  }
0x57: {  	_ =	shalt  }
0x58: {  	_ =	shalt  }
0x59: {  	_ =	shalt  }
0x5a: {  	_ =	shalt  }
0x5b: {  	_ =	shalt  }
0x5c: {  	_ =	shalt  }
0x5d: {  	_ =	shalt  }
0x5e: {  	_ =	shalt  }
0x5f: {  	_ =	shalt  }
0x60: {  	_ =	shalt  }
0x61: {  	_ =	shalt  }
0x62: {  	_ =	shalt  }
0x63: {  	_ =	shalt  }
0x64: {  	_ =	shalt  }
0x65: {  	_ =	shalt  }
0x66: {  	_ =	shalt  }
0x67: {  	_ =	shalt  }
0x68: {  	_ =	shalt  }
0x69: {  	_ =	shalt  }
0x6a: {  	_ =	shalt  }
0x6b: {  	_ =	shalt  }
0x6c: {  	_ =	shalt  }
0x6d: {  	_ =	shalt  }
0x6e: {  	_ =	shalt  }
0x6f: {  	_ =	shalt  }
0x70: {  	_ =	shalt  }
0x71: {  	_ =	shalt  }
0x72: {  	_ =	shalt  }
0x73: {  	_ =	shalt  }
0x74: {  	_ =	shalt  }
0x75: {  	_ =	shalt  }
0x76: {  	_ =	shalt  }
0x77: {  	_ =	shalt  }
0x78: {  	_ =	shalt  }
0x79: {  	_ =	shalt  }
0x7a: {  	_ =	shalt  }
0x7b: {  	_ =	shalt  }
0x7c: {  	_ =	shalt  }
0x7d: {  	_ =	shalt  }
0x7e: {  	_ =	shalt  }
0x7f: {  	_ =	shalt  }
0x80: {  	_ =	shalt  }
0x81: {  	_ =	shalt  }
0x82: {  	_ =	shalt  }
0x83: {  	_ =	shalt  }
0x84: {  	_ =	shalt  }
0x85: {  	_ =	shalt  }
0x86: {  	_ =	shalt  }
0x87: {  	_ =	shalt  }
.Lfunc_end0:
.L_simem_size_0:
called_computation.3_lowered:
.L_overlay_start_0:
0x88: {  	s2 =	sld [smem:$0x3FD9]  }
0x89: {  	s3 =	sld [smem:$0x3FFE];
	_ =	sdelay $0x1  }
0x8a: {  	s1 =	srdreg.scid  }
0x8b: {  	s0 =	sand.u32 $0x1, s1  }
0x8c: {  	s16 =	sshll.u32 s0, $0xA;
	s2 =	sadd.s32 s3, s2  }
0x8d: {  	s2 =	sadd.s32 s2, s16  }
0x8e: {  	[smem:$0x3F9E] =	sst s2  }
0x8f: {  	_ = 	snop  }
0x90: {  	(tm) =	ssettm $0x1  }
0x91: {  	s17 =	sld [smem:$0x3FFB];
	_ =	sdelay $0x3  }
0x92: {  	_ =	strace s17  }
0x93: {  	s2 =	sld [smem:$0x3FFC];
	_ =	sdelay $0x3  }
0x94: {  	_ =	strace s2  }
0x95: {  	s2 =	sld [smem:$0x3FFD];
	_ =	sdelay $0x3  }
0x96: {  	_ =	strace s2  }
0x97: {  	_ =	strace $0x8FFFFFFF  }
0x98: {  	s18 =	sld [smem:$0x3FDB];
	_ =	sdelay $0x1  }
0x99: {  	s19 =	simm.s32 $_scs_section_size  }
0x9a: {  	s4 =	simm.s32 $_size__tile_overlayer_lowered;
	s5 =	simm.s32 $_tile_overlayer_lowered  }
0x9b: {  	s22 =	simm.s32 $0x1BFF;
	s21 =	sshll.u32 s5, $0x1;
	s2 =	sadd.s32 s19, s18  }
0x9c: {  	s6 =	simm.s32 $0x0;
	s20 =	sshll.u32 s4, $0x1;
	s4 =	sadd.s32 s21, s2  }
0x9d: {  	[timem:s6], [sflag:s22] =	dma.local [hbm:s4], s20  }
0x9e: {  	_ =	swait.ge [sflag:s22], s20  }
0x9f: {  	s3 =	ssub.s32 $0x0, s20;
	[sflag:s22] =	ssyncset.done $0x0  }
0xa0: {  	[sflag:s22] =	ssyncadd.s32 s3;
	_ =	sdelay $0x1  }
0xa1: {  	s23 =	simm.s32 $0x1B8B  }
0xa2: {  	_ =	swait.ge [sflag:s23], $0x1  }
0xa3: {  	[sflag:s23] =	ssyncset.done $0x0  }
0xa4: {  	s25 =	simm.s32 $0x1B8E;
	s24 =	sld [smem:$0x3FFE];
	[sflag:s23] =	ssyncadd.s32 $0xFFFFFFFF  }
0xa5: {  	s26 =	simm.s32 $execute0_lowered;
	[smem:$0x3FD2] =	sst s25  }
0xa6: {  	s4 =	sshll.u32 s26, $0x1;
	_ =	strace $0x80000046;
	[dreg:$0x1] =	wrdreg $0xFFFFFFFF  }
0xa7: {  	s28 =	simm.s32 $_size_execute0_lowered;
	s2 =	sadd.s32 s2, s4;
	[dreg:$0x0] =	wrdreg $0x0  }
0xa8: {  	s4 =	sshll.u32 s28, $0x1;
	[dreg:$0x2] =	wrdreg s2  }
0xa9: {  	[dreg:$0x3] =	wrdreg s4  }
0xaa: {  	[dreg:$0x4] =	wrdreg $0xC0  }
0xab: {  	_ =	task [dreg:s6], $0x5FFFF  }
0xac: {  	[dreg:$0x1] =	wrdreg $0xFFFFFFFF  }
0xad: {  	[dreg:$0x0] =	wrdreg $0x60  }
0xae: {  	[dreg:$0x2] =	wrdreg s24  }
0xaf: {  	[dreg:$0x3] =	wrdreg $0x9  }
0xb0: {  	_ =	task.clear_ibuf [dreg:s6], $0x4FFFF;
	_ =	strace $0x90000046  }
0xb1: {  	s29 =	simm.s32 $0x9;
	_ =	strace $0x80000048  }
0xb2: {  	_ =	swait.ge [sflag:s29], $0x1  }
0xb3: {  	[sflag:s29] =	ssyncadd.s32 $0xFFFFFFFF  }
0xb4: {  	_ =	strace $0x90000048  }
0xb5: {  	_ =	sfence  }
0xb6: {  	s30 =	sld [smem:$0x0];
	_ =	sdelay $0x2  }
0xb7: {  	s31 =	sshll.u32 s1, $0xD;
	s1 =	sshrl.u32 s1, $0x2  }
0xb8: {  	s3 =	sand.u32 $0x4000, s31;
	s1 =	sadd.s32 s1, s30  }
0xb9: {  	s0 =	sor.u32 s3, s0;
	s1 =	sshll.u32 s1, $0x11  }
0xba: {  	s0 =	sor.u32 s1, s0  }
0xbb: {  	s0 =	sadd.s32 $0x8F2B, s0  }
0xbc: {  	[sflag:s0] =	ssyncadd.remote.s32 $0x1  }
0xbd: {  	_ =	sfence.sel $0xFFFF  }
0xbe: {  	[dreg:$0x0] =	wrdreg $0xFFFFFFFF;
	(pc) =	sbr.abs _section_cstart, $3  }
0xbf: {  	[dreg:$0x1] =	wrdreg $0xFFFFFFFF  }
0xc0: {  	_ =	task.clear_ibuf [dreg:s6], $0x2FFFF;
	_ =	strace $0x9FFFFFFF  }
0xc1: {  	(tm) =	ssettm $0x7FFFFFFF  }
tec
execute0_lowered:
.L_overlay_start_1:
0x0: {  	(tag) =	ssettag $0x1  }
0x1: {  	s3 =	rddreg [dreg:$0x0]  }
0x2: {  	s0 =	rddreg [dreg:$0x1];
	s2 =	simm.s32 $0x0;
	s1 =	stileid.u32  }
0x3: {  	s5 =	srdreg.scid;
	s11 =	simm.s32 $0x100;
	s12 =	simm.s32 $0x8400  }
0x4: {  	s13 =	simm.s32 $0x180;
	s14 =	simm.s32 $0xC400;
	s15 =	simm.s32 $0x1  }
0x5: {  	s16 =	simm.s32 $0x200;
	s17 =	simm.s32 $0x280;
	s18 =	simm.s32 $0x300  }
0x6: {  	s19 =	simm.s32 $0x380;
	s20 =	simm.s32 $0x0;
	s4 =	smul.u32 $0x1900, s1  }
0x7: {  	[smem:$0x7FF] =	sst s2;
	s6 =	smul.u32 $0xC8000, s1;
	s5 =	sand.u32 $0x1, s5  }
0x8: {  	_ =	strace $0x80000047;
	s29 =	ssub.s32 $0x2, s5;
	s8 =	smul.u32 $0x64000, s5  }
0x9: {  	s10 =	smul.u32 $0xC80, s5;
	s7 =	sadd.s32 s4, s3;
	s9 =	sshrl.u32 s29, $0x1  }
0xa: {  	s6 =	sadd.s32 s6, s3;
	s3 =	sadd.s32 $0x406C00, s3;
	s4 =	ssub.s32 s29, s9  }
0xb: {  	s30 =	sadd.s32 s8, s6;
	s31 =	sadd.s32 s10, s7;
	s7 =	simm.s32 $0x2  }
0xc: {  	s8 =	simm.s32 $0x80;
	s9 =	simm.s32 $0x400;
	s10 =	simm.s32 $0x4400  }
0xd: {  	s4 =	smax.u32 s4, $0x1;
	s5 =	sadd.s32 $0x4CA200, s30;
	s6 =	sadd.s32 $0x3EDC00, s31  }
.LBB2_1:
0xe: {  	s21 =	sadd.s32 $0x0, s6  }
0xf: {  	[tilespmem:s2], [sflag:$0x2] =	stream.linear.gather [hbm4b:s21+s2], $0x400, $0x38;
	[tilespmem:$0x10400] =	vst v63  }
0x10: {  	_ =	swait.ge [sflag:s7], $0x400  }
0x11: {  	[sflag:s7] =	ssyncset.done $0x0  }
0x12: {  	[sflag:s7] =	ssyncadd.s32 $0xFFFFFC00  }
0x13: {  	[tilespmem:s9], [sflag:$0x1] =	stream.indirect.gather [hbm4b:s3+s8], $0x80, s2, s8, $0xb8;
	[tilespmem:$0x10400] =	vst v63  }
0x14: {  	_ = 	snop  }
0x15: {  	[tilespmem:s10], [sflag:$0x1] =	stream.indirect.gather [hbm4b:s3+s8], $0x80, s8, s8, $0xb8;
	[tilespmem:$0x10400] =	vst v63  }
0x16: {  	_ = 	snop  }
0x17: {  	[tilespmem:s12], [sflag:$0x1] =	stream.indirect.gather [hbm4b:s3+s8], $0x80, s11, s8, $0xb8;
	[tilespmem:$0x10400] =	vst v63  }
0x18: {  	_ = 	snop  }
0x19: {  	[tilespmem:s14], [sflag:$0x1] =	stream.indirect.gather [hbm4b:s3+s8], $0x80, s13, s8, $0xb8;
	[tilespmem:$0x10400] =	vst v63  }
0x1a: {  	_ =	swait.ge [sflag:s15], $0x4000  }
0x1b: {  	[sflag:s15] =	ssyncset.done $0x0  }
0x1c: {  	[sflag:s15] =	ssyncadd.s32 $0xFFFFC000  }
0x1d: {  	_ =	swait.ge [sflag:s15], $0x4000  }
0x1e: {  	[sflag:s15] =	ssyncset.done $0x0  }
0x1f: {  	[sflag:s15] =	ssyncadd.s32 $0xFFFFC000  }
0x20: {  	_ =	swait.ge [sflag:s15], $0x4000  }
0x21: {  	[sflag:s15] =	ssyncset.done $0x0  }
0x22: {  	[sflag:s15] =	ssyncadd.s32 $0xFFFFC000  }
0x23: {  	_ =	swait.ge [sflag:s15], $0x4000  }
0x24: {  	[sflag:s15] =	ssyncset.done $0x0  }
0x25: {  	[sflag:s15] =	ssyncadd.s32 $0xFFFFC000  }
0x26: {  	[hbm4b:s5+s2] =	stream.linear.scatter [tilespmem:s9], [sflag:$0x2], $0x10000, $0x38;
	[tilespmem:$0x10400] =	vst v63  }
0x27: {  	_ =	swait.ge [sflag:s7], $0x10000  }
0x28: {  	[sflag:s7] =	ssyncset.done $0x0  }
0x29: {  	[sflag:s7] =	ssyncadd.s32 $0xFFFF0000  }
0x2a: {  	[tilespmem:s9], [sflag:$0x1] =	stream.indirect.gather [hbm4b:s3+s8], $0x80, s16, s8, $0xb8;
	[tilespmem:$0x10400] =	vst v63  }
0x2b: {  	_ = 	snop  }
0x2c: {  	[tilespmem:s10], [sflag:$0x1] =	stream.indirect.gather [hbm4b:s3+s8], $0x80, s17, s8, $0xb8;
	[tilespmem:$0x10400] =	vst v63  }
0x2d: {  	_ = 	snop  }
0x2e: {  	[tilespmem:s12], [sflag:$0x1] =	stream.indirect.gather [hbm4b:s3+s8], $0x80, s18, s8, $0xb8;
	[tilespmem:$0x10400] =	vst v63  }
0x2f: {  	_ = 	snop  }
0x30: {  	[tilespmem:s14], [sflag:$0x1] =	stream.indirect.gather [hbm4b:s3+s8], $0x80, s19, s8, $0xb8;
	[tilespmem:$0x10400] =	vst v63  }
0x31: {  	_ =	swait.ge [sflag:s15], $0x4000  }
0x32: {  	[sflag:s15] =	ssyncset.done $0x0  }
0x33: {  	[sflag:s15] =	ssyncadd.s32 $0xFFFFC000  }
0x34: {  	_ =	swait.ge [sflag:s15], $0x4000  }
0x35: {  	[sflag:s15] =	ssyncset.done $0x0  }
0x36: {  	[sflag:s15] =	ssyncadd.s32 $0xFFFFC000  }
0x37: {  	_ =	swait.ge [sflag:s15], $0x4000  }
0x38: {  	[sflag:s15] =	ssyncset.done $0x0  }
0x39: {  	[sflag:s15] =	ssyncadd.s32 $0xFFFFC000  }
0x3a: {  	_ =	swait.ge [sflag:s15], $0x4000  }
0x3b: {  	[sflag:s15] =	ssyncset.done $0x0  }
0x3c: {  	s31 =	sadd.s32 $0x2000, s5;
	[sflag:s15] =	ssyncadd.s32 $0xFFFFC000  }
0x3d: {  	[hbm4b:s31+s2] =	stream.linear.scatter [tilespmem:s9], [sflag:$0x2], $0x10000, $0x38;
	[tilespmem:$0x10400] =	vst v63  }
0x3e: {  	s22 =	simm.s32 $0x80;
	_ =	swait.ge [sflag:s7], $0x10000  }
0x3f: {  	s24 =	simm.s32 $0x100;
	s21 =	sadd.s32 $0x4000, s5;
	[sflag:s7] =	ssyncset.done $0x0  }
.LBB2_2:
0x40: {  	s25 =	sadd.s32 s22, s6  }
0x41: {  	[sflag:s7] =	ssyncadd.s32 $0xFFFF0000;
	s22 =	smov.u32 s24;
	s23 =	sadd.s32 $0x80, s24  }
0x42: {  	[tilespmem:s2], [sflag:$0x2] =	stream.linear.gather [hbm4b:s25+s2], $0x400, $0x38;
	[tilespmem:$0x10400] =	vst v63  }
0x43: {  	p0 =	sne.s32 s24, $0xC00;
	_ =	swait.ge [sflag:s7], $0x400  }
0x44: {  	[sflag:s7] =	ssyncset.done $0x0  }
0x45: {  	[sflag:s7] =	ssyncadd.s32 $0xFFFFFC00  }
0x46: {  	[tilespmem:s9], [sflag:$0x1] =	stream.indirect.gather [hbm4b:s3+s8], $0x80, s2, s8, $0xb8;
	[tilespmem:$0x10400] =	vst v63  }
0x47: {  	_ = 	snop  }
0x48: {  	[tilespmem:s10], [sflag:$0x1] =	stream.indirect.gather [hbm4b:s3+s8], $0x80, s8, s8, $0xb8;
	[tilespmem:$0x10400] =	vst v63  }
0x49: {  	_ = 	snop  }
0x4a: {  	[tilespmem:s12], [sflag:$0x1] =	stream.indirect.gather [hbm4b:s3+s8], $0x80, s11, s8, $0xb8;
	[tilespmem:$0x10400] =	vst v63  }
0x4b: {  	_ = 	snop  }
0x4c: {  	[tilespmem:s14], [sflag:$0x1] =	stream.indirect.gather [hbm4b:s3+s8], $0x80, s13, s8, $0xb8;
	[tilespmem:$0x10400] =	vst v63  }
0x4d: {  	_ =	swait.ge [sflag:s15], $0x4000  }
0x4e: {  	[sflag:s15] =	ssyncset.done $0x0  }
0x4f: {  	[sflag:s15] =	ssyncadd.s32 $0xFFFFC000  }
0x50: {  	_ =	swait.ge [sflag:s15], $0x4000  }
0x51: {  	[sflag:s15] =	ssyncset.done $0x0  }
0x52: {  	[sflag:s15] =	ssyncadd.s32 $0xFFFFC000  }
0x53: {  	_ =	swait.ge [sflag:s15], $0x4000  }
0x54: {  	[sflag:s15] =	ssyncset.done $0x0  }
0x55: {  	[sflag:s15] =	ssyncadd.s32 $0xFFFFC000  }
0x56: {  	_ =	swait.ge [sflag:s15], $0x4000  }
0x57: {  	[sflag:s15] =	ssyncset.done $0x0  }
0x58: {  	[sflag:s15] =	ssyncadd.s32 $0xFFFFC000  }
0x59: {  	[hbm4b:s21+s2] =	stream.linear.scatter [tilespmem:s9], [sflag:$0x2], $0x10000, $0x38;
	[tilespmem:$0x10400] =	vst v63  }
0x5a: {  	_ =	swait.ge [sflag:s7], $0x10000  }
0x5b: {  	[sflag:s7] =	ssyncset.done $0x0  }
0x5c: {  	[sflag:s7] =	ssyncadd.s32 $0xFFFF0000  }
0x5d: {  	[tilespmem:s9], [sflag:$0x1] =	stream.indirect.gather [hbm4b:s3+s8], $0x80, s16, s8, $0xb8;
	[tilespmem:$0x10400] =	vst v63  }
0x5e: {  	_ = 	snop  }
0x5f: {  	[tilespmem:s10], [sflag:$0x1] =	stream.indirect.gather [hbm4b:s3+s8], $0x80, s17, s8, $0xb8;
	[tilespmem:$0x10400] =	vst v63  }
0x60: {  	_ = 	snop  }
0x61: {  	[tilespmem:s12], [sflag:$0x1] =	stream.indirect.gather [hbm4b:s3+s8], $0x80, s18, s8, $0xb8;
	[tilespmem:$0x10400] =	vst v63  }
0x62: {  	_ = 	snop  }
0x63: {  	[tilespmem:s14], [sflag:$0x1] =	stream.indirect.gather [hbm4b:s3+s8], $0x80, s19, s8, $0xb8;
	[tilespmem:$0x10400] =	vst v63  }
0x64: {  	_ =	swait.ge [sflag:s15], $0x4000  }
0x65: {  	[sflag:s15] =	ssyncset.done $0x0  }
0x66: {  	[sflag:s15] =	ssyncadd.s32 $0xFFFFC000  }
0x67: {  	_ =	swait.ge [sflag:s15], $0x4000  }
0x68: {  	[sflag:s15] =	ssyncset.done $0x0  }
0x69: {  	[sflag:s15] =	ssyncadd.s32 $0xFFFFC000  }
0x6a: {  	_ =	swait.ge [sflag:s15], $0x4000  }
0x6b: {  	[sflag:s15] =	ssyncset.done $0x0  }
0x6c: {  	[sflag:s15] =	ssyncadd.s32 $0xFFFFC000  }
0x6d: {  	_ =	swait.ge [sflag:s15], $0x4000  }
.Ltmp0:
0x6e: {  	[sflag:s15] =	ssyncset.done $0x0;
	(pc) =	sbr.rel @p0 .LBB2_2-.Ltmp0, $4  }
0x6f: {  	s24 =	sadd.s32 $0x2000, s21;
	[sflag:s15] =	ssyncadd.s32 $0xFFFFC000  }
0x70: {  	[hbm4b:s24+s2] =	stream.linear.scatter [tilespmem:s9], [sflag:$0x2], $0x10000, $0x38;
	[tilespmem:$0x10400] =	vst v63  }
0x71: {  	_ =	swait.ge [sflag:s7], $0x10000  }
0x72: {  	s21 =	sadd.s32 $0x4000, s21;
	s24 =	smov.u32 s23;
	[sflag:s7] =	ssyncset.done $0x0  }
0x73: {  	s22 =	sadd.s32 s22, s6;
	[sflag:s7] =	ssyncadd.s32 $0xFFFF0000  }
0x74: {  	[tilespmem:s2], [sflag:$0x2] =	stream.linear.gather [hbm4b:s22+s2], $0x400, $0x38;
	[tilespmem:$0x10400] =	vst v63  }
0x75: {  	_ =	swait.ge [sflag:s7], $0x400  }
0x76: {  	[sflag:s7] =	ssyncset.done $0x0  }
0x77: {  	[sflag:s7] =	ssyncadd.s32 $0xFFFFFC00  }
0x78: {  	[tilespmem:s9], [sflag:$0x1] =	stream.indirect.gather [hbm4b:s3+s8], $0x80, s2, s8, $0xb8;
	[tilespmem:$0x10400] =	vst v63  }
0x79: {  	_ = 	snop  }
0x7a: {  	[tilespmem:s10], [sflag:$0x1] =	stream.indirect.gather [hbm4b:s3+s8], $0x80, s8, s8, $0xb8;
	[tilespmem:$0x10400] =	vst v63  }
0x7b: {  	_ = 	snop  }
0x7c: {  	[tilespmem:s12], [sflag:$0x1] =	stream.indirect.gather [hbm4b:s3+s8], $0x80, s11, s8, $0xb8;
	[tilespmem:$0x10400] =	vst v63  }
0x7d: {  	_ = 	snop  }
0x7e: {  	[tilespmem:s14], [sflag:$0x1] =	stream.indirect.gather [hbm4b:s3+s8], $0x80, s13, s8, $0xb8;
	[tilespmem:$0x10400] =	vst v63  }
0x7f: {  	_ =	swait.ge [sflag:s15], $0x4000  }
0x80: {  	[sflag:s15] =	ssyncset.done $0x0  }
0x81: {  	[sflag:s15] =	ssyncadd.s32 $0xFFFFC000  }
0x82: {  	_ =	swait.ge [sflag:s15], $0x4000  }
0x83: {  	[sflag:s15] =	ssyncset.done $0x0  }
0x84: {  	[sflag:s15] =	ssyncadd.s32 $0xFFFFC000  }
0x85: {  	_ =	swait.ge [sflag:s15], $0x4000  }
0x86: {  	[sflag:s15] =	ssyncset.done $0x0  }
0x87: {  	[sflag:s15] =	ssyncadd.s32 $0xFFFFC000  }
0x88: {  	_ =	swait.ge [sflag:s15], $0x4000  }
0x89: {  	[sflag:s15] =	ssyncset.done $0x0  }
0x8a: {  	[sflag:s15] =	ssyncadd.s32 $0xFFFFC000  }
0x8b: {  	[hbm4b:s21+s2] =	stream.linear.scatter [tilespmem:s9], [sflag:$0x2], $0x10000, $0x38;
	[tilespmem:$0x10400] =	vst v63  }
0x8c: {  	_ =	swait.ge [sflag:s7], $0x10000  }
0x8d: {  	[sflag:s7] =	ssyncset.done $0x0  }
0x8e: {  	[sflag:s7] =	ssyncadd.s32 $0xFFFF0000  }
0x8f: {  	[tilespmem:s9], [sflag:$0x1] =	stream.indirect.gather [hbm4b:s3+s8], $0x80, s16, s8, $0xb8;
	[tilespmem:$0x10400] =	vst v63  }
0x90: {  	_ = 	snop  }
0x91: {  	[tilespmem:s10], [sflag:$0x1] =	stream.indirect.gather [hbm4b:s3+s8], $0x80, s17, s8, $0xb8;
	[tilespmem:$0x10400] =	vst v63  }
0x92: {  	_ = 	snop  }
0x93: {  	[tilespmem:s12], [sflag:$0x1] =	stream.indirect.gather [hbm4b:s3+s8], $0x80, s18, s8, $0xb8;
	[tilespmem:$0x10400] =	vst v63  }
0x94: {  	_ = 	snop  }
0x95: {  	[tilespmem:s14], [sflag:$0x1] =	stream.indirect.gather [hbm4b:s3+s8], $0x80, s19, s8, $0xb8;
	[tilespmem:$0x10400] =	vst v63  }
0x96: {  	_ =	swait.ge [sflag:s15], $0x4000  }
0x97: {  	[sflag:s15] =	ssyncset.done $0x0  }
0x98: {  	[sflag:s15] =	ssyncadd.s32 $0xFFFFC000  }
0x99: {  	_ =	swait.ge [sflag:s15], $0x4000  }
0x9a: {  	[sflag:s15] =	ssyncset.done $0x0  }
0x9b: {  	[sflag:s15] =	ssyncadd.s32 $0xFFFFC000  }
0x9c: {  	_ =	swait.ge [sflag:s15], $0x4000  }
0x9d: {  	[sflag:s15] =	ssyncset.done $0x0  }
0x9e: {  	[sflag:s15] =	ssyncadd.s32 $0xFFFFC000  }
0x9f: {  	s20 =	sadd.s32 $0x1, s20;
	_ =	swait.ge [sflag:s15], $0x4000  }
0xa0: {  	p0 =	sne.s32 s20, s4;
	[sflag:s15] =	ssyncset.done $0x0  }
.Ltmp1:
0xa1: {  	s31 =	sadd.s32 $0x2000, s21;
	[sflag:s15] =	ssyncadd.s32 $0xFFFFC000;
	(pc) =	sbr.rel @p0 .LBB2_1-.Ltmp1, $4  }
0xa2: {  	[hbm4b:s31+s2] =	stream.linear.scatter [tilespmem:s9], [sflag:$0x2], $0x10000, $0x38;
	[tilespmem:$0x10400] =	vst v63  }
0xa3: {  	_ =	swait.ge [sflag:s7], $0x10000  }
0xa4: {  	[sflag:s7] =	ssyncset.done $0x0  }
0xa5: {  	[sflag:s7] =	ssyncadd.s32 $0xFFFF0000  }
0xa6: {  	_ =	sfence.sel $0x180000  }
0xa7: {  	[bflag:$0x0] =	sbarrier.arrive $0xFFFF  }
0xa8: {  	p0 =	sne.s32 s1, $0x0;
	_ =	strace $0x90000047  }
0xa9: {  	s0 =	sadd.s32 @!p0 $0x100000, s0;
	[bflag:$0x2] =	sbarrier.arrive $0xFFFF  }
0xaa: {  	[sflag:s0] =	ssyncadd.tile.s32 @!p0 $0x1;
	_ =	shalt  }
.Lfunc_end2:
_tile_overlayer_lowered:
.L_overlay_start_2:
0xab: {  	(tag) =	ssettag $0x2  }
0xac: {  	s0 =	rddreg [dreg:$0x0];
	s2 =	stileid.u32  }
0xad: {  	s1 =	rddreg [dreg:$0x1];
	p0 =	sne.s32 s2, $0x0  }
0xae: {  	s3 =	rddreg [dreg:$0x2];
	[bflag:$0x3] =	sbarrier.arrive $0xFFFF;
	s2 =	simm.s32 @!p0 $0x1C02  }
0xaf: {  	[timem:s3], [sflag:s2] =	dma.local @!p0 [hbm:s0], s1  }
0xb0: {  	s0 =	simm.s32 @!p0 $0x2  }
0xb1: {  	_ =	swait.ge @!p0 [sflag:s0], s1  }
0xb2: {  	s1 =	ssub.s32 @!p0 $0x0, s1;
	[sflag:s0] =	ssyncset.done @!p0 $0x0  }
0xb3: {  	[sflag:s0] =	ssyncadd.s32 @!p0 s1  }
0xb4: {  	[bflag:$0x3] =	sbarrier.arrive $0xFFFF  }
0xb5: {  	_ =	shalt  }

// kernel: kernel.16.cloned.1.call-start
scs
__scs_entry_jumppad:
0x0: {  	(pc) =	sbr.rel $0x88, $3  }
0x1: {  	(tag) =	ssettag $0x0;
	lr =	simm.s32 $0x1  }
0x2: {  	[smem:$0x3F77] =	sst lr;
	_ =	strace $0xD0000000  }
0x3: {  	_ = 	snop  }
0x4: {  	_ = 	snop  }
0x5: {  	_ = 	snop  }
0x6: {  	_ = 	snop  }
0x7: {  	_ = 	snop  }
__scs_overlays_trampoline_lowered:
0x8: {  	[smem:$0x3F86] =	sst s0  }
0x9: {  	[smem:$0x3F87] =	sst s1  }
0xa: {  	[smem:$0x3F88] =	sst s2  }
0xb: {  	[smem:$0x3F89] =	sst s3  }
0xc: {  	[smem:$0x3F8A] =	sst s4  }
0xd: {  	[smem:$0x3F8B] =	sst s5  }
0xe: {  	[smem:$0x3F8C] =	sst s6  }
0xf: {  	[smem:$0x3F8D] =	sst s7  }
0x10: {  	[smem:$0x3F8E] =	sst s8  }
0x11: {  	[smem:$0x3F8F] =	sst s9;
	s0 =	simm.s32 @!p0 $0x0  }
0x12: {  	s1 =	sld [smem:$0x3F75];
	s0 =	simm.s32 @p0 $0x1  }
0x13: {  	[smem:$0x3F90] =	sst s0;
	s0 =	simm.s32 @!p1 $0x0  }
0x14: {  	s2 =	sld [smem:$0x3F74];
	s0 =	simm.s32 @p1 $0x1  }
0x15: {  	[smem:$0x3F91] =	sst s0;
	s0 =	simm.s32 @!p2 $0x0  }
0x16: {  	s3 =	sld [smem:$0x3FDB];
	s0 =	simm.s32 @p2 $0x1  }
0x17: {  	s4 =	simm.s32 $0x1BF5;
	[smem:$0x3F93] =	sst s0  }
0x18: {  	s0 =	sld [smem:$0x3F76];
	_ =	swait.ge [sflag:s4], $0x0  }
0x19: {  	s7 =	sld [smem:$0x3F77]  }
0x1a: {  	s8 =	sadd.s32 $0xFFFFE003, lr  }
0x1b: {  	s9 =	sadd.s32 $0xFFFFFEF7, lr;
	s5 =	simm.s32 $0xFFFFFFFF;
	p2 =	slt.u32 s8, $0xFFFFF086  }
0x1c: {  	p1 =	slt.u32 s9, $0xF7A;
	s5 =	simm.s32 @!p2 $0x0  }
0x1d: {  	s5 =	simm.s32 @p1 $0x1;
	p0 =	seq.s32 s7, s2  }
0x1e: {  	s7 =	smul.u32 @!p0 $0xF7A, s2;
	p2 =	seq.s32 @!p0 s5, $0x0  }
0x1f: {  	s9 =	smul.u32 $0xF7A, s1;
	s8 =	simm.s32 @!p0 $0x1BF5;
	p2 =	por !p2, p0  }
0x20: {  	[sflag:s8] =	ssyncset.s32 @!p0 $0xFFFFF086;
	s6 =	sadd.s32 @!p0 s3, s7;
	s7 =	simm.s32 @!p0 $0x108  }
0x21: {  	s3 =	sadd.s32 s3, s9;
	s6 =	sadd.s32 @!p0 $0x88, s6;
	s7 =	simm.s32 @p2 $0x1082  }
0x22: {  	[simem:s7], [sflag:s8] =	dma.local @!p0 [hbm:s6], $0xF7A  }
0x23: {  	s9 =	sor.u32 $0xD0000000, s2;
	s6 =	simm.s32 $0x108;
	_ =	swait.ge @!p0 [sflag:s8], $0x0  }
0x24: {  	s3 =	sadd.s32 $0x88, s3;
	s6 =	simm.s32 @!p1 $0x1082;
	[sflag:s4] =	ssyncset.s32 $0xFFFFF086  }
0x25: {  	[simem:s6], [sflag:s4] =	dma.local [hbm:s3], $0xF7A  }
0x26: {  	[smem:$0x3F77] =	sst s1;
	(tag) =	ssettag s2;
	_ =	strace s9  }
0x27: {  	s1 =	sld [smem:$0x3F87]  }
0x28: {  	s2 =	sld [smem:$0x3F88]  }
0x29: {  	s4 =	sld [smem:$0x3F8A]  }
0x2a: {  	p0 =	seq.s32 s5, $0x0;
	s5 =	sld [smem:$0x3F8B]  }
0x2b: {  	s6 =	sld [smem:$0x3F8C]  }
0x2c: {  	s7 =	sld [smem:$0x3F8D]  }
0x2d: {  	s3 =	simm.s32 $0x108;
	s8 =	sld [smem:$0x3F8E]  }
0x2e: {  	s3 =	simm.s32 @!p0 $0x1082;
	s9 =	sld [smem:$0x3F8F]  }
0x2f: {  	lr =	sadd.s32 s0, s3;
	s0 =	sld [smem:$0x3F86]  }
0x30: {  	s3 =	sld [smem:$0x3F89]  }
0x31: {  	[smem:$0x3F92] =	sst s10  }
0x32: {  	s10 =	sld [smem:$0x3F90];
	_ =	sdelay $0x3  }
0x33: {  	p0 =	seq.s32 s10, $0x1;
	s10 =	sld [smem:$0x3F92];
	_ =	sdelay $0x3  }
0x34: {  	[smem:$0x3F92] =	sst s10  }
0x35: {  	s10 =	sld [smem:$0x3F91];
	_ =	sdelay $0x3  }
0x36: {  	p1 =	seq.s32 s10, $0x1;
	s10 =	sld [smem:$0x3F92];
	_ =	sdelay $0x3  }
0x37: {  	[smem:$0x3F92] =	sst s10  }
0x38: {  	s10 =	sld [smem:$0x3F93]  }
0x39: {  	_ = 	snop;
	(pc) =	sbr.ind lr, $3  }
0x3a: {  	_ = 	snop  }
0x3b: {  	_ = 	snop  }
0x3c: {  	p2 =	seq.s32 s10, $0x1;
	s10 =	sld [smem:$0x3F92]  }
0x3d: {  	_ =	shalt  }
0x3e: {  	_ =	shalt  }
0x3f: {  	_ =	shalt  }
0x40: {  	_ =	shalt  }
0x41: {  	_ =	shalt  }
0x42: {  	_ =	shalt  }
0x43: {  	_ =	shalt  }
0x44: {  	_ =	shalt  }
0x45: {  	_ =	shalt  }
0x46: {  	_ =	shalt  }
0x47: {  	_ =	shalt  }
0x48: {  	_ =	shalt  }
0x49: {  	_ =	shalt  }
0x4a: {  	_ =	shalt  }
0x4b: {  	_ =	shalt  }
0x4c: {  	_ =	shalt  }
0x4d: {  	_ =	shalt  }
0x4e: {  	_ =	shalt  }
0x4f: {  	_ =	shalt  }
0x50: {  	_ =	shalt  }
0x51: {  	_ =	shalt  }
0x52: {  	_ =	shalt  }
0x53: {  	_ =	shalt  }
0x54: {  	_ =	shalt  }
0x55: {  	_ =	shalt  }
0x56: {  	_ =	shalt  }
0x57: {  	_ =	shalt  }
0x58: {  	_ =	shalt  }
0x59: {  	_ =	shalt  }
0x5a: {  	_ =	shalt  }
0x5b: {  	_ =	shalt  }
0x5c: {  	_ =	shalt  }
0x5d: {  	_ =	shalt  }
0x5e: {  	_ =	shalt  }
0x5f: {  	_ =	shalt  }
0x60: {  	_ =	shalt  }
0x61: {  	_ =	shalt  }
0x62: {  	_ =	shalt  }
0x63: {  	_ =	shalt  }
0x64: {  	_ =	shalt  }
0x65: {  	_ =	shalt  }
0x66: {  	_ =	shalt  }
0x67: {  	_ =	shalt  }
0x68: {  	_ =	shalt  }
0x69: {  	_ =	shalt  }
0x6a: {  	_ =	shalt  }
0x6b: {  	_ =	shalt  }
0x6c: {  	_ =	shalt  }
0x6d: {  	_ =	shalt  }
0x6e: {  	_ =	shalt  }
0x6f: {  	_ =	shalt  }
0x70: {  	_ =	shalt  }
0x71: {  	_ =	shalt  }
0x72: {  	_ =	shalt  }
0x73: {  	_ =	shalt  }
0x74: {  	_ =	shalt  }
0x75: {  	_ =	shalt  }
0x76: {  	_ =	shalt  }
0x77: {  	_ =	shalt  }
0x78: {  	_ =	shalt  }
0x79: {  	_ =	shalt  }
0x7a: {  	_ =	shalt  }
0x7b: {  	_ =	shalt  }
0x7c: {  	_ =	shalt  }
0x7d: {  	_ =	shalt  }
0x7e: {  	_ =	shalt  }
0x7f: {  	_ =	shalt  }
0x80: {  	_ =	shalt  }
0x81: {  	_ =	shalt  }
0x82: {  	_ =	shalt  }
0x83: {  	_ =	shalt  }
0x84: {  	_ =	shalt  }
0x85: {  	_ =	shalt  }
0x86: {  	_ =	shalt  }
0x87: {  	_ =	shalt  }
.Lfunc_end0:
.L_simem_size_0:
called_computation.4_lowered:
.L_overlay_start_0:
0x88: {  	s2 =	sld [smem:$0x3FD9]  }
0x89: {  	s3 =	sld [smem:$0x3FFE];
	_ =	sdelay $0x1  }
0x8a: {  	s1 =	srdreg.scid  }
0x8b: {  	s0 =	sand.u32 $0x1, s1  }
0x8c: {  	s16 =	sshll.u32 s0, $0xA;
	s2 =	sadd.s32 s3, s2  }
0x8d: {  	s2 =	sadd.s32 s2, s16  }
0x8e: {  	[smem:$0x3F9E] =	sst s2  }
0x8f: {  	_ = 	snop  }
0x90: {  	(tm) =	ssettm $0x1  }
0x91: {  	s17 =	sld [smem:$0x3FFB];
	_ =	sdelay $0x3  }
0x92: {  	_ =	strace s17  }
0x93: {  	s2 =	sld [smem:$0x3FFC];
	_ =	sdelay $0x3  }
0x94: {  	_ =	strace s2  }
0x95: {  	s2 =	sld [smem:$0x3FFD];
	_ =	sdelay $0x3  }
0x96: {  	_ =	strace s2  }
0x97: {  	_ =	strace $0x8FFFFFFF  }
0x98: {  	s18 =	sld [smem:$0x3FDB];
	_ =	sdelay $0x1  }
0x99: {  	s19 =	simm.s32 $_scs_section_size  }
0x9a: {  	s4 =	simm.s32 $_size__tile_overlayer_lowered;
	s5 =	simm.s32 $_tile_overlayer_lowered  }
0x9b: {  	s22 =	simm.s32 $0x1BFF;
	s21 =	sshll.u32 s5, $0x1;
	s2 =	sadd.s32 s19, s18  }
0x9c: {  	s6 =	simm.s32 $0x0;
	s20 =	sshll.u32 s4, $0x1;
	s4 =	sadd.s32 s21, s2  }
0x9d: {  	[timem:s6], [sflag:s22] =	dma.local [hbm:s4], s20  }
0x9e: {  	_ =	swait.ge [sflag:s22], s20  }
0x9f: {  	s3 =	ssub.s32 $0x0, s20;
	[sflag:s22] =	ssyncset.done $0x0  }
0xa0: {  	[sflag:s22] =	ssyncadd.s32 s3;
	_ =	sdelay $0x1  }
0xa1: {  	s23 =	simm.s32 $0x1B8B  }
0xa2: {  	_ =	swait.ge [sflag:s23], $0x1  }
0xa3: {  	[sflag:s23] =	ssyncset.done $0x0  }
0xa4: {  	s25 =	simm.s32 $0x1B8E;
	s24 =	sld [smem:$0x3FFE];
	[sflag:s23] =	ssyncadd.s32 $0xFFFFFFFF  }
0xa5: {  	s26 =	simm.s32 $execute0_lowered;
	[smem:$0x3FD2] =	sst s25  }
0xa6: {  	s4 =	sshll.u32 s26, $0x1;
	_ =	strace $0x8000004F;
	[dreg:$0x1] =	wrdreg $0xFFFFFFFF  }
0xa7: {  	s28 =	simm.s32 $_size_execute0_lowered;
	s2 =	sadd.s32 s2, s4;
	[dreg:$0x0] =	wrdreg $0x0  }
0xa8: {  	s4 =	sshll.u32 s28, $0x1;
	[dreg:$0x2] =	wrdreg s2  }
0xa9: {  	[dreg:$0x3] =	wrdreg s4  }
0xaa: {  	[dreg:$0x4] =	wrdreg $0xC0  }
0xab: {  	_ =	task [dreg:s6], $0x5FFFF  }
0xac: {  	[dreg:$0x1] =	wrdreg $0xFFFFFFFF  }
0xad: {  	[dreg:$0x0] =	wrdreg $0x60  }
0xae: {  	[dreg:$0x2] =	wrdreg s24  }
0xaf: {  	[dreg:$0x3] =	wrdreg $0x9  }
0xb0: {  	_ =	task.clear_ibuf [dreg:s6], $0x4FFFF;
	_ =	strace $0x9000004F  }
0xb1: {  	s29 =	simm.s32 $0x9;
	_ =	strace $0x80000051  }
0xb2: {  	_ =	swait.ge [sflag:s29], $0x1  }
0xb3: {  	[sflag:s29] =	ssyncadd.s32 $0xFFFFFFFF  }
0xb4: {  	_ =	strace $0x90000051  }
0xb5: {  	_ =	sfence  }
0xb6: {  	s30 =	sld [smem:$0x0];
	_ =	sdelay $0x2  }
0xb7: {  	s31 =	sshll.u32 s1, $0xD;
	s1 =	sshrl.u32 s1, $0x2  }
0xb8: {  	s3 =	sand.u32 $0x4000, s31;
	s1 =	sadd.s32 s1, s30  }
0xb9: {  	s0 =	sor.u32 s3, s0;
	s1 =	sshll.u32 s1, $0x11  }
0xba: {  	s0 =	sor.u32 s1, s0  }
0xbb: {  	s0 =	sadd.s32 $0x8F2B, s0  }
0xbc: {  	[sflag:s0] =	ssyncadd.remote.s32 $0x1  }
0xbd: {  	_ =	sfence.sel $0xFFFF  }
0xbe: {  	[dreg:$0x0] =	wrdreg $0xFFFFFFFF;
	(pc) =	sbr.abs _section_cstart, $3  }
0xbf: {  	[dreg:$0x1] =	wrdreg $0xFFFFFFFF  }
0xc0: {  	_ =	task.clear_ibuf [dreg:s6], $0x2FFFF;
	_ =	strace $0x9FFFFFFF  }
0xc1: {  	(tm) =	ssettm $0x7FFFFFFF  }
tec
execute0_lowered:
.L_overlay_start_1:
0x0: {  	(tag) =	ssettag $0x1  }
0x1: {  	s3 =	rddreg [dreg:$0x0]  }
0x2: {  	s0 =	rddreg [dreg:$0x1];
	s2 =	simm.s32 $0x0;
	s1 =	stileid.u32  }
0x3: {  	s5 =	srdreg.scid;
	s11 =	simm.s32 $0x100;
	s12 =	simm.s32 $0x8400  }
0x4: {  	s13 =	simm.s32 $0x180;
	s14 =	simm.s32 $0xC400;
	s15 =	simm.s32 $0x1  }
0x5: {  	s16 =	simm.s32 $0x200;
	s17 =	simm.s32 $0x280;
	s18 =	simm.s32 $0x300  }
0x6: {  	s19 =	simm.s32 $0x380;
	s20 =	simm.s32 $0x0;
	s4 =	smul.u32 $0x1900, s1  }
0x7: {  	[smem:$0x7FF] =	sst s2;
	s6 =	smul.u32 $0xC8000, s1;
	s5 =	sand.u32 $0x1, s5  }
0x8: {  	_ =	strace $0x80000050;
	s29 =	ssub.s32 $0x2, s5;
	s8 =	smul.u32 $0x64000, s5  }
0x9: {  	s10 =	smul.u32 $0xC80, s5;
	s7 =	sadd.s32 s4, s3;
	s9 =	sshrl.u32 s29, $0x1  }
0xa: {  	s6 =	sadd.s32 s6, s3;
	s3 =	sadd.s32 $0x1BC800, s3;
	s4 =	ssub.s32 s29, s9  }
0xb: {  	s30 =	sadd.s32 s8, s6;
	s31 =	sadd.s32 s10, s7;
	s7 =	simm.s32 $0x2  }
0xc: {  	s8 =	simm.s32 $0x80;
	s9 =	simm.s32 $0x400;
	s10 =	simm.s32 $0x4400  }
0xd: {  	s4 =	smax.u32 s4, $0x1;
	s5 =	sadd.s32 $0x406C00, s30;
	s6 =	sadd.s32 $0x3EDC00, s31  }
.LBB2_1:
0xe: {  	s21 =	sadd.s32 $0x0, s6  }
0xf: {  	[tilespmem:s2], [sflag:$0x2] =	stream.linear.gather [hbm4b:s21+s2], $0x400, $0x38;
	[tilespmem:$0x10400] =	vst v63  }
0x10: {  	_ =	swait.ge [sflag:s7], $0x400  }
0x11: {  	[sflag:s7] =	ssyncset.done $0x0  }
0x12: {  	[sflag:s7] =	ssyncadd.s32 $0xFFFFFC00  }
0x13: {  	[tilespmem:s9], [sflag:$0x1] =	stream.indirect.gather [hbm4b:s3+s8], $0x80, s2, s8, $0xb8;
	[tilespmem:$0x10400] =	vst v63  }
0x14: {  	_ = 	snop  }
0x15: {  	[tilespmem:s10], [sflag:$0x1] =	stream.indirect.gather [hbm4b:s3+s8], $0x80, s8, s8, $0xb8;
	[tilespmem:$0x10400] =	vst v63  }
0x16: {  	_ = 	snop  }
0x17: {  	[tilespmem:s12], [sflag:$0x1] =	stream.indirect.gather [hbm4b:s3+s8], $0x80, s11, s8, $0xb8;
	[tilespmem:$0x10400] =	vst v63  }
0x18: {  	_ = 	snop  }
0x19: {  	[tilespmem:s14], [sflag:$0x1] =	stream.indirect.gather [hbm4b:s3+s8], $0x80, s13, s8, $0xb8;
	[tilespmem:$0x10400] =	vst v63  }
0x1a: {  	_ =	swait.ge [sflag:s15], $0x4000  }
0x1b: {  	[sflag:s15] =	ssyncset.done $0x0  }
0x1c: {  	[sflag:s15] =	ssyncadd.s32 $0xFFFFC000  }
0x1d: {  	_ =	swait.ge [sflag:s15], $0x4000  }
0x1e: {  	[sflag:s15] =	ssyncset.done $0x0  }
0x1f: {  	[sflag:s15] =	ssyncadd.s32 $0xFFFFC000  }
0x20: {  	_ =	swait.ge [sflag:s15], $0x4000  }
0x21: {  	[sflag:s15] =	ssyncset.done $0x0  }
0x22: {  	[sflag:s15] =	ssyncadd.s32 $0xFFFFC000  }
0x23: {  	_ =	swait.ge [sflag:s15], $0x4000  }
0x24: {  	[sflag:s15] =	ssyncset.done $0x0  }
0x25: {  	[sflag:s15] =	ssyncadd.s32 $0xFFFFC000  }
0x26: {  	[hbm4b:s5+s2] =	stream.linear.scatter [tilespmem:s9], [sflag:$0x2], $0x10000, $0x38;
	[tilespmem:$0x10400] =	vst v63  }
0x27: {  	_ =	swait.ge [sflag:s7], $0x10000  }
0x28: {  	[sflag:s7] =	ssyncset.done $0x0  }
0x29: {  	[sflag:s7] =	ssyncadd.s32 $0xFFFF0000  }
0x2a: {  	[tilespmem:s9], [sflag:$0x1] =	stream.indirect.gather [hbm4b:s3+s8], $0x80, s16, s8, $0xb8;
	[tilespmem:$0x10400] =	vst v63  }
0x2b: {  	_ = 	snop  }
0x2c: {  	[tilespmem:s10], [sflag:$0x1] =	stream.indirect.gather [hbm4b:s3+s8], $0x80, s17, s8, $0xb8;
	[tilespmem:$0x10400] =	vst v63  }
0x2d: {  	_ = 	snop  }
0x2e: {  	[tilespmem:s12], [sflag:$0x1] =	stream.indirect.gather [hbm4b:s3+s8], $0x80, s18, s8, $0xb8;
	[tilespmem:$0x10400] =	vst v63  }
0x2f: {  	_ = 	snop  }
0x30: {  	[tilespmem:s14], [sflag:$0x1] =	stream.indirect.gather [hbm4b:s3+s8], $0x80, s19, s8, $0xb8;
	[tilespmem:$0x10400] =	vst v63  }
0x31: {  	_ =	swait.ge [sflag:s15], $0x4000  }
0x32: {  	[sflag:s15] =	ssyncset.done $0x0  }
0x33: {  	[sflag:s15] =	ssyncadd.s32 $0xFFFFC000  }
0x34: {  	_ =	swait.ge [sflag:s15], $0x4000  }
0x35: {  	[sflag:s15] =	ssyncset.done $0x0  }
0x36: {  	[sflag:s15] =	ssyncadd.s32 $0xFFFFC000  }
0x37: {  	_ =	swait.ge [sflag:s15], $0x4000  }
0x38: {  	[sflag:s15] =	ssyncset.done $0x0  }
0x39: {  	[sflag:s15] =	ssyncadd.s32 $0xFFFFC000  }
0x3a: {  	_ =	swait.ge [sflag:s15], $0x4000  }
0x3b: {  	[sflag:s15] =	ssyncset.done $0x0  }
0x3c: {  	s31 =	sadd.s32 $0x2000, s5;
	[sflag:s15] =	ssyncadd.s32 $0xFFFFC000  }
0x3d: {  	[hbm4b:s31+s2] =	stream.linear.scatter [tilespmem:s9], [sflag:$0x2], $0x10000, $0x38;
	[tilespmem:$0x10400] =	vst v63  }
0x3e: {  	s22 =	simm.s32 $0x80;
	_ =	swait.ge [sflag:s7], $0x10000  }
0x3f: {  	s24 =	simm.s32 $0x100;
	s21 =	sadd.s32 $0x4000, s5;
	[sflag:s7] =	ssyncset.done $0x0  }
.LBB2_2:
0x40: {  	s25 =	sadd.s32 s22, s6  }
0x41: {  	[sflag:s7] =	ssyncadd.s32 $0xFFFF0000;
	s22 =	smov.u32 s24;
	s23 =	sadd.s32 $0x80, s24  }
0x42: {  	[tilespmem:s2], [sflag:$0x2] =	stream.linear.gather [hbm4b:s25+s2], $0x400, $0x38;
	[tilespmem:$0x10400] =	vst v63  }
0x43: {  	p0 =	sne.s32 s24, $0xC00;
	_ =	swait.ge [sflag:s7], $0x400  }
0x44: {  	[sflag:s7] =	ssyncset.done $0x0  }
0x45: {  	[sflag:s7] =	ssyncadd.s32 $0xFFFFFC00  }
0x46: {  	[tilespmem:s9], [sflag:$0x1] =	stream.indirect.gather [hbm4b:s3+s8], $0x80, s2, s8, $0xb8;
	[tilespmem:$0x10400] =	vst v63  }
0x47: {  	_ = 	snop  }
0x48: {  	[tilespmem:s10], [sflag:$0x1] =	stream.indirect.gather [hbm4b:s3+s8], $0x80, s8, s8, $0xb8;
	[tilespmem:$0x10400] =	vst v63  }
0x49: {  	_ = 	snop  }
0x4a: {  	[tilespmem:s12], [sflag:$0x1] =	stream.indirect.gather [hbm4b:s3+s8], $0x80, s11, s8, $0xb8;
	[tilespmem:$0x10400] =	vst v63  }
0x4b: {  	_ = 	snop  }
0x4c: {  	[tilespmem:s14], [sflag:$0x1] =	stream.indirect.gather [hbm4b:s3+s8], $0x80, s13, s8, $0xb8;
	[tilespmem:$0x10400] =	vst v63  }
0x4d: {  	_ =	swait.ge [sflag:s15], $0x4000  }
0x4e: {  	[sflag:s15] =	ssyncset.done $0x0  }
0x4f: {  	[sflag:s15] =	ssyncadd.s32 $0xFFFFC000  }
0x50: {  	_ =	swait.ge [sflag:s15], $0x4000  }
0x51: {  	[sflag:s15] =	ssyncset.done $0x0  }
0x52: {  	[sflag:s15] =	ssyncadd.s32 $0xFFFFC000  }
0x53: {  	_ =	swait.ge [sflag:s15], $0x4000  }
0x54: {  	[sflag:s15] =	ssyncset.done $0x0  }
0x55: {  	[sflag:s15] =	ssyncadd.s32 $0xFFFFC000  }
0x56: {  	_ =	swait.ge [sflag:s15], $0x4000  }
0x57: {  	[sflag:s15] =	ssyncset.done $0x0  }
0x58: {  	[sflag:s15] =	ssyncadd.s32 $0xFFFFC000  }
0x59: {  	[hbm4b:s21+s2] =	stream.linear.scatter [tilespmem:s9], [sflag:$0x2], $0x10000, $0x38;
	[tilespmem:$0x10400] =	vst v63  }
0x5a: {  	_ =	swait.ge [sflag:s7], $0x10000  }
0x5b: {  	[sflag:s7] =	ssyncset.done $0x0  }
0x5c: {  	[sflag:s7] =	ssyncadd.s32 $0xFFFF0000  }
0x5d: {  	[tilespmem:s9], [sflag:$0x1] =	stream.indirect.gather [hbm4b:s3+s8], $0x80, s16, s8, $0xb8;
	[tilespmem:$0x10400] =	vst v63  }
0x5e: {  	_ = 	snop  }
0x5f: {  	[tilespmem:s10], [sflag:$0x1] =	stream.indirect.gather [hbm4b:s3+s8], $0x80, s17, s8, $0xb8;
	[tilespmem:$0x10400] =	vst v63  }
0x60: {  	_ = 	snop  }
0x61: {  	[tilespmem:s12], [sflag:$0x1] =	stream.indirect.gather [hbm4b:s3+s8], $0x80, s18, s8, $0xb8;
	[tilespmem:$0x10400] =	vst v63  }
0x62: {  	_ = 	snop  }
0x63: {  	[tilespmem:s14], [sflag:$0x1] =	stream.indirect.gather [hbm4b:s3+s8], $0x80, s19, s8, $0xb8;
	[tilespmem:$0x10400] =	vst v63  }
0x64: {  	_ =	swait.ge [sflag:s15], $0x4000  }
0x65: {  	[sflag:s15] =	ssyncset.done $0x0  }
0x66: {  	[sflag:s15] =	ssyncadd.s32 $0xFFFFC000  }
0x67: {  	_ =	swait.ge [sflag:s15], $0x4000  }
0x68: {  	[sflag:s15] =	ssyncset.done $0x0  }
0x69: {  	[sflag:s15] =	ssyncadd.s32 $0xFFFFC000  }
0x6a: {  	_ =	swait.ge [sflag:s15], $0x4000  }
0x6b: {  	[sflag:s15] =	ssyncset.done $0x0  }
0x6c: {  	[sflag:s15] =	ssyncadd.s32 $0xFFFFC000  }
0x6d: {  	_ =	swait.ge [sflag:s15], $0x4000  }
.Ltmp0:
0x6e: {  	[sflag:s15] =	ssyncset.done $0x0;
	(pc) =	sbr.rel @p0 .LBB2_2-.Ltmp0, $4  }
0x6f: {  	s24 =	sadd.s32 $0x2000, s21;
	[sflag:s15] =	ssyncadd.s32 $0xFFFFC000  }
0x70: {  	[hbm4b:s24+s2] =	stream.linear.scatter [tilespmem:s9], [sflag:$0x2], $0x10000, $0x38;
	[tilespmem:$0x10400] =	vst v63  }
0x71: {  	_ =	swait.ge [sflag:s7], $0x10000  }
0x72: {  	s21 =	sadd.s32 $0x4000, s21;
	s24 =	smov.u32 s23;
	[sflag:s7] =	ssyncset.done $0x0  }
0x73: {  	s22 =	sadd.s32 s22, s6;
	[sflag:s7] =	ssyncadd.s32 $0xFFFF0000  }
0x74: {  	[tilespmem:s2], [sflag:$0x2] =	stream.linear.gather [hbm4b:s22+s2], $0x400, $0x38;
	[tilespmem:$0x10400] =	vst v63  }
0x75: {  	_ =	swait.ge [sflag:s7], $0x400  }
0x76: {  	[sflag:s7] =	ssyncset.done $0x0  }
0x77: {  	[sflag:s7] =	ssyncadd.s32 $0xFFFFFC00  }
0x78: {  	[tilespmem:s9], [sflag:$0x1] =	stream.indirect.gather [hbm4b:s3+s8], $0x80, s2, s8, $0xb8;
	[tilespmem:$0x10400] =	vst v63  }
0x79: {  	_ = 	snop  }
0x7a: {  	[tilespmem:s10], [sflag:$0x1] =	stream.indirect.gather [hbm4b:s3+s8], $0x80, s8, s8, $0xb8;
	[tilespmem:$0x10400] =	vst v63  }
0x7b: {  	_ = 	snop  }
0x7c: {  	[tilespmem:s12], [sflag:$0x1] =	stream.indirect.gather [hbm4b:s3+s8], $0x80, s11, s8, $0xb8;
	[tilespmem:$0x10400] =	vst v63  }
0x7d: {  	_ = 	snop  }
0x7e: {  	[tilespmem:s14], [sflag:$0x1] =	stream.indirect.gather [hbm4b:s3+s8], $0x80, s13, s8, $0xb8;
	[tilespmem:$0x10400] =	vst v63  }
0x7f: {  	_ =	swait.ge [sflag:s15], $0x4000  }
0x80: {  	[sflag:s15] =	ssyncset.done $0x0  }
0x81: {  	[sflag:s15] =	ssyncadd.s32 $0xFFFFC000  }
0x82: {  	_ =	swait.ge [sflag:s15], $0x4000  }
0x83: {  	[sflag:s15] =	ssyncset.done $0x0  }
0x84: {  	[sflag:s15] =	ssyncadd.s32 $0xFFFFC000  }
0x85: {  	_ =	swait.ge [sflag:s15], $0x4000  }
0x86: {  	[sflag:s15] =	ssyncset.done $0x0  }
0x87: {  	[sflag:s15] =	ssyncadd.s32 $0xFFFFC000  }
0x88: {  	_ =	swait.ge [sflag:s15], $0x4000  }
0x89: {  	[sflag:s15] =	ssyncset.done $0x0  }
0x8a: {  	[sflag:s15] =	ssyncadd.s32 $0xFFFFC000  }
0x8b: {  	[hbm4b:s21+s2] =	stream.linear.scatter [tilespmem:s9], [sflag:$0x2], $0x10000, $0x38;
	[tilespmem:$0x10400] =	vst v63  }
0x8c: {  	_ =	swait.ge [sflag:s7], $0x10000  }
0x8d: {  	[sflag:s7] =	ssyncset.done $0x0  }
0x8e: {  	[sflag:s7] =	ssyncadd.s32 $0xFFFF0000  }
0x8f: {  	[tilespmem:s9], [sflag:$0x1] =	stream.indirect.gather [hbm4b:s3+s8], $0x80, s16, s8, $0xb8;
	[tilespmem:$0x10400] =	vst v63  }
0x90: {  	_ = 	snop  }
0x91: {  	[tilespmem:s10], [sflag:$0x1] =	stream.indirect.gather [hbm4b:s3+s8], $0x80, s17, s8, $0xb8;
	[tilespmem:$0x10400] =	vst v63  }
0x92: {  	_ = 	snop  }
0x93: {  	[tilespmem:s12], [sflag:$0x1] =	stream.indirect.gather [hbm4b:s3+s8], $0x80, s18, s8, $0xb8;
	[tilespmem:$0x10400] =	vst v63  }
0x94: {  	_ = 	snop  }
0x95: {  	[tilespmem:s14], [sflag:$0x1] =	stream.indirect.gather [hbm4b:s3+s8], $0x80, s19, s8, $0xb8;
	[tilespmem:$0x10400] =	vst v63  }
0x96: {  	_ =	swait.ge [sflag:s15], $0x4000  }
0x97: {  	[sflag:s15] =	ssyncset.done $0x0  }
0x98: {  	[sflag:s15] =	ssyncadd.s32 $0xFFFFC000  }
0x99: {  	_ =	swait.ge [sflag:s15], $0x4000  }
0x9a: {  	[sflag:s15] =	ssyncset.done $0x0  }
0x9b: {  	[sflag:s15] =	ssyncadd.s32 $0xFFFFC000  }
0x9c: {  	_ =	swait.ge [sflag:s15], $0x4000  }
0x9d: {  	[sflag:s15] =	ssyncset.done $0x0  }
0x9e: {  	[sflag:s15] =	ssyncadd.s32 $0xFFFFC000  }
0x9f: {  	s20 =	sadd.s32 $0x1, s20;
	_ =	swait.ge [sflag:s15], $0x4000  }
0xa0: {  	p0 =	sne.s32 s20, s4;
	[sflag:s15] =	ssyncset.done $0x0  }
.Ltmp1:
0xa1: {  	s31 =	sadd.s32 $0x2000, s21;
	[sflag:s15] =	ssyncadd.s32 $0xFFFFC000;
	(pc) =	sbr.rel @p0 .LBB2_1-.Ltmp1, $4  }
0xa2: {  	[hbm4b:s31+s2] =	stream.linear.scatter [tilespmem:s9], [sflag:$0x2], $0x10000, $0x38;
	[tilespmem:$0x10400] =	vst v63  }
0xa3: {  	_ =	swait.ge [sflag:s7], $0x10000  }
0xa4: {  	[sflag:s7] =	ssyncset.done $0x0  }
0xa5: {  	[sflag:s7] =	ssyncadd.s32 $0xFFFF0000  }
0xa6: {  	_ =	sfence.sel $0x180000  }
0xa7: {  	[bflag:$0x0] =	sbarrier.arrive $0xFFFF  }
0xa8: {  	p0 =	sne.s32 s1, $0x0;
	_ =	strace $0x90000050  }
0xa9: {  	s0 =	sadd.s32 @!p0 $0x100000, s0;
	[bflag:$0x2] =	sbarrier.arrive $0xFFFF  }
0xaa: {  	[sflag:s0] =	ssyncadd.tile.s32 @!p0 $0x1;
	_ =	shalt  }
.Lfunc_end2:
_tile_overlayer_lowered:
.L_overlay_start_2:
0xab: {  	(tag) =	ssettag $0x2  }
0xac: {  	s0 =	rddreg [dreg:$0x0];
	s2 =	stileid.u32  }
0xad: {  	s1 =	rddreg [dreg:$0x1];
	p0 =	sne.s32 s2, $0x0  }
0xae: {  	s3 =	rddreg [dreg:$0x2];
	[bflag:$0x3] =	sbarrier.arrive $0xFFFF;
	s2 =	simm.s32 @!p0 $0x1C02  }
0xaf: {  	[timem:s3], [sflag:s2] =	dma.local @!p0 [hbm:s0], s1  }
0xb0: {  	s0 =	simm.s32 @!p0 $0x2  }
0xb1: {  	_ =	swait.ge @!p0 [sflag:s0], s1  }
0xb2: {  	s1 =	ssub.s32 @!p0 $0x0, s1;
	[sflag:s0] =	ssyncset.done @!p0 $0x0  }
0xb3: {  	[sflag:s0] =	ssyncadd.s32 @!p0 s1  }
0xb4: {  	[bflag:$0x3] =	sbarrier.arrive $0xFFFF  }
0xb5: {  	_ =	shalt  }

// kernel: kernel.19.cloned.1.call-start
scs
__scs_entry_jumppad:
0x0: {  	(pc) =	sbr.rel $0x88, $3  }
0x1: {  	(tag) =	ssettag $0x0;
	lr =	simm.s32 $0x1  }
0x2: {  	[smem:$0x3F77] =	sst lr;
	_ =	strace $0xD0000000  }
0x3: {  	_ = 	snop  }
0x4: {  	_ = 	snop  }
0x5: {  	_ = 	snop  }
0x6: {  	_ = 	snop  }
0x7: {  	_ = 	snop  }
__scs_overlays_trampoline_lowered:
0x8: {  	[smem:$0x3F86] =	sst s0  }
0x9: {  	[smem:$0x3F87] =	sst s1  }
0xa: {  	[smem:$0x3F88] =	sst s2  }
0xb: {  	[smem:$0x3F89] =	sst s3  }
0xc: {  	[smem:$0x3F8A] =	sst s4  }
0xd: {  	[smem:$0x3F8B] =	sst s5  }
0xe: {  	[smem:$0x3F8C] =	sst s6  }
0xf: {  	[smem:$0x3F8D] =	sst s7  }
0x10: {  	[smem:$0x3F8E] =	sst s8  }
0x11: {  	[smem:$0x3F8F] =	sst s9;
	s0 =	simm.s32 @!p0 $0x0  }
0x12: {  	s1 =	sld [smem:$0x3F75];
	s0 =	simm.s32 @p0 $0x1  }
0x13: {  	[smem:$0x3F90] =	sst s0;
	s0 =	simm.s32 @!p1 $0x0  }
0x14: {  	s2 =	sld [smem:$0x3F74];
	s0 =	simm.s32 @p1 $0x1  }
0x15: {  	[smem:$0x3F91] =	sst s0;
	s0 =	simm.s32 @!p2 $0x0  }
0x16: {  	s3 =	sld [smem:$0x3FDB];
	s0 =	simm.s32 @p2 $0x1  }
0x17: {  	s4 =	simm.s32 $0x1BF5;
	[smem:$0x3F93] =	sst s0  }
0x18: {  	s0 =	sld [smem:$0x3F76];
	_ =	swait.ge [sflag:s4], $0x0  }
0x19: {  	s7 =	sld [smem:$0x3F77]  }
0x1a: {  	s8 =	sadd.s32 $0xFFFFE003, lr  }
0x1b: {  	s9 =	sadd.s32 $0xFFFFFEF7, lr;
	s5 =	simm.s32 $0xFFFFFFFF;
	p2 =	slt.u32 s8, $0xFFFFF086  }
0x1c: {  	p1 =	slt.u32 s9, $0xF7A;
	s5 =	simm.s32 @!p2 $0x0  }
0x1d: {  	s5 =	simm.s32 @p1 $0x1;
	p0 =	seq.s32 s7, s2  }
0x1e: {  	s7 =	smul.u32 @!p0 $0xF7A, s2;
	p2 =	seq.s32 @!p0 s5, $0x0  }
0x1f: {  	s9 =	smul.u32 $0xF7A, s1;
	s8 =	simm.s32 @!p0 $0x1BF5;
	p2 =	por !p2, p0  }
0x20: {  	[sflag:s8] =	ssyncset.s32 @!p0 $0xFFFFF086;
	s6 =	sadd.s32 @!p0 s3, s7;
	s7 =	simm.s32 @!p0 $0x108  }
0x21: {  	s3 =	sadd.s32 s3, s9;
	s6 =	sadd.s32 @!p0 $0x88, s6;
	s7 =	simm.s32 @p2 $0x1082  }
0x22: {  	[simem:s7], [sflag:s8] =	dma.local @!p0 [hbm:s6], $0xF7A  }
0x23: {  	s9 =	sor.u32 $0xD0000000, s2;
	s6 =	simm.s32 $0x108;
	_ =	swait.ge @!p0 [sflag:s8], $0x0  }
0x24: {  	s3 =	sadd.s32 $0x88, s3;
	s6 =	simm.s32 @!p1 $0x1082;
	[sflag:s4] =	ssyncset.s32 $0xFFFFF086  }
0x25: {  	[simem:s6], [sflag:s4] =	dma.local [hbm:s3], $0xF7A  }
0x26: {  	[smem:$0x3F77] =	sst s1;
	(tag) =	ssettag s2;
	_ =	strace s9  }
0x27: {  	s1 =	sld [smem:$0x3F87]  }
0x28: {  	s2 =	sld [smem:$0x3F88]  }
0x29: {  	s4 =	sld [smem:$0x3F8A]  }
0x2a: {  	p0 =	seq.s32 s5, $0x0;
	s5 =	sld [smem:$0x3F8B]  }
0x2b: {  	s6 =	sld [smem:$0x3F8C]  }
0x2c: {  	s7 =	sld [smem:$0x3F8D]  }
0x2d: {  	s3 =	simm.s32 $0x108;
	s8 =	sld [smem:$0x3F8E]  }
0x2e: {  	s3 =	simm.s32 @!p0 $0x1082;
	s9 =	sld [smem:$0x3F8F]  }
0x2f: {  	lr =	sadd.s32 s0, s3;
	s0 =	sld [smem:$0x3F86]  }
0x30: {  	s3 =	sld [smem:$0x3F89]  }
0x31: {  	[smem:$0x3F92] =	sst s10  }
0x32: {  	s10 =	sld [smem:$0x3F90];
	_ =	sdelay $0x3  }
0x33: {  	p0 =	seq.s32 s10, $0x1;
	s10 =	sld [smem:$0x3F92];
	_ =	sdelay $0x3  }
0x34: {  	[smem:$0x3F92] =	sst s10  }
0x35: {  	s10 =	sld [smem:$0x3F91];
	_ =	sdelay $0x3  }
0x36: {  	p1 =	seq.s32 s10, $0x1;
	s10 =	sld [smem:$0x3F92];
	_ =	sdelay $0x3  }
0x37: {  	[smem:$0x3F92] =	sst s10  }
0x38: {  	s10 =	sld [smem:$0x3F93]  }
0x39: {  	_ = 	snop;
	(pc) =	sbr.ind lr, $3  }
0x3a: {  	_ = 	snop  }
0x3b: {  	_ = 	snop  }
0x3c: {  	p2 =	seq.s32 s10, $0x1;
	s10 =	sld [smem:$0x3F92]  }
0x3d: {  	_ =	shalt  }
0x3e: {  	_ =	shalt  }
0x3f: {  	_ =	shalt  }
0x40: {  	_ =	shalt  }
0x41: {  	_ =	shalt  }
0x42: {  	_ =	shalt  }
0x43: {  	_ =	shalt  }
0x44: {  	_ =	shalt  }
0x45: {  	_ =	shalt  }
0x46: {  	_ =	shalt  }
0x47: {  	_ =	shalt  }
0x48: {  	_ =	shalt  }
0x49: {  	_ =	shalt  }
0x4a: {  	_ =	shalt  }
0x4b: {  	_ =	shalt  }
0x4c: {  	_ =	shalt  }
0x4d: {  	_ =	shalt  }
0x4e: {  	_ =	shalt  }
0x4f: {  	_ =	shalt  }
0x50: {  	_ =	shalt  }
0x51: {  	_ =	shalt  }
0x52: {  	_ =	shalt  }
0x53: {  	_ =	shalt  }
0x54: {  	_ =	shalt  }
0x55: {  	_ =	shalt  }
0x56: {  	_ =	shalt  }
0x57: {  	_ =	shalt  }
0x58: {  	_ =	shalt  }
0x59: {  	_ =	shalt  }
0x5a: {  	_ =	shalt  }
0x5b: {  	_ =	shalt  }
0x5c: {  	_ =	shalt  }
0x5d: {  	_ =	shalt  }
0x5e: {  	_ =	shalt  }
0x5f: {  	_ =	shalt  }
0x60: {  	_ =	shalt  }
0x61: {  	_ =	shalt  }
0x62: {  	_ =	shalt  }
0x63: {  	_ =	shalt  }
0x64: {  	_ =	shalt  }
0x65: {  	_ =	shalt  }
0x66: {  	_ =	shalt  }
0x67: {  	_ =	shalt  }
0x68: {  	_ =	shalt  }
0x69: {  	_ =	shalt  }
0x6a: {  	_ =	shalt  }
0x6b: {  	_ =	shalt  }
0x6c: {  	_ =	shalt  }
0x6d: {  	_ =	shalt  }
0x6e: {  	_ =	shalt  }
0x6f: {  	_ =	shalt  }
0x70: {  	_ =	shalt  }
0x71: {  	_ =	shalt  }
0x72: {  	_ =	shalt  }
0x73: {  	_ =	shalt  }
0x74: {  	_ =	shalt  }
0x75: {  	_ =	shalt  }
0x76: {  	_ =	shalt  }
0x77: {  	_ =	shalt  }
0x78: {  	_ =	shalt  }
0x79: {  	_ =	shalt  }
0x7a: {  	_ =	shalt  }
0x7b: {  	_ =	shalt  }
0x7c: {  	_ =	shalt  }
0x7d: {  	_ =	shalt  }
0x7e: {  	_ =	shalt  }
0x7f: {  	_ =	shalt  }
0x80: {  	_ =	shalt  }
0x81: {  	_ =	shalt  }
0x82: {  	_ =	shalt  }
0x83: {  	_ =	shalt  }
0x84: {  	_ =	shalt  }
0x85: {  	_ =	shalt  }
0x86: {  	_ =	shalt  }
0x87: {  	_ =	shalt  }
.Lfunc_end0:
.L_simem_size_0:
called_computation.5_lowered:
.L_overlay_start_0:
0x88: {  	s2 =	sld [smem:$0x3FD9]  }
0x89: {  	s3 =	sld [smem:$0x3FFE];
	_ =	sdelay $0x1  }
0x8a: {  	s1 =	srdreg.scid  }
0x8b: {  	s0 =	sand.u32 $0x1, s1  }
0x8c: {  	s16 =	sshll.u32 s0, $0xA;
	s2 =	sadd.s32 s3, s2  }
0x8d: {  	s2 =	sadd.s32 s2, s16  }
0x8e: {  	[smem:$0x3F9E] =	sst s2  }
0x8f: {  	_ = 	snop  }
0x90: {  	(tm) =	ssettm $0x1  }
0x91: {  	s17 =	sld [smem:$0x3FFB];
	_ =	sdelay $0x3  }
0x92: {  	_ =	strace s17  }
0x93: {  	s2 =	sld [smem:$0x3FFC];
	_ =	sdelay $0x3  }
0x94: {  	_ =	strace s2  }
0x95: {  	s2 =	sld [smem:$0x3FFD];
	_ =	sdelay $0x3  }
0x96: {  	_ =	strace s2  }
0x97: {  	_ =	strace $0x8FFFFFFF  }
0x98: {  	s18 =	sld [smem:$0x3FDB];
	_ =	sdelay $0x1  }
0x99: {  	s19 =	simm.s32 $_scs_section_size  }
0x9a: {  	s4 =	simm.s32 $_size__tile_overlayer_lowered;
	s5 =	simm.s32 $_tile_overlayer_lowered  }
0x9b: {  	s22 =	simm.s32 $0x1BFF;
	s21 =	sshll.u32 s5, $0x1;
	s2 =	sadd.s32 s19, s18  }
0x9c: {  	s6 =	simm.s32 $0x0;
	s20 =	sshll.u32 s4, $0x1;
	s4 =	sadd.s32 s21, s2  }
0x9d: {  	[timem:s6], [sflag:s22] =	dma.local [hbm:s4], s20  }
0x9e: {  	_ =	swait.ge [sflag:s22], s20  }
0x9f: {  	s3 =	ssub.s32 $0x0, s20;
	[sflag:s22] =	ssyncset.done $0x0  }
0xa0: {  	[sflag:s22] =	ssyncadd.s32 s3;
	_ =	sdelay $0x1  }
0xa1: {  	s23 =	simm.s32 $0x1B8B  }
0xa2: {  	_ =	swait.ge [sflag:s23], $0x1  }
0xa3: {  	[sflag:s23] =	ssyncset.done $0x0  }
0xa4: {  	s25 =	simm.s32 $0x1B8E;
	s24 =	sld [smem:$0x3FFE];
	[sflag:s23] =	ssyncadd.s32 $0xFFFFFFFF  }
0xa5: {  	s26 =	simm.s32 $execute0_lowered;
	[smem:$0x3FD2] =	sst s25  }
0xa6: {  	s4 =	sshll.u32 s26, $0x1;
	_ =	strace $0x80000058;
	[dreg:$0x1] =	wrdreg $0xFFFFFFFF  }
0xa7: {  	s28 =	simm.s32 $_size_execute0_lowered;
	s2 =	sadd.s32 s2, s4;
	[dreg:$0x0] =	wrdreg $0x0  }
0xa8: {  	s4 =	sshll.u32 s28, $0x1;
	[dreg:$0x2] =	wrdreg s2  }
0xa9: {  	[dreg:$0x3] =	wrdreg s4  }
0xaa: {  	[dreg:$0x4] =	wrdreg $0xC0  }
0xab: {  	_ =	task [dreg:s6], $0x5FFFF  }
0xac: {  	[dreg:$0x1] =	wrdreg $0xFFFFFFFF  }
0xad: {  	[dreg:$0x0] =	wrdreg $0x60  }
0xae: {  	[dreg:$0x2] =	wrdreg s24  }
0xaf: {  	[dreg:$0x3] =	wrdreg $0x9  }
0xb0: {  	_ =	task.clear_ibuf [dreg:s6], $0x4FFFF;
	_ =	strace $0x90000058  }
0xb1: {  	s29 =	simm.s32 $0x9;
	_ =	strace $0x8000005A  }
0xb2: {  	_ =	swait.ge [sflag:s29], $0x1  }
0xb3: {  	[sflag:s29] =	ssyncadd.s32 $0xFFFFFFFF  }
0xb4: {  	_ =	strace $0x9000005A  }
0xb5: {  	_ =	sfence  }
0xb6: {  	s30 =	sld [smem:$0x0];
	_ =	sdelay $0x2  }
0xb7: {  	s31 =	sshll.u32 s1, $0xD;
	s1 =	sshrl.u32 s1, $0x2  }
0xb8: {  	s3 =	sand.u32 $0x4000, s31;
	s1 =	sadd.s32 s1, s30  }
0xb9: {  	s0 =	sor.u32 s3, s0;
	s1 =	sshll.u32 s1, $0x11  }
0xba: {  	s0 =	sor.u32 s1, s0  }
0xbb: {  	s0 =	sadd.s32 $0x8F2B, s0  }
0xbc: {  	[sflag:s0] =	ssyncadd.remote.s32 $0x1  }
0xbd: {  	_ =	sfence.sel $0xFFFF  }
0xbe: {  	[dreg:$0x0] =	wrdreg $0xFFFFFFFF;
	(pc) =	sbr.abs _section_cstart, $3  }
0xbf: {  	[dreg:$0x1] =	wrdreg $0xFFFFFFFF  }
0xc0: {  	_ =	task.clear_ibuf [dreg:s6], $0x2FFFF;
	_ =	strace $0x9FFFFFFF  }
0xc1: {  	(tm) =	ssettm $0x7FFFFFFF  }
tec
execute0_lowered:
.L_overlay_start_1:
0x0: {  	(tag) =	ssettag $0x1  }
0x1: {  	s3 =	rddreg [dreg:$0x0]  }
0x2: {  	s0 =	rddreg [dreg:$0x1];
	s2 =	simm.s32 $0x0;
	s1 =	stileid.u32  }
0x3: {  	s5 =	srdreg.scid;
	s11 =	simm.s32 $0x100;
	s12 =	simm.s32 $0x8400  }
0x4: {  	s13 =	simm.s32 $0x180;
	s14 =	simm.s32 $0xC400;
	s15 =	simm.s32 $0x1  }
0x5: {  	s16 =	simm.s32 $0x200;
	s17 =	simm.s32 $0x280;
	s18 =	simm.s32 $0x300  }
0x6: {  	s19 =	simm.s32 $0x380;
	s20 =	simm.s32 $0x0;
	s4 =	smul.u32 $0x1900, s1  }
0x7: {  	[smem:$0x7FF] =	sst s2;
	s6 =	smul.u32 $0xC8000, s1;
	s5 =	sand.u32 $0x1, s5  }
0x8: {  	_ =	strace $0x80000059;
	s29 =	ssub.s32 $0x2, s5;
	s8 =	smul.u32 $0x64000, s5  }
0x9: {  	s10 =	smul.u32 $0xC80, s5;
	s7 =	sadd.s32 s4, s3;
	s9 =	sshrl.u32 s29, $0x1  }
0xa: {  	s6 =	sadd.s32 s6, s3;
	s3 =	sadd.s32 $0x27FE00, s3;
	s4 =	ssub.s32 s29, s9  }
0xb: {  	s30 =	sadd.s32 s8, s6;
	s31 =	sadd.s32 s10, s7;
	s7 =	simm.s32 $0x2  }
0xc: {  	s8 =	simm.s32 $0x80;
	s9 =	simm.s32 $0x400;
	s10 =	simm.s32 $0x4400  }
0xd: {  	s4 =	smax.u32 s4, $0x1;
	s5 =	sadd.s32 $0x406C00, s30;
	s6 =	sadd.s32 $0x3EDC00, s31  }
.LBB2_1:
0xe: {  	s21 =	sadd.s32 $0x0, s6  }
0xf: {  	[tilespmem:s2], [sflag:$0x2] =	stream.linear.gather [hbm4b:s21+s2], $0x400, $0x38;
	[tilespmem:$0x10400] =	vst v63  }
0x10: {  	_ =	swait.ge [sflag:s7], $0x400  }
0x11: {  	[sflag:s7] =	ssyncset.done $0x0  }
0x12: {  	[sflag:s7] =	ssyncadd.s32 $0xFFFFFC00  }
0x13: {  	[tilespmem:s9], [sflag:$0x1] =	stream.indirect.gather [hbm4b:s3+s8], $0x80, s2, s8, $0xb8;
	[tilespmem:$0x10400] =	vst v63  }
0x14: {  	_ = 	snop  }
0x15: {  	[tilespmem:s10], [sflag:$0x1] =	stream.indirect.gather [hbm4b:s3+s8], $0x80, s8, s8, $0xb8;
	[tilespmem:$0x10400] =	vst v63  }
0x16: {  	_ = 	snop  }
0x17: {  	[tilespmem:s12], [sflag:$0x1] =	stream.indirect.gather [hbm4b:s3+s8], $0x80, s11, s8, $0xb8;
	[tilespmem:$0x10400] =	vst v63  }
0x18: {  	_ = 	snop  }
0x19: {  	[tilespmem:s14], [sflag:$0x1] =	stream.indirect.gather [hbm4b:s3+s8], $0x80, s13, s8, $0xb8;
	[tilespmem:$0x10400] =	vst v63  }
0x1a: {  	_ =	swait.ge [sflag:s15], $0x4000  }
0x1b: {  	[sflag:s15] =	ssyncset.done $0x0  }
0x1c: {  	[sflag:s15] =	ssyncadd.s32 $0xFFFFC000  }
0x1d: {  	_ =	swait.ge [sflag:s15], $0x4000  }
0x1e: {  	[sflag:s15] =	ssyncset.done $0x0  }
0x1f: {  	[sflag:s15] =	ssyncadd.s32 $0xFFFFC000  }
0x20: {  	_ =	swait.ge [sflag:s15], $0x4000  }
0x21: {  	[sflag:s15] =	ssyncset.done $0x0  }
0x22: {  	[sflag:s15] =	ssyncadd.s32 $0xFFFFC000  }
0x23: {  	_ =	swait.ge [sflag:s15], $0x4000  }
0x24: {  	[sflag:s15] =	ssyncset.done $0x0  }
0x25: {  	[sflag:s15] =	ssyncadd.s32 $0xFFFFC000  }
0x26: {  	[hbm4b:s5+s2] =	stream.linear.scatter [tilespmem:s9], [sflag:$0x2], $0x10000, $0x38;
	[tilespmem:$0x10400] =	vst v63  }
0x27: {  	_ =	swait.ge [sflag:s7], $0x10000  }
0x28: {  	[sflag:s7] =	ssyncset.done $0x0  }
0x29: {  	[sflag:s7] =	ssyncadd.s32 $0xFFFF0000  }
0x2a: {  	[tilespmem:s9], [sflag:$0x1] =	stream.indirect.gather [hbm4b:s3+s8], $0x80, s16, s8, $0xb8;
	[tilespmem:$0x10400] =	vst v63  }
0x2b: {  	_ = 	snop  }
0x2c: {  	[tilespmem:s10], [sflag:$0x1] =	stream.indirect.gather [hbm4b:s3+s8], $0x80, s17, s8, $0xb8;
	[tilespmem:$0x10400] =	vst v63  }
0x2d: {  	_ = 	snop  }
0x2e: {  	[tilespmem:s12], [sflag:$0x1] =	stream.indirect.gather [hbm4b:s3+s8], $0x80, s18, s8, $0xb8;
	[tilespmem:$0x10400] =	vst v63  }
0x2f: {  	_ = 	snop  }
0x30: {  	[tilespmem:s14], [sflag:$0x1] =	stream.indirect.gather [hbm4b:s3+s8], $0x80, s19, s8, $0xb8;
	[tilespmem:$0x10400] =	vst v63  }
0x31: {  	_ =	swait.ge [sflag:s15], $0x4000  }
0x32: {  	[sflag:s15] =	ssyncset.done $0x0  }
0x33: {  	[sflag:s15] =	ssyncadd.s32 $0xFFFFC000  }
0x34: {  	_ =	swait.ge [sflag:s15], $0x4000  }
0x35: {  	[sflag:s15] =	ssyncset.done $0x0  }
0x36: {  	[sflag:s15] =	ssyncadd.s32 $0xFFFFC000  }
0x37: {  	_ =	swait.ge [sflag:s15], $0x4000  }
0x38: {  	[sflag:s15] =	ssyncset.done $0x0  }
0x39: {  	[sflag:s15] =	ssyncadd.s32 $0xFFFFC000  }
0x3a: {  	_ =	swait.ge [sflag:s15], $0x4000  }
0x3b: {  	[sflag:s15] =	ssyncset.done $0x0  }
0x3c: {  	s31 =	sadd.s32 $0x2000, s5;
	[sflag:s15] =	ssyncadd.s32 $0xFFFFC000  }
0x3d: {  	[hbm4b:s31+s2] =	stream.linear.scatter [tilespmem:s9], [sflag:$0x2], $0x10000, $0x38;
	[tilespmem:$0x10400] =	vst v63  }
0x3e: {  	s22 =	simm.s32 $0x80;
	_ =	swait.ge [sflag:s7], $0x10000  }
0x3f: {  	s24 =	simm.s32 $0x100;
	s21 =	sadd.s32 $0x4000, s5;
	[sflag:s7] =	ssyncset.done $0x0  }
.LBB2_2:
0x40: {  	s25 =	sadd.s32 s22, s6  }
0x41: {  	[sflag:s7] =	ssyncadd.s32 $0xFFFF0000;
	s22 =	smov.u32 s24;
	s23 =	sadd.s32 $0x80, s24  }
0x42: {  	[tilespmem:s2], [sflag:$0x2] =	stream.linear.gather [hbm4b:s25+s2], $0x400, $0x38;
	[tilespmem:$0x10400] =	vst v63  }
0x43: {  	p0 =	sne.s32 s24, $0xC00;
	_ =	swait.ge [sflag:s7], $0x400  }
0x44: {  	[sflag:s7] =	ssyncset.done $0x0  }
0x45: {  	[sflag:s7] =	ssyncadd.s32 $0xFFFFFC00  }
0x46: {  	[tilespmem:s9], [sflag:$0x1] =	stream.indirect.gather [hbm4b:s3+s8], $0x80, s2, s8, $0xb8;
	[tilespmem:$0x10400] =	vst v63  }
0x47: {  	_ = 	snop  }
0x48: {  	[tilespmem:s10], [sflag:$0x1] =	stream.indirect.gather [hbm4b:s3+s8], $0x80, s8, s8, $0xb8;
	[tilespmem:$0x10400] =	vst v63  }
0x49: {  	_ = 	snop  }
0x4a: {  	[tilespmem:s12], [sflag:$0x1] =	stream.indirect.gather [hbm4b:s3+s8], $0x80, s11, s8, $0xb8;
	[tilespmem:$0x10400] =	vst v63  }
0x4b: {  	_ = 	snop  }
0x4c: {  	[tilespmem:s14], [sflag:$0x1] =	stream.indirect.gather [hbm4b:s3+s8], $0x80, s13, s8, $0xb8;
	[tilespmem:$0x10400] =	vst v63  }
0x4d: {  	_ =	swait.ge [sflag:s15], $0x4000  }
0x4e: {  	[sflag:s15] =	ssyncset.done $0x0  }
0x4f: {  	[sflag:s15] =	ssyncadd.s32 $0xFFFFC000  }
0x50: {  	_ =	swait.ge [sflag:s15], $0x4000  }
0x51: {  	[sflag:s15] =	ssyncset.done $0x0  }
0x52: {  	[sflag:s15] =	ssyncadd.s32 $0xFFFFC000  }
0x53: {  	_ =	swait.ge [sflag:s15], $0x4000  }
0x54: {  	[sflag:s15] =	ssyncset.done $0x0  }
0x55: {  	[sflag:s15] =	ssyncadd.s32 $0xFFFFC000  }
0x56: {  	_ =	swait.ge [sflag:s15], $0x4000  }
0x57: {  	[sflag:s15] =	ssyncset.done $0x0  }
0x58: {  	[sflag:s15] =	ssyncadd.s32 $0xFFFFC000  }
0x59: {  	[hbm4b:s21+s2] =	stream.linear.scatter [tilespmem:s9], [sflag:$0x2], $0x10000, $0x38;
	[tilespmem:$0x10400] =	vst v63  }
0x5a: {  	_ =	swait.ge [sflag:s7], $0x10000  }
0x5b: {  	[sflag:s7] =	ssyncset.done $0x0  }
0x5c: {  	[sflag:s7] =	ssyncadd.s32 $0xFFFF0000  }
0x5d: {  	[tilespmem:s9], [sflag:$0x1] =	stream.indirect.gather [hbm4b:s3+s8], $0x80, s16, s8, $0xb8;
	[tilespmem:$0x10400] =	vst v63  }
0x5e: {  	_ = 	snop  }
0x5f: {  	[tilespmem:s10], [sflag:$0x1] =	stream.indirect.gather [hbm4b:s3+s8], $0x80, s17, s8, $0xb8;
	[tilespmem:$0x10400] =	vst v63  }
0x60: {  	_ = 	snop  }
0x61: {  	[tilespmem:s12], [sflag:$0x1] =	stream.indirect.gather [hbm4b:s3+s8], $0x80, s18, s8, $0xb8;
	[tilespmem:$0x10400] =	vst v63  }
0x62: {  	_ = 	snop  }
0x63: {  	[tilespmem:s14], [sflag:$0x1] =	stream.indirect.gather [hbm4b:s3+s8], $0x80, s19, s8, $0xb8;
	[tilespmem:$0x10400] =	vst v63  }
0x64: {  	_ =	swait.ge [sflag:s15], $0x4000  }
0x65: {  	[sflag:s15] =	ssyncset.done $0x0  }
0x66: {  	[sflag:s15] =	ssyncadd.s32 $0xFFFFC000  }
0x67: {  	_ =	swait.ge [sflag:s15], $0x4000  }
0x68: {  	[sflag:s15] =	ssyncset.done $0x0  }
0x69: {  	[sflag:s15] =	ssyncadd.s32 $0xFFFFC000  }
0x6a: {  	_ =	swait.ge [sflag:s15], $0x4000  }
0x6b: {  	[sflag:s15] =	ssyncset.done $0x0  }
0x6c: {  	[sflag:s15] =	ssyncadd.s32 $0xFFFFC000  }
0x6d: {  	_ =	swait.ge [sflag:s15], $0x4000  }
.Ltmp0:
0x6e: {  	[sflag:s15] =	ssyncset.done $0x0;
	(pc) =	sbr.rel @p0 .LBB2_2-.Ltmp0, $4  }
0x6f: {  	s24 =	sadd.s32 $0x2000, s21;
	[sflag:s15] =	ssyncadd.s32 $0xFFFFC000  }
0x70: {  	[hbm4b:s24+s2] =	stream.linear.scatter [tilespmem:s9], [sflag:$0x2], $0x10000, $0x38;
	[tilespmem:$0x10400] =	vst v63  }
0x71: {  	_ =	swait.ge [sflag:s7], $0x10000  }
0x72: {  	s21 =	sadd.s32 $0x4000, s21;
	s24 =	smov.u32 s23;
	[sflag:s7] =	ssyncset.done $0x0  }
0x73: {  	s22 =	sadd.s32 s22, s6;
	[sflag:s7] =	ssyncadd.s32 $0xFFFF0000  }
0x74: {  	[tilespmem:s2], [sflag:$0x2] =	stream.linear.gather [hbm4b:s22+s2], $0x400, $0x38;
	[tilespmem:$0x10400] =	vst v63  }
0x75: {  	_ =	swait.ge [sflag:s7], $0x400  }
0x76: {  	[sflag:s7] =	ssyncset.done $0x0  }
0x77: {  	[sflag:s7] =	ssyncadd.s32 $0xFFFFFC00  }
0x78: {  	[tilespmem:s9], [sflag:$0x1] =	stream.indirect.gather [hbm4b:s3+s8], $0x80, s2, s8, $0xb8;
	[tilespmem:$0x10400] =	vst v63  }
0x79: {  	_ = 	snop  }
0x7a: {  	[tilespmem:s10], [sflag:$0x1] =	stream.indirect.gather [hbm4b:s3+s8], $0x80, s8, s8, $0xb8;
	[tilespmem:$0x10400] =	vst v63  }
0x7b: {  	_ = 	snop  }
0x7c: {  	[tilespmem:s12], [sflag:$0x1] =	stream.indirect.gather [hbm4b:s3+s8], $0x80, s11, s8, $0xb8;
	[tilespmem:$0x10400] =	vst v63  }
0x7d: {  	_ = 	snop  }
0x7e: {  	[tilespmem:s14], [sflag:$0x1] =	stream.indirect.gather [hbm4b:s3+s8], $0x80, s13, s8, $0xb8;
	[tilespmem:$0x10400] =	vst v63  }
0x7f: {  	_ =	swait.ge [sflag:s15], $0x4000  }
0x80: {  	[sflag:s15] =	ssyncset.done $0x0  }
0x81: {  	[sflag:s15] =	ssyncadd.s32 $0xFFFFC000  }
0x82: {  	_ =	swait.ge [sflag:s15], $0x4000  }
0x83: {  	[sflag:s15] =	ssyncset.done $0x0  }
0x84: {  	[sflag:s15] =	ssyncadd.s32 $0xFFFFC000  }
0x85: {  	_ =	swait.ge [sflag:s15], $0x4000  }
0x86: {  	[sflag:s15] =	ssyncset.done $0x0  }
0x87: {  	[sflag:s15] =	ssyncadd.s32 $0xFFFFC000  }
0x88: {  	_ =	swait.ge [sflag:s15], $0x4000  }
0x89: {  	[sflag:s15] =	ssyncset.done $0x0  }
0x8a: {  	[sflag:s15] =	ssyncadd.s32 $0xFFFFC000  }
0x8b: {  	[hbm4b:s21+s2] =	stream.linear.scatter [tilespmem:s9], [sflag:$0x2], $0x10000, $0x38;
	[tilespmem:$0x10400] =	vst v63  }
0x8c: {  	_ =	swait.ge [sflag:s7], $0x10000  }
0x8d: {  	[sflag:s7] =	ssyncset.done $0x0  }
0x8e: {  	[sflag:s7] =	ssyncadd.s32 $0xFFFF0000  }
0x8f: {  	[tilespmem:s9], [sflag:$0x1] =	stream.indirect.gather [hbm4b:s3+s8], $0x80, s16, s8, $0xb8;
	[tilespmem:$0x10400] =	vst v63  }
0x90: {  	_ = 	snop  }
0x91: {  	[tilespmem:s10], [sflag:$0x1] =	stream.indirect.gather [hbm4b:s3+s8], $0x80, s17, s8, $0xb8;
	[tilespmem:$0x10400] =	vst v63  }
0x92: {  	_ = 	snop  }
0x93: {  	[tilespmem:s12], [sflag:$0x1] =	stream.indirect.gather [hbm4b:s3+s8], $0x80, s18, s8, $0xb8;
	[tilespmem:$0x10400] =	vst v63  }
0x94: {  	_ = 	snop  }
0x95: {  	[tilespmem:s14], [sflag:$0x1] =	stream.indirect.gather [hbm4b:s3+s8], $0x80, s19, s8, $0xb8;
	[tilespmem:$0x10400] =	vst v63  }
0x96: {  	_ =	swait.ge [sflag:s15], $0x4000  }
0x97: {  	[sflag:s15] =	ssyncset.done $0x0  }
0x98: {  	[sflag:s15] =	ssyncadd.s32 $0xFFFFC000  }
0x99: {  	_ =	swait.ge [sflag:s15], $0x4000  }
0x9a: {  	[sflag:s15] =	ssyncset.done $0x0  }
0x9b: {  	[sflag:s15] =	ssyncadd.s32 $0xFFFFC000  }
0x9c: {  	_ =	swait.ge [sflag:s15], $0x4000  }
0x9d: {  	[sflag:s15] =	ssyncset.done $0x0  }
0x9e: {  	[sflag:s15] =	ssyncadd.s32 $0xFFFFC000  }
0x9f: {  	s20 =	sadd.s32 $0x1, s20;
	_ =	swait.ge [sflag:s15], $0x4000  }
0xa0: {  	p0 =	sne.s32 s20, s4;
	[sflag:s15] =	ssyncset.done $0x0  }
.Ltmp1:
0xa1: {  	s31 =	sadd.s32 $0x2000, s21;
	[sflag:s15] =	ssyncadd.s32 $0xFFFFC000;
	(pc) =	sbr.rel @p0 .LBB2_1-.Ltmp1, $4  }
0xa2: {  	[hbm4b:s31+s2] =	stream.linear.scatter [tilespmem:s9], [sflag:$0x2], $0x10000, $0x38;
	[tilespmem:$0x10400] =	vst v63  }
0xa3: {  	_ =	swait.ge [sflag:s7], $0x10000  }
0xa4: {  	[sflag:s7] =	ssyncset.done $0x0  }
0xa5: {  	[sflag:s7] =	ssyncadd.s32 $0xFFFF0000  }
0xa6: {  	_ =	sfence.sel $0x180000  }
0xa7: {  	[bflag:$0x0] =	sbarrier.arrive $0xFFFF  }
0xa8: {  	p0 =	sne.s32 s1, $0x0;
	_ =	strace $0x90000059  }
0xa9: {  	s0 =	sadd.s32 @!p0 $0x100000, s0;
	[bflag:$0x2] =	sbarrier.arrive $0xFFFF  }
0xaa: {  	[sflag:s0] =	ssyncadd.tile.s32 @!p0 $0x1;
	_ =	shalt  }
.Lfunc_end2:
_tile_overlayer_lowered:
.L_overlay_start_2:
0xab: {  	(tag) =	ssettag $0x2  }
0xac: {  	s0 =	rddreg [dreg:$0x0];
	s2 =	stileid.u32  }
0xad: {  	s1 =	rddreg [dreg:$0x1];
	p0 =	sne.s32 s2, $0x0  }
0xae: {  	s3 =	rddreg [dreg:$0x2];
	[bflag:$0x3] =	sbarrier.arrive $0xFFFF;
	s2 =	simm.s32 @!p0 $0x1C02  }
0xaf: {  	[timem:s3], [sflag:s2] =	dma.local @!p0 [hbm:s0], s1  }
0xb0: {  	s0 =	simm.s32 @!p0 $0x2  }
0xb1: {  	_ =	swait.ge @!p0 [sflag:s0], s1  }
0xb2: {  	s1 =	ssub.s32 @!p0 $0x0, s1;
	[sflag:s0] =	ssyncset.done @!p0 $0x0  }
0xb3: {  	[sflag:s0] =	ssyncadd.s32 @!p0 s1  }
0xb4: {  	[bflag:$0x3] =	sbarrier.arrive $0xFFFF  }
0xb5: {  	_ =	shalt  }

// kernel: scatter_offload_async_start.1
scs
__scs_entry_jumppad:
0x0: {  	(pc) =	sbr.rel $0x88, $3  }
0x1: {  	(tag) =	ssettag $0x0;
	lr =	simm.s32 $0x1  }
0x2: {  	[smem:$0x3F77] =	sst lr;
	_ =	strace $0xD0000000  }
0x3: {  	_ = 	snop  }
0x4: {  	_ = 	snop  }
0x5: {  	_ = 	snop  }
0x6: {  	_ = 	snop  }
0x7: {  	_ = 	snop  }
__scs_overlays_trampoline_lowered:
0x8: {  	[smem:$0x3F86] =	sst s0  }
0x9: {  	[smem:$0x3F87] =	sst s1  }
0xa: {  	[smem:$0x3F88] =	sst s2  }
0xb: {  	[smem:$0x3F89] =	sst s3  }
0xc: {  	[smem:$0x3F8A] =	sst s4  }
0xd: {  	[smem:$0x3F8B] =	sst s5  }
0xe: {  	[smem:$0x3F8C] =	sst s6  }
0xf: {  	[smem:$0x3F8D] =	sst s7  }
0x10: {  	[smem:$0x3F8E] =	sst s8  }
0x11: {  	[smem:$0x3F8F] =	sst s9;
	s0 =	simm.s32 @!p0 $0x0  }
0x12: {  	s1 =	sld [smem:$0x3F75];
	s0 =	simm.s32 @p0 $0x1  }
0x13: {  	[smem:$0x3F90] =	sst s0;
	s0 =	simm.s32 @!p1 $0x0  }
0x14: {  	s2 =	sld [smem:$0x3F74];
	s0 =	simm.s32 @p1 $0x1  }
0x15: {  	[smem:$0x3F91] =	sst s0;
	s0 =	simm.s32 @!p2 $0x0  }
0x16: {  	s3 =	sld [smem:$0x3FDB];
	s0 =	simm.s32 @p2 $0x1  }
0x17: {  	s4 =	simm.s32 $0x1BF5;
	[smem:$0x3F93] =	sst s0  }
0x18: {  	s0 =	sld [smem:$0x3F76];
	_ =	swait.ge [sflag:s4], $0x0  }
0x19: {  	s7 =	sld [smem:$0x3F77]  }
0x1a: {  	s8 =	sadd.s32 $0xFFFFE003, lr  }
0x1b: {  	s9 =	sadd.s32 $0xFFFFFEF7, lr;
	s5 =	simm.s32 $0xFFFFFFFF;
	p2 =	slt.u32 s8, $0xFFFFF086  }
0x1c: {  	p1 =	slt.u32 s9, $0xF7A;
	s5 =	simm.s32 @!p2 $0x0  }
0x1d: {  	s5 =	simm.s32 @p1 $0x1;
	p0 =	seq.s32 s7, s2  }
0x1e: {  	s7 =	smul.u32 @!p0 $0xF7A, s2;
	p2 =	seq.s32 @!p0 s5, $0x0  }
0x1f: {  	s9 =	smul.u32 $0xF7A, s1;
	s8 =	simm.s32 @!p0 $0x1BF5;
	p2 =	por !p2, p0  }
0x20: {  	[sflag:s8] =	ssyncset.s32 @!p0 $0xFFFFF086;
	s6 =	sadd.s32 @!p0 s3, s7;
	s7 =	simm.s32 @!p0 $0x108  }
0x21: {  	s3 =	sadd.s32 s3, s9;
	s6 =	sadd.s32 @!p0 $0x88, s6;
	s7 =	simm.s32 @p2 $0x1082  }
0x22: {  	[simem:s7], [sflag:s8] =	dma.local @!p0 [hbm:s6], $0xF7A  }
0x23: {  	s9 =	sor.u32 $0xD0000000, s2;
	s6 =	simm.s32 $0x108;
	_ =	swait.ge @!p0 [sflag:s8], $0x0  }
0x24: {  	s3 =	sadd.s32 $0x88, s3;
	s6 =	simm.s32 @!p1 $0x1082;
	[sflag:s4] =	ssyncset.s32 $0xFFFFF086  }
0x25: {  	[simem:s6], [sflag:s4] =	dma.local [hbm:s3], $0xF7A  }
0x26: {  	[smem:$0x3F77] =	sst s1;
	(tag) =	ssettag s2;
	_ =	strace s9  }
0x27: {  	s1 =	sld [smem:$0x3F87]  }
0x28: {  	s2 =	sld [smem:$0x3F88]  }
0x29: {  	s4 =	sld [smem:$0x3F8A]  }
0x2a: {  	p0 =	seq.s32 s5, $0x0;
	s5 =	sld [smem:$0x3F8B]  }
0x2b: {  	s6 =	sld [smem:$0x3F8C]  }
0x2c: {  	s7 =	sld [smem:$0x3F8D]  }
0x2d: {  	s3 =	simm.s32 $0x108;
	s8 =	sld [smem:$0x3F8E]  }
0x2e: {  	s3 =	simm.s32 @!p0 $0x1082;
	s9 =	sld [smem:$0x3F8F]  }
0x2f: {  	lr =	sadd.s32 s0, s3;
	s0 =	sld [smem:$0x3F86]  }
0x30: {  	s3 =	sld [smem:$0x3F89]  }
0x31: {  	[smem:$0x3F92] =	sst s10  }
0x32: {  	s10 =	sld [smem:$0x3F90];
	_ =	sdelay $0x3  }
0x33: {  	p0 =	seq.s32 s10, $0x1;
	s10 =	sld [smem:$0x3F92];
	_ =	sdelay $0x3  }
0x34: {  	[smem:$0x3F92] =	sst s10  }
0x35: {  	s10 =	sld [smem:$0x3F91];
	_ =	sdelay $0x3  }
0x36: {  	p1 =	seq.s32 s10, $0x1;
	s10 =	sld [smem:$0x3F92];
	_ =	sdelay $0x3  }
0x37: {  	[smem:$0x3F92] =	sst s10  }
0x38: {  	s10 =	sld [smem:$0x3F93]  }
0x39: {  	_ = 	snop;
	(pc) =	sbr.ind lr, $3  }
0x3a: {  	_ = 	snop  }
0x3b: {  	_ = 	snop  }
0x3c: {  	p2 =	seq.s32 s10, $0x1;
	s10 =	sld [smem:$0x3F92]  }
0x3d: {  	_ =	shalt  }
0x3e: {  	_ =	shalt  }
0x3f: {  	_ =	shalt  }
0x40: {  	_ =	shalt  }
0x41: {  	_ =	shalt  }
0x42: {  	_ =	shalt  }
0x43: {  	_ =	shalt  }
0x44: {  	_ =	shalt  }
0x45: {  	_ =	shalt  }
0x46: {  	_ =	shalt  }
0x47: {  	_ =	shalt  }
0x48: {  	_ =	shalt  }
0x49: {  	_ =	shalt  }
0x4a: {  	_ =	shalt  }
0x4b: {  	_ =	shalt  }
0x4c: {  	_ =	shalt  }
0x4d: {  	_ =	shalt  }
0x4e: {  	_ =	shalt  }
0x4f: {  	_ =	shalt  }
0x50: {  	_ =	shalt  }
0x51: {  	_ =	shalt  }
0x52: {  	_ =	shalt  }
0x53: {  	_ =	shalt  }
0x54: {  	_ =	shalt  }
0x55: {  	_ =	shalt  }
0x56: {  	_ =	shalt  }
0x57: {  	_ =	shalt  }
0x58: {  	_ =	shalt  }
0x59: {  	_ =	shalt  }
0x5a: {  	_ =	shalt  }
0x5b: {  	_ =	shalt  }
0x5c: {  	_ =	shalt  }
0x5d: {  	_ =	shalt  }
0x5e: {  	_ =	shalt  }
0x5f: {  	_ =	shalt  }
0x60: {  	_ =	shalt  }
0x61: {  	_ =	shalt  }
0x62: {  	_ =	shalt  }
0x63: {  	_ =	shalt  }
0x64: {  	_ =	shalt  }
0x65: {  	_ =	shalt  }
0x66: {  	_ =	shalt  }
0x67: {  	_ =	shalt  }
0x68: {  	_ =	shalt  }
0x69: {  	_ =	shalt  }
0x6a: {  	_ =	shalt  }
0x6b: {  	_ =	shalt  }
0x6c: {  	_ =	shalt  }
0x6d: {  	_ =	shalt  }
0x6e: {  	_ =	shalt  }
0x6f: {  	_ =	shalt  }
0x70: {  	_ =	shalt  }
0x71: {  	_ =	shalt  }
0x72: {  	_ =	shalt  }
0x73: {  	_ =	shalt  }
0x74: {  	_ =	shalt  }
0x75: {  	_ =	shalt  }
0x76: {  	_ =	shalt  }
0x77: {  	_ =	shalt  }
0x78: {  	_ =	shalt  }
0x79: {  	_ =	shalt  }
0x7a: {  	_ =	shalt  }
0x7b: {  	_ =	shalt  }
0x7c: {  	_ =	shalt  }
0x7d: {  	_ =	shalt  }
0x7e: {  	_ =	shalt  }
0x7f: {  	_ =	shalt  }
0x80: {  	_ =	shalt  }
0x81: {  	_ =	shalt  }
0x82: {  	_ =	shalt  }
0x83: {  	_ =	shalt  }
0x84: {  	_ =	shalt  }
0x85: {  	_ =	shalt  }
0x86: {  	_ =	shalt  }
0x87: {  	_ =	shalt  }
.Lfunc_end0:
.L_simem_size_0:
called_computation.1_lowered:
.L_overlay_start_0:
0x88: {  	s2 =	sld [smem:$0x3FD9]  }
0x89: {  	s3 =	sld [smem:$0x3FFE];
	_ =	sdelay $0x1  }
0x8a: {  	s1 =	srdreg.scid  }
0x8b: {  	s0 =	sand.u32 $0x1, s1  }
0x8c: {  	s15 =	sshll.u32 s0, $0xA;
	s2 =	sadd.s32 s3, s2  }
0x8d: {  	s2 =	sadd.s32 s2, s15  }
0x8e: {  	[smem:$0x3F9E] =	sst s2  }
0x8f: {  	_ = 	snop  }
0x90: {  	(tm) =	ssettm $0x1  }
0x91: {  	s16 =	sld [smem:$0x3FFB];
	_ =	sdelay $0x3  }
0x92: {  	_ =	strace s16  }
0x93: {  	s2 =	sld [smem:$0x3FFC];
	_ =	sdelay $0x3  }
0x94: {  	_ =	strace s2  }
0x95: {  	s2 =	sld [smem:$0x3FFD];
	_ =	sdelay $0x3  }
0x96: {  	_ =	strace s2  }
0x97: {  	_ =	strace $0x8FFFFFFF  }
0x98: {  	s17 =	sld [smem:$0x3FDB];
	_ =	sdelay $0x1  }
0x99: {  	s18 =	simm.s32 $_scs_section_size  }
0x9a: {  	s4 =	simm.s32 $_size__tile_overlayer_lowered;
	s5 =	simm.s32 $_tile_overlayer_lowered  }
0x9b: {  	s6 =	simm.s32 $0x1BFF;
	s19 =	sshll.u32 s5, $0x1;
	s3 =	sadd.s32 s18, s17  }
0x9c: {  	s20 =	simm.s32 $0x0;
	s4 =	sshll.u32 s4, $0x1;
	s5 =	sadd.s32 s19, s3  }
0x9d: {  	[timem:s20], [sflag:s6] =	dma.local [hbm:s5], s4  }
0x9e: {  	_ =	swait.ge [sflag:s6], s4  }
0x9f: {  	s4 =	ssub.s32 $0x0, s4;
	[sflag:s6] =	ssyncset.done $0x0  }
0xa0: {  	[sflag:s6] =	ssyncadd.s32 s4;
	_ =	sdelay $0x1  }
0xa1: {  	s21 =	simm.s32 $0x1B8B  }
0xa2: {  	_ =	swait.ge [sflag:s21], $0x1  }
0xa3: {  	[sflag:s21] =	ssyncset.done $0x0  }
0xa4: {  	s22 =	sld [smem:$0x3FFE];
	[sflag:s21] =	ssyncadd.s32 $0xFFFFFFFF  }
0xa5: {  	s24 =	simm.s32 $0x1B8E;
	s23 =	sld [smem:$0x0]  }
0xa6: {  	s25 =	simm.s32 $execute0_lowered;
	[smem:$0x3FD2] =	sst s24  }
0xa7: {  	s6 =	sshll.u32 s25, $0x1;
	_ =	strace $0x80000052;
	[dreg:$0x1] =	wrdreg $0xFFFFFFFF  }
0xa8: {  	s7 =	simm.s32 $_size_execute0_lowered;
	s6 =	sadd.s32 s3, s6;
	[dreg:$0x0] =	wrdreg $0x0  }
0xa9: {  	s7 =	sshll.u32 s7, $0x1;
	[dreg:$0x2] =	wrdreg s6  }
0xaa: {  	[dreg:$0x3] =	wrdreg s7  }
0xab: {  	[dreg:$0x4] =	wrdreg $0xC0  }
0xac: {  	s26 =	simm.s32 $execute1_lowered;
	_ =	task [dreg:s20], $0x5FFFF  }
0xad: {  	s6 =	sshll.u32 s26, $0x1;
	[dreg:$0x1] =	wrdreg $0xFFFFFFFF  }
0xae: {  	s3 =	sadd.s32 s3, s6;
	[dreg:$0x0] =	wrdreg $0x60  }
0xaf: {  	[dreg:$0x2] =	wrdreg s3  }
0xb0: {  	[dreg:$0x3] =	wrdreg s22  }
0xb1: {  	[dreg:$0x4] =	wrdreg $0x9  }
0xb2: {  	_ =	task.clear_ibuf [dreg:s20], $0x5FFFF;
	_ =	strace $0x90000052  }
0xb3: {  	s28 =	simm.s32 $0x9;
	_ =	strace $0x80000054  }
0xb4: {  	_ =	swait.ge [sflag:s28], $0x1  }
0xb5: {  	[sflag:s28] =	ssyncadd.s32 $0xFFFFFFFF  }
0xb6: {  	_ =	strace $0x90000054  }
0xb7: {  	s3 =	sld [smem:$0x0]  }
0xb8: {  	s6 =	sand.u32 $0xFFFFFFFE, s1  }
0xb9: {  	p0 =	sne.s32 s1, s6  }
0xba: {  	s6 =	sshll.u32 @p0 s6, $0xE  }
0xbb: {  	s6 =	sadd.s32 @p0 $0x11BF3, s6;
	s7 =	sshll.u32 @p0 s3, $0x11  }
0xbc: {  	s6 =	sor.u32 @p0 s7, s6  }
0xbd: {  	[sflag:s6] =	ssyncadd.remote.s32 @p0 $0x1;
	_ =	sdelay $0x1  }
0xbe: {  	s6 =	simm.s32 @p0 $0x1BF3  }
0xbf: {  	_ =	swait.eq @p0 [sflag:s6], $0x1  }
0xc0: {  	[sflag:s6] =	ssyncadd.s32 @p0 $0xFFFFFFFF  }
0xc1: {  	s7 =	sshll.u32 @!p0 s1, $0xE  }
0xc2: {  	s7 =	sor.u32 @!p0 $0x4000, s7;
	s6 =	simm.s32 @!p0 $0x1BF3  }
0xc3: {  	s3 =	sshll.u32 @!p0 s3, $0x11;
	s7 =	sadd.s32 @!p0 $0x11BF3, s7;
	_ =	swait.eq @!p0 [sflag:s6], $0x1  }
0xc4: {  	s3 =	sor.u32 @!p0 s3, s7;
	[sflag:s6] =	ssyncadd.s32 @!p0 $0xFFFFFFFF  }
0xc5: {  	[sflag:s3] =	ssyncadd.remote.s32 @!p0 $0x1  }
0xc6: {  	_ =	strace $0x80000055;
	[dreg:$0x1] =	wrdreg $0xFFFFFFFF  }
0xc7: {  	[dreg:$0x0] =	wrdreg $0x2030  }
0xc8: {  	[dreg:$0x2] =	wrdreg s22  }
0xc9: {  	[dreg:$0x3] =	wrdreg s1  }
0xca: {  	[dreg:$0x4] =	wrdreg s23  }
0xcb: {  	[dreg:$0x5] =	wrdreg $0xA  }
0xcc: {  	_ =	task.clear_ibuf [dreg:s20], $0x6FFFF;
	_ =	strace $0x90000055  }
0xcd: {  	s29 =	simm.s32 $0xA;
	_ =	strace $0x80000057  }
0xce: {  	_ =	swait.ge [sflag:s29], $0x1  }
0xcf: {  	[sflag:s29] =	ssyncadd.s32 $0xFFFFFFFF  }
0xd0: {  	_ =	strace $0x90000057  }
0xd1: {  	_ =	sfence  }
0xd2: {  	s30 =	sld [smem:$0x0];
	_ =	sdelay $0x2  }
0xd3: {  	s31 =	sshll.u32 s1, $0xD;
	s1 =	sshrl.u32 s1, $0x2  }
0xd4: {  	s4 =	sand.u32 $0x4000, s31;
	s1 =	sadd.s32 s1, s30  }
0xd5: {  	s0 =	sor.u32 s4, s0;
	s1 =	sshll.u32 s1, $0x11  }
0xd6: {  	s0 =	sor.u32 s1, s0  }
0xd7: {  	s0 =	sadd.s32 $0x8F2B, s0  }
0xd8: {  	[sflag:s0] =	ssyncadd.remote.s32 $0x1  }
0xd9: {  	_ =	sfence.sel $0xFFFF  }
0xda: {  	[dreg:$0x0] =	wrdreg $0xFFFFFFFF;
	(pc) =	sbr.abs _section_cstart, $3  }
0xdb: {  	[dreg:$0x1] =	wrdreg $0xFFFFFFFF  }
0xdc: {  	_ =	task.clear_ibuf [dreg:s20], $0x2FFFF;
	_ =	strace $0x9FFFFFFF  }
0xdd: {  	(tm) =	ssettm $0x7FFFFFFF  }
tec
execute0_lowered:
.L_overlay_start_1:
0x0: {  	(tag) =	ssettag $0x1  }
0x1: {  	s2 =	rddreg [dreg:$0x0]  }
0x2: {  	s5 =	rddreg [dreg:$0x1]  }
0x3: {  	s0 =	rddreg [dreg:$0x2];
	s3 =	stileid.u32;
	[bflag:$0x3] =	sbarrier.arrive $0xFFFF  }
0x4: {  	s1 =	simm.s32 $_size_execute1_lowered;
	s29 =	srdreg.scid;
	s31 =	simm.s32 $0x2  }
0x5: {  	s13 =	simm.s32 $0x0;
	s8 =	simm.s32 $0x40;
	p0 =	sne.s32 s3, $0x0  }
0x6: {  	s1 =	sshll.u32 s1, $0x1;
	s4 =	simm.s32 @!p0 $0x1C3F;
	s6 =	simm.s32 @!p0 $0x4060  }
0x7: {  	[timem:s6], [sflag:s4] =	dma.local @!p0 [hbm:s2], s1  }
0x8: {  	s9 =	simm.s32 $0x80;
	s11 =	simm.s32 $0x0;
	s2 =	sshll.u32 s29, $0x8  }
.Ltmp0:
0x9: {  	s3 =	sshll.u32 s3, $0x9;
	s30 =	sand.u32 $0x100, s2;
	(pc) =	sbr.rel .LBB2_1-.Ltmp0, $4  }
0xa: {  	s12 =	simm.s32 $0x0;
	s4 =	simm.s32 $0x1;
	s3 =	sor.u32 s3, s30  }
0xb: {  	_ =	strace $0x80000053;
	s2 =	sadd.s32 $0x35800, s5;
	s7 =	ssub.s32 $0xC300, s3  }
0xc: {  	s5 =	sadd.s32 $0xF8E00, s5;
	[sflag:s4] =	ssyncpa.u1 $0x0;
	s6 =	sshrl.u32 s7, $0xD  }
0xd: {  	[sflag:s31] =	ssyncpa.u1 $0x0;
	s10 =	smov.u32 s3;
	s7 =	sadd.s32 $0x2, s6  }
.LBB2_5:
0xe: {  	_ =	sdelay $0x3  }
0xf: {  	[tilespmem:v3+s18+$0x0 ss:$0x1] =	vst.idx.msk $0xffff, v1  }
0x10: {  	[tilespmem:v3+s17+$0x0 ss:$0x1] =	vst.idx.msk $0xffff, v2  }
0x11: {  	[tilespmem:v3+s16+$0x0 ss:$0x1] =	vst.idx.msk $0xffff, v4  }
0x12: {  	[tilespmem:v3+s19+$0x0 ss:$0x1] =	vst.idx.msk $0xffff, v5  }
.LBB2_6:
0x13: {  	s16 =	sand.u32 $0x1FFFFFF, s11  }
0x14: {  	s17 =	smulhi.u32 $0x14F8B59, s16;
	_ =	sdelay $0x1  }
0x15: {  	s17 =	sshrl.u32 s17, $0x8  }
0x16: {  	s17 =	smul.u32 $0xC350, s17;
	_ =	sdelay $0x1  }
0x17: {  	s16 =	ssub.s32 s16, s17  }
0x18: {  	s16 =	sshll.u32 s16, $0x4  }
0x19: {  	s16 =	sadd.s32 s5, s16  }
0x1a: {  	[hbm4b:s16+s8] =	stream.strided.scatter [tilespmem:s15], [sflag:$0x2], s14, s9, s8, $0x38;
	[tilespmem:$0x10000] =	vst v63  }
.LBB2_7:
0x1b: {  	p1 =	slt.u32 s12, $0x2  }
0x1c: {  	p2 =	sgt.s32 @!p1 s13, $0xC250  }
0x1d: {  	s14 =	smov.u32 s13;
	s15 =	sshra.s32 @!p1 s13, $0x1F;
	p2 =	por !p2, p1  }
0x1e: {  	s13 =	sand.u32 @!p1 s15, s13;
	s14 =	simm.s32 @p2 $0xC250  }
0x1f: {  	s13 =	ssub.s32 @!p1 s14, s13  }
0x20: {  	s13 =	sadd.s32 @!p1 $0xFFFF3DB0, s13  }
0x21: {  	s14 =	sshll.u32 @!p1 s13, $0x8  }
0x22: {  	p2 =	sgt.s32 @!p1 s13, $0xFF;
	s13 =	ssub.s32 @!p1 $0x10000, s14  }
0x23: {  	s15 =	sadd.s32 $0x2000, s10;
	p2 =	por !p2, p1;
	s13 =	sshrl.u32 @!p1 s13, $0x2  }
0x24: {  	s13 =	simm.s32 @!p2 $0x0;
	p2 =	sgt.s32 s15, $0xC34F  }
0x25: {  	s15 =	smov.u32 @p2 s3;
	p2 =	sne.s32 s12, s7  }
.Ltmp1:
0x26: {  	_ = 	snop;
	(pc) =	sbr.rel @!p2 .LBB2_8-.Ltmp1, $4  }
0x27: {  	s14 =	simm.s32 @!p1 $0x2  }
0x28: {  	_ =	swait.ge @!p1 [sflag:s14], s13;
	s16 =	ssub.s32 @!p1 $0x0, s13  }
0x29: {  	s13 =	smov.u32 s11;
	s12 =	sadd.s32 $0x1, s12;
	[sflag:s14] =	ssyncset.done @!p1 $0x0  }
0x2a: {  	s11 =	smov.u32 s10;
	s10 =	smov.u32 s15;
	[sflag:s14] =	ssyncadd.s32 @!p1 s16  }
.LBB2_1:
0x2b: {  	p1 =	sgt.u32 s12, s6  }
0x2c: {  	s15 =	smov.u32 s10;
	p2 =	sgt.s32 @!p1 s10, $0xC250  }
0x2d: {  	s14 =	sand.u32 @!p1 $0x1FFFFFF, s10;
	s16 =	sshra.s32 @!p1 s10, $0x1F;
	p2 =	por !p2, p1  }
0x2e: {  	s17 =	smulhi.u32 @!p1 $0x14F8B59, s14;
	s16 =	sand.u32 @!p1 s16, s10;
	s15 =	simm.s32 @p2 $0xC250  }
0x2f: {  	s15 =	ssub.s32 @!p1 s15, s16  }
0x30: {  	s16 =	sshrl.u32 @!p1 s17, $0x8;
	s15 =	sadd.s32 @!p1 $0xFFFF3DB0, s15  }
0x31: {  	s17 =	sxor.u32 @!p1 $0xFFFFFFFF, s12;
	s16 =	smul.u32 @!p1 $0xC350, s16;
	s18 =	sshll.u32 @!p1 s15, $0x8  }
0x32: {  	s17 =	sshll.u32 @!p1 s17, $0xE;
	p2 =	sgt.s32 @!p1 s15, $0xFF;
	s15 =	ssub.s32 @!p1 $0x10000, s18  }
0x33: {  	s14 =	ssub.s32 @!p1 s14, s16;
	p2 =	por !p2, p1;
	s16 =	sand.u32 @!p1 $0x4000, s17  }
0x34: {  	s17 =	simm.s32 @!p1 $0x40;
	s15 =	sshrl.u32 @!p1 s15, $0x2;
	s14 =	sshll.u32 @!p1 s14, $0x4  }
0x35: {  	s18 =	simm.s32 @!p1 $0x80;
	s15 =	simm.s32 @!p2 $0x0;
	s14 =	sadd.s32 @!p1 s2, s14  }
0x36: {  	[tilespmem:s16], [sflag:$0x1] =	stream.strided.gather @!p1 [hbm4b:s14+s17], s15, s18, s17, $0x38;
	[tilespmem:$0x10000] =	vst v63  }
0x37: {  	p1 =	seq.s32 s12, $0x0  }
0x38: {  	p2 =	sge.u32 @!p1 s12, s7  }
0x39: {  	p1 =	por p1, p2  }
.Ltmp2:
0x3a: {  	_ = 	snop;
	(pc) =	sbr.rel @p1 .LBB2_7-.Ltmp2, $1  }
0x3b: {  	_ =	sdelay $0x3  }
0x3c: {  	p1 =	sgt.s32 s11, $0xC250;
	s14 =	smov.u32 s11;
	s15 =	sshra.s32 s11, $0x1F  }
0x3d: {  	s14 =	simm.s32 @!p1 $0xC250;
	s15 =	sand.u32 s15, s11  }
0x3e: {  	s14 =	ssub.s32 s14, s15  }
0x3f: {  	s14 =	sadd.s32 $0xFFFF3DB0, s14  }
0x40: {  	s31 =	sshll.u32 s14, $0x8  }
0x41: {  	s15 =	ssub.s32 $0x10000, s31  }
0x42: {  	p1 =	sgt.s32 s14, $0xFF;
	s14 =	sshrl.u32 s15, $0x2;
	s15 =	sadd.s32 $0x100, s11  }
0x43: {  	s14 =	simm.s32 @p1 $0x0;
	p1 =	slt.s32 s15, $0xC350  }
0x44: {  	s15 =	simm.s32 @!p1 $0xC350  }
0x45: {  	s20 =	ssub.s32 s15, s11  }
0x46: {  	p1 =	slt.s32 s20, $0x1  }
.Ltmp3:
0x47: {  	_ = 	snop;
	(pc) =	sbr.rel @p1 .LBB2_6-.Ltmp3, $4  }
0x48: {  	_ = 	snop  }
0x49: {  	s16 =	sshll.u32 s12, $0xE;
	_ =	swait.ge [sflag:s4], s14  }
0x4a: {  	s16 =	sand.u32 $0x4000, s16;
	s17 =	ssub.s32 $0x0, s14;
	[sflag:s4] =	ssyncset.done $0x0  }
0x4b: {  	s15 =	sor.u32 $0x8000, s16;
	[sflag:s4] =	ssyncadd.s32 s17  }
0x4c: {  	v0 =	vmov s16;
	_ =	sdelay $0x2  }
0x4d: {  	s31 =	simm.s32 $0x0;
	p1 =	sne.s32 s20, $0x1  }
.Ltmp4:
0x4e: {  	s18 =	sand.u32 $0x3FC0, s31;
	(pc) =	sbr.rel @!p1 .LBB2_5-.Ltmp4, $4  }
0x4f: {  	s17 =	sor.u32 $0x30, s18;
	v1 =	vld.idx.msk [tilespmem:v0+s18+$0x0 ss:$0x1], $0xffff  }
0x50: {  	v3 =	vmov s15;
	s16 =	sor.u32 $0x10, s18;
	v2 =	vld.idx.msk [tilespmem:v0+s17+$0x0 ss:$0x1], $0xffff  }
0x51: {  	s19 =	sor.u32 $0x20, s18;
	v4 =	vld.idx.msk [tilespmem:v0+s16+$0x0 ss:$0x1], $0xffff  }
0x52: {  	s20 =	sadd.s32 $0xFFFFFFFF, s20;
	s21 =	simm.s32 $0x40;
	v5 =	vld.idx.msk [tilespmem:v0+s19+$0x0 ss:$0x1], $0xffff  }
.LBB2_4:
0x53: {  	s22 =	sand.u32 $0x3FC0, s21  }
0x54: {  	p1 =	sne.s32 s20, $0x1;
	s20 =	sadd.s32 $0xFFFFFFFF, s20;
	s23 =	sor.u32 $0x10, s22  }
.Ltmp5:
0x55: {  	s24 =	sor.u32 $0x20, s22;
	s25 =	sor.u32 $0x30, s22;
	[tilespmem:v3+s18+$0x0 ss:$0x1] =	vst.idx.msk $0xffff, v1;
	v1 =	vld.idx.msk [tilespmem:v0+s22+$0x0 ss:$0x1], $0xffff;
	(pc) =	sbr.rel @p1 .LBB2_4-.Ltmp5, $4  }
0x56: {  	s18 =	smov.u32 s22;
	[tilespmem:v3+s17+$0x0 ss:$0x1] =	vst.idx.msk $0xffff, v2;
	v2 =	vld.idx.msk [tilespmem:v0+s25+$0x0 ss:$0x1], $0xffff;
	s17 =	smov.u32 s25  }
0x57: {  	[tilespmem:v3+s16+$0x0 ss:$0x1] =	vst.idx.msk $0xffff, v4;
	v4 =	vld.idx.msk [tilespmem:v0+s23+$0x0 ss:$0x1], $0xffff;
	s16 =	smov.u32 s23  }
0x58: {  	[tilespmem:v3+s19+$0x0 ss:$0x1] =	vst.idx.msk $0xffff, v5;
	v5 =	vld.idx.msk [tilespmem:v0+s24+$0x0 ss:$0x1], $0xffff;
	s19 =	smov.u32 s24  }
0x59: {  	s21 =	sadd.s32 $0x40, s21  }
.Ltmp6:
0x5a: {  	_ = 	snop;
	(pc) =	sbr.rel .LBB2_5-.Ltmp6, $1  }
0x5b: {  	_ =	sdelay $0x3  }
.LBB2_8:
0x5c: {  	_ =	sfence.sel $0x180000  }
0x5d: {  	s2 =	simm.s32 $0x1;
	[bflag:$0x0] =	sbarrier.arrive $0xFFFF  }
0x5e: {  	s31 =	simm.s32 $0x2;
	[sflag:s2] =	ssyncpa.u1 $0x1  }
0x5f: {  	[sflag:s31] =	ssyncpa.u1 $0x1  }
0x60: {  	_ =	strace $0x90000053  }
0x61: {  	s0 =	sadd.s32 @!p0 $0x100000, s0;
	[bflag:$0x2] =	sbarrier.arrive $0xFFFF  }
0x62: {  	[sflag:s0] =	ssyncadd.tile.s32 @!p0 $0x1;
	s0 =	simm.s32 @!p0 $0x3F  }
0x63: {  	_ =	swait.ge @!p0 [sflag:s0], s1  }
0x64: {  	s1 =	ssub.s32 @!p0 $0x0, s1;
	[sflag:s0] =	ssyncset.done @!p0 $0x0  }
0x65: {  	[sflag:s0] =	ssyncadd.s32 @!p0 s1  }
0x66: {  	[bflag:$0x3] =	sbarrier.arrive $0xFFFF  }
0x67: {  	_ =	shalt  }
.Lfunc_end2:
execute1_lowered:
.L_overlay_start_2:
0x68: {  	(tag) =	ssettag $0x2  }
0x69: {  	s2 =	rddreg [dreg:$0x0]  }
0x6a: {  	s4 =	rddreg [dreg:$0x1];
	_ =	strace $0x80000056;
	s0 =	simm.s32 $0x1  }
0x6b: {  	s3 =	simm.s32 $0x88;
	v0 =	vimm.s32 $0x0;
	[sflag:s0] =	ssyncpa.u1 $0x0  }
0x6c: {  	[tilespmem:s3+$0x30] =	vst v0  }
0x6d: {  	s1 =	sadd.s32 $0xF8E00, s2;
	s0 =	sadd.s32 $0x4800, s2;
	s6 =	sadd.s32 $0x35E9200, s2;
	[tilespmem:s3+$0x20] =	vst v0  }
0x6e: {  	s2 =	sadd.s32 $0x1D000, s2;
	s7 =	sand.u32 $0x1, s4;
	s4 =	simm.s32 $0x40;
	[tilespmem:s3+$0x10] =	vst v0  }
.LBB3_1:
0x6f: {  	s4 =	sadd.s32 $0x40, s4  }
0x70: {  	[tilespmem:s3+$0x0] =	vst v0;
	s3 =	sadd.s32 $0x40, s3;
	p0 =	slt.u32 s4, $0x5040  }
.Ltmp7:
0x71: {  	(pc) =	sbr.rel @p0 .LBB3_1-.Ltmp7, $4  }
0x72: {  	_ = 	snop  }
0x73: {  	[tilespmem:s3+$0x30] =	vst v0  }
0x74: {  	[tilespmem:s3+$0x20] =	vst v0  }
0x75: {  	[tilespmem:s3+$0x10] =	vst v0  }
0x76: {  	s8 =	stileid.u32  }
0x77: {  	s4 =	smul.u32 $0x4E, s8  }
0x78: {  	s5 =	smin.u32 s8, $0x2  }
0x79: {  	s4 =	sadd.s32 s5, s4  }
0x7a: {  	p0 =	slt.u32 s8, $0x2;
	s12 =	smul.u32 $0x140, s4;
	s4 =	simm.s32 $0x62C0  }
0x7b: {  	s4 =	simm.s32 @!p0 $0x6180  }
0x7c: {  	s25 =	simm.s32 $0x2;
	s4 =	sadd.s32 s4, s12  }
0x7d: {  	s28 =	simm.s32 $0x9;
	s9 =	simm.s32 $0xA;
	s14 =	smin.u32 s4, $0x61A80  }
0x7e: {  	s30 =	simm.s32 $0xB;
	[dreg:$0x4] =	wrdreg s7;
	s4 =	ssub.s32 s14, s12  }
0x7f: {  	s31 =	smul.u32 $0xC350, s7;
	s13 =	simm.s32 $0x1;
	p0 =	sgt.s32 s4, $0x0  }
0x80: {  	s19 =	simm.s32 $0x0;
	s20 =	simm.s32 $0xA808;
	s4 =	simm.s32 @!p0 $0x0  }
0x81: {  	s21 =	simm.s32 $0xFFFFFFFF;
	p1 =	por $0x0, $0x0;
	s26 =	smulhi.u32 $0x66666667, s4  }
0x82: {  	[tilespmem:s3+$0x0] =	vst v0;
	s23 =	simm.s32 $0x0;
	[sflag:s25] =	ssyncpa.u1 $0x0;
	s18 =	sshll.u32 s8, $0x7  }
0x83: {  	s0 =	sadd.s32 s31, s0;
	[dreg:$0xa] =	wrdreg s18;
	s3 =	sshrl.u32 s26, $0x7  }
0x84: {  	v0 =	vimm.s32 $0xFFFFFFFF;
	s17 =	sadd.s32 s31, s2;
	[dreg:$0x9] =	wrdreg s0;
	s29 =	smul.u32 $0x140, s3  }
0x85: {  	s25 =	simm.s32 $0x0;
	[tilespmem:$0xA108] =	vst v0;
	[sflag:s28] =	ssyncpa.u1 $0x0;
	[dreg:$0x8] =	wrdreg s17  }
.Ltmp8:
0x86: {  	p0 =	sne.s32 s4, s29;
	s4 =	simm.s32 $0x1;
	(pc) =	sbr.rel .LBB3_3-.Ltmp8, $4  }
0x87: {  	[sflag:s9] =	ssyncpa.u1 $0x0;
	[dreg:$0x5] =	wrdreg s12;
	s4 =	simm.s32 @!p0 $0x0  }
0x88: {  	[sflag:s30] =	ssyncpa.u1 $0x0;
	[dreg:$0x6] =	wrdreg s14;
	s15 =	sadd.s32 s4, s3  }
0x89: {  	s24 =	smov.u32 s12;
	s22 =	sadd.s32 $0x1, s15;
	[dreg:$0x7] =	wrdreg s15  }
0x8a: {  	v0 =	vlaneseq.u32;
	s26 =	simm.s32 $0x0;
	p0 =	por $0x1, $0x1;
	[dreg:$0xb] =	wrdreg s22  }
.LBB3_22:
0x8b: {  	s0 =	sshrl.u32 s3, $0x2  }
.LBB3_24:
0x8c: {  	s3 =	simm.s32 $0xC  }
0x8d: {  	_ =	swait.ge [sflag:s3], s0  }
0x8e: {  	s31 =	ssub.s32 $0x0, s0;
	v1 =	vmov s4;
	vm0 =	veq.s32 v0, $0x0;
	[sflag:s3] =	ssyncset.done $0x0  }
0x8f: {  	vm15 =	veq.s32 v0, $0x2;
	v1 =	vsel vm0, s2, v1;
	[sflag:s3] =	ssyncadd.s32 s31  }
0x90: {  	v1 =	vsel vm15, s26, v1;
	[sflag:s3] =	ssyncpa.u1 $0x1  }
0x91: {  	[tilespmem:$0xA108] =	vst v1  }
.LBB3_25:
0x92: {  	s0 =	sadd.s32 $0x140, s24  }
0x93: {  	s2 =	smov.u32 s12;
	p2 =	slt.s32 s0, s14  }
0x94: {  	s2 =	smov.u32 @p2 s0;
	p2 =	sne.s32 s25, s22  }
.Ltmp9:
0x95: {  	_ = 	snop;
	(pc) =	sbr.rel @!p2 .LBB3_26-.Ltmp9, $4  }
0x96: {  	_ = 	snop  }
0x97: {  	s26 =	smov.u32 s23;
	s31 =	sadd.s32 $0x1, s25;
	p0 =	por !p0, !p0  }
0x98: {  	s23 =	smov.u32 s24;
	s20 =	sadd.s32 $0x140, s20;
	s21 =	sadd.s32 $0x1, s21  }
0x99: {  	p1 =	por !p1, !p1;
	s25 =	smov.u32 s31;
	s24 =	smov.u32 s2  }
.LBB3_3:
0x9a: {  	p2 =	sge.u32 s25, s15  }
0x9b: {  	s0 =	smulhi.u32 @!p2 $0xAAAAAAAB, s25  }
0x9c: {  	s2 =	smov.u32 s24;
	p3 =	sgt.s32 @!p2 s24, $0x61940  }
0x9d: {  	s3 =	sshra.s32 @!p2 s24, $0x1F;
	p3 =	por !p3, p2;
	s0 =	sshrl.u32 @!p2 s0, $0x1  }
0x9e: {  	s3 =	sand.u32 @!p2 s3, s24;
	s2 =	simm.s32 @p3 $0x61940;
	s0 =	smul.u32 @!p2 $0x3, s0  }
0x9f: {  	s2 =	ssub.s32 @!p2 s2, s3  }
0xa0: {  	s2 =	sadd.s32 @!p2 $0xFFF9E6C0, s2;
	s0 =	ssub.s32 @!p2 s25, s0  }
0xa1: {  	s3 =	sshll.u32 @!p2 s2, $0x2;
	p3 =	sgt.s32 @!p2 s2, $0x13F;
	s0 =	smul.u32 @!p2 $0x500, s0  }
0xa2: {  	s4 =	sand.u32 @!p2 $0x7, s24;
	s2 =	ssub.s32 @!p2 $0x500, s3;
	p3 =	por !p3, p2  }
0xa3: {  	s3 =	sshrl.u32 @!p2 s24, $0x3;
	s2 =	sshrl.u32 @!p2 s2, $0x2;
	s0 =	sshrl.u32 @!p2 s0, $0x2  }
0xa4: {  	s3 =	sadd.s32 @!p2 s3, s17;
	s2 =	simm.s32 @!p3 $0x0;
	s0 =	sadd.s32 @!p2 $0xA948, s0  }
0xa5: {  	[tilespmem:s0], [sflag:$0xA] =	stream.linear.gather @!p2 [hbm4b:s3+s4], s2, $0x38;
	[tilespmem:$0x1EF88] =	vst v63  }
0xa6: {  	s0 =	sadd.s32 $0xFFFFFFFF, s25  }
0xa7: {  	p2 =	sge.u32 s0, s15  }
.Ltmp10:
0xa8: {  	_ = 	snop;
	(pc) =	sbr.rel @p2 .LBB3_7-.Ltmp10, $1  }
0xa9: {  	_ =	sdelay $0x3  }
0xaa: {  	p2 =	sgt.s32 s23, $0x61940;
	s2 =	smov.u32 s23;
	s3 =	sshra.s32 s23, $0x1F  }
0xab: {  	s2 =	simm.s32 @!p2 $0x61940;
	s3 =	sand.u32 s3, s23  }
0xac: {  	s17 =	smulhi.u32 $0xAAAAAAAB, s21;
	s2 =	ssub.s32 s2, s3  }
0xad: {  	s0 =	sand.u32 $0x1, s0;
	s2 =	sadd.s32 $0xFFF9E6C0, s2  }
0xae: {  	s5 =	simm.s32 $0xA;
	s3 =	sshrl.u32 s17, $0x1;
	s4 =	sshll.u32 s2, $0x2  }
0xaf: {  	s7 =	sshrl.u32 s23, $0x3;
	s3 =	smul.u32 $0xFFFFF100, s3;
	s4 =	ssub.s32 $0x500, s4  }
0xb0: {  	s18 =	smul.u32 $0x500, s0;
	p2 =	sgt.s32 s2, $0x13F;
	s2 =	sshrl.u32 s4, $0x2  }
0xb1: {  	s9 =	sand.u32 $0x7, s23;
	s3 =	sshra.s32 s3, $0x2;
	s2 =	simm.s32 @p2 $0x0  }
0xb2: {  	s0 =	sadd.s32 s3, s20;
	s4 =	sshrl.u32 s18, $0x2;
	_ =	swait.ge [sflag:s5], s2  }
0xb3: {  	s22 =	ssub.s32 $0x0, s2;
	[sflag:s5] =	ssyncset.done $0x0;
	s8 =	rddreg [dreg:$0x9]  }
0xb4: {  	s4 =	sadd.s32 $0xAD08, s4;
	[sflag:s5] =	ssyncadd.s32 s22;
	s3 =	sadd.s32 s7, s8  }
0xb5: {  	[tilespmem:s4], [sflag:$0xB] =	stream.linear.gather [hbm4b:s3+s9], s2, $0x38;
	[tilespmem:$0x1EF88] =	vst v63  }
0xb6: {  	v1 =	vld.msk [tilespmem:s0+$0x0], $0xffff;
	_ =	sdelay $0x4  }
0xb7: {  	v1 =	vshll.u32 v1, $0x4  }
0xb8: {  	(v2sf) =	vpush v1, $0x0  }
0xb9: {  	(v2sf) =	vpush v1, $0x1  }
0xba: {  	(v2sf) =	vpush v1, $0x2;
	_ =	sdelay $0x3  }
0xbb: {  	(v2sf) =	vpush v1, $0x3;
	_ =	sdelay $0x1  }
0xbc: {  	(v2sf) =	vpush v1, $0x4  }
0xbd: {  	s2 =	simm.s32 $0x1;
	(v2sf) =	vpush v1, $0x5  }
0xbe: {  	s2 =	simm.s32 @!p0 $0x0  }
0xbf: {  	s2 =	smul.u32 $0x28000, s2;
	(v2sf) =	vpush v1, $0x6;
	_ =	sdelay $0x1  }
0xc0: {  	s2 =	sshrl.u32 s2, $0x2  }
0xc1: {  	s28 =	sadd.s32 $0xB708, s2  }
0xc2: {  	s12 =	sadd.s32 $0xFFFFF880, s28;
	s17 =	sadd.s32 $0xFFFFF900, s28;
	s10 =	spop (v2sf);
	(v2sf) =	vpush v1, $0x7  }
0xc3: {  	s18 =	sadd.s32 $0xFFFFF980, s28;
	s11 =	sand.u32 $0x1FFFFFF0, s10;
	s14 =	spop (v2sf)  }
0xc4: {  	(v2sf) =	vpush v1, $0x8;
	s2 =	sadd.s32 s6, s11;
	s15 =	sand.u32 $0x1FFFFFF0, s14;
	s16 =	spop (v2sf)  }
0xc5: {  	[tilespmem:s12], [sflag:$0x9] =	stream.linear.gather [hbm4b:s2+s19], $0x40, $0x38;
	[tilespmem:$0x1EF88] =	vst v63  }
0xc6: {  	s5 =	sadd.s32 $0xFFFFFA00, s28;
	s2 =	sadd.s32 s6, s15;
	s3 =	sand.u32 $0x1FFFFFF0, s16  }
0xc7: {  	(v2sf) =	vpush v1, $0x9;
	[tilespmem:s17], [sflag:$0x9] =	stream.linear.gather [hbm4b:s2+s19], $0x40, $0x38;
	[tilespmem:$0x1EF88] =	vst v63  }
0xc8: {  	s7 =	sadd.s32 $0xFFFFFA80, s28;
	s22 =	spop (v2sf);
	s3 =	sadd.s32 s6, s3  }
0xc9: {  	(v2sf) =	vpush v1, $0xA;
	[tilespmem:s18], [sflag:$0x9] =	stream.linear.gather [hbm4b:s3+s19], $0x40, $0x38;
	[tilespmem:$0x1EF88] =	vst v63  }
0xca: {  	s11 =	sadd.s32 $0xFFFFFB00, s28;
	s4 =	spop (v2sf);
	(v2sf) =	vpush v1, $0xB;
	s3 =	sand.u32 $0x1FFFFFF0, s22  }
0xcb: {  	s8 =	spop (v2sf);
	s2 =	sadd.s32 s6, s3;
	s3 =	sand.u32 $0x1FFFFFF0, s4  }
0xcc: {  	(v2sf) =	vpush v1, $0xC;
	[tilespmem:s5], [sflag:$0x9] =	stream.linear.gather [hbm4b:s2+s19], $0x40, $0x38;
	[tilespmem:$0x1EF88] =	vst v63  }
0xcd: {  	s9 =	sand.u32 $0x1FFFFFF0, s8;
	s10 =	spop (v2sf);
	s3 =	sadd.s32 s6, s3  }
0xce: {  	(v2sf) =	vpush v1, $0xD;
	[tilespmem:s7], [sflag:$0x9] =	stream.linear.gather [hbm4b:s3+s19], $0x40, $0x38;
	[tilespmem:$0x1EF88] =	vst v63  }
0xcf: {  	s12 =	sadd.s32 $0xFFFFFB80, s28;
	s2 =	sadd.s32 s6, s9;
	s3 =	sand.u32 $0x1FFFFFF0, s10  }
0xd0: {  	[tilespmem:s11], [sflag:$0x9] =	stream.linear.gather [hbm4b:s2+s19], $0x40, $0x38;
	[tilespmem:$0x1EF88] =	vst v63  }
0xd1: {  	s17 =	sadd.s32 $0xFFFFFC00, s28;
	s3 =	sadd.s32 s6, s3;
	s14 =	spop (v2sf)  }
0xd2: {  	[tilespmem:s12], [sflag:$0x9] =	stream.linear.gather [hbm4b:s3+s19], $0x40, $0x38;
	(v2sf) =	vpush v1, $0xE;
	[tilespmem:$0x1EF88] =	vst v63  }
0xd3: {  	s18 =	sadd.s32 $0xFFFFFC80, s28;
	s15 =	sand.u32 $0x1FFFFFF0, s14;
	s16 =	spop (v2sf)  }
0xd4: {  	s5 =	sadd.s32 $0xFFFFFD00, s28;
	(v2sf) =	vpush v1, $0xF;
	s2 =	sadd.s32 s6, s15;
	s3 =	sand.u32 $0x1FFFFFF0, s16  }
0xd5: {  	[tilespmem:s17], [sflag:$0x9] =	stream.linear.gather [hbm4b:s2+s19], $0x40, $0x38;
	[tilespmem:$0x1EF88] =	vst v63  }
0xd6: {  	s7 =	sadd.s32 $0xFFFFFD80, s28;
	s22 =	spop (v2sf);
	s3 =	sadd.s32 s6, s3  }
0xd7: {  	[tilespmem:s18], [sflag:$0x9] =	stream.linear.gather [hbm4b:s3+s19], $0x40, $0x38;
	[tilespmem:$0x1EF88] =	vst v63  }
0xd8: {  	s11 =	sadd.s32 $0xFFFFFE00, s28;
	s4 =	spop (v2sf);
	s3 =	sand.u32 $0x1FFFFFF0, s22  }
0xd9: {  	s8 =	spop (v2sf);
	s2 =	sadd.s32 s6, s3;
	s3 =	sand.u32 $0x1FFFFFF0, s4  }
0xda: {  	[tilespmem:s5], [sflag:$0x9] =	stream.linear.gather [hbm4b:s2+s19], $0x40, $0x38;
	[tilespmem:$0x1EF88] =	vst v63  }
0xdb: {  	s9 =	sand.u32 $0x1FFFFFF0, s8;
	s10 =	spop (v2sf);
	s3 =	sadd.s32 s6, s3  }
0xdc: {  	[tilespmem:s7], [sflag:$0x9] =	stream.linear.gather [hbm4b:s3+s19], $0x40, $0x38;
	[tilespmem:$0x1EF88] =	vst v63  }
0xdd: {  	s14 =	spop (v2sf);
	s2 =	sadd.s32 s6, s9;
	s3 =	sand.u32 $0x1FFFFFF0, s10  }
0xde: {  	[tilespmem:s11], [sflag:$0x9] =	stream.linear.gather [hbm4b:s2+s19], $0x40, $0x38;
	[tilespmem:$0x1EF88] =	vst v63  }
0xdf: {  	s12 =	sadd.s32 $0xFFFFFE80, s28;
	s15 =	sand.u32 $0x1FFFFFF0, s14;
	s3 =	sadd.s32 s6, s3  }
0xe0: {  	[tilespmem:s12], [sflag:$0x9] =	stream.linear.gather [hbm4b:s3+s19], $0x40, $0x38;
	[tilespmem:$0x1EF88] =	vst v63  }
0xe1: {  	s17 =	sadd.s32 $0xFFFFFF00, s28;
	s2 =	sadd.s32 s6, s15;
	s16 =	spop (v2sf)  }
0xe2: {  	[tilespmem:s17], [sflag:$0x9] =	stream.linear.gather [hbm4b:s2+s19], $0x40, $0x38;
	[tilespmem:$0x1EF88] =	vst v63  }
0xe3: {  	s29 =	simm.s32 $0x0;
	s3 =	sand.u32 $0x1FFFFFF0, s16;
	s18 =	spop (v2sf)  }
0xe4: {  	s22 =	sadd.s32 $0xFFFFFF80, s28;
	s3 =	sadd.s32 s6, s3;
	s2 =	sand.u32 $0x1FFFFFF0, s18  }
0xe5: {  	[tilespmem:s22], [sflag:$0x9] =	stream.linear.gather [hbm4b:s3+s19], $0x40, $0x38;
	[tilespmem:$0x1EF88] =	vst v63  }
0xe6: {  	s31 =	sadd.s32 $0x10, s0;
	s30 =	sadd.s32 $0x800, s28;
	s2 =	sadd.s32 s6, s2  }
.LBB3_5:
0xe7: {  	[tilespmem:s28], [sflag:$0x9] =	stream.linear.gather [hbm4b:s2+s19], $0x40, $0x38;
	[tilespmem:$0x1EF88] =	vst v63  }
0xe8: {  	s29 =	sadd.s32 $0x10, s29;
	s28 =	smov.u32 s30  }
0xe9: {  	p2 =	slt.u32 s29, $0x130;
	v1 =	vld.msk [tilespmem:s31+$0x0], $0xffff;
	_ =	sdelay $0x4  }
0xea: {  	v1 =	vshll.u32 v1, $0x4  }
0xeb: {  	(v2sf) =	vpush v1, $0x0  }
0xec: {  	(v2sf) =	vpush v1, $0x1  }
0xed: {  	(v2sf) =	vpush v1, $0x2;
	_ =	sdelay $0x1  }
0xee: {  	(v2sf) =	vpush v1, $0x3;
	_ =	sdelay $0x1  }
0xef: {  	(v2sf) =	vpush v1, $0x4;
	_ =	sdelay $0x1  }
0xf0: {  	(v2sf) =	vpush v1, $0x5;
	_ =	sdelay $0x1  }
0xf1: {  	(v2sf) =	vpush v1, $0x6  }
0xf2: {  	s4 =	sadd.s32 $0xFFFFFE80, s30;
	s0 =	sadd.s32 $0xFFFFFF00, s30  }
0xf3: {  	s3 =	sadd.s32 $0xFFFFFD00, s30;
	s2 =	sadd.s32 $0xFFFFFD80, s30;
	s5 =	sadd.s32 $0xFFFFFE00, s30;
	(v2sf) =	vpush v1, $0x7  }
0xf4: {  	s10 =	sadd.s32 $0xFFFFFB80, s30;
	s9 =	sadd.s32 $0xFFFFFC00, s30;
	s16 =	sadd.s32 $0xFFFFFC80, s30  }
0xf5: {  	s11 =	sadd.s32 $0xFFFFFA00, s30;
	s12 =	sadd.s32 $0xFFFFFA80, s30;
	s15 =	sadd.s32 $0xFFFFFB00, s30;
	(v2sf) =	vpush v1, $0x8  }
0xf6: {  	s18 =	sadd.s32 $0xFFFFF900, s30;
	s7 =	sadd.s32 $0xFFFFF980, s30;
	s22 =	spop (v2sf)  }
0xf7: {  	s8 =	sadd.s32 $0xFFFFF880, s30;
	s22 =	sand.u32 $0x1FFFFFF0, s22;
	s14 =	spop (v2sf);
	(v2sf) =	vpush v1, $0x9  }
0xf8: {  	s22 =	sadd.s32 s6, s22;
	s14 =	sand.u32 $0x1FFFFFF0, s14;
	s17 =	spop (v2sf)  }
0xf9: {  	[tilespmem:s8], [sflag:$0x9] =	stream.linear.gather [hbm4b:s22+s19], $0x40, $0x38;
	(v2sf) =	vpush v1, $0xA;
	[tilespmem:$0x1EF88] =	vst v63  }
0xfa: {  	s8 =	sadd.s32 s6, s14;
	s14 =	sand.u32 $0x1FFFFFF0, s17;
	s17 =	spop (v2sf)  }
0xfb: {  	[tilespmem:s18], [sflag:$0x9] =	stream.linear.gather [hbm4b:s8+s19], $0x40, $0x38;
	(v2sf) =	vpush v1, $0xB;
	[tilespmem:$0x1EF88] =	vst v63  }
0xfc: {  	s8 =	sadd.s32 s6, s14;
	s14 =	sand.u32 $0x1FFFFFF0, s17;
	s17 =	spop (v2sf)  }
0xfd: {  	[tilespmem:s7], [sflag:$0x9] =	stream.linear.gather [hbm4b:s8+s19], $0x40, $0x38;
	(v2sf) =	vpush v1, $0xC;
	[tilespmem:$0x1EF88] =	vst v63  }
0xfe: {  	s7 =	sadd.s32 s6, s14;
	s8 =	sand.u32 $0x1FFFFFF0, s17;
	s14 =	spop (v2sf)  }
0xff: {  	[tilespmem:s11], [sflag:$0x9] =	stream.linear.gather [hbm4b:s7+s19], $0x40, $0x38;
	(v2sf) =	vpush v1, $0xD;
	[tilespmem:$0x1EF88] =	vst v63  }
0x100: {  	s7 =	sadd.s32 s6, s8;
	s8 =	sand.u32 $0x1FFFFFF0, s14;
	s11 =	spop (v2sf)  }
0x101: {  	[tilespmem:s12], [sflag:$0x9] =	stream.linear.gather [hbm4b:s7+s19], $0x40, $0x38;
	(v2sf) =	vpush v1, $0xE;
	[tilespmem:$0x1EF88] =	vst v63  }
0x102: {  	s7 =	sadd.s32 s6, s8;
	s8 =	sand.u32 $0x1FFFFFF0, s11;
	s11 =	spop (v2sf)  }
0x103: {  	[tilespmem:s15], [sflag:$0x9] =	stream.linear.gather [hbm4b:s7+s19], $0x40, $0x38;
	(v2sf) =	vpush v1, $0xF;
	[tilespmem:$0x1EF88] =	vst v63  }
0x104: {  	s7 =	sadd.s32 s6, s8;
	s8 =	sand.u32 $0x1FFFFFF0, s11;
	s11 =	spop (v2sf)  }
0x105: {  	[tilespmem:s10], [sflag:$0x9] =	stream.linear.gather [hbm4b:s7+s19], $0x40, $0x38;
	[tilespmem:$0x1EF88] =	vst v63  }
0x106: {  	s7 =	sadd.s32 s6, s8;
	s8 =	sand.u32 $0x1FFFFFF0, s11;
	s10 =	spop (v2sf)  }
0x107: {  	[tilespmem:s9], [sflag:$0x9] =	stream.linear.gather [hbm4b:s7+s19], $0x40, $0x38;
	[tilespmem:$0x1EF88] =	vst v63  }
0x108: {  	s7 =	sadd.s32 s6, s8;
	s8 =	sand.u32 $0x1FFFFFF0, s10;
	s9 =	spop (v2sf)  }
0x109: {  	[tilespmem:s16], [sflag:$0x9] =	stream.linear.gather [hbm4b:s7+s19], $0x40, $0x38;
	[tilespmem:$0x1EF88] =	vst v63  }
0x10a: {  	s7 =	sadd.s32 s6, s8;
	s8 =	sand.u32 $0x1FFFFFF0, s9;
	s9 =	spop (v2sf)  }
0x10b: {  	[tilespmem:s3], [sflag:$0x9] =	stream.linear.gather [hbm4b:s7+s19], $0x40, $0x38;
	[tilespmem:$0x1EF88] =	vst v63  }
0x10c: {  	s3 =	sadd.s32 s6, s8;
	s7 =	sand.u32 $0x1FFFFFF0, s9;
	s8 =	spop (v2sf)  }
0x10d: {  	[tilespmem:s2], [sflag:$0x9] =	stream.linear.gather [hbm4b:s3+s19], $0x40, $0x38;
	[tilespmem:$0x1EF88] =	vst v63  }
0x10e: {  	s2 =	sadd.s32 s6, s7;
	s3 =	sand.u32 $0x1FFFFFF0, s8;
	s7 =	spop (v2sf)  }
0x10f: {  	[tilespmem:s5], [sflag:$0x9] =	stream.linear.gather [hbm4b:s2+s19], $0x40, $0x38;
	[tilespmem:$0x1EF88] =	vst v63  }
0x110: {  	s2 =	sadd.s32 s6, s3;
	s3 =	sand.u32 $0x1FFFFFF0, s7;
	s5 =	spop (v2sf)  }
0x111: {  	[tilespmem:s4], [sflag:$0x9] =	stream.linear.gather [hbm4b:s2+s19], $0x40, $0x38;
	[tilespmem:$0x1EF88] =	vst v63  }
0x112: {  	s2 =	sadd.s32 s6, s3  }
.Ltmp11:
0x113: {  	s3 =	sand.u32 $0x1FFFFFF0, s5;
	s4 =	spop (v2sf);
	(pc) =	sbr.rel @p2 .LBB3_5-.Ltmp11, $4  }
0x114: {  	[tilespmem:s0], [sflag:$0x9] =	stream.linear.gather [hbm4b:s2+s19], $0x40, $0x38;
	[tilespmem:$0x1EF88] =	vst v63  }
0x115: {  	s0 =	sadd.s32 s6, s3;
	s2 =	sadd.s32 $0xFFFFFF80, s30;
	s3 =	sand.u32 $0x1FFFFFF0, s4  }
0x116: {  	[tilespmem:s2], [sflag:$0x9] =	stream.linear.gather [hbm4b:s0+s19], $0x40, $0x38;
	[tilespmem:$0x1EF88] =	vst v63  }
0x117: {  	s31 =	sadd.s32 $0x10, s31;
	s30 =	sadd.s32 $0x800, s30;
	s2 =	sadd.s32 s6, s3  }
0x118: {  	[tilespmem:s28], [sflag:$0x9] =	stream.linear.gather [hbm4b:s2+s19], $0x40, $0x38;
	[tilespmem:$0x1EF88] =	vst v63  }
0x119: {  	s12 =	rddreg [dreg:$0x5]  }
0x11a: {  	s14 =	rddreg [dreg:$0x6]  }
0x11b: {  	s15 =	rddreg [dreg:$0x7]  }
0x11c: {  	s17 =	rddreg [dreg:$0x8]  }
0x11d: {  	s18 =	rddreg [dreg:$0xa]  }
0x11e: {  	s22 =	rddreg [dreg:$0xb]  }
.LBB3_7:
0x11f: {  	p2 =	slt.u32 s25, $0x2  }
.Ltmp12:
0x120: {  	_ = 	snop;
	(pc) =	sbr.rel @p2 .LBB3_25-.Ltmp12, $1  }
0x121: {  	_ =	sdelay $0x3  }
0x122: {  	p2 =	sgt.s32 s26, $0x61940;
	s0 =	smov.u32 s26;
	s2 =	sshra.s32 s26, $0x1F  }
0x123: {  	s0 =	simm.s32 @!p2 $0x61940;
	s2 =	sand.u32 s2, s26  }
0x124: {  	s0 =	ssub.s32 s0, s2  }
0x125: {  	s0 =	sadd.s32 $0xFFF9E6C0, s0  }
0x126: {  	s3 =	simm.s32 $0x9;
	s29 =	sshll.u32 s0, $0x2  }
0x127: {  	_ =	swait.ge [sflag:s3], $0x5000;
	s2 =	ssub.s32 $0x500, s29  }
0x128: {  	[sflag:s3] =	ssyncset.done $0x0;
	p2 =	sgt.s32 s0, $0x13F;
	s0 =	sshrl.u32 s2, $0x2  }
0x129: {  	s30 =	simm.s32 $0xB;
	[sflag:s3] =	ssyncadd.s32 $0xFFFFB000;
	s0 =	simm.s32 @p2 $0x0  }
0x12a: {  	_ =	swait.ge [sflag:s30], s0  }
0x12b: {  	s0 =	ssub.s32 $0x0, s0;
	[sflag:s30] =	ssyncset.done $0x0  }
0x12c: {  	[sflag:s30] =	ssyncadd.s32 s0  }
0x12d: {  	v1 =	vld [tilespmem:$0xA108];
	_ =	sdelay $0x4  }
0x12e: {  	(v2sf) =	vpush v1, $0x0  }
0x12f: {  	(v2sf) =	vpush v1, $0x1  }
0x130: {  	(v2sf) =	vpush v1, $0x2;
	_ =	sdelay $0x3  }
0x131: {  	s0 =	sadd.s32 $0x140, s26  }
0x132: {  	s4 =	ssub.s32 $0xC3500, s26;
	p2 =	slt.s32 s14, s0  }
0x133: {  	s0 =	smov.u32 @p2 s14;
	p2 =	sgt.s32 s4, $0x0  }
0x134: {  	s0 =	ssub.s32 s0, s26;
	s4 =	simm.s32 @!p2 $0x0  }
0x135: {  	p2 =	slt.s32 s4, s0  }
0x136: {  	s0 =	smov.u32 @p2 s4  }
0x137: {  	s2 =	simm.s32 $0x1;
	p2 =	slt.s32 s0, $0x1  }
.Ltmp13:
0x138: {  	s2 =	simm.s32 @!p1 $0x0;
	(pc) =	sbr.rel @p2 .LBB3_12-.Ltmp13, $4  }
0x139: {  	s7 =	smul.u32 $0x500, s2  }
0x13a: {  	s3 =	spop (v2sf)  }
0x13b: {  	s31 =	sshrl.u32 s7, $0x2;
	s5 =	spop (v2sf)  }
0x13c: {  	s28 =	sadd.s32 $0xAD08, s31;
	s26 =	spop (v2sf)  }
0x13d: {  	s4 =	smin.u32 s0, $0x10  }
0x13e: {  	v1 =	vmov s4  }
0x13f: {  	p3 =	sgt.s32 s0, $0x10;
	vm1 =	vgt.u32 v1, v0  }
.Ltmp14:
0x140: {  	_ = 	snop;
	(pc) =	sbr.rel @!p3 .LBB3_11-.Ltmp14, $2  }
0x141: {  	_ =	sdelay $0x2  }
0x142: {  	s9 =	simm.s32 $0x10;
	s10 =	sadd.s32 $0xFFFFFFF0, s0;
	s4 =	smov.u32 s28;
	vm0 =	vmmov vm1  }
.LBB3_10:
0x143: {  	s7 =	smin.u32 s10, $0x10;
	s9 =	sadd.s32 $0x10, s9;
	v1 =	vld.msk [tilespmem:s4+$0x0 ss:$0x1], vm1  }
0x144: {  	v2 =	vmov s7;
	p3 =	slt.s32 s9, s0  }
0x145: {  	vm1 =	vgt.u32 v2, v0  }
.Ltmp15:
0x146: {  	(pc) =	sbr.rel @p3 .LBB3_10-.Ltmp15, $3  }
0x147: {  	_ =	sdelay $0x1  }
0x148: {  	v1 =	vshll.u32 v1, $0x4  }
0x149: {  	s10 =	sadd.s32 $0xFFFFFFF0, s10;
	[tilespmem:s4+$0x0] =	vst.msk vm0, v1;
	s4 =	sadd.s32 $0x10, s4;
	vm0 =	vmmov vm1  }
.LBB3_11:
0x14a: {  	_ =	sdelay $0x4  }
0x14b: {  	v1 =	vld.msk [tilespmem:s4+$0x0 ss:$0x1], vm1;
	_ =	sdelay $0x4  }
0x14c: {  	v1 =	vshll.u32 v1, $0x4  }
0x14d: {  	[tilespmem:s4+$0x0] =	vst.msk vm0, v1  }
.LBB3_12:
0x14e: {  	s4 =	sand.u32 $0x1, s25  }
0x14f: {  	s4 =	smul.u32 $0x140, s4  }
0x150: {  	p3 =	sne.s32 s5, $0xFFFFFFFF  }
0x151: {  	v1 =	vld.msk @!p3 [tilespmem:s4+$0xAD08], $0x1;
	_ =	sdelay $0x4  }
0x152: {  	(v2sf) =	vpush @!p3 v1, $0x0;
	_ =	sdelay $0xc  }
.Ltmp16:
0x153: {  	_ = 	snop;
	(pc) =	sbr.rel @p2 .LBB3_23-.Ltmp16, $4  }
0x154: {  	_ = 	snop  }
0x155: {  	s29 =	spop @!p3 (v2sf)  }
0x156: {  	s31 =	simm.s32 $0xC;
	s26 =	simm.s32 @!p3 $0x0;
	s4 =	smov.u32 s29  }
0x157: {  	[sflag:s31] =	ssyncpa.u1 $0x0;
	s29 =	smov.u32 @p3 s3;
	s4 =	smov.u32 @p3 s5  }
0x158: {  	v1 =	vld.msk [tilespmem:s28+$0x0], $0x1;
	_ =	sdelay $0x4  }
0x159: {  	(v2sf) =	vpush v1, $0x0;
	_ =	sdelay $0xe  }
0x15a: {  	s2 =	smul.u32 $0x28000, s2;
	s5 =	spop (v2sf)  }
0x15b: {  	s31 =	ssub.s32 $0x0, s0;
	p2 =	seq.s32 s29, s5  }
0x15c: {  	s3 =	smov.u32 s29;
	s2 =	sshrl.u32 s2, $0x2;
	p3 =	sgt.s32 @!p2 s29, $0x0  }
0x15d: {  	s30 =	sadd.s32 $0xAFA8, s2;
	s2 =	sadd.s32 $0x1, s31;
	p3 =	por !p3, p2  }
0x15e: {  	s3 =	simm.s32 @p3 $0x0;
	p3 =	seq.s32 s2, $0x0  }
.Ltmp17:
0x15f: {  	_ = 	snop;
	(pc) =	sbr.rel @p3 .LBB3_15-.Ltmp17, $4  }
0x160: {  	_ = 	snop  }
0x161: {  	s0 =	simm.s32 $0x0;
	s9 =	simm.s32 @!p2 $0x1;
	s3 =	smin.u32 @!p2 s3, $0xC34F8  }
0x162: {  	s10 =	simm.s32 @!p2 $0x50C8;
	s9 =	smov.u32 @p2 s0;
	s7 =	sand.u32 @!p2 $0xFFFF8, s3  }
0x163: {  	s16 =	sand.u32 @!p2 $0x7, s3;
	s3 =	sadd.s32 $0x1, s28;
	s11 =	sadd.s32 @!p2 s1, s7  }
.LBB3_14:
0x164: {  	s7 =	smov.u32 s9  }
0x165: {  	[tilespmem:s10], [sflag:$0x2] =	stream.linear.gather @!p2 [hbm4b:s11+s16], $0x40, $0x38;
	[tilespmem:$0x1EF88] =	vst v63  }
0x166: {  	s2 =	sadd.s32 $0x1, s2;
	s8 =	smov.u32 s5;
	v1 =	vld.msk [tilespmem:s3+$0x0], $0x1  }
0x167: {  	p3 =	seq.s32 s2, $0x0;
	_ =	sdelay $0x3  }
0x168: {  	(v2sf) =	vpush v1, $0x0;
	_ =	sdelay $0xe  }
0x169: {  	s5 =	spop (v2sf)  }
0x16a: {  	p2 =	seq.s32 s8, s5  }
0x16b: {  	p4 =	sgt.s32 @!p2 s8, $0x0;
	s10 =	sshll.u32 @!p2 s9, $0x8;
	s9 =	sadd.s32 @!p2 $0x1, s9  }
.Ltmp18:
0x16c: {  	p4 =	por !p4, p2;
	s10 =	sshra.s32 @!p2 s10, $0x2;
	(pc) =	sbr.rel @!p3 .LBB3_14-.Ltmp18, $4  }
0x16d: {  	s9 =	smov.u32 @p2 s7;
	s8 =	simm.s32 @p4 $0x0;
	s10 =	sadd.s32 @!p2 $0x50C8, s10  }
0x16e: {  	s7 =	smin.u32 @!p2 s8, $0xC34F8  }
0x16f: {  	s8 =	sand.u32 @!p2 $0xFFFF8, s7;
	s16 =	sand.u32 @!p2 $0x7, s7  }
0x170: {  	s3 =	sadd.s32 $0x1, s3;
	s11 =	sadd.s32 @!p2 s1, s8  }
.LBB3_15:
0x171: {  	[tilespmem:s10], [sflag:$0x2] =	stream.linear.gather @!p2 [hbm4b:s11+s16], $0x40, $0x38;
	[tilespmem:$0x1EF88] =	vst v63  }
.Ltmp19:
0x172: {  	s2 =	sshll.u32 s9, $0x6;
	(pc) =	sbr.rel .LBB3_16-.Ltmp19, $4  }
0x173: {  	s3 =	simm.s32 $0x2;
	s2 =	sand.u32 $0x3FFFFFC0, s2  }
0x174: {  	_ =	swait.ge [sflag:s3], s2  }
0x175: {  	s2 =	ssub.s32 $0x0, s2;
	[sflag:s3] =	ssyncset.done $0x0  }
0x176: {  	[sflag:s3] =	ssyncadd.s32 s2;
	s3 =	simm.s32 $0x0  }
.LBB3_17:
0x177: {  	v1 =	vld [tilespmem:s30+$0xFFFFFFE0];
	_ =	sdelay $0x4  }
0x178: {  	[tilespmem:s5+$0x88] =	vst.add.f32.msk $0xffff, v1  }
0x179: {  	v1 =	vld [tilespmem:s30+$0xFFFFFFF0];
	_ =	sdelay $0x4  }
0x17a: {  	[tilespmem:s5+$0x98] =	vst.add.f32.msk $0xffff, v1  }
0x17b: {  	v1 =	vld [tilespmem:s30+$0x0];
	_ =	sdelay $0x4  }
0x17c: {  	[tilespmem:s5+$0xA8] =	vst.add.f32.msk $0xffff, v1  }
0x17d: {  	v1 =	vld [tilespmem:s30+$0x10];
	_ =	sdelay $0x4  }
0x17e: {  	[tilespmem:s5+$0xB8] =	vst.add.f32.msk $0xffff, v1  }
.LBB3_21:
0x17f: {  	s31 =	sadd.s32 $0x1, s31  }
0x180: {  	p2 =	seq.s32 s31, $0x0  }
.Ltmp20:
0x181: {  	_ = 	snop;
	(pc) =	sbr.rel @p2 .LBB3_22-.Ltmp20, $2  }
0x182: {  	_ =	sdelay $0x2  }
0x183: {  	s30 =	sadd.s32 $0x80, s30;
	s28 =	sadd.s32 $0x1, s28;
	s29 =	smov.u32 s2  }
.LBB3_16:
0x184: {  	v1 =	vld.msk [tilespmem:s28+$0x0], $0x1;
	_ =	sdelay $0x4  }
0x185: {  	(v2sf) =	vpush v1, $0x0;
	_ =	sdelay $0xe  }
0x186: {  	s2 =	spop (v2sf)  }
0x187: {  	p2 =	sne.s32 s29, s2  }
.Ltmp21:
0x188: {  	_ = 	snop;
	(pc) =	sbr.rel @!p2 .LBB3_17-.Ltmp21, $3  }
0x189: {  	_ =	sdelay $0x1  }
0x18a: {  	s5 =	sshll.u32 s26, $0x8  }
0x18b: {  	s5 =	sshra.s32 s5, $0x2  }
0x18c: {  	p2 =	seq.s32 s29, s4  }
.Ltmp22:
0x18d: {  	_ = 	snop;
	(pc) =	sbr.rel @!p2 .LBB3_19-.Ltmp22, $1  }
0x18e: {  	_ =	sdelay $0x3  }
.Ltmp23:
0x18f: {  	s5 =	sadd.s32 $0x88, s5;
	(pc) =	sbr.rel .LBB3_20-.Ltmp23, $4  }
0x190: {  	[spmem:s18] =	stream.linear.scatter [tilespmem:s5], [sflag:$0x1], $0x40, $0x38;
	[tilespmem:$0x1EF88] =	vst v63  }
0x191: {  	_ =	swait.ge [sflag:s13], $0x40  }
0x192: {  	[sflag:s13] =	ssyncset.done $0x0  }
0x193: {  	[sflag:s13] =	ssyncadd.s32 $0xFFFFFFC0  }
.LBB3_19:
0x194: {  	s7 =	sshll.u32 s0, $0x8  }
0x195: {  	s7 =	sshra.s32 s7, $0x2  }
0x196: {  	v1 =	vld [tilespmem:s7+$0x50C8];
	_ =	sdelay $0x4  }
0x197: {  	[tilespmem:s5+$0x88] =	vst.add.f32.msk $0xffff, v1  }
0x198: {  	v1 =	vld [tilespmem:s7+$0x50D8];
	_ =	sdelay $0x4  }
0x199: {  	[tilespmem:s5+$0x98] =	vst.add.f32.msk $0xffff, v1  }
0x19a: {  	v1 =	vld [tilespmem:s7+$0x50E8];
	_ =	sdelay $0x4  }
0x19b: {  	[tilespmem:s5+$0xA8] =	vst.add.f32.msk $0xffff, v1  }
0x19c: {  	v1 =	vld [tilespmem:s7+$0x50F8];
	_ =	sdelay $0x2  }
0x19d: {  	p2 =	sgt.u32 s29, $0xC34F8  }
0x19e: {  	s7 =	sand.u32 @!p2 $0xFFFF8, s29  }
0x19f: {  	s8 =	sadd.s32 $0x88, s5;
	[tilespmem:s5+$0xB8] =	vst.add.f32.msk $0xffff, v1;
	s5 =	sadd.s32 @!p2 s1, s7;
	s7 =	sand.u32 @!p2 $0x7, s29  }
0x1a0: {  	[hbm4b:s5+s7] =	stream.linear.scatter @!p2 [tilespmem:s8], [sflag:$0xC], $0x40, $0x38;
	[tilespmem:$0x1EF88] =	vst v63  }
0x1a1: {  	s5 =	simm.s32 $0x0  }
0x1a2: {  	s5 =	simm.s32 @!p2 $0x100  }
0x1a3: {  	s3 =	sadd.s32 s5, s3  }
.LBB3_20:
0x1a4: {  	s5 =	sadd.s32 $0x1, s26  }
0x1a5: {  	s7 =	smulhi.u32 $0xCCCCCCCD, s5;
	_ =	sdelay $0x1  }
0x1a6: {  	v1 =	vld [tilespmem:s30+$0xFFFFFFE0];
	s7 =	sshrl.u32 s7, $0x8  }
0x1a7: {  	s7 =	smul.u32 $0x140, s7;
	_ =	sdelay $0x1  }
0x1a8: {  	s26 =	ssub.s32 s5, s7  }
0x1a9: {  	s5 =	sshll.u32 s26, $0x6  }
0x1aa: {  	[tilespmem:s5+$0x88] =	vst v1  }
0x1ab: {  	v1 =	vld [tilespmem:s30+$0xFFFFFFF0];
	_ =	sdelay $0x4  }
0x1ac: {  	[tilespmem:s5+$0x98] =	vst v1  }
0x1ad: {  	v1 =	vld [tilespmem:s30+$0x0];
	_ =	sdelay $0x4  }
0x1ae: {  	[tilespmem:s5+$0xA8] =	vst v1  }
0x1af: {  	v1 =	vld [tilespmem:s30+$0x10]  }
.Ltmp24:
0x1b0: {  	_ = 	snop;
	(pc) =	sbr.rel .LBB3_21-.Ltmp24, $2  }
0x1b1: {  	_ =	sdelay $0x2  }
0x1b2: {  	s0 =	sadd.s32 $0x1, s0;
	[tilespmem:s5+$0xB8] =	vst v1  }
.LBB3_23:
.Ltmp25:
0x1b3: {  	(pc) =	sbr.rel .LBB3_24-.Ltmp25, $4  }
0x1b4: {  	_ = 	snop  }
0x1b5: {  	s0 =	simm.s32 $0x2  }
0x1b6: {  	_ =	swait.ge [sflag:s0], $0x0  }
0x1b7: {  	s2 =	smov.u32 s29;
	[sflag:s0] =	ssyncset.done $0x0;
	s0 =	simm.s32 $0x0  }
.LBB3_26:
0x1b8: {  	_ =	sfence.sel $0x180000  }
0x1b9: {  	s0 =	simm.s32 $0x9;
	[bflag:$0x0] =	sbarrier.arrive $0xFFFF  }
0x1ba: {  	s24 =	simm.s32 $0xA;
	[sflag:s0] =	ssyncpa.u1 $0x1  }
0x1bb: {  	s25 =	simm.s32 $0xB;
	[sflag:s24] =	ssyncpa.u1 $0x1  }
0x1bc: {  	s26 =	simm.s32 $0x2;
	[sflag:s25] =	ssyncpa.u1 $0x1  }
0x1bd: {  	[sflag:s26] =	ssyncpa.u1 $0x1  }
0x1be: {  	v0 =	vld [tilespmem:$0xA108];
	_ =	sdelay $0x4  }
0x1bf: {  	(v2sf) =	vpush v0, $0x0  }
0x1c0: {  	(v2sf) =	vpush v0, $0x1;
	_ =	sdelay $0x1  }
0x1c1: {  	(v2sf) =	vpush v0, $0x2;
	_ =	sdelay $0xb  }
0x1c2: {  	s0 =	spop (v2sf)  }
0x1c3: {  	s2 =	spop (v2sf)  }
0x1c4: {  	s3 =	smov.u32 s0;
	p0 =	sne.s32 s0, s2  }
0x1c5: {  	s4 =	spop (v2sf);
	s3 =	simm.s32 @!p0 $0xFFFFFFFF  }
0x1c6: {  	v2 =	vimm.s32 $0x1;
	v3 =	vlaneseq.u32;
	p0 =	seq.s32 s4, $0xFFFFFFFF;
	v1 =	vmov s3  }
0x1c7: {  	s14 =	stileid.u32;
	v0 =	vperm.xlane v0, v2;
	p1 =	sne.s32 @!p0 s0, s2;
	v1 =	vperm.xlane v1, v3  }
0x1c8: {  	vm0 =	vcmask $0x3F04;
	s6 =	simm.s32 $0xA108;
	s0 =	simm.s32 @!p0 $0x1;
	p1 =	por !p1, p0  }
0x1c9: {  	s3 =	sshll.u32 s14, $0x1;
	s2 =	sshll.u32 @!p0 s4, $0x8;
	s0 =	simm.s32 @p1 $0x0;
	v0 =	vsel vm0, v1, v0  }
0x1ca: {  	s5 =	sor.u32 $0x800, s3;
	s2 =	sshra.s32 @!p0 s2, $0x2;
	s0 =	sor.u32 @!p0 s0, s3;
	[tilespmem:$0xA108] =	vst v0  }
0x1cb: {  	[spmem:s5] =	stream.linear.scatter [tilespmem:s6], [sflag:$0x1], $0x2, $0x38;
	[tilespmem:$0x1EF88] =	vst v63  }
0x1cc: {  	s2 =	sadd.s32 @!p0 $0x88, s2;
	s0 =	sshll.u32 @!p0 s0, $0x6  }
0x1cd: {  	[spmem:s0] =	stream.linear.scatter @!p0 [tilespmem:s2], [sflag:$0x1], $0x40, $0x38;
	[tilespmem:$0x1EF88] =	vst v63  }
0x1ce: {  	s0 =	simm.s32 @!p0 $0x42  }
0x1cf: {  	s28 =	simm.s32 $0x1;
	s0 =	simm.s32 @p0 $0x2  }
0x1d0: {  	_ =	swait.ge [sflag:s28], s0  }
0x1d1: {  	s0 =	ssub.s32 $0x0, s0;
	[sflag:s28] =	ssyncset.done $0x0  }
0x1d2: {  	p0 =	sne.s32 s14, $0x0;
	[sflag:s28] =	ssyncadd.s32 s0  }
.Ltmp26:
0x1d3: {  	_ =	sfence.stream.spmem;
	(pc) =	sbr.rel @p0 .LBB3_43-.Ltmp26, $4  }
0x1d4: {  	s29 =	simm.s32 $0x3;
	[bflag:$0x0] =	sbarrier.arrive $0xFFFF  }
0x1d5: {  	s30 =	simm.s32 $0x4;
	[sflag:s29] =	ssyncpa.u1 $0x1  }
0x1d6: {  	s31 =	simm.s32 $0x3C;
	[sflag:s30] =	ssyncpa.u1 $0x1  }
0x1d7: {  	s13 =	rddreg [dreg:$0x4];
	[sflag:s31] =	ssyncpa.u1 $0x1  }
0x1d8: {  	_ =	sfence.stream.spmem;
	s0 =	simm.s32 $0x5  }
0x1d9: {  	s2 =	simm.s32 $0x800;
	s3 =	simm.s32 $0xA118;
	[sflag:s0] =	ssyncpa.u1 $0x0  }
0x1da: {  	[tilespmem:s3], [sflag:$0x5] =	stream.linear.gather [spmem:s2], $0x20, $0x38;
	[tilespmem:$0x1EF88] =	vst v63  }
0x1db: {  	s26 =	simm.s32 $0x0;
	s28 =	simm.s32 $0xA138  }
0x1dc: {  	[tilespmem:s28], [sflag:$0x5] =	stream.linear.gather [spmem:s26], $0x800, $0x38;
	[tilespmem:$0x1EF88] =	vst v63  }
0x1dd: {  	_ =	swait.ge [sflag:s0], $0x820  }
0x1de: {  	[sflag:s0] =	ssyncset.done $0x0  }
0x1df: {  	s29 =	simm.s32 $0x0;
	[sflag:s0] =	ssyncadd.s32 $0xFFFFF7E0  }
0x1e0: {  	v0 =	vld.msk [tilespmem:s29+$0xA118], $0x1;
	_ =	sdelay $0x1  }
0x1e1: {  	s30 =	simm.s32 $0x1  }
0x1e2: {  	v1 =	vld.msk [tilespmem:s30+$0xA118], $0x1;
	_ =	sdelay $0x1  }
0x1e3: {  	(v2sf) =	vpush v0, $0x0;
	_ =	sdelay $0x2  }
0x1e4: {  	(v2sf) =	vpush v1, $0x0;
	_ =	sdelay $0x2  }
0x1e5: {  	s31 =	simm.s32 $0x2  }
0x1e6: {  	v0 =	vld.msk [tilespmem:s31+$0xA118], $0x1;
	_ =	sdelay $0x2  }
0x1e7: {  	s2 =	simm.s32 $0xFFFFFFFF;
	s3 =	simm.s32 $0xFFFFFFFF;
	s0 =	simm.s32 $0xC  }
.LBB3_28:
0x1e8: {  	s4 =	smov.u32 s3;
	s5 =	smov.u32 s2  }
0x1e9: {  	s2 =	sshra.s32 s0, $0x2;
	p1 =	sne.s32 s0, $0x7C;
	s0 =	sadd.s32 $0x4, s0;
	(v2sf) =	vpush v0, $0x0  }
0x1ea: {  	v0 =	vld.msk [tilespmem:s2+$0xA118], $0x1  }
.Ltmp27:
0x1eb: {  	(pc) =	sbr.rel @p1 .LBB3_28-.Ltmp27, $4  }
0x1ec: {  	s3 =	spop (v2sf)  }
0x1ed: {  	p2 =	sne.s32 s5, $0xFFFFFFFF;
	s2 =	smov.u32 s3  }
0x1ee: {  	p3 =	seq.s32 s3, $0xFFFFFFFF;
	s2 =	smov.u32 @p2 s5  }
0x1ef: {  	s3 =	smov.u32 @p3 s4;
	s2 =	smov.u32 @p3 s5  }
0x1f0: {  	(v2sf) =	vpush v0, $0x0;
	_ =	sdelay $0x8  }
0x1f1: {  	s0 =	spop (v2sf)  }
0x1f2: {  	p1 =	sne.s32 s2, $0xFFFFFFFF;
	s4 =	smov.u32 s0  }
0x1f3: {  	s6 =	simm.s32 $0x0;
	p2 =	seq.s32 s0, $0xFFFFFFFF;
	s4 =	smov.u32 @p1 s2  }
0x1f4: {  	s9 =	simm.s32 $0xA0C8;
	s4 =	smov.u32 @p2 s2;
	s2 =	spop (v2sf)  }
0x1f5: {  	s0 =	smov.u32 @p2 s3;
	p1 =	sne.s32 s4, $0xFFFFFFFF;
	s5 =	smov.u32 s2  }
.Ltmp28:
0x1f6: {  	p2 =	seq.s32 s2, $0xFFFFFFFF;
	s5 =	smov.u32 @p1 s4;
	(pc) =	sbr.rel .LBB3_30-.Ltmp28, $4  }
0x1f7: {  	s10 =	simm.s32 $0x0;
	s5 =	smov.u32 @p2 s4;
	s7 =	spop (v2sf)  }
0x1f8: {  	s2 =	smov.u32 @p2 s0;
	p1 =	sne.s32 s5, $0xFFFFFFFF;
	s8 =	smov.u32 s7  }
0x1f9: {  	s0 =	simm.s32 $0x6;
	p2 =	seq.s32 s7, $0xFFFFFFFF;
	s8 =	smov.u32 @p1 s5  }
0x1fa: {  	[sflag:s0] =	ssyncpa.u1 $0x0;
	s7 =	smov.u32 @p2 s2;
	s8 =	smov.u32 @p2 s5  }
.LBB3_36:
0x1fb: {  	p1 =	sgt.u32 s2, $0xC34F8  }
0x1fc: {  	p2 =	seq.s32 @!p1 s2, s8  }
0x1fd: {  	p1 =	por p1, p2  }
0x1fe: {  	p2 =	sne.s32 @!p1 s2, s7  }
0x1ff: {  	p1 =	por p1, !p2  }
0x200: {  	s2 =	sshll.u32 @p1 s10, $0x8  }
0x201: {  	s3 =	sand.u32 @!p1 $0xFFFF8, s2  }
0x202: {  	s2 =	sand.u32 @!p1 $0x7, s2;
	s3 =	sadd.s32 @!p1 s1, s3  }
0x203: {  	[tilespmem:s9], [sflag:$0x6] =	stream.linear.gather @!p1 [hbm4b:s3+s2], $0x40, $0x38;
	[tilespmem:$0x1EF88] =	vst v63  }
0x204: {  	_ =	swait.ge @!p1 [sflag:s0], $0x40  }
0x205: {  	[sflag:s0] =	ssyncset.done @!p1 $0x0  }
0x206: {  	[sflag:s0] =	ssyncadd.s32 @!p1 $0xFFFFFFC0  }
0x207: {  	v1 =	vld @!p1 [tilespmem:$0xA0C8];
	_ =	sdelay $0x2  }
0x208: {  	s2 =	sshll.u32 @!p1 s10, $0x8  }
0x209: {  	s3 =	sshrl.u32 @!p1 s2, $0x2  }
0x20a: {  	[tilespmem:s3+$0xA138] =	vst.add.f32.msk @!p1 $0xffff, v1  }
0x20b: {  	v1 =	vld @!p1 [tilespmem:$0xA0D8];
	_ =	sdelay $0x4  }
0x20c: {  	[tilespmem:s3+$0xA148] =	vst.add.f32.msk @!p1 $0xffff, v1  }
0x20d: {  	v1 =	vld @!p1 [tilespmem:$0xA0E8];
	_ =	sdelay $0x4  }
0x20e: {  	[tilespmem:s3+$0xA158] =	vst.add.f32.msk @!p1 $0xffff, v1  }
0x20f: {  	v1 =	vld @!p1 [tilespmem:$0xA0F8];
	_ =	sdelay $0x4  }
0x210: {  	[tilespmem:s3+$0xA168] =	vst.add.f32.msk @!p1 $0xffff, v1  }
0x211: {  	s2 =	sshrl.u32 s2, $0x2;
	[tilespmem:s6+$0xA118] =	vst.msk $0x1, v0  }
0x212: {  	v0 =	vld [tilespmem:s2+$0xA138];
	_ =	sdelay $0x2  }
0x213: {  	s31 =	sshll.u32 s6, $0x8  }
0x214: {  	s3 =	sshra.s32 s31, $0x2  }
0x215: {  	[tilespmem:s3+$0xA138] =	vst v0  }
0x216: {  	v0 =	vld [tilespmem:s2+$0xA148];
	_ =	sdelay $0x4  }
0x217: {  	[tilespmem:s3+$0xA148] =	vst v0  }
0x218: {  	v0 =	vld [tilespmem:s2+$0xA158];
	_ =	sdelay $0x4  }
0x219: {  	[tilespmem:s3+$0xA158] =	vst v0  }
0x21a: {  	v0 =	vld [tilespmem:s2+$0xA168];
	_ =	sdelay $0x4  }
0x21b: {  	s6 =	sadd.s32 $0x1, s6;
	[tilespmem:s3+$0xA168] =	vst v0  }
.LBB3_37:
0x21c: {  	s10 =	sadd.s32 $0x1, s10  }
0x21d: {  	p1 =	sne.s32 s10, $0x20  }
.Ltmp29:
0x21e: {  	_ = 	snop;
	(pc) =	sbr.rel @!p1 .LBB3_38-.Ltmp29, $1  }
0x21f: {  	_ =	sdelay $0x3  }
.LBB3_30:
0x220: {  	v0 =	vld.msk [tilespmem:s10+$0xA118], $0x1;
	_ =	sdelay $0x4  }
0x221: {  	(v2sf) =	vpush v0, $0x0;
	_ =	sdelay $0xe  }
0x222: {  	s2 =	spop (v2sf)  }
0x223: {  	p1 =	seq.s32 s2, $0xFFFFFFFF  }
.Ltmp30:
0x224: {  	_ = 	snop;
	(pc) =	sbr.rel @p1 .LBB3_37-.Ltmp30, $1  }
0x225: {  	_ =	sdelay $0x3  }
0x226: {  	p1 =	slt.s32 s6, $0x1  }
.Ltmp31:
0x227: {  	_ = 	snop;
	(pc) =	sbr.rel @p1 .LBB3_36-.Ltmp31, $1  }
0x228: {  	_ =	sdelay $0x3  }
0x229: {  	s3 =	simm.s32 $0xA118;
	p1 =	por $0x0, $0x0  }
0x22a: {  	v1 =	vld.msk @!p1 [tilespmem:s3+$0x0], $0x1;
	_ =	sdelay $0x4  }
0x22b: {  	(v2sf) =	vpush @!p1 v1, $0x0;
	_ =	sdelay $0xd  }
0x22c: {  	p3 =	sne.s32 s6, $0x1  }
.Ltmp32:
0x22d: {  	s4 =	spop @!p1 (v2sf);
	(pc) =	sbr.rel @!p3 .LBB3_34-.Ltmp32, $4  }
0x22e: {  	p2 =	seq.s32 @!p1 s2, s4  }
0x22f: {  	s4 =	simm.s32 $0x0;
	p2 =	por !p2, p1  }
0x230: {  	s11 =	simm.s32 $0xFFFFFFFF;
	s4 =	simm.s32 @p2 $0xFFFFFFFF  }
0x231: {  	s5 =	simm.s32 $0x1;
	s4 =	smov.u32 @p1 s11  }
.LBB3_33:
0x232: {  	s11 =	smov.u32 s4;
	p1 =	sne.s32 s4, $0xFFFFFFFF  }
0x233: {  	s3 =	sadd.s32 $0x1, s3;
	s4 =	smov.u32 s5;
	s5 =	sadd.s32 $0x1, s5  }
0x234: {  	p2 =	sne.s32 s6, s5;
	v1 =	vld.msk @!p1 [tilespmem:s3+$0x0], $0x1;
	_ =	sdelay $0x4  }
0x235: {  	(v2sf) =	vpush @!p1 v1, $0x0;
	_ =	sdelay $0xe  }
.Ltmp33:
0x236: {  	s12 =	spop @!p1 (v2sf);
	(pc) =	sbr.rel @p2 .LBB3_33-.Ltmp33, $4  }
0x237: {  	p3 =	seq.s32 @!p1 s2, s12  }
0x238: {  	p3 =	por !p3, p1  }
0x239: {  	s4 =	simm.s32 @p3 $0xFFFFFFFF  }
0x23a: {  	s4 =	smov.u32 @p1 s11  }
.LBB3_34:
0x23b: {  	p1 =	seq.s32 s4, $0xFFFFFFFF  }
.Ltmp34:
0x23c: {  	_ = 	snop;
	(pc) =	sbr.rel @p1 .LBB3_36-.Ltmp34, $1  }
0x23d: {  	_ =	sdelay $0x3  }
0x23e: {  	s2 =	sshll.u32 s10, $0x6  }
0x23f: {  	s2 =	sand.u32 $0x3FFFFFC0, s2  }
0x240: {  	v0 =	vld [tilespmem:s2+$0xA138];
	_ =	sdelay $0x2  }
0x241: {  	s3 =	sshll.u32 s4, $0x8  }
0x242: {  	s3 =	sshra.s32 s3, $0x2  }
0x243: {  	[tilespmem:s3+$0xA138] =	vst.add.f32.msk $0xffff, v0  }
0x244: {  	v0 =	vld [tilespmem:s2+$0xA148];
	_ =	sdelay $0x4  }
0x245: {  	[tilespmem:s3+$0xA148] =	vst.add.f32.msk $0xffff, v0  }
0x246: {  	v0 =	vld [tilespmem:s2+$0xA158];
	_ =	sdelay $0x4  }
0x247: {  	[tilespmem:s3+$0xA158] =	vst.add.f32.msk $0xffff, v0  }
0x248: {  	v0 =	vld [tilespmem:s2+$0xA168]  }
.Ltmp35:
0x249: {  	_ = 	snop;
	(pc) =	sbr.rel .LBB3_37-.Ltmp35, $2  }
0x24a: {  	_ =	sdelay $0x2  }
0x24b: {  	[tilespmem:s3+$0xA168] =	vst.add.f32.msk $0xffff, v0  }
.LBB3_38:
0x24c: {  	s0 =	simm.s32 $0x6;
	p1 =	seq.s32 s6, $0x0  }
0x24d: {  	[sflag:s0] =	ssyncpa.u1 $0x1;
	v0 =	vimm.s32 @p1 $0xFFFFFFFF  }
0x24e: {  	s0 =	sadd.s32 $0xFFFFFFFF, s6;
	[tilespmem:$0xA938] =	vst @p1 v0  }
0x24f: {  	v0 =	vld.msk @!p1 [tilespmem:s0+$0xA118], $0x1;
	_ =	sdelay $0x1  }
0x250: {  	v1 =	vld.msk @!p1 [tilespmem:$0xA118], $0x1;
	_ =	sdelay $0x2  }
0x251: {  	p2 =	seq.s32 @!p1 s0, $0x0;
	v0 =	vbroadcast @!p1 v0, $0x0  }
0x252: {  	vm0 =	vmmov @!p1 $0x1;
	p2 =	por !p2, p1  }
0x253: {  	v1 =	vnsel @!p1 vm0, $0xFFFFFFFF, v1;
	vm0 =	vcmask @!p1 $0x308;
	v0 =	vpsel !p2, $0xFFFFFFFF, v0  }
0x254: {  	p2 =	sne.s32 @!p1 s8, s7;
	v0 =	vsel @!p1 vm0, v1, v0  }
0x255: {  	s2 =	simm.s32 @!p1 $0xA138;
	s3 =	simm.s32 @!p1 $0x0;
	p3 =	por !p2, p1;
	[tilespmem:$0xA938] =	vst @!p1 v0  }
0x256: {  	[spmem:s3] =	stream.linear.scatter @!p1 [tilespmem:s2], [sflag:$0x1], $0x40, $0x38;
	[tilespmem:$0x1EF88] =	vst v63  }
0x257: {  	s2 =	sshll.u32 @!p3 s0, $0x8  }
0x258: {  	s2 =	sshra.s32 @!p3 s2, $0x2  }
0x259: {  	s3 =	simm.s32 @!p3 $0x40;
	s2 =	sadd.s32 @!p3 $0xA138, s2  }
0x25a: {  	[spmem:s3] =	stream.linear.scatter @!p3 [tilespmem:s2], [sflag:$0x1], $0x40, $0x38;
	[tilespmem:$0x1EF88] =	vst v63  }
0x25b: {  	s2 =	simm.s32 @!p3 $0x1  }
0x25c: {  	_ =	swait.ge @!p3 [sflag:s2], $0x80  }
0x25d: {  	p1 =	por p2, p1;
	[sflag:s2] =	ssyncset.done @!p3 $0x0  }
0x25e: {  	[sflag:s2] =	ssyncadd.s32 @!p3 $0xFFFFFF80;
	s2 =	simm.s32 @!p1 $0x1  }
0x25f: {  	_ =	swait.ge @!p1 [sflag:s2], $0x40  }
0x260: {  	s29 =	simm.s32 $0xA938;
	[sflag:s2] =	ssyncset.done @!p1 $0x0  }
0x261: {  	s30 =	simm.s32 $0x800;
	s31 =	simm.s32 $0x1;
	[sflag:s2] =	ssyncadd.s32 @!p1 $0xFFFFFFC0  }
0x262: {  	[spmem:s30] =	stream.linear.scatter [tilespmem:s29], [sflag:$0x1], $0x10, $0x38;
	[tilespmem:$0x1EF88] =	vst v63  }
0x263: {  	_ =	swait.ge [sflag:s31], $0x10  }
0x264: {  	[sflag:s31] =	ssyncset.done $0x0  }
0x265: {  	p1 =	seq.s32 s13, $0x0;
	s9 =	rddreg [dreg:$0x1];
	[sflag:s31] =	ssyncadd.s32 $0xFFFFFFF0  }
0x266: {  	s3 =	sshll.u32 @p1 s9, $0xE;
	s8 =	rddreg [dreg:$0x2]  }
0x267: {  	s2 =	sadd.s32 @p1 $0x15C3C, s3;
	s3 =	sshll.u32 @p1 s8, $0x11  }
0x268: {  	_ =	sfence.stream.spmem;
	s2 =	sor.u32 @p1 s3, s2  }
0x269: {  	[sflag:s2] =	ssyncadd.remote.s32 @p1 $0x1;
	s2 =	simm.s32 @p1 $0x4  }
0x26a: {  	s4 =	simm.s32 @!p1 $0x3C;
	s3 =	sand.u32 $0xFFFFFFFE, s9;
	_ =	swait.ge @p1 [sflag:s2], $0x12  }
0x26b: {  	s5 =	simm.s32 @!p1 $0x0;
	s3 =	sadd.s32 @!p1 $0x4, s3;
	[sflag:s2] =	ssyncset.done @p1 $0x0  }
0x26c: {  	s7 =	simm.s32 @!p1 $0x80;
	[sflag:s2] =	ssyncadd.s32 @p1 $0xFFFFFFEE;
	s2 =	sshll.u32 @!p1 s3, $0x1A  }
0x26d: {  	s3 =	sshll.u32 @!p1 s3, $0xD;
	s2 =	sor.u32 @!p1 s2, s8;
	_ =	swait.eq @!p1 [sflag:s4], $0x1  }
0x26e: {  	s3 =	sor.u32 @!p1 $0x1C04, s3;
	s4 =	simm.s32 @!p1 $0x1C03;
	s2 =	sor.u32 @!p1 $0x80004000, s2  }
0x26f: {  	[spmem:s7], [sflag:s3] =	dma.general @!p1 [spmem:s5], [sflag:s4], length:$0x10, [dreg:$0x0], stride_count:$0x0, ici_dest:s2, dma_misc:DstOpCode:WRITE  }
0x270: {  	p2 =	slt.s32 s0, $0x2;
	s5 =	simm.s32 @!p1 $0x100;
	s7 =	simm.s32 @!p1 $0x102  }
0x271: {  	[spmem:s7], [sflag:s3] =	dma.general @!p1 [spmem:s5], [sflag:s4], length:$0x2, [dreg:$0x0], stride_count:$0x0, ici_dest:s2, dma_misc:DstOpCode:WRITE  }
.Ltmp36:
0x272: {  	s2 =	simm.s32 @!p1 $0x3;
	(pc) =	sbr.rel @p2 .LBB3_42-.Ltmp36, $4  }
0x273: {  	s3 =	sshll.u32 @!p1 s9, $0xE;
	_ =	swait.ge @!p1 [sflag:s2], $0x12  }
0x274: {  	s4 =	sshll.u32 @!p1 s8, $0x11;
	s3 =	sadd.s32 @!p1 $0x11C3C, s3;
	[sflag:s2] =	ssyncset.done @!p1 $0x0  }
0x275: {  	[sflag:s2] =	ssyncadd.s32 @!p1 $0xFFFFFFEE;
	s2 =	sor.u32 @!p1 s4, s3  }
0x276: {  	s0 =	simm.s32 $0x0;
	[sflag:s2] =	ssyncadd.remote.s32 @!p1 $0xFFFFFFFF  }
0x277: {  	s0 =	simm.s32 $0xA119  }
0x278: {  	v0 =	vld.msk [tilespmem:s0+$0x0], $0x1;
	_ =	sdelay $0x4  }
0x279: {  	(v2sf) =	vpush v0, $0x0;
	_ =	sdelay $0xc  }
0x27a: {  	s2 =	sadd.s32 $0xFFFFFFFE, s6  }
0x27b: {  	s2 =	sadd.s32 $0xFFFFFFFF, s2  }
0x27c: {  	p2 =	sne.s32 s2, $0x0;
	s3 =	spop (v2sf)  }
.Ltmp37:
0x27d: {  	p1 =	sgt.u32 s3, $0xC34F8;
	(pc) =	sbr.rel @!p2 .LBB3_41-.Ltmp37, $4  }
0x27e: {  	s5 =	simm.s32 $0x0;
	s4 =	sand.u32 @!p1 $0xFFFF8, s3  }
0x27f: {  	s0 =	simm.s32 $0xA178;
	s3 =	sand.u32 @!p1 $0x7, s3;
	s4 =	sadd.s32 @!p1 s1, s4  }
0x280: {  	[hbm4b:s4+s3] =	stream.linear.scatter @!p1 [tilespmem:s0], [sflag:$0x5], $0x40, $0x38;
	[tilespmem:$0x1EF88] =	vst v63  }
0x281: {  	s5 =	simm.s32 @!p1 $0x100;
	s3 =	simm.s32 $0x0;
	s4 =	simm.s32 $0xA11A  }
.LBB3_40:
0x282: {  	v0 =	vld.msk [tilespmem:s4+$0x0], $0x1;
	s2 =	sadd.s32 $0xFFFFFFFF, s2;
	s3 =	sadd.s32 s3, s5  }
0x283: {  	p1 =	sne.s32 s2, $0x0;
	_ =	sdelay $0x3  }
0x284: {  	(v2sf) =	vpush v0, $0x0;
	_ =	sdelay $0xe  }
.Ltmp38:
0x285: {  	s6 =	spop (v2sf);
	(pc) =	sbr.rel @p1 .LBB3_40-.Ltmp38, $4  }
0x286: {  	s5 =	simm.s32 $0x0;
	p2 =	sgt.u32 s6, $0xC34F8  }
0x287: {  	s0 =	sadd.s32 $0x40, s0;
	s5 =	simm.s32 @!p2 $0x100;
	s7 =	sand.u32 @!p2 $0xFFFF8, s6  }
0x288: {  	s4 =	sadd.s32 $0x1, s4;
	s6 =	sand.u32 @!p2 $0x7, s6;
	s7 =	sadd.s32 @!p2 s1, s7  }
0x289: {  	[hbm4b:s7+s6] =	stream.linear.scatter @!p2 [tilespmem:s0], [sflag:$0x5], $0x40, $0x38;
	[tilespmem:$0x1EF88] =	vst v63  }
.LBB3_41:
0x28a: {  	s0 =	sadd.s32 s3, s5  }
0x28b: {  	s0 =	sshrl.u32 s0, $0x2  }
.LBB3_42:
0x28c: {  	s2 =	simm.s32 $0x5  }
0x28d: {  	_ =	swait.ge [sflag:s2], s0  }
0x28e: {  	s31 =	ssub.s32 $0x0, s0;
	[sflag:s2] =	ssyncset.done $0x0  }
0x28f: {  	[sflag:s2] =	ssyncadd.s32 s31  }
0x290: {  	[sflag:s2] =	ssyncpa.u1 $0x1  }
.LBB3_43:
0x291: {  	s0 =	sor.u32 s13, s14  }
0x292: {  	p1 =	sne.s32 s0, $0x0  }
.Ltmp39:
0x293: {  	_ = 	snop;
	(pc) =	sbr.rel @p1 .LBB3_58-.Ltmp39, $3  }
0x294: {  	_ =	sdelay $0x1  }
0x295: {  	[bflag:$0x0] =	sbarrier.arrive $0xFFFF  }
0x296: {  	_ =	sfence  }
0x297: {  	s2 =	simm.s32 $0x7  }
0x298: {  	s0 =	simm.s32 $0x800;
	s3 =	simm.s32 $0xA118;
	[sflag:s2] =	ssyncpa.u1 $0x0  }
0x299: {  	[tilespmem:s3], [sflag:$0x7] =	stream.linear.gather [spmem:s0], $0x20, $0x38;
	[tilespmem:$0x1EF88] =	vst v63  }
0x29a: {  	s30 =	simm.s32 $0xA138;
	s0 =	simm.s32 $0x0  }
0x29b: {  	[tilespmem:s30], [sflag:$0x7] =	stream.linear.gather [spmem:s0], $0x800, $0x38;
	[tilespmem:$0x1EF88] =	vst v63  }
.Ltmp40:
0x29c: {  	_ = 	snop;
	(pc) =	sbr.rel .LBB3_45-.Ltmp40, $4  }
0x29d: {  	_ =	swait.ge [sflag:s2], $0x820  }
0x29e: {  	[sflag:s2] =	ssyncset.done $0x0  }
0x29f: {  	s31 =	simm.s32 $0x8;
	[sflag:s2] =	ssyncadd.s32 $0xFFFFF7E0  }
0x2a0: {  	s2 =	simm.s32 $0x0;
	[sflag:s31] =	ssyncpa.u1 $0x0  }
.LBB3_51:
0x2a1: {  	p1 =	slt.u32 s3, $0xC34F9  }
0x2a2: {  	s4 =	sand.u32 @p1 $0xFFFF8, s3  }
0x2a3: {  	s3 =	sand.u32 @p1 $0x7, s3;
	s5 =	simm.s32 @p1 $0xA0C8;
	s4 =	sadd.s32 @p1 s1, s4  }
0x2a4: {  	[tilespmem:s5], [sflag:$0x8] =	stream.linear.gather @p1 [hbm4b:s4+s3], $0x40, $0x38;
	[tilespmem:$0x1EF88] =	vst v63  }
0x2a5: {  	s3 =	simm.s32 @p1 $0x8  }
0x2a6: {  	_ =	swait.ge @p1 [sflag:s3], $0x40  }
0x2a7: {  	[sflag:s3] =	ssyncset.done @p1 $0x0  }
0x2a8: {  	[sflag:s3] =	ssyncadd.s32 @p1 $0xFFFFFFC0  }
0x2a9: {  	v1 =	vld @p1 [tilespmem:$0xA0C8];
	_ =	sdelay $0x2  }
0x2aa: {  	s3 =	sshll.u32 @p1 s2, $0x8  }
0x2ab: {  	s4 =	sshrl.u32 @p1 s3, $0x2  }
0x2ac: {  	[tilespmem:s4+$0xA138] =	vst.add.f32.msk @p1 $0xffff, v1  }
0x2ad: {  	v1 =	vld @p1 [tilespmem:$0xA0D8];
	_ =	sdelay $0x4  }
0x2ae: {  	[tilespmem:s4+$0xA148] =	vst.add.f32.msk @p1 $0xffff, v1  }
0x2af: {  	v1 =	vld @p1 [tilespmem:$0xA0E8];
	_ =	sdelay $0x4  }
0x2b0: {  	[tilespmem:s4+$0xA158] =	vst.add.f32.msk @p1 $0xffff, v1  }
0x2b1: {  	v1 =	vld @p1 [tilespmem:$0xA0F8];
	_ =	sdelay $0x3  }
0x2b2: {  	s5 =	sshll.u32 @!p1 s2, $0x8  }
0x2b3: {  	s5 =	smov.u32 @p1 s3;
	[tilespmem:s4+$0xA168] =	vst.add.f32.msk @p1 $0xffff, v1  }
0x2b4: {  	s3 =	sshrl.u32 s5, $0x2;
	[tilespmem:s0+$0xA118] =	vst.msk $0x1, v0  }
0x2b5: {  	v0 =	vld [tilespmem:s3+$0xA138];
	_ =	sdelay $0x2  }
0x2b6: {  	s31 =	sshll.u32 s0, $0x8  }
0x2b7: {  	s4 =	sshra.s32 s31, $0x2  }
0x2b8: {  	[tilespmem:s4+$0xA138] =	vst v0  }
0x2b9: {  	v0 =	vld [tilespmem:s3+$0xA148];
	_ =	sdelay $0x4  }
0x2ba: {  	[tilespmem:s4+$0xA148] =	vst v0  }
0x2bb: {  	v0 =	vld [tilespmem:s3+$0xA158];
	_ =	sdelay $0x4  }
0x2bc: {  	[tilespmem:s4+$0xA158] =	vst v0  }
0x2bd: {  	v0 =	vld [tilespmem:s3+$0xA168];
	_ =	sdelay $0x4  }
0x2be: {  	s0 =	sadd.s32 $0x1, s0;
	[tilespmem:s4+$0xA168] =	vst v0  }
.LBB3_52:
0x2bf: {  	s2 =	sadd.s32 $0x1, s2  }
0x2c0: {  	p1 =	sne.s32 s2, $0x20  }
.Ltmp41:
0x2c1: {  	_ = 	snop;
	(pc) =	sbr.rel @!p1 .LBB3_53-.Ltmp41, $1  }
0x2c2: {  	_ =	sdelay $0x3  }
.LBB3_45:
0x2c3: {  	v0 =	vld.msk [tilespmem:s2+$0xA118], $0x1;
	_ =	sdelay $0x4  }
0x2c4: {  	(v2sf) =	vpush v0, $0x0;
	_ =	sdelay $0xe  }
0x2c5: {  	s3 =	spop (v2sf)  }
0x2c6: {  	p1 =	seq.s32 s3, $0xFFFFFFFF  }
.Ltmp42:
0x2c7: {  	_ = 	snop;
	(pc) =	sbr.rel @p1 .LBB3_52-.Ltmp42, $1  }
0x2c8: {  	_ =	sdelay $0x3  }
0x2c9: {  	p1 =	slt.s32 s0, $0x1  }
.Ltmp43:
0x2ca: {  	_ = 	snop;
	(pc) =	sbr.rel @p1 .LBB3_51-.Ltmp43, $1  }
0x2cb: {  	_ =	sdelay $0x3  }
0x2cc: {  	s4 =	simm.s32 $0xA118;
	p1 =	por $0x0, $0x0  }
0x2cd: {  	v1 =	vld.msk @!p1 [tilespmem:s4+$0x0], $0x1;
	_ =	sdelay $0x4  }
0x2ce: {  	(v2sf) =	vpush @!p1 v1, $0x0;
	_ =	sdelay $0xd  }
0x2cf: {  	p3 =	sne.s32 s0, $0x1  }
.Ltmp44:
0x2d0: {  	s5 =	spop @!p1 (v2sf);
	(pc) =	sbr.rel @!p3 .LBB3_49-.Ltmp44, $4  }
0x2d1: {  	p2 =	seq.s32 @!p1 s3, s5  }
0x2d2: {  	s5 =	simm.s32 $0x0;
	p2 =	por !p2, p1  }
0x2d3: {  	s7 =	simm.s32 $0xFFFFFFFF;
	s5 =	simm.s32 @p2 $0xFFFFFFFF  }
0x2d4: {  	s6 =	simm.s32 $0x1;
	s5 =	smov.u32 @p1 s7  }
.LBB3_48:
0x2d5: {  	s7 =	smov.u32 s5;
	p1 =	sne.s32 s5, $0xFFFFFFFF  }
0x2d6: {  	s4 =	sadd.s32 $0x1, s4;
	s5 =	smov.u32 s6;
	s6 =	sadd.s32 $0x1, s6  }
0x2d7: {  	p2 =	sne.s32 s0, s6;
	v1 =	vld.msk @!p1 [tilespmem:s4+$0x0], $0x1;
	_ =	sdelay $0x4  }
0x2d8: {  	(v2sf) =	vpush @!p1 v1, $0x0;
	_ =	sdelay $0xe  }
.Ltmp45:
0x2d9: {  	s8 =	spop @!p1 (v2sf);
	(pc) =	sbr.rel @p2 .LBB3_48-.Ltmp45, $4  }
0x2da: {  	p3 =	seq.s32 @!p1 s3, s8  }
0x2db: {  	p3 =	por !p3, p1  }
0x2dc: {  	s5 =	simm.s32 @p3 $0xFFFFFFFF  }
0x2dd: {  	s5 =	smov.u32 @p1 s7  }
.LBB3_49:
0x2de: {  	p1 =	seq.s32 s5, $0xFFFFFFFF  }
.Ltmp46:
0x2df: {  	_ = 	snop;
	(pc) =	sbr.rel @p1 .LBB3_51-.Ltmp46, $1  }
0x2e0: {  	_ =	sdelay $0x3  }
0x2e1: {  	s3 =	sshll.u32 s2, $0x6  }
0x2e2: {  	s3 =	sand.u32 $0x3FFFFFC0, s3  }
0x2e3: {  	v0 =	vld [tilespmem:s3+$0xA138];
	_ =	sdelay $0x2  }
0x2e4: {  	s4 =	sshll.u32 s5, $0x8  }
0x2e5: {  	s4 =	sshra.s32 s4, $0x2  }
0x2e6: {  	[tilespmem:s4+$0xA138] =	vst.add.f32.msk $0xffff, v0  }
0x2e7: {  	v0 =	vld [tilespmem:s3+$0xA148];
	_ =	sdelay $0x4  }
0x2e8: {  	[tilespmem:s4+$0xA148] =	vst.add.f32.msk $0xffff, v0  }
0x2e9: {  	v0 =	vld [tilespmem:s3+$0xA158];
	_ =	sdelay $0x4  }
0x2ea: {  	[tilespmem:s4+$0xA158] =	vst.add.f32.msk $0xffff, v0  }
0x2eb: {  	v0 =	vld [tilespmem:s3+$0xA168]  }
.Ltmp47:
0x2ec: {  	_ = 	snop;
	(pc) =	sbr.rel .LBB3_52-.Ltmp47, $2  }
0x2ed: {  	_ =	sdelay $0x2  }
0x2ee: {  	[tilespmem:s4+$0xA168] =	vst.add.f32.msk $0xffff, v0  }
.LBB3_53:
0x2ef: {  	p1 =	slt.s32 s0, $0x1  }
.Ltmp48:
0x2f0: {  	_ = 	snop;
	(pc) =	sbr.rel @p1 .LBB3_57-.Ltmp48, $3  }
0x2f1: {  	_ =	sdelay $0x1  }
0x2f2: {  	s2 =	simm.s32 $0x8  }
0x2f3: {  	[sflag:s2] =	ssyncpa.u1 $0x1;
	s2 =	simm.s32 $0x0  }
0x2f4: {  	s3 =	simm.s32 $0xA118  }
0x2f5: {  	v0 =	vld.msk [tilespmem:s3+$0x0], $0x1;
	_ =	sdelay $0x4  }
0x2f6: {  	(v2sf) =	vpush v0, $0x0;
	_ =	sdelay $0xe  }
0x2f7: {  	s0 =	sadd.s32 $0xFFFFFFFF, s0;
	s4 =	spop (v2sf)  }
0x2f8: {  	p2 =	sne.s32 s0, $0x0;
	p1 =	sgt.u32 s4, $0xC34F8  }
.Ltmp49:
0x2f9: {  	s5 =	sand.u32 @!p1 $0xFFFF8, s4;
	(pc) =	sbr.rel @!p2 .LBB3_56-.Ltmp49, $4  }
0x2fa: {  	s3 =	simm.s32 $0xA138;
	s4 =	sand.u32 @!p1 $0x7, s4;
	s5 =	sadd.s32 @!p1 s1, s5  }
0x2fb: {  	[hbm4b:s5+s4] =	stream.linear.scatter @!p1 [tilespmem:s3], [sflag:$0x7], $0x40, $0x38;
	[tilespmem:$0x1EF88] =	vst v63  }
0x2fc: {  	s5 =	simm.s32 $0x0  }
0x2fd: {  	s4 =	simm.s32 $0xA119;
	s5 =	simm.s32 @!p1 $0x100  }
.LBB3_55:
0x2fe: {  	v0 =	vld.msk [tilespmem:s4+$0x0], $0x1;
	s0 =	sadd.s32 $0xFFFFFFFF, s0;
	s2 =	sadd.s32 s2, s5  }
0x2ff: {  	p1 =	sne.s32 s0, $0x0;
	_ =	sdelay $0x3  }
0x300: {  	(v2sf) =	vpush v0, $0x0;
	_ =	sdelay $0xe  }
.Ltmp50:
0x301: {  	s6 =	spop (v2sf);
	(pc) =	sbr.rel @p1 .LBB3_55-.Ltmp50, $4  }
0x302: {  	s5 =	simm.s32 $0x0;
	p2 =	sgt.u32 s6, $0xC34F8  }
0x303: {  	s3 =	sadd.s32 $0x40, s3;
	s5 =	simm.s32 @!p2 $0x100;
	s7 =	sand.u32 @!p2 $0xFFFF8, s6  }
0x304: {  	s4 =	sadd.s32 $0x1, s4;
	s6 =	sand.u32 @!p2 $0x7, s6;
	s7 =	sadd.s32 @!p2 s1, s7  }
0x305: {  	[hbm4b:s7+s6] =	stream.linear.scatter @!p2 [tilespmem:s3], [sflag:$0x7], $0x40, $0x38;
	[tilespmem:$0x1EF88] =	vst v63  }
.LBB3_56:
0x306: {  	s0 =	sadd.s32 s2, s5  }
0x307: {  	s2 =	sshrl.u32 s0, $0x2  }
.LBB3_57:
0x308: {  	s0 =	simm.s32 $0x7  }
0x309: {  	_ =	swait.ge [sflag:s0], s2  }
0x30a: {  	s1 =	ssub.s32 $0x0, s2;
	[sflag:s0] =	ssyncset.done $0x0  }
0x30b: {  	[sflag:s0] =	ssyncadd.s32 s1  }
0x30c: {  	[sflag:s0] =	ssyncpa.u1 $0x1  }
.LBB3_58:
0x30d: {  	_ =	sfence;
	s0 =	simm.s32 $0x1  }
0x30e: {  	[sflag:s0] =	ssyncpa.u1 $0x1  }
0x30f: {  	_ =	strace $0x90000056  }
0x310: {  	[bflag:$0x2] =	sbarrier.arrive $0xFFFF  }
0x311: {  	s0 =	rddreg [dreg:$0x3]  }
0x312: {  	s0 =	sadd.s32 @!p0 $0x100000, s0  }
0x313: {  	[sflag:s0] =	ssyncadd.tile.s32 @!p0 $0x1;
	_ =	shalt  }
.Lfunc_end3:
_tile_overlayer_lowered:
.L_overlay_start_3:
0x314: {  	(tag) =	ssettag $0x3  }
0x315: {  	s0 =	rddreg [dreg:$0x0];
	s2 =	stileid.u32  }
0x316: {  	s1 =	rddreg [dreg:$0x1];
	p0 =	sne.s32 s2, $0x0  }
0x317: {  	s3 =	rddreg [dreg:$0x2];
	[bflag:$0x3] =	sbarrier.arrive $0xFFFF;
	s2 =	simm.s32 @!p0 $0x1C01  }
0x318: {  	[timem:s3], [sflag:s2] =	dma.local @!p0 [hbm:s0], s1  }
0x319: {  	s0 =	simm.s32 @!p0 $0x1  }
0x31a: {  	_ =	swait.ge @!p0 [sflag:s0], s1  }
0x31b: {  	s1 =	ssub.s32 @!p0 $0x0, s1;
	[sflag:s0] =	ssyncset.done @!p0 $0x0  }
0x31c: {  	[sflag:s0] =	ssyncadd.s32 @!p0 s1  }
0x31d: {  	[bflag:$0x3] =	sbarrier.arrive $0xFFFF  }
0x31e: {  	_ =	shalt  }

// kernel: scatter_offload_async_start.2
scs
__scs_entry_jumppad:
0x0: {  	(pc) =	sbr.rel $0x88, $3  }
0x1: {  	(tag) =	ssettag $0x0;
	lr =	simm.s32 $0x1  }
0x2: {  	[smem:$0x3F77] =	sst lr;
	_ =	strace $0xD0000000  }
0x3: {  	_ = 	snop  }
0x4: {  	_ = 	snop  }
0x5: {  	_ = 	snop  }
0x6: {  	_ = 	snop  }
0x7: {  	_ = 	snop  }
__scs_overlays_trampoline_lowered:
0x8: {  	[smem:$0x3F86] =	sst s0  }
0x9: {  	[smem:$0x3F87] =	sst s1  }
0xa: {  	[smem:$0x3F88] =	sst s2  }
0xb: {  	[smem:$0x3F89] =	sst s3  }
0xc: {  	[smem:$0x3F8A] =	sst s4  }
0xd: {  	[smem:$0x3F8B] =	sst s5  }
0xe: {  	[smem:$0x3F8C] =	sst s6  }
0xf: {  	[smem:$0x3F8D] =	sst s7  }
0x10: {  	[smem:$0x3F8E] =	sst s8  }
0x11: {  	[smem:$0x3F8F] =	sst s9;
	s0 =	simm.s32 @!p0 $0x0  }
0x12: {  	s1 =	sld [smem:$0x3F75];
	s0 =	simm.s32 @p0 $0x1  }
0x13: {  	[smem:$0x3F90] =	sst s0;
	s0 =	simm.s32 @!p1 $0x0  }
0x14: {  	s2 =	sld [smem:$0x3F74];
	s0 =	simm.s32 @p1 $0x1  }
0x15: {  	[smem:$0x3F91] =	sst s0;
	s0 =	simm.s32 @!p2 $0x0  }
0x16: {  	s3 =	sld [smem:$0x3FDB];
	s0 =	simm.s32 @p2 $0x1  }
0x17: {  	s4 =	simm.s32 $0x1BF5;
	[smem:$0x3F93] =	sst s0  }
0x18: {  	s0 =	sld [smem:$0x3F76];
	_ =	swait.ge [sflag:s4], $0x0  }
0x19: {  	s7 =	sld [smem:$0x3F77]  }
0x1a: {  	s8 =	sadd.s32 $0xFFFFE003, lr  }
0x1b: {  	s9 =	sadd.s32 $0xFFFFFEF7, lr;
	s5 =	simm.s32 $0xFFFFFFFF;
	p2 =	slt.u32 s8, $0xFFFFF086  }
0x1c: {  	p1 =	slt.u32 s9, $0xF7A;
	s5 =	simm.s32 @!p2 $0x0  }
0x1d: {  	s5 =	simm.s32 @p1 $0x1;
	p0 =	seq.s32 s7, s2  }
0x1e: {  	s7 =	smul.u32 @!p0 $0xF7A, s2;
	p2 =	seq.s32 @!p0 s5, $0x0  }
0x1f: {  	s9 =	smul.u32 $0xF7A, s1;
	s8 =	simm.s32 @!p0 $0x1BF5;
	p2 =	por !p2, p0  }
0x20: {  	[sflag:s8] =	ssyncset.s32 @!p0 $0xFFFFF086;
	s6 =	sadd.s32 @!p0 s3, s7;
	s7 =	simm.s32 @!p0 $0x108  }
0x21: {  	s3 =	sadd.s32 s3, s9;
	s6 =	sadd.s32 @!p0 $0x88, s6;
	s7 =	simm.s32 @p2 $0x1082  }
0x22: {  	[simem:s7], [sflag:s8] =	dma.local @!p0 [hbm:s6], $0xF7A  }
0x23: {  	s9 =	sor.u32 $0xD0000000, s2;
	s6 =	simm.s32 $0x108;
	_ =	swait.ge @!p0 [sflag:s8], $0x0  }
0x24: {  	s3 =	sadd.s32 $0x88, s3;
	s6 =	simm.s32 @!p1 $0x1082;
	[sflag:s4] =	ssyncset.s32 $0xFFFFF086  }
0x25: {  	[simem:s6], [sflag:s4] =	dma.local [hbm:s3], $0xF7A  }
0x26: {  	[smem:$0x3F77] =	sst s1;
	(tag) =	ssettag s2;
	_ =	strace s9  }
0x27: {  	s1 =	sld [smem:$0x3F87]  }
0x28: {  	s2 =	sld [smem:$0x3F88]  }
0x29: {  	s4 =	sld [smem:$0x3F8A]  }
0x2a: {  	p0 =	seq.s32 s5, $0x0;
	s5 =	sld [smem:$0x3F8B]  }
0x2b: {  	s6 =	sld [smem:$0x3F8C]  }
0x2c: {  	s7 =	sld [smem:$0x3F8D]  }
0x2d: {  	s3 =	simm.s32 $0x108;
	s8 =	sld [smem:$0x3F8E]  }
0x2e: {  	s3 =	simm.s32 @!p0 $0x1082;
	s9 =	sld [smem:$0x3F8F]  }
0x2f: {  	lr =	sadd.s32 s0, s3;
	s0 =	sld [smem:$0x3F86]  }
0x30: {  	s3 =	sld [smem:$0x3F89]  }
0x31: {  	[smem:$0x3F92] =	sst s10  }
0x32: {  	s10 =	sld [smem:$0x3F90];
	_ =	sdelay $0x3  }
0x33: {  	p0 =	seq.s32 s10, $0x1;
	s10 =	sld [smem:$0x3F92];
	_ =	sdelay $0x3  }
0x34: {  	[smem:$0x3F92] =	sst s10  }
0x35: {  	s10 =	sld [smem:$0x3F91];
	_ =	sdelay $0x3  }
0x36: {  	p1 =	seq.s32 s10, $0x1;
	s10 =	sld [smem:$0x3F92];
	_ =	sdelay $0x3  }
0x37: {  	[smem:$0x3F92] =	sst s10  }
0x38: {  	s10 =	sld [smem:$0x3F93]  }
0x39: {  	_ = 	snop;
	(pc) =	sbr.ind lr, $3  }
0x3a: {  	_ = 	snop  }
0x3b: {  	_ = 	snop  }
0x3c: {  	p2 =	seq.s32 s10, $0x1;
	s10 =	sld [smem:$0x3F92]  }
0x3d: {  	_ =	shalt  }
0x3e: {  	_ =	shalt  }
0x3f: {  	_ =	shalt  }
0x40: {  	_ =	shalt  }
0x41: {  	_ =	shalt  }
0x42: {  	_ =	shalt  }
0x43: {  	_ =	shalt  }
0x44: {  	_ =	shalt  }
0x45: {  	_ =	shalt  }
0x46: {  	_ =	shalt  }
0x47: {  	_ =	shalt  }
0x48: {  	_ =	shalt  }
0x49: {  	_ =	shalt  }
0x4a: {  	_ =	shalt  }
0x4b: {  	_ =	shalt  }
0x4c: {  	_ =	shalt  }
0x4d: {  	_ =	shalt  }
0x4e: {  	_ =	shalt  }
0x4f: {  	_ =	shalt  }
0x50: {  	_ =	shalt  }
0x51: {  	_ =	shalt  }
0x52: {  	_ =	shalt  }
0x53: {  	_ =	shalt  }
0x54: {  	_ =	shalt  }
0x55: {  	_ =	shalt  }
0x56: {  	_ =	shalt  }
0x57: {  	_ =	shalt  }
0x58: {  	_ =	shalt  }
0x59: {  	_ =	shalt  }
0x5a: {  	_ =	shalt  }
0x5b: {  	_ =	shalt  }
0x5c: {  	_ =	shalt  }
0x5d: {  	_ =	shalt  }
0x5e: {  	_ =	shalt  }
0x5f: {  	_ =	shalt  }
0x60: {  	_ =	shalt  }
0x61: {  	_ =	shalt  }
0x62: {  	_ =	shalt  }
0x63: {  	_ =	shalt  }
0x64: {  	_ =	shalt  }
0x65: {  	_ =	shalt  }
0x66: {  	_ =	shalt  }
0x67: {  	_ =	shalt  }
0x68: {  	_ =	shalt  }
0x69: {  	_ =	shalt  }
0x6a: {  	_ =	shalt  }
0x6b: {  	_ =	shalt  }
0x6c: {  	_ =	shalt  }
0x6d: {  	_ =	shalt  }
0x6e: {  	_ =	shalt  }
0x6f: {  	_ =	shalt  }
0x70: {  	_ =	shalt  }
0x71: {  	_ =	shalt  }
0x72: {  	_ =	shalt  }
0x73: {  	_ =	shalt  }
0x74: {  	_ =	shalt  }
0x75: {  	_ =	shalt  }
0x76: {  	_ =	shalt  }
0x77: {  	_ =	shalt  }
0x78: {  	_ =	shalt  }
0x79: {  	_ =	shalt  }
0x7a: {  	_ =	shalt  }
0x7b: {  	_ =	shalt  }
0x7c: {  	_ =	shalt  }
0x7d: {  	_ =	shalt  }
0x7e: {  	_ =	shalt  }
0x7f: {  	_ =	shalt  }
0x80: {  	_ =	shalt  }
0x81: {  	_ =	shalt  }
0x82: {  	_ =	shalt  }
0x83: {  	_ =	shalt  }
0x84: {  	_ =	shalt  }
0x85: {  	_ =	shalt  }
0x86: {  	_ =	shalt  }
0x87: {  	_ =	shalt  }
.Lfunc_end0:
.L_simem_size_0:
called_computation.2_lowered:
.L_overlay_start_0:
0x88: {  	s2 =	sld [smem:$0x3FD9]  }
0x89: {  	s3 =	sld [smem:$0x3FFE];
	_ =	sdelay $0x1  }
0x8a: {  	s1 =	srdreg.scid  }
0x8b: {  	s0 =	sand.u32 $0x1, s1  }
0x8c: {  	s15 =	sshll.u32 s0, $0xA;
	s2 =	sadd.s32 s3, s2  }
0x8d: {  	s2 =	sadd.s32 s2, s15  }
0x8e: {  	[smem:$0x3F9E] =	sst s2  }
0x8f: {  	_ = 	snop  }
0x90: {  	(tm) =	ssettm $0x1  }
0x91: {  	s16 =	sld [smem:$0x3FFB];
	_ =	sdelay $0x3  }
0x92: {  	_ =	strace s16  }
0x93: {  	s2 =	sld [smem:$0x3FFC];
	_ =	sdelay $0x3  }
0x94: {  	_ =	strace s2  }
0x95: {  	s2 =	sld [smem:$0x3FFD];
	_ =	sdelay $0x3  }
0x96: {  	_ =	strace s2  }
0x97: {  	_ =	strace $0x8FFFFFFF  }
0x98: {  	s17 =	sld [smem:$0x3FDB];
	_ =	sdelay $0x1  }
0x99: {  	s18 =	simm.s32 $_scs_section_size  }
0x9a: {  	s4 =	simm.s32 $_size__tile_overlayer_lowered;
	s5 =	simm.s32 $_tile_overlayer_lowered  }
0x9b: {  	s21 =	simm.s32 $0x1BFF;
	s20 =	sshll.u32 s5, $0x1;
	s2 =	sadd.s32 s18, s17  }
0x9c: {  	s6 =	simm.s32 $0x0;
	s19 =	sshll.u32 s4, $0x1;
	s4 =	sadd.s32 s20, s2  }
0x9d: {  	[timem:s6], [sflag:s21] =	dma.local [hbm:s4], s19  }
0x9e: {  	_ =	swait.ge [sflag:s21], s19  }
0x9f: {  	s3 =	ssub.s32 $0x0, s19;
	[sflag:s21] =	ssyncset.done $0x0  }
0xa0: {  	[sflag:s21] =	ssyncadd.s32 s3;
	_ =	sdelay $0x1  }
0xa1: {  	s22 =	simm.s32 $0x1B8B  }
0xa2: {  	_ =	swait.ge [sflag:s22], $0x1  }
0xa3: {  	[sflag:s22] =	ssyncset.done $0x0  }
0xa4: {  	s23 =	sld [smem:$0x3FFE];
	[sflag:s22] =	ssyncadd.s32 $0xFFFFFFFF  }
0xa5: {  	s25 =	simm.s32 $0x1B8E;
	s24 =	sld [smem:$0x0]  }
0xa6: {  	s26 =	simm.s32 $execute0_lowered;
	[smem:$0x3FD2] =	sst s25  }
0xa7: {  	s5 =	sshll.u32 s26, $0x1;
	_ =	strace $0x8000005B;
	[dreg:$0x1] =	wrdreg $0xFFFFFFFF  }
0xa8: {  	s28 =	simm.s32 $_size_execute0_lowered;
	s2 =	sadd.s32 s2, s5;
	[dreg:$0x0] =	wrdreg $0x0  }
0xa9: {  	s5 =	sshll.u32 s28, $0x1;
	[dreg:$0x2] =	wrdreg s2  }
0xaa: {  	[dreg:$0x3] =	wrdreg s5  }
0xab: {  	[dreg:$0x4] =	wrdreg $0xC0  }
0xac: {  	_ =	task [dreg:s6], $0x5FFFF  }
0xad: {  	[dreg:$0x1] =	wrdreg $0xFFFFFFFF  }
0xae: {  	[dreg:$0x0] =	wrdreg $0x60  }
0xaf: {  	[dreg:$0x2] =	wrdreg s23  }
0xb0: {  	[dreg:$0x3] =	wrdreg s1  }
0xb1: {  	[dreg:$0x4] =	wrdreg s24  }
0xb2: {  	[dreg:$0x5] =	wrdreg $0x9  }
0xb3: {  	_ =	task.clear_ibuf [dreg:s6], $0x6FFFF;
	_ =	strace $0x9000005B  }
0xb4: {  	s29 =	simm.s32 $0x9;
	_ =	strace $0x8000005D  }
0xb5: {  	_ =	swait.ge [sflag:s29], $0x1  }
0xb6: {  	[sflag:s29] =	ssyncadd.s32 $0xFFFFFFFF  }
0xb7: {  	_ =	strace $0x9000005D  }
0xb8: {  	_ =	sfence  }
0xb9: {  	s30 =	sld [smem:$0x0];
	_ =	sdelay $0x2  }
0xba: {  	s31 =	sshll.u32 s1, $0xD;
	s1 =	sshrl.u32 s1, $0x2  }
0xbb: {  	s3 =	sand.u32 $0x4000, s31;
	s1 =	sadd.s32 s1, s30  }
0xbc: {  	s0 =	sor.u32 s3, s0;
	s1 =	sshll.u32 s1, $0x11  }
0xbd: {  	s0 =	sor.u32 s1, s0  }
0xbe: {  	s0 =	sadd.s32 $0x8F2B, s0  }
0xbf: {  	[sflag:s0] =	ssyncadd.remote.s32 $0x1  }
0xc0: {  	_ =	sfence.sel $0xFFFF  }
0xc1: {  	[dreg:$0x0] =	wrdreg $0xFFFFFFFF;
	(pc) =	sbr.abs _section_cstart, $3  }
0xc2: {  	[dreg:$0x1] =	wrdreg $0xFFFFFFFF  }
0xc3: {  	_ =	task.clear_ibuf [dreg:s6], $0x2FFFF;
	_ =	strace $0x9FFFFFFF  }
0xc4: {  	(tm) =	ssettm $0x7FFFFFFF  }
0xc5: {  	_ =	shalt  }
tec
execute0_lowered:
.L_overlay_start_1:
0x0: {  	(tag) =	ssettag $0x1  }
0x1: {  	s2 =	rddreg [dreg:$0x0]  }
0x2: {  	s4 =	rddreg [dreg:$0x1];
	_ =	strace $0x8000005C;
	s0 =	simm.s32 $0x1  }
0x3: {  	s3 =	simm.s32 $0x88;
	v0 =	vimm.s32 $0x0;
	[sflag:s0] =	ssyncpa.u1 $0x0  }
0x4: {  	[tilespmem:s3+$0x30] =	vst v0  }
0x5: {  	s1 =	sadd.s32 $0x35800, s2;
	s0 =	sadd.s32 $0x4800, s2;
	s6 =	sadd.s32 $0x35E9200, s2;
	[tilespmem:s3+$0x20] =	vst v0  }
0x6: {  	s2 =	sadd.s32 $0x1D000, s2;
	s7 =	sand.u32 $0x1, s4;
	s4 =	simm.s32 $0x40;
	[tilespmem:s3+$0x10] =	vst v0  }
.LBB2_1:
0x7: {  	s4 =	sadd.s32 $0x40, s4  }
0x8: {  	[tilespmem:s3+$0x0] =	vst v0;
	s3 =	sadd.s32 $0x40, s3;
	p0 =	slt.u32 s4, $0x5040  }
.Ltmp0:
0x9: {  	(pc) =	sbr.rel @p0 .LBB2_1-.Ltmp0, $4  }
0xa: {  	_ = 	snop  }
0xb: {  	[tilespmem:s3+$0x30] =	vst v0  }
0xc: {  	[tilespmem:s3+$0x20] =	vst v0  }
0xd: {  	[tilespmem:s3+$0x10] =	vst v0  }
0xe: {  	s8 =	stileid.u32  }
0xf: {  	s4 =	smul.u32 $0x4E, s8  }
0x10: {  	s5 =	smin.u32 s8, $0x2  }
0x11: {  	s4 =	sadd.s32 s5, s4  }
0x12: {  	p0 =	slt.u32 s8, $0x2;
	s12 =	smul.u32 $0x140, s4;
	s4 =	simm.s32 $0x62C0  }
0x13: {  	s4 =	simm.s32 @!p0 $0x6180  }
0x14: {  	s25 =	simm.s32 $0x2;
	s4 =	sadd.s32 s4, s12  }
0x15: {  	s28 =	simm.s32 $0x9;
	s9 =	simm.s32 $0xA;
	s14 =	smin.u32 s4, $0x61A80  }
0x16: {  	s30 =	simm.s32 $0xB;
	[dreg:$0x4] =	wrdreg s7;
	s4 =	ssub.s32 s14, s12  }
0x17: {  	s31 =	smul.u32 $0xC350, s7;
	s13 =	simm.s32 $0x1;
	p0 =	sgt.s32 s4, $0x0  }
0x18: {  	s19 =	simm.s32 $0x0;
	s20 =	simm.s32 $0xA808;
	s4 =	simm.s32 @!p0 $0x0  }
0x19: {  	s21 =	simm.s32 $0xFFFFFFFF;
	p1 =	por $0x0, $0x0;
	s26 =	smulhi.u32 $0x66666667, s4  }
0x1a: {  	[tilespmem:s3+$0x0] =	vst v0;
	s23 =	simm.s32 $0x0;
	[sflag:s25] =	ssyncpa.u1 $0x0;
	s18 =	sshll.u32 s8, $0x7  }
0x1b: {  	s0 =	sadd.s32 s31, s0;
	[dreg:$0xa] =	wrdreg s18;
	s3 =	sshrl.u32 s26, $0x7  }
0x1c: {  	v0 =	vimm.s32 $0xFFFFFFFF;
	s17 =	sadd.s32 s31, s2;
	[dreg:$0x9] =	wrdreg s0;
	s29 =	smul.u32 $0x140, s3  }
0x1d: {  	s25 =	simm.s32 $0x0;
	[tilespmem:$0xA108] =	vst v0;
	[sflag:s28] =	ssyncpa.u1 $0x0;
	[dreg:$0x8] =	wrdreg s17  }
.Ltmp1:
0x1e: {  	p0 =	sne.s32 s4, s29;
	s4 =	simm.s32 $0x1;
	(pc) =	sbr.rel .LBB2_3-.Ltmp1, $4  }
0x1f: {  	[sflag:s9] =	ssyncpa.u1 $0x0;
	[dreg:$0x5] =	wrdreg s12;
	s4 =	simm.s32 @!p0 $0x0  }
0x20: {  	[sflag:s30] =	ssyncpa.u1 $0x0;
	[dreg:$0x6] =	wrdreg s14;
	s15 =	sadd.s32 s4, s3  }
0x21: {  	s24 =	smov.u32 s12;
	s22 =	sadd.s32 $0x1, s15;
	[dreg:$0x7] =	wrdreg s15  }
0x22: {  	v0 =	vlaneseq.u32;
	s26 =	simm.s32 $0x0;
	p0 =	por $0x1, $0x1;
	[dreg:$0xb] =	wrdreg s22  }
.LBB2_22:
0x23: {  	s0 =	sshrl.u32 s3, $0x2  }
.LBB2_24:
0x24: {  	s3 =	simm.s32 $0xC  }
0x25: {  	_ =	swait.ge [sflag:s3], s0  }
0x26: {  	s31 =	ssub.s32 $0x0, s0;
	v1 =	vmov s4;
	vm0 =	veq.s32 v0, $0x0;
	[sflag:s3] =	ssyncset.done $0x0  }
0x27: {  	vm15 =	veq.s32 v0, $0x2;
	v1 =	vsel vm0, s2, v1;
	[sflag:s3] =	ssyncadd.s32 s31  }
0x28: {  	v1 =	vsel vm15, s26, v1;
	[sflag:s3] =	ssyncpa.u1 $0x1  }
0x29: {  	[tilespmem:$0xA108] =	vst v1  }
.LBB2_25:
0x2a: {  	s0 =	sadd.s32 $0x140, s24  }
0x2b: {  	s2 =	smov.u32 s12;
	p2 =	slt.s32 s0, s14  }
0x2c: {  	s2 =	smov.u32 @p2 s0;
	p2 =	sne.s32 s25, s22  }
.Ltmp2:
0x2d: {  	_ = 	snop;
	(pc) =	sbr.rel @!p2 .LBB2_26-.Ltmp2, $4  }
0x2e: {  	_ = 	snop  }
0x2f: {  	s26 =	smov.u32 s23;
	s31 =	sadd.s32 $0x1, s25;
	p0 =	por !p0, !p0  }
0x30: {  	s23 =	smov.u32 s24;
	s20 =	sadd.s32 $0x140, s20;
	s21 =	sadd.s32 $0x1, s21  }
0x31: {  	p1 =	por !p1, !p1;
	s25 =	smov.u32 s31;
	s24 =	smov.u32 s2  }
.LBB2_3:
0x32: {  	p2 =	sge.u32 s25, s15  }
0x33: {  	s0 =	smulhi.u32 @!p2 $0xAAAAAAAB, s25  }
0x34: {  	s2 =	smov.u32 s24;
	p3 =	sgt.s32 @!p2 s24, $0x61940  }
0x35: {  	s3 =	sshra.s32 @!p2 s24, $0x1F;
	p3 =	por !p3, p2;
	s0 =	sshrl.u32 @!p2 s0, $0x1  }
0x36: {  	s3 =	sand.u32 @!p2 s3, s24;
	s2 =	simm.s32 @p3 $0x61940;
	s0 =	smul.u32 @!p2 $0x3, s0  }
0x37: {  	s2 =	ssub.s32 @!p2 s2, s3  }
0x38: {  	s2 =	sadd.s32 @!p2 $0xFFF9E6C0, s2;
	s0 =	ssub.s32 @!p2 s25, s0  }
0x39: {  	s3 =	sshll.u32 @!p2 s2, $0x2;
	p3 =	sgt.s32 @!p2 s2, $0x13F;
	s0 =	smul.u32 @!p2 $0x500, s0  }
0x3a: {  	s4 =	sand.u32 @!p2 $0x7, s24;
	s2 =	ssub.s32 @!p2 $0x500, s3;
	p3 =	por !p3, p2  }
0x3b: {  	s3 =	sshrl.u32 @!p2 s24, $0x3;
	s2 =	sshrl.u32 @!p2 s2, $0x2;
	s0 =	sshrl.u32 @!p2 s0, $0x2  }
0x3c: {  	s3 =	sadd.s32 @!p2 s3, s17;
	s2 =	simm.s32 @!p3 $0x0;
	s0 =	sadd.s32 @!p2 $0xA948, s0  }
0x3d: {  	[tilespmem:s0], [sflag:$0xA] =	stream.linear.gather @!p2 [hbm4b:s3+s4], s2, $0x38;
	[tilespmem:$0x1EF88] =	vst v63  }
0x3e: {  	s0 =	sadd.s32 $0xFFFFFFFF, s25  }
0x3f: {  	p2 =	sge.u32 s0, s15  }
.Ltmp3:
0x40: {  	_ = 	snop;
	(pc) =	sbr.rel @p2 .LBB2_7-.Ltmp3, $1  }
0x41: {  	_ =	sdelay $0x3  }
0x42: {  	p2 =	sgt.s32 s23, $0x61940;
	s2 =	smov.u32 s23;
	s3 =	sshra.s32 s23, $0x1F  }
0x43: {  	s2 =	simm.s32 @!p2 $0x61940;
	s3 =	sand.u32 s3, s23  }
0x44: {  	s17 =	smulhi.u32 $0xAAAAAAAB, s21;
	s2 =	ssub.s32 s2, s3  }
0x45: {  	s0 =	sand.u32 $0x1, s0;
	s2 =	sadd.s32 $0xFFF9E6C0, s2  }
0x46: {  	s5 =	simm.s32 $0xA;
	s3 =	sshrl.u32 s17, $0x1;
	s4 =	sshll.u32 s2, $0x2  }
0x47: {  	s7 =	sshrl.u32 s23, $0x3;
	s3 =	smul.u32 $0xFFFFF100, s3;
	s4 =	ssub.s32 $0x500, s4  }
0x48: {  	s18 =	smul.u32 $0x500, s0;
	p2 =	sgt.s32 s2, $0x13F;
	s2 =	sshrl.u32 s4, $0x2  }
0x49: {  	s9 =	sand.u32 $0x7, s23;
	s3 =	sshra.s32 s3, $0x2;
	s2 =	simm.s32 @p2 $0x0  }
0x4a: {  	s0 =	sadd.s32 s3, s20;
	s4 =	sshrl.u32 s18, $0x2;
	_ =	swait.ge [sflag:s5], s2  }
0x4b: {  	s22 =	ssub.s32 $0x0, s2;
	[sflag:s5] =	ssyncset.done $0x0;
	s8 =	rddreg [dreg:$0x9]  }
0x4c: {  	s4 =	sadd.s32 $0xAD08, s4;
	[sflag:s5] =	ssyncadd.s32 s22;
	s3 =	sadd.s32 s7, s8  }
0x4d: {  	[tilespmem:s4], [sflag:$0xB] =	stream.linear.gather [hbm4b:s3+s9], s2, $0x38;
	[tilespmem:$0x1EF88] =	vst v63  }
0x4e: {  	v1 =	vld.msk [tilespmem:s0+$0x0], $0xffff;
	_ =	sdelay $0x4  }
0x4f: {  	v1 =	vshll.u32 v1, $0x4  }
0x50: {  	(v2sf) =	vpush v1, $0x0  }
0x51: {  	(v2sf) =	vpush v1, $0x1  }
0x52: {  	(v2sf) =	vpush v1, $0x2;
	_ =	sdelay $0x3  }
0x53: {  	(v2sf) =	vpush v1, $0x3;
	_ =	sdelay $0x1  }
0x54: {  	(v2sf) =	vpush v1, $0x4  }
0x55: {  	s2 =	simm.s32 $0x1;
	(v2sf) =	vpush v1, $0x5  }
0x56: {  	s2 =	simm.s32 @!p0 $0x0  }
0x57: {  	s2 =	smul.u32 $0x28000, s2;
	(v2sf) =	vpush v1, $0x6;
	_ =	sdelay $0x1  }
0x58: {  	s2 =	sshrl.u32 s2, $0x2  }
0x59: {  	s28 =	sadd.s32 $0xB708, s2  }
0x5a: {  	s12 =	sadd.s32 $0xFFFFF880, s28;
	s17 =	sadd.s32 $0xFFFFF900, s28;
	s10 =	spop (v2sf);
	(v2sf) =	vpush v1, $0x7  }
0x5b: {  	s18 =	sadd.s32 $0xFFFFF980, s28;
	s11 =	sand.u32 $0x1FFFFFF0, s10;
	s14 =	spop (v2sf)  }
0x5c: {  	(v2sf) =	vpush v1, $0x8;
	s2 =	sadd.s32 s6, s11;
	s15 =	sand.u32 $0x1FFFFFF0, s14;
	s16 =	spop (v2sf)  }
0x5d: {  	[tilespmem:s12], [sflag:$0x9] =	stream.linear.gather [hbm4b:s2+s19], $0x40, $0x38;
	[tilespmem:$0x1EF88] =	vst v63  }
0x5e: {  	s5 =	sadd.s32 $0xFFFFFA00, s28;
	s2 =	sadd.s32 s6, s15;
	s3 =	sand.u32 $0x1FFFFFF0, s16  }
0x5f: {  	(v2sf) =	vpush v1, $0x9;
	[tilespmem:s17], [sflag:$0x9] =	stream.linear.gather [hbm4b:s2+s19], $0x40, $0x38;
	[tilespmem:$0x1EF88] =	vst v63  }
0x60: {  	s7 =	sadd.s32 $0xFFFFFA80, s28;
	s22 =	spop (v2sf);
	s3 =	sadd.s32 s6, s3  }
0x61: {  	(v2sf) =	vpush v1, $0xA;
	[tilespmem:s18], [sflag:$0x9] =	stream.linear.gather [hbm4b:s3+s19], $0x40, $0x38;
	[tilespmem:$0x1EF88] =	vst v63  }
0x62: {  	s11 =	sadd.s32 $0xFFFFFB00, s28;
	s4 =	spop (v2sf);
	(v2sf) =	vpush v1, $0xB;
	s3 =	sand.u32 $0x1FFFFFF0, s22  }
0x63: {  	s8 =	spop (v2sf);
	s2 =	sadd.s32 s6, s3;
	s3 =	sand.u32 $0x1FFFFFF0, s4  }
0x64: {  	(v2sf) =	vpush v1, $0xC;
	[tilespmem:s5], [sflag:$0x9] =	stream.linear.gather [hbm4b:s2+s19], $0x40, $0x38;
	[tilespmem:$0x1EF88] =	vst v63  }
0x65: {  	s9 =	sand.u32 $0x1FFFFFF0, s8;
	s10 =	spop (v2sf);
	s3 =	sadd.s32 s6, s3  }
0x66: {  	(v2sf) =	vpush v1, $0xD;
	[tilespmem:s7], [sflag:$0x9] =	stream.linear.gather [hbm4b:s3+s19], $0x40, $0x38;
	[tilespmem:$0x1EF88] =	vst v63  }
0x67: {  	s12 =	sadd.s32 $0xFFFFFB80, s28;
	s2 =	sadd.s32 s6, s9;
	s3 =	sand.u32 $0x1FFFFFF0, s10  }
0x68: {  	[tilespmem:s11], [sflag:$0x9] =	stream.linear.gather [hbm4b:s2+s19], $0x40, $0x38;
	[tilespmem:$0x1EF88] =	vst v63  }
0x69: {  	s17 =	sadd.s32 $0xFFFFFC00, s28;
	s3 =	sadd.s32 s6, s3;
	s14 =	spop (v2sf)  }
0x6a: {  	[tilespmem:s12], [sflag:$0x9] =	stream.linear.gather [hbm4b:s3+s19], $0x40, $0x38;
	(v2sf) =	vpush v1, $0xE;
	[tilespmem:$0x1EF88] =	vst v63  }
0x6b: {  	s18 =	sadd.s32 $0xFFFFFC80, s28;
	s15 =	sand.u32 $0x1FFFFFF0, s14;
	s16 =	spop (v2sf)  }
0x6c: {  	s5 =	sadd.s32 $0xFFFFFD00, s28;
	(v2sf) =	vpush v1, $0xF;
	s2 =	sadd.s32 s6, s15;
	s3 =	sand.u32 $0x1FFFFFF0, s16  }
0x6d: {  	[tilespmem:s17], [sflag:$0x9] =	stream.linear.gather [hbm4b:s2+s19], $0x40, $0x38;
	[tilespmem:$0x1EF88] =	vst v63  }
0x6e: {  	s7 =	sadd.s32 $0xFFFFFD80, s28;
	s22 =	spop (v2sf);
	s3 =	sadd.s32 s6, s3  }
0x6f: {  	[tilespmem:s18], [sflag:$0x9] =	stream.linear.gather [hbm4b:s3+s19], $0x40, $0x38;
	[tilespmem:$0x1EF88] =	vst v63  }
0x70: {  	s11 =	sadd.s32 $0xFFFFFE00, s28;
	s4 =	spop (v2sf);
	s3 =	sand.u32 $0x1FFFFFF0, s22  }
0x71: {  	s8 =	spop (v2sf);
	s2 =	sadd.s32 s6, s3;
	s3 =	sand.u32 $0x1FFFFFF0, s4  }
0x72: {  	[tilespmem:s5], [sflag:$0x9] =	stream.linear.gather [hbm4b:s2+s19], $0x40, $0x38;
	[tilespmem:$0x1EF88] =	vst v63  }
0x73: {  	s9 =	sand.u32 $0x1FFFFFF0, s8;
	s10 =	spop (v2sf);
	s3 =	sadd.s32 s6, s3  }
0x74: {  	[tilespmem:s7], [sflag:$0x9] =	stream.linear.gather [hbm4b:s3+s19], $0x40, $0x38;
	[tilespmem:$0x1EF88] =	vst v63  }
0x75: {  	s14 =	spop (v2sf);
	s2 =	sadd.s32 s6, s9;
	s3 =	sand.u32 $0x1FFFFFF0, s10  }
0x76: {  	[tilespmem:s11], [sflag:$0x9] =	stream.linear.gather [hbm4b:s2+s19], $0x40, $0x38;
	[tilespmem:$0x1EF88] =	vst v63  }
0x77: {  	s12 =	sadd.s32 $0xFFFFFE80, s28;
	s15 =	sand.u32 $0x1FFFFFF0, s14;
	s3 =	sadd.s32 s6, s3  }
0x78: {  	[tilespmem:s12], [sflag:$0x9] =	stream.linear.gather [hbm4b:s3+s19], $0x40, $0x38;
	[tilespmem:$0x1EF88] =	vst v63  }
0x79: {  	s17 =	sadd.s32 $0xFFFFFF00, s28;
	s2 =	sadd.s32 s6, s15;
	s16 =	spop (v2sf)  }
0x7a: {  	[tilespmem:s17], [sflag:$0x9] =	stream.linear.gather [hbm4b:s2+s19], $0x40, $0x38;
	[tilespmem:$0x1EF88] =	vst v63  }
0x7b: {  	s29 =	simm.s32 $0x0;
	s3 =	sand.u32 $0x1FFFFFF0, s16;
	s18 =	spop (v2sf)  }
0x7c: {  	s22 =	sadd.s32 $0xFFFFFF80, s28;
	s3 =	sadd.s32 s6, s3;
	s2 =	sand.u32 $0x1FFFFFF0, s18  }
0x7d: {  	[tilespmem:s22], [sflag:$0x9] =	stream.linear.gather [hbm4b:s3+s19], $0x40, $0x38;
	[tilespmem:$0x1EF88] =	vst v63  }
0x7e: {  	s31 =	sadd.s32 $0x10, s0;
	s30 =	sadd.s32 $0x800, s28;
	s2 =	sadd.s32 s6, s2  }
.LBB2_5:
0x7f: {  	[tilespmem:s28], [sflag:$0x9] =	stream.linear.gather [hbm4b:s2+s19], $0x40, $0x38;
	[tilespmem:$0x1EF88] =	vst v63  }
0x80: {  	s29 =	sadd.s32 $0x10, s29;
	s28 =	smov.u32 s30  }
0x81: {  	p2 =	slt.u32 s29, $0x130;
	v1 =	vld.msk [tilespmem:s31+$0x0], $0xffff;
	_ =	sdelay $0x4  }
0x82: {  	v1 =	vshll.u32 v1, $0x4  }
0x83: {  	(v2sf) =	vpush v1, $0x0  }
0x84: {  	(v2sf) =	vpush v1, $0x1  }
0x85: {  	(v2sf) =	vpush v1, $0x2;
	_ =	sdelay $0x1  }
0x86: {  	(v2sf) =	vpush v1, $0x3;
	_ =	sdelay $0x1  }
0x87: {  	(v2sf) =	vpush v1, $0x4;
	_ =	sdelay $0x1  }
0x88: {  	(v2sf) =	vpush v1, $0x5;
	_ =	sdelay $0x1  }
0x89: {  	(v2sf) =	vpush v1, $0x6  }
0x8a: {  	s4 =	sadd.s32 $0xFFFFFE80, s30;
	s0 =	sadd.s32 $0xFFFFFF00, s30  }
0x8b: {  	s3 =	sadd.s32 $0xFFFFFD00, s30;
	s2 =	sadd.s32 $0xFFFFFD80, s30;
	s5 =	sadd.s32 $0xFFFFFE00, s30;
	(v2sf) =	vpush v1, $0x7  }
0x8c: {  	s10 =	sadd.s32 $0xFFFFFB80, s30;
	s9 =	sadd.s32 $0xFFFFFC00, s30;
	s16 =	sadd.s32 $0xFFFFFC80, s30  }
0x8d: {  	s11 =	sadd.s32 $0xFFFFFA00, s30;
	s12 =	sadd.s32 $0xFFFFFA80, s30;
	s15 =	sadd.s32 $0xFFFFFB00, s30;
	(v2sf) =	vpush v1, $0x8  }
0x8e: {  	s18 =	sadd.s32 $0xFFFFF900, s30;
	s7 =	sadd.s32 $0xFFFFF980, s30;
	s22 =	spop (v2sf)  }
0x8f: {  	s8 =	sadd.s32 $0xFFFFF880, s30;
	s22 =	sand.u32 $0x1FFFFFF0, s22;
	s14 =	spop (v2sf);
	(v2sf) =	vpush v1, $0x9  }
0x90: {  	s22 =	sadd.s32 s6, s22;
	s14 =	sand.u32 $0x1FFFFFF0, s14;
	s17 =	spop (v2sf)  }
0x91: {  	[tilespmem:s8], [sflag:$0x9] =	stream.linear.gather [hbm4b:s22+s19], $0x40, $0x38;
	(v2sf) =	vpush v1, $0xA;
	[tilespmem:$0x1EF88] =	vst v63  }
0x92: {  	s8 =	sadd.s32 s6, s14;
	s14 =	sand.u32 $0x1FFFFFF0, s17;
	s17 =	spop (v2sf)  }
0x93: {  	[tilespmem:s18], [sflag:$0x9] =	stream.linear.gather [hbm4b:s8+s19], $0x40, $0x38;
	(v2sf) =	vpush v1, $0xB;
	[tilespmem:$0x1EF88] =	vst v63  }
0x94: {  	s8 =	sadd.s32 s6, s14;
	s14 =	sand.u32 $0x1FFFFFF0, s17;
	s17 =	spop (v2sf)  }
0x95: {  	[tilespmem:s7], [sflag:$0x9] =	stream.linear.gather [hbm4b:s8+s19], $0x40, $0x38;
	(v2sf) =	vpush v1, $0xC;
	[tilespmem:$0x1EF88] =	vst v63  }
0x96: {  	s7 =	sadd.s32 s6, s14;
	s8 =	sand.u32 $0x1FFFFFF0, s17;
	s14 =	spop (v2sf)  }
0x97: {  	[tilespmem:s11], [sflag:$0x9] =	stream.linear.gather [hbm4b:s7+s19], $0x40, $0x38;
	(v2sf) =	vpush v1, $0xD;
	[tilespmem:$0x1EF88] =	vst v63  }
0x98: {  	s7 =	sadd.s32 s6, s8;
	s8 =	sand.u32 $0x1FFFFFF0, s14;
	s11 =	spop (v2sf)  }
0x99: {  	[tilespmem:s12], [sflag:$0x9] =	stream.linear.gather [hbm4b:s7+s19], $0x40, $0x38;
	(v2sf) =	vpush v1, $0xE;
	[tilespmem:$0x1EF88] =	vst v63  }
0x9a: {  	s7 =	sadd.s32 s6, s8;
	s8 =	sand.u32 $0x1FFFFFF0, s11;
	s11 =	spop (v2sf)  }
0x9b: {  	[tilespmem:s15], [sflag:$0x9] =	stream.linear.gather [hbm4b:s7+s19], $0x40, $0x38;
	(v2sf) =	vpush v1, $0xF;
	[tilespmem:$0x1EF88] =	vst v63  }
0x9c: {  	s7 =	sadd.s32 s6, s8;
	s8 =	sand.u32 $0x1FFFFFF0, s11;
	s11 =	spop (v2sf)  }
0x9d: {  	[tilespmem:s10], [sflag:$0x9] =	stream.linear.gather [hbm4b:s7+s19], $0x40, $0x38;
	[tilespmem:$0x1EF88] =	vst v63  }
0x9e: {  	s7 =	sadd.s32 s6, s8;
	s8 =	sand.u32 $0x1FFFFFF0, s11;
	s10 =	spop (v2sf)  }
0x9f: {  	[tilespmem:s9], [sflag:$0x9] =	stream.linear.gather [hbm4b:s7+s19], $0x40, $0x38;
	[tilespmem:$0x1EF88] =	vst v63  }
0xa0: {  	s7 =	sadd.s32 s6, s8;
	s8 =	sand.u32 $0x1FFFFFF0, s10;
	s9 =	spop (v2sf)  }
0xa1: {  	[tilespmem:s16], [sflag:$0x9] =	stream.linear.gather [hbm4b:s7+s19], $0x40, $0x38;
	[tilespmem:$0x1EF88] =	vst v63  }
0xa2: {  	s7 =	sadd.s32 s6, s8;
	s8 =	sand.u32 $0x1FFFFFF0, s9;
	s9 =	spop (v2sf)  }
0xa3: {  	[tilespmem:s3], [sflag:$0x9] =	stream.linear.gather [hbm4b:s7+s19], $0x40, $0x38;
	[tilespmem:$0x1EF88] =	vst v63  }
0xa4: {  	s3 =	sadd.s32 s6, s8;
	s7 =	sand.u32 $0x1FFFFFF0, s9;
	s8 =	spop (v2sf)  }
0xa5: {  	[tilespmem:s2], [sflag:$0x9] =	stream.linear.gather [hbm4b:s3+s19], $0x40, $0x38;
	[tilespmem:$0x1EF88] =	vst v63  }
0xa6: {  	s2 =	sadd.s32 s6, s7;
	s3 =	sand.u32 $0x1FFFFFF0, s8;
	s7 =	spop (v2sf)  }
0xa7: {  	[tilespmem:s5], [sflag:$0x9] =	stream.linear.gather [hbm4b:s2+s19], $0x40, $0x38;
	[tilespmem:$0x1EF88] =	vst v63  }
0xa8: {  	s2 =	sadd.s32 s6, s3;
	s3 =	sand.u32 $0x1FFFFFF0, s7;
	s5 =	spop (v2sf)  }
0xa9: {  	[tilespmem:s4], [sflag:$0x9] =	stream.linear.gather [hbm4b:s2+s19], $0x40, $0x38;
	[tilespmem:$0x1EF88] =	vst v63  }
0xaa: {  	s2 =	sadd.s32 s6, s3  }
.Ltmp4:
0xab: {  	s3 =	sand.u32 $0x1FFFFFF0, s5;
	s4 =	spop (v2sf);
	(pc) =	sbr.rel @p2 .LBB2_5-.Ltmp4, $4  }
0xac: {  	[tilespmem:s0], [sflag:$0x9] =	stream.linear.gather [hbm4b:s2+s19], $0x40, $0x38;
	[tilespmem:$0x1EF88] =	vst v63  }
0xad: {  	s0 =	sadd.s32 s6, s3;
	s2 =	sadd.s32 $0xFFFFFF80, s30;
	s3 =	sand.u32 $0x1FFFFFF0, s4  }
0xae: {  	[tilespmem:s2], [sflag:$0x9] =	stream.linear.gather [hbm4b:s0+s19], $0x40, $0x38;
	[tilespmem:$0x1EF88] =	vst v63  }
0xaf: {  	s31 =	sadd.s32 $0x10, s31;
	s30 =	sadd.s32 $0x800, s30;
	s2 =	sadd.s32 s6, s3  }
0xb0: {  	[tilespmem:s28], [sflag:$0x9] =	stream.linear.gather [hbm4b:s2+s19], $0x40, $0x38;
	[tilespmem:$0x1EF88] =	vst v63  }
0xb1: {  	s12 =	rddreg [dreg:$0x5]  }
0xb2: {  	s14 =	rddreg [dreg:$0x6]  }
0xb3: {  	s15 =	rddreg [dreg:$0x7]  }
0xb4: {  	s17 =	rddreg [dreg:$0x8]  }
0xb5: {  	s18 =	rddreg [dreg:$0xa]  }
0xb6: {  	s22 =	rddreg [dreg:$0xb]  }
.LBB2_7:
0xb7: {  	p2 =	slt.u32 s25, $0x2  }
.Ltmp5:
0xb8: {  	_ = 	snop;
	(pc) =	sbr.rel @p2 .LBB2_25-.Ltmp5, $1  }
0xb9: {  	_ =	sdelay $0x3  }
0xba: {  	p2 =	sgt.s32 s26, $0x61940;
	s0 =	smov.u32 s26;
	s2 =	sshra.s32 s26, $0x1F  }
0xbb: {  	s0 =	simm.s32 @!p2 $0x61940;
	s2 =	sand.u32 s2, s26  }
0xbc: {  	s0 =	ssub.s32 s0, s2  }
0xbd: {  	s0 =	sadd.s32 $0xFFF9E6C0, s0  }
0xbe: {  	s3 =	simm.s32 $0x9;
	s29 =	sshll.u32 s0, $0x2  }
0xbf: {  	_ =	swait.ge [sflag:s3], $0x5000;
	s2 =	ssub.s32 $0x500, s29  }
0xc0: {  	[sflag:s3] =	ssyncset.done $0x0;
	p2 =	sgt.s32 s0, $0x13F;
	s0 =	sshrl.u32 s2, $0x2  }
0xc1: {  	s30 =	simm.s32 $0xB;
	[sflag:s3] =	ssyncadd.s32 $0xFFFFB000;
	s0 =	simm.s32 @p2 $0x0  }
0xc2: {  	_ =	swait.ge [sflag:s30], s0  }
0xc3: {  	s0 =	ssub.s32 $0x0, s0;
	[sflag:s30] =	ssyncset.done $0x0  }
0xc4: {  	[sflag:s30] =	ssyncadd.s32 s0  }
0xc5: {  	v1 =	vld [tilespmem:$0xA108];
	_ =	sdelay $0x4  }
0xc6: {  	(v2sf) =	vpush v1, $0x0  }
0xc7: {  	(v2sf) =	vpush v1, $0x1  }
0xc8: {  	(v2sf) =	vpush v1, $0x2;
	_ =	sdelay $0x3  }
0xc9: {  	s0 =	sadd.s32 $0x140, s26  }
0xca: {  	s4 =	ssub.s32 $0xC3500, s26;
	p2 =	slt.s32 s14, s0  }
0xcb: {  	s0 =	smov.u32 @p2 s14;
	p2 =	sgt.s32 s4, $0x0  }
0xcc: {  	s0 =	ssub.s32 s0, s26;
	s4 =	simm.s32 @!p2 $0x0  }
0xcd: {  	p2 =	slt.s32 s4, s0  }
0xce: {  	s0 =	smov.u32 @p2 s4  }
0xcf: {  	s2 =	simm.s32 $0x1;
	p2 =	slt.s32 s0, $0x1  }
.Ltmp6:
0xd0: {  	s2 =	simm.s32 @!p1 $0x0;
	(pc) =	sbr.rel @p2 .LBB2_12-.Ltmp6, $4  }
0xd1: {  	s7 =	smul.u32 $0x500, s2  }
0xd2: {  	s3 =	spop (v2sf)  }
0xd3: {  	s31 =	sshrl.u32 s7, $0x2;
	s5 =	spop (v2sf)  }
0xd4: {  	s28 =	sadd.s32 $0xAD08, s31;
	s26 =	spop (v2sf)  }
0xd5: {  	s4 =	smin.u32 s0, $0x10  }
0xd6: {  	v1 =	vmov s4  }
0xd7: {  	p3 =	sgt.s32 s0, $0x10;
	vm1 =	vgt.u32 v1, v0  }
.Ltmp7:
0xd8: {  	_ = 	snop;
	(pc) =	sbr.rel @!p3 .LBB2_11-.Ltmp7, $2  }
0xd9: {  	_ =	sdelay $0x2  }
0xda: {  	s9 =	simm.s32 $0x10;
	s10 =	sadd.s32 $0xFFFFFFF0, s0;
	s4 =	smov.u32 s28;
	vm0 =	vmmov vm1  }
.LBB2_10:
0xdb: {  	s7 =	smin.u32 s10, $0x10;
	s9 =	sadd.s32 $0x10, s9;
	v1 =	vld.msk [tilespmem:s4+$0x0 ss:$0x1], vm1  }
0xdc: {  	v2 =	vmov s7;
	p3 =	slt.s32 s9, s0  }
0xdd: {  	vm1 =	vgt.u32 v2, v0  }
.Ltmp8:
0xde: {  	(pc) =	sbr.rel @p3 .LBB2_10-.Ltmp8, $3  }
0xdf: {  	_ =	sdelay $0x1  }
0xe0: {  	v1 =	vshll.u32 v1, $0x4  }
0xe1: {  	s10 =	sadd.s32 $0xFFFFFFF0, s10;
	[tilespmem:s4+$0x0] =	vst.msk vm0, v1;
	s4 =	sadd.s32 $0x10, s4;
	vm0 =	vmmov vm1  }
.LBB2_11:
0xe2: {  	_ =	sdelay $0x4  }
0xe3: {  	v1 =	vld.msk [tilespmem:s4+$0x0 ss:$0x1], vm1;
	_ =	sdelay $0x4  }
0xe4: {  	v1 =	vshll.u32 v1, $0x4  }
0xe5: {  	[tilespmem:s4+$0x0] =	vst.msk vm0, v1  }
.LBB2_12:
0xe6: {  	s4 =	sand.u32 $0x1, s25  }
0xe7: {  	s4 =	smul.u32 $0x140, s4  }
0xe8: {  	p3 =	sne.s32 s5, $0xFFFFFFFF  }
0xe9: {  	v1 =	vld.msk @!p3 [tilespmem:s4+$0xAD08], $0x1;
	_ =	sdelay $0x4  }
0xea: {  	(v2sf) =	vpush @!p3 v1, $0x0;
	_ =	sdelay $0xc  }
.Ltmp9:
0xeb: {  	_ = 	snop;
	(pc) =	sbr.rel @p2 .LBB2_23-.Ltmp9, $4  }
0xec: {  	_ = 	snop  }
0xed: {  	s29 =	spop @!p3 (v2sf)  }
0xee: {  	s31 =	simm.s32 $0xC;
	s26 =	simm.s32 @!p3 $0x0;
	s4 =	smov.u32 s29  }
0xef: {  	[sflag:s31] =	ssyncpa.u1 $0x0;
	s29 =	smov.u32 @p3 s3;
	s4 =	smov.u32 @p3 s5  }
0xf0: {  	v1 =	vld.msk [tilespmem:s28+$0x0], $0x1;
	_ =	sdelay $0x4  }
0xf1: {  	(v2sf) =	vpush v1, $0x0;
	_ =	sdelay $0xe  }
0xf2: {  	s2 =	smul.u32 $0x28000, s2;
	s5 =	spop (v2sf)  }
0xf3: {  	s31 =	ssub.s32 $0x0, s0;
	p2 =	seq.s32 s29, s5  }
0xf4: {  	s3 =	smov.u32 s29;
	s2 =	sshrl.u32 s2, $0x2;
	p3 =	sgt.s32 @!p2 s29, $0x0  }
0xf5: {  	s30 =	sadd.s32 $0xAFA8, s2;
	s2 =	sadd.s32 $0x1, s31;
	p3 =	por !p3, p2  }
0xf6: {  	s3 =	simm.s32 @p3 $0x0;
	p3 =	seq.s32 s2, $0x0  }
.Ltmp10:
0xf7: {  	_ = 	snop;
	(pc) =	sbr.rel @p3 .LBB2_15-.Ltmp10, $4  }
0xf8: {  	_ = 	snop  }
0xf9: {  	s0 =	simm.s32 $0x0;
	s9 =	simm.s32 @!p2 $0x1;
	s3 =	smin.u32 @!p2 s3, $0xC34F8  }
0xfa: {  	s10 =	simm.s32 @!p2 $0x50C8;
	s9 =	smov.u32 @p2 s0;
	s7 =	sand.u32 @!p2 $0xFFFF8, s3  }
0xfb: {  	s16 =	sand.u32 @!p2 $0x7, s3;
	s3 =	sadd.s32 $0x1, s28;
	s11 =	sadd.s32 @!p2 s1, s7  }
.LBB2_14:
0xfc: {  	s7 =	smov.u32 s9  }
0xfd: {  	[tilespmem:s10], [sflag:$0x2] =	stream.linear.gather @!p2 [hbm4b:s11+s16], $0x40, $0x38;
	[tilespmem:$0x1EF88] =	vst v63  }
0xfe: {  	s2 =	sadd.s32 $0x1, s2;
	s8 =	smov.u32 s5;
	v1 =	vld.msk [tilespmem:s3+$0x0], $0x1  }
0xff: {  	p3 =	seq.s32 s2, $0x0;
	_ =	sdelay $0x3  }
0x100: {  	(v2sf) =	vpush v1, $0x0;
	_ =	sdelay $0xe  }
0x101: {  	s5 =	spop (v2sf)  }
0x102: {  	p2 =	seq.s32 s8, s5  }
0x103: {  	p4 =	sgt.s32 @!p2 s8, $0x0;
	s10 =	sshll.u32 @!p2 s9, $0x8;
	s9 =	sadd.s32 @!p2 $0x1, s9  }
.Ltmp11:
0x104: {  	p4 =	por !p4, p2;
	s10 =	sshra.s32 @!p2 s10, $0x2;
	(pc) =	sbr.rel @!p3 .LBB2_14-.Ltmp11, $4  }
0x105: {  	s9 =	smov.u32 @p2 s7;
	s8 =	simm.s32 @p4 $0x0;
	s10 =	sadd.s32 @!p2 $0x50C8, s10  }
0x106: {  	s7 =	smin.u32 @!p2 s8, $0xC34F8  }
0x107: {  	s8 =	sand.u32 @!p2 $0xFFFF8, s7;
	s16 =	sand.u32 @!p2 $0x7, s7  }
0x108: {  	s3 =	sadd.s32 $0x1, s3;
	s11 =	sadd.s32 @!p2 s1, s8  }
.LBB2_15:
0x109: {  	[tilespmem:s10], [sflag:$0x2] =	stream.linear.gather @!p2 [hbm4b:s11+s16], $0x40, $0x38;
	[tilespmem:$0x1EF88] =	vst v63  }
.Ltmp12:
0x10a: {  	s2 =	sshll.u32 s9, $0x6;
	(pc) =	sbr.rel .LBB2_16-.Ltmp12, $4  }
0x10b: {  	s3 =	simm.s32 $0x2;
	s2 =	sand.u32 $0x3FFFFFC0, s2  }
0x10c: {  	_ =	swait.ge [sflag:s3], s2  }
0x10d: {  	s2 =	ssub.s32 $0x0, s2;
	[sflag:s3] =	ssyncset.done $0x0  }
0x10e: {  	[sflag:s3] =	ssyncadd.s32 s2;
	s3 =	simm.s32 $0x0  }
.LBB2_17:
0x10f: {  	v1 =	vld [tilespmem:s30+$0xFFFFFFE0];
	_ =	sdelay $0x4  }
0x110: {  	[tilespmem:s5+$0x88] =	vst.add.f32.msk $0xffff, v1  }
0x111: {  	v1 =	vld [tilespmem:s30+$0xFFFFFFF0];
	_ =	sdelay $0x4  }
0x112: {  	[tilespmem:s5+$0x98] =	vst.add.f32.msk $0xffff, v1  }
0x113: {  	v1 =	vld [tilespmem:s30+$0x0];
	_ =	sdelay $0x4  }
0x114: {  	[tilespmem:s5+$0xA8] =	vst.add.f32.msk $0xffff, v1  }
0x115: {  	v1 =	vld [tilespmem:s30+$0x10];
	_ =	sdelay $0x4  }
0x116: {  	[tilespmem:s5+$0xB8] =	vst.add.f32.msk $0xffff, v1  }
.LBB2_21:
0x117: {  	s31 =	sadd.s32 $0x1, s31  }
0x118: {  	p2 =	seq.s32 s31, $0x0  }
.Ltmp13:
0x119: {  	_ = 	snop;
	(pc) =	sbr.rel @p2 .LBB2_22-.Ltmp13, $2  }
0x11a: {  	_ =	sdelay $0x2  }
0x11b: {  	s30 =	sadd.s32 $0x80, s30;
	s28 =	sadd.s32 $0x1, s28;
	s29 =	smov.u32 s2  }
.LBB2_16:
0x11c: {  	v1 =	vld.msk [tilespmem:s28+$0x0], $0x1;
	_ =	sdelay $0x4  }
0x11d: {  	(v2sf) =	vpush v1, $0x0;
	_ =	sdelay $0xe  }
0x11e: {  	s2 =	spop (v2sf)  }
0x11f: {  	p2 =	sne.s32 s29, s2  }
.Ltmp14:
0x120: {  	_ = 	snop;
	(pc) =	sbr.rel @!p2 .LBB2_17-.Ltmp14, $3  }
0x121: {  	_ =	sdelay $0x1  }
0x122: {  	s5 =	sshll.u32 s26, $0x8  }
0x123: {  	s5 =	sshra.s32 s5, $0x2  }
0x124: {  	p2 =	seq.s32 s29, s4  }
.Ltmp15:
0x125: {  	_ = 	snop;
	(pc) =	sbr.rel @!p2 .LBB2_19-.Ltmp15, $1  }
0x126: {  	_ =	sdelay $0x3  }
.Ltmp16:
0x127: {  	s5 =	sadd.s32 $0x88, s5;
	(pc) =	sbr.rel .LBB2_20-.Ltmp16, $4  }
0x128: {  	[spmem:s18] =	stream.linear.scatter [tilespmem:s5], [sflag:$0x1], $0x40, $0x38;
	[tilespmem:$0x1EF88] =	vst v63  }
0x129: {  	_ =	swait.ge [sflag:s13], $0x40  }
0x12a: {  	[sflag:s13] =	ssyncset.done $0x0  }
0x12b: {  	[sflag:s13] =	ssyncadd.s32 $0xFFFFFFC0  }
.LBB2_19:
0x12c: {  	s7 =	sshll.u32 s0, $0x8  }
0x12d: {  	s7 =	sshra.s32 s7, $0x2  }
0x12e: {  	v1 =	vld [tilespmem:s7+$0x50C8];
	_ =	sdelay $0x4  }
0x12f: {  	[tilespmem:s5+$0x88] =	vst.add.f32.msk $0xffff, v1  }
0x130: {  	v1 =	vld [tilespmem:s7+$0x50D8];
	_ =	sdelay $0x4  }
0x131: {  	[tilespmem:s5+$0x98] =	vst.add.f32.msk $0xffff, v1  }
0x132: {  	v1 =	vld [tilespmem:s7+$0x50E8];
	_ =	sdelay $0x4  }
0x133: {  	[tilespmem:s5+$0xA8] =	vst.add.f32.msk $0xffff, v1  }
0x134: {  	v1 =	vld [tilespmem:s7+$0x50F8];
	_ =	sdelay $0x2  }
0x135: {  	p2 =	sgt.u32 s29, $0xC34F8  }
0x136: {  	s7 =	sand.u32 @!p2 $0xFFFF8, s29  }
0x137: {  	s8 =	sadd.s32 $0x88, s5;
	[tilespmem:s5+$0xB8] =	vst.add.f32.msk $0xffff, v1;
	s5 =	sadd.s32 @!p2 s1, s7;
	s7 =	sand.u32 @!p2 $0x7, s29  }
0x138: {  	[hbm4b:s5+s7] =	stream.linear.scatter @!p2 [tilespmem:s8], [sflag:$0xC], $0x40, $0x38;
	[tilespmem:$0x1EF88] =	vst v63  }
0x139: {  	s5 =	simm.s32 $0x0  }
0x13a: {  	s5 =	simm.s32 @!p2 $0x100  }
0x13b: {  	s3 =	sadd.s32 s5, s3  }
.LBB2_20:
0x13c: {  	s5 =	sadd.s32 $0x1, s26  }
0x13d: {  	s7 =	smulhi.u32 $0xCCCCCCCD, s5;
	_ =	sdelay $0x1  }
0x13e: {  	v1 =	vld [tilespmem:s30+$0xFFFFFFE0];
	s7 =	sshrl.u32 s7, $0x8  }
0x13f: {  	s7 =	smul.u32 $0x140, s7;
	_ =	sdelay $0x1  }
0x140: {  	s26 =	ssub.s32 s5, s7  }
0x141: {  	s5 =	sshll.u32 s26, $0x6  }
0x142: {  	[tilespmem:s5+$0x88] =	vst v1  }
0x143: {  	v1 =	vld [tilespmem:s30+$0xFFFFFFF0];
	_ =	sdelay $0x4  }
0x144: {  	[tilespmem:s5+$0x98] =	vst v1  }
0x145: {  	v1 =	vld [tilespmem:s30+$0x0];
	_ =	sdelay $0x4  }
0x146: {  	[tilespmem:s5+$0xA8] =	vst v1  }
0x147: {  	v1 =	vld [tilespmem:s30+$0x10]  }
.Ltmp17:
0x148: {  	_ = 	snop;
	(pc) =	sbr.rel .LBB2_21-.Ltmp17, $2  }
0x149: {  	_ =	sdelay $0x2  }
0x14a: {  	s0 =	sadd.s32 $0x1, s0;
	[tilespmem:s5+$0xB8] =	vst v1  }
.LBB2_23:
.Ltmp18:
0x14b: {  	(pc) =	sbr.rel .LBB2_24-.Ltmp18, $4  }
0x14c: {  	_ = 	snop  }
0x14d: {  	s0 =	simm.s32 $0x2  }
0x14e: {  	_ =	swait.ge [sflag:s0], $0x0  }
0x14f: {  	s2 =	smov.u32 s29;
	[sflag:s0] =	ssyncset.done $0x0;
	s0 =	simm.s32 $0x0  }
.LBB2_26:
0x150: {  	_ =	sfence.sel $0x180000  }
0x151: {  	s0 =	simm.s32 $0x9;
	[bflag:$0x0] =	sbarrier.arrive $0xFFFF  }
0x152: {  	s24 =	simm.s32 $0xA;
	[sflag:s0] =	ssyncpa.u1 $0x1  }
0x153: {  	s25 =	simm.s32 $0xB;
	[sflag:s24] =	ssyncpa.u1 $0x1  }
0x154: {  	s26 =	simm.s32 $0x2;
	[sflag:s25] =	ssyncpa.u1 $0x1  }
0x155: {  	[sflag:s26] =	ssyncpa.u1 $0x1  }
0x156: {  	v0 =	vld [tilespmem:$0xA108];
	_ =	sdelay $0x4  }
0x157: {  	(v2sf) =	vpush v0, $0x0  }
0x158: {  	(v2sf) =	vpush v0, $0x1;
	_ =	sdelay $0x1  }
0x159: {  	(v2sf) =	vpush v0, $0x2;
	_ =	sdelay $0xb  }
0x15a: {  	s0 =	spop (v2sf)  }
0x15b: {  	s2 =	spop (v2sf)  }
0x15c: {  	s3 =	smov.u32 s0;
	p0 =	sne.s32 s0, s2  }
0x15d: {  	s4 =	spop (v2sf);
	s3 =	simm.s32 @!p0 $0xFFFFFFFF  }
0x15e: {  	v2 =	vimm.s32 $0x1;
	v3 =	vlaneseq.u32;
	p0 =	seq.s32 s4, $0xFFFFFFFF;
	v1 =	vmov s3  }
0x15f: {  	s14 =	stileid.u32;
	v0 =	vperm.xlane v0, v2;
	p1 =	sne.s32 @!p0 s0, s2;
	v1 =	vperm.xlane v1, v3  }
0x160: {  	vm0 =	vcmask $0x3F04;
	s6 =	simm.s32 $0xA108;
	s0 =	simm.s32 @!p0 $0x1;
	p1 =	por !p1, p0  }
0x161: {  	s3 =	sshll.u32 s14, $0x1;
	s2 =	sshll.u32 @!p0 s4, $0x8;
	s0 =	simm.s32 @p1 $0x0;
	v0 =	vsel vm0, v1, v0  }
0x162: {  	s5 =	sor.u32 $0x800, s3;
	s2 =	sshra.s32 @!p0 s2, $0x2;
	s0 =	sor.u32 @!p0 s0, s3;
	[tilespmem:$0xA108] =	vst v0  }
0x163: {  	[spmem:s5] =	stream.linear.scatter [tilespmem:s6], [sflag:$0x1], $0x2, $0x38;
	[tilespmem:$0x1EF88] =	vst v63  }
0x164: {  	s2 =	sadd.s32 @!p0 $0x88, s2;
	s0 =	sshll.u32 @!p0 s0, $0x6  }
0x165: {  	[spmem:s0] =	stream.linear.scatter @!p0 [tilespmem:s2], [sflag:$0x1], $0x40, $0x38;
	[tilespmem:$0x1EF88] =	vst v63  }
0x166: {  	s0 =	simm.s32 @!p0 $0x42  }
0x167: {  	s28 =	simm.s32 $0x1;
	s0 =	simm.s32 @p0 $0x2  }
0x168: {  	_ =	swait.ge [sflag:s28], s0  }
0x169: {  	s0 =	ssub.s32 $0x0, s0;
	[sflag:s28] =	ssyncset.done $0x0  }
0x16a: {  	p0 =	sne.s32 s14, $0x0;
	[sflag:s28] =	ssyncadd.s32 s0  }
.Ltmp19:
0x16b: {  	_ =	sfence.stream.spmem;
	(pc) =	sbr.rel @p0 .LBB2_43-.Ltmp19, $4  }
0x16c: {  	s29 =	simm.s32 $0x3;
	[bflag:$0x0] =	sbarrier.arrive $0xFFFF  }
0x16d: {  	s30 =	simm.s32 $0x4;
	[sflag:s29] =	ssyncpa.u1 $0x1  }
0x16e: {  	s31 =	simm.s32 $0x3C;
	[sflag:s30] =	ssyncpa.u1 $0x1  }
0x16f: {  	s13 =	rddreg [dreg:$0x4];
	[sflag:s31] =	ssyncpa.u1 $0x1  }
0x170: {  	_ =	sfence.stream.spmem;
	s0 =	simm.s32 $0x5  }
0x171: {  	s2 =	simm.s32 $0x800;
	s3 =	simm.s32 $0xA118;
	[sflag:s0] =	ssyncpa.u1 $0x0  }
0x172: {  	[tilespmem:s3], [sflag:$0x5] =	stream.linear.gather [spmem:s2], $0x20, $0x38;
	[tilespmem:$0x1EF88] =	vst v63  }
0x173: {  	s26 =	simm.s32 $0x0;
	s28 =	simm.s32 $0xA138  }
0x174: {  	[tilespmem:s28], [sflag:$0x5] =	stream.linear.gather [spmem:s26], $0x800, $0x38;
	[tilespmem:$0x1EF88] =	vst v63  }
0x175: {  	_ =	swait.ge [sflag:s0], $0x820  }
0x176: {  	[sflag:s0] =	ssyncset.done $0x0  }
0x177: {  	s29 =	simm.s32 $0x0;
	[sflag:s0] =	ssyncadd.s32 $0xFFFFF7E0  }
0x178: {  	v0 =	vld.msk [tilespmem:s29+$0xA118], $0x1;
	_ =	sdelay $0x1  }
0x179: {  	s30 =	simm.s32 $0x1  }
0x17a: {  	v1 =	vld.msk [tilespmem:s30+$0xA118], $0x1;
	_ =	sdelay $0x1  }
0x17b: {  	(v2sf) =	vpush v0, $0x0;
	_ =	sdelay $0x2  }
0x17c: {  	(v2sf) =	vpush v1, $0x0;
	_ =	sdelay $0x2  }
0x17d: {  	s31 =	simm.s32 $0x2  }
0x17e: {  	v0 =	vld.msk [tilespmem:s31+$0xA118], $0x1;
	_ =	sdelay $0x2  }
0x17f: {  	s2 =	simm.s32 $0xFFFFFFFF;
	s3 =	simm.s32 $0xFFFFFFFF;
	s0 =	simm.s32 $0xC  }
.LBB2_28:
0x180: {  	s4 =	smov.u32 s3;
	s5 =	smov.u32 s2  }
0x181: {  	s2 =	sshra.s32 s0, $0x2;
	p1 =	sne.s32 s0, $0x7C;
	s0 =	sadd.s32 $0x4, s0;
	(v2sf) =	vpush v0, $0x0  }
0x182: {  	v0 =	vld.msk [tilespmem:s2+$0xA118], $0x1  }
.Ltmp20:
0x183: {  	(pc) =	sbr.rel @p1 .LBB2_28-.Ltmp20, $4  }
0x184: {  	s3 =	spop (v2sf)  }
0x185: {  	p2 =	sne.s32 s5, $0xFFFFFFFF;
	s2 =	smov.u32 s3  }
0x186: {  	p3 =	seq.s32 s3, $0xFFFFFFFF;
	s2 =	smov.u32 @p2 s5  }
0x187: {  	s3 =	smov.u32 @p3 s4;
	s2 =	smov.u32 @p3 s5  }
0x188: {  	(v2sf) =	vpush v0, $0x0;
	_ =	sdelay $0x8  }
0x189: {  	s0 =	spop (v2sf)  }
0x18a: {  	p1 =	sne.s32 s2, $0xFFFFFFFF;
	s4 =	smov.u32 s0  }
0x18b: {  	s6 =	simm.s32 $0x0;
	p2 =	seq.s32 s0, $0xFFFFFFFF;
	s4 =	smov.u32 @p1 s2  }
0x18c: {  	s9 =	simm.s32 $0xA0C8;
	s4 =	smov.u32 @p2 s2;
	s2 =	spop (v2sf)  }
0x18d: {  	s0 =	smov.u32 @p2 s3;
	p1 =	sne.s32 s4, $0xFFFFFFFF;
	s5 =	smov.u32 s2  }
.Ltmp21:
0x18e: {  	p2 =	seq.s32 s2, $0xFFFFFFFF;
	s5 =	smov.u32 @p1 s4;
	(pc) =	sbr.rel .LBB2_30-.Ltmp21, $4  }
0x18f: {  	s10 =	simm.s32 $0x0;
	s5 =	smov.u32 @p2 s4;
	s7 =	spop (v2sf)  }
0x190: {  	s2 =	smov.u32 @p2 s0;
	p1 =	sne.s32 s5, $0xFFFFFFFF;
	s8 =	smov.u32 s7  }
0x191: {  	s0 =	simm.s32 $0x6;
	p2 =	seq.s32 s7, $0xFFFFFFFF;
	s8 =	smov.u32 @p1 s5  }
0x192: {  	[sflag:s0] =	ssyncpa.u1 $0x0;
	s7 =	smov.u32 @p2 s2;
	s8 =	smov.u32 @p2 s5  }
.LBB2_36:
0x193: {  	p1 =	sgt.u32 s2, $0xC34F8  }
0x194: {  	p2 =	seq.s32 @!p1 s2, s8  }
0x195: {  	p1 =	por p1, p2  }
0x196: {  	p2 =	sne.s32 @!p1 s2, s7  }
0x197: {  	p1 =	por p1, !p2  }
0x198: {  	s2 =	sshll.u32 @p1 s10, $0x8  }
0x199: {  	s3 =	sand.u32 @!p1 $0xFFFF8, s2  }
0x19a: {  	s2 =	sand.u32 @!p1 $0x7, s2;
	s3 =	sadd.s32 @!p1 s1, s3  }
0x19b: {  	[tilespmem:s9], [sflag:$0x6] =	stream.linear.gather @!p1 [hbm4b:s3+s2], $0x40, $0x38;
	[tilespmem:$0x1EF88] =	vst v63  }
0x19c: {  	_ =	swait.ge @!p1 [sflag:s0], $0x40  }
0x19d: {  	[sflag:s0] =	ssyncset.done @!p1 $0x0  }
0x19e: {  	[sflag:s0] =	ssyncadd.s32 @!p1 $0xFFFFFFC0  }
0x19f: {  	v1 =	vld @!p1 [tilespmem:$0xA0C8];
	_ =	sdelay $0x2  }
0x1a0: {  	s2 =	sshll.u32 @!p1 s10, $0x8  }
0x1a1: {  	s3 =	sshrl.u32 @!p1 s2, $0x2  }
0x1a2: {  	[tilespmem:s3+$0xA138] =	vst.add.f32.msk @!p1 $0xffff, v1  }
0x1a3: {  	v1 =	vld @!p1 [tilespmem:$0xA0D8];
	_ =	sdelay $0x4  }
0x1a4: {  	[tilespmem:s3+$0xA148] =	vst.add.f32.msk @!p1 $0xffff, v1  }
0x1a5: {  	v1 =	vld @!p1 [tilespmem:$0xA0E8];
	_ =	sdelay $0x4  }
0x1a6: {  	[tilespmem:s3+$0xA158] =	vst.add.f32.msk @!p1 $0xffff, v1  }
0x1a7: {  	v1 =	vld @!p1 [tilespmem:$0xA0F8];
	_ =	sdelay $0x4  }
0x1a8: {  	[tilespmem:s3+$0xA168] =	vst.add.f32.msk @!p1 $0xffff, v1  }
0x1a9: {  	s2 =	sshrl.u32 s2, $0x2;
	[tilespmem:s6+$0xA118] =	vst.msk $0x1, v0  }
0x1aa: {  	v0 =	vld [tilespmem:s2+$0xA138];
	_ =	sdelay $0x2  }
0x1ab: {  	s31 =	sshll.u32 s6, $0x8  }
0x1ac: {  	s3 =	sshra.s32 s31, $0x2  }
0x1ad: {  	[tilespmem:s3+$0xA138] =	vst v0  }
0x1ae: {  	v0 =	vld [tilespmem:s2+$0xA148];
	_ =	sdelay $0x4  }
0x1af: {  	[tilespmem:s3+$0xA148] =	vst v0  }
0x1b0: {  	v0 =	vld [tilespmem:s2+$0xA158];
	_ =	sdelay $0x4  }
0x1b1: {  	[tilespmem:s3+$0xA158] =	vst v0  }
0x1b2: {  	v0 =	vld [tilespmem:s2+$0xA168];
	_ =	sdelay $0x4  }
0x1b3: {  	s6 =	sadd.s32 $0x1, s6;
	[tilespmem:s3+$0xA168] =	vst v0  }
.LBB2_37:
0x1b4: {  	s10 =	sadd.s32 $0x1, s10  }
0x1b5: {  	p1 =	sne.s32 s10, $0x20  }
.Ltmp22:
0x1b6: {  	_ = 	snop;
	(pc) =	sbr.rel @!p1 .LBB2_38-.Ltmp22, $1  }
0x1b7: {  	_ =	sdelay $0x3  }
.LBB2_30:
0x1b8: {  	v0 =	vld.msk [tilespmem:s10+$0xA118], $0x1;
	_ =	sdelay $0x4  }
0x1b9: {  	(v2sf) =	vpush v0, $0x0;
	_ =	sdelay $0xe  }
0x1ba: {  	s2 =	spop (v2sf)  }
0x1bb: {  	p1 =	seq.s32 s2, $0xFFFFFFFF  }
.Ltmp23:
0x1bc: {  	_ = 	snop;
	(pc) =	sbr.rel @p1 .LBB2_37-.Ltmp23, $1  }
0x1bd: {  	_ =	sdelay $0x3  }
0x1be: {  	p1 =	slt.s32 s6, $0x1  }
.Ltmp24:
0x1bf: {  	_ = 	snop;
	(pc) =	sbr.rel @p1 .LBB2_36-.Ltmp24, $1  }
0x1c0: {  	_ =	sdelay $0x3  }
0x1c1: {  	s3 =	simm.s32 $0xA118;
	p1 =	por $0x0, $0x0  }
0x1c2: {  	v1 =	vld.msk @!p1 [tilespmem:s3+$0x0], $0x1;
	_ =	sdelay $0x4  }
0x1c3: {  	(v2sf) =	vpush @!p1 v1, $0x0;
	_ =	sdelay $0xd  }
0x1c4: {  	p3 =	sne.s32 s6, $0x1  }
.Ltmp25:
0x1c5: {  	s4 =	spop @!p1 (v2sf);
	(pc) =	sbr.rel @!p3 .LBB2_34-.Ltmp25, $4  }
0x1c6: {  	p2 =	seq.s32 @!p1 s2, s4  }
0x1c7: {  	s4 =	simm.s32 $0x0;
	p2 =	por !p2, p1  }
0x1c8: {  	s11 =	simm.s32 $0xFFFFFFFF;
	s4 =	simm.s32 @p2 $0xFFFFFFFF  }
0x1c9: {  	s5 =	simm.s32 $0x1;
	s4 =	smov.u32 @p1 s11  }
.LBB2_33:
0x1ca: {  	s11 =	smov.u32 s4;
	p1 =	sne.s32 s4, $0xFFFFFFFF  }
0x1cb: {  	s3 =	sadd.s32 $0x1, s3;
	s4 =	smov.u32 s5;
	s5 =	sadd.s32 $0x1, s5  }
0x1cc: {  	p2 =	sne.s32 s6, s5;
	v1 =	vld.msk @!p1 [tilespmem:s3+$0x0], $0x1;
	_ =	sdelay $0x4  }
0x1cd: {  	(v2sf) =	vpush @!p1 v1, $0x0;
	_ =	sdelay $0xe  }
.Ltmp26:
0x1ce: {  	s12 =	spop @!p1 (v2sf);
	(pc) =	sbr.rel @p2 .LBB2_33-.Ltmp26, $4  }
0x1cf: {  	p3 =	seq.s32 @!p1 s2, s12  }
0x1d0: {  	p3 =	por !p3, p1  }
0x1d1: {  	s4 =	simm.s32 @p3 $0xFFFFFFFF  }
0x1d2: {  	s4 =	smov.u32 @p1 s11  }
.LBB2_34:
0x1d3: {  	p1 =	seq.s32 s4, $0xFFFFFFFF  }
.Ltmp27:
0x1d4: {  	_ = 	snop;
	(pc) =	sbr.rel @p1 .LBB2_36-.Ltmp27, $1  }
0x1d5: {  	_ =	sdelay $0x3  }
0x1d6: {  	s2 =	sshll.u32 s10, $0x6  }
0x1d7: {  	s2 =	sand.u32 $0x3FFFFFC0, s2  }
0x1d8: {  	v0 =	vld [tilespmem:s2+$0xA138];
	_ =	sdelay $0x2  }
0x1d9: {  	s3 =	sshll.u32 s4, $0x8  }
0x1da: {  	s3 =	sshra.s32 s3, $0x2  }
0x1db: {  	[tilespmem:s3+$0xA138] =	vst.add.f32.msk $0xffff, v0  }
0x1dc: {  	v0 =	vld [tilespmem:s2+$0xA148];
	_ =	sdelay $0x4  }
0x1dd: {  	[tilespmem:s3+$0xA148] =	vst.add.f32.msk $0xffff, v0  }
0x1de: {  	v0 =	vld [tilespmem:s2+$0xA158];
	_ =	sdelay $0x4  }
0x1df: {  	[tilespmem:s3+$0xA158] =	vst.add.f32.msk $0xffff, v0  }
0x1e0: {  	v0 =	vld [tilespmem:s2+$0xA168]  }
.Ltmp28:
0x1e1: {  	_ = 	snop;
	(pc) =	sbr.rel .LBB2_37-.Ltmp28, $2  }
0x1e2: {  	_ =	sdelay $0x2  }
0x1e3: {  	[tilespmem:s3+$0xA168] =	vst.add.f32.msk $0xffff, v0  }
.LBB2_38:
0x1e4: {  	s0 =	simm.s32 $0x6;
	p1 =	seq.s32 s6, $0x0  }
0x1e5: {  	[sflag:s0] =	ssyncpa.u1 $0x1;
	v0 =	vimm.s32 @p1 $0xFFFFFFFF  }
0x1e6: {  	s0 =	sadd.s32 $0xFFFFFFFF, s6;
	[tilespmem:$0xA938] =	vst @p1 v0  }
0x1e7: {  	v0 =	vld.msk @!p1 [tilespmem:s0+$0xA118], $0x1;
	_ =	sdelay $0x1  }
0x1e8: {  	v1 =	vld.msk @!p1 [tilespmem:$0xA118], $0x1;
	_ =	sdelay $0x2  }
0x1e9: {  	p2 =	seq.s32 @!p1 s0, $0x0;
	v0 =	vbroadcast @!p1 v0, $0x0  }
0x1ea: {  	vm0 =	vmmov @!p1 $0x1;
	p2 =	por !p2, p1  }
0x1eb: {  	v1 =	vnsel @!p1 vm0, $0xFFFFFFFF, v1;
	vm0 =	vcmask @!p1 $0x308;
	v0 =	vpsel !p2, $0xFFFFFFFF, v0  }
0x1ec: {  	p2 =	sne.s32 @!p1 s8, s7;
	v0 =	vsel @!p1 vm0, v1, v0  }
0x1ed: {  	s2 =	simm.s32 @!p1 $0xA138;
	s3 =	simm.s32 @!p1 $0x0;
	p3 =	por !p2, p1;
	[tilespmem:$0xA938] =	vst @!p1 v0  }
0x1ee: {  	[spmem:s3] =	stream.linear.scatter @!p1 [tilespmem:s2], [sflag:$0x1], $0x40, $0x38;
	[tilespmem:$0x1EF88] =	vst v63  }
0x1ef: {  	s2 =	sshll.u32 @!p3 s0, $0x8  }
0x1f0: {  	s2 =	sshra.s32 @!p3 s2, $0x2  }
0x1f1: {  	s3 =	simm.s32 @!p3 $0x40;
	s2 =	sadd.s32 @!p3 $0xA138, s2  }
0x1f2: {  	[spmem:s3] =	stream.linear.scatter @!p3 [tilespmem:s2], [sflag:$0x1], $0x40, $0x38;
	[tilespmem:$0x1EF88] =	vst v63  }
0x1f3: {  	s2 =	simm.s32 @!p3 $0x1  }
0x1f4: {  	_ =	swait.ge @!p3 [sflag:s2], $0x80  }
0x1f5: {  	p1 =	por p2, p1;
	[sflag:s2] =	ssyncset.done @!p3 $0x0  }
0x1f6: {  	[sflag:s2] =	ssyncadd.s32 @!p3 $0xFFFFFF80;
	s2 =	simm.s32 @!p1 $0x1  }
0x1f7: {  	_ =	swait.ge @!p1 [sflag:s2], $0x40  }
0x1f8: {  	s29 =	simm.s32 $0xA938;
	[sflag:s2] =	ssyncset.done @!p1 $0x0  }
0x1f9: {  	s30 =	simm.s32 $0x800;
	s31 =	simm.s32 $0x1;
	[sflag:s2] =	ssyncadd.s32 @!p1 $0xFFFFFFC0  }
0x1fa: {  	[spmem:s30] =	stream.linear.scatter [tilespmem:s29], [sflag:$0x1], $0x10, $0x38;
	[tilespmem:$0x1EF88] =	vst v63  }
0x1fb: {  	_ =	swait.ge [sflag:s31], $0x10  }
0x1fc: {  	[sflag:s31] =	ssyncset.done $0x0  }
0x1fd: {  	p1 =	seq.s32 s13, $0x0;
	s9 =	rddreg [dreg:$0x1];
	[sflag:s31] =	ssyncadd.s32 $0xFFFFFFF0  }
0x1fe: {  	s3 =	sshll.u32 @p1 s9, $0xE;
	s8 =	rddreg [dreg:$0x2]  }
0x1ff: {  	s2 =	sadd.s32 @p1 $0x15C3C, s3;
	s3 =	sshll.u32 @p1 s8, $0x11  }
0x200: {  	_ =	sfence.stream.spmem;
	s2 =	sor.u32 @p1 s3, s2  }
0x201: {  	[sflag:s2] =	ssyncadd.remote.s32 @p1 $0x1;
	s2 =	simm.s32 @p1 $0x4  }
0x202: {  	s4 =	simm.s32 @!p1 $0x3C;
	s3 =	sand.u32 $0xFFFFFFFE, s9;
	_ =	swait.ge @p1 [sflag:s2], $0x12  }
0x203: {  	s5 =	simm.s32 @!p1 $0x0;
	s3 =	sadd.s32 @!p1 $0x4, s3;
	[sflag:s2] =	ssyncset.done @p1 $0x0  }
0x204: {  	s7 =	simm.s32 @!p1 $0x80;
	[sflag:s2] =	ssyncadd.s32 @p1 $0xFFFFFFEE;
	s2 =	sshll.u32 @!p1 s3, $0x1A  }
0x205: {  	s3 =	sshll.u32 @!p1 s3, $0xD;
	s2 =	sor.u32 @!p1 s2, s8;
	_ =	swait.eq @!p1 [sflag:s4], $0x1  }
0x206: {  	s3 =	sor.u32 @!p1 $0x1C04, s3;
	s4 =	simm.s32 @!p1 $0x1C03;
	s2 =	sor.u32 @!p1 $0x80004000, s2  }
0x207: {  	[spmem:s7], [sflag:s3] =	dma.general @!p1 [spmem:s5], [sflag:s4], length:$0x10, [dreg:$0x0], stride_count:$0x0, ici_dest:s2, dma_misc:DstOpCode:WRITE  }
0x208: {  	p2 =	slt.s32 s0, $0x2;
	s5 =	simm.s32 @!p1 $0x100;
	s7 =	simm.s32 @!p1 $0x102  }
0x209: {  	[spmem:s7], [sflag:s3] =	dma.general @!p1 [spmem:s5], [sflag:s4], length:$0x2, [dreg:$0x0], stride_count:$0x0, ici_dest:s2, dma_misc:DstOpCode:WRITE  }
.Ltmp29:
0x20a: {  	s2 =	simm.s32 @!p1 $0x3;
	(pc) =	sbr.rel @p2 .LBB2_42-.Ltmp29, $4  }
0x20b: {  	s3 =	sshll.u32 @!p1 s9, $0xE;
	_ =	swait.ge @!p1 [sflag:s2], $0x12  }
0x20c: {  	s4 =	sshll.u32 @!p1 s8, $0x11;
	s3 =	sadd.s32 @!p1 $0x11C3C, s3;
	[sflag:s2] =	ssyncset.done @!p1 $0x0  }
0x20d: {  	[sflag:s2] =	ssyncadd.s32 @!p1 $0xFFFFFFEE;
	s2 =	sor.u32 @!p1 s4, s3  }
0x20e: {  	s0 =	simm.s32 $0x0;
	[sflag:s2] =	ssyncadd.remote.s32 @!p1 $0xFFFFFFFF  }
0x20f: {  	s0 =	simm.s32 $0xA119  }
0x210: {  	v0 =	vld.msk [tilespmem:s0+$0x0], $0x1;
	_ =	sdelay $0x4  }
0x211: {  	(v2sf) =	vpush v0, $0x0;
	_ =	sdelay $0xc  }
0x212: {  	s2 =	sadd.s32 $0xFFFFFFFE, s6  }
0x213: {  	s2 =	sadd.s32 $0xFFFFFFFF, s2  }
0x214: {  	p2 =	sne.s32 s2, $0x0;
	s3 =	spop (v2sf)  }
.Ltmp30:
0x215: {  	p1 =	sgt.u32 s3, $0xC34F8;
	(pc) =	sbr.rel @!p2 .LBB2_41-.Ltmp30, $4  }
0x216: {  	s5 =	simm.s32 $0x0;
	s4 =	sand.u32 @!p1 $0xFFFF8, s3  }
0x217: {  	s0 =	simm.s32 $0xA178;
	s3 =	sand.u32 @!p1 $0x7, s3;
	s4 =	sadd.s32 @!p1 s1, s4  }
0x218: {  	[hbm4b:s4+s3] =	stream.linear.scatter @!p1 [tilespmem:s0], [sflag:$0x5], $0x40, $0x38;
	[tilespmem:$0x1EF88] =	vst v63  }
0x219: {  	s5 =	simm.s32 @!p1 $0x100;
	s3 =	simm.s32 $0x0;
	s4 =	simm.s32 $0xA11A  }
.LBB2_40:
0x21a: {  	v0 =	vld.msk [tilespmem:s4+$0x0], $0x1;
	s2 =	sadd.s32 $0xFFFFFFFF, s2;
	s3 =	sadd.s32 s3, s5  }
0x21b: {  	p1 =	sne.s32 s2, $0x0;
	_ =	sdelay $0x3  }
0x21c: {  	(v2sf) =	vpush v0, $0x0;
	_ =	sdelay $0xe  }
.Ltmp31:
0x21d: {  	s6 =	spop (v2sf);
	(pc) =	sbr.rel @p1 .LBB2_40-.Ltmp31, $4  }
0x21e: {  	s5 =	simm.s32 $0x0;
	p2 =	sgt.u32 s6, $0xC34F8  }
0x21f: {  	s0 =	sadd.s32 $0x40, s0;
	s5 =	simm.s32 @!p2 $0x100;
	s7 =	sand.u32 @!p2 $0xFFFF8, s6  }
0x220: {  	s4 =	sadd.s32 $0x1, s4;
	s6 =	sand.u32 @!p2 $0x7, s6;
	s7 =	sadd.s32 @!p2 s1, s7  }
0x221: {  	[hbm4b:s7+s6] =	stream.linear.scatter @!p2 [tilespmem:s0], [sflag:$0x5], $0x40, $0x38;
	[tilespmem:$0x1EF88] =	vst v63  }
.LBB2_41:
0x222: {  	s0 =	sadd.s32 s3, s5  }
0x223: {  	s0 =	sshrl.u32 s0, $0x2  }
.LBB2_42:
0x224: {  	s2 =	simm.s32 $0x5  }
0x225: {  	_ =	swait.ge [sflag:s2], s0  }
0x226: {  	s31 =	ssub.s32 $0x0, s0;
	[sflag:s2] =	ssyncset.done $0x0  }
0x227: {  	[sflag:s2] =	ssyncadd.s32 s31  }
0x228: {  	[sflag:s2] =	ssyncpa.u1 $0x1  }
.LBB2_43:
0x229: {  	s0 =	sor.u32 s13, s14  }
0x22a: {  	p1 =	sne.s32 s0, $0x0  }
.Ltmp32:
0x22b: {  	_ = 	snop;
	(pc) =	sbr.rel @p1 .LBB2_58-.Ltmp32, $3  }
0x22c: {  	_ =	sdelay $0x1  }
0x22d: {  	[bflag:$0x0] =	sbarrier.arrive $0xFFFF  }
0x22e: {  	_ =	sfence  }
0x22f: {  	s2 =	simm.s32 $0x7  }
0x230: {  	s0 =	simm.s32 $0x800;
	s3 =	simm.s32 $0xA118;
	[sflag:s2] =	ssyncpa.u1 $0x0  }
0x231: {  	[tilespmem:s3], [sflag:$0x7] =	stream.linear.gather [spmem:s0], $0x20, $0x38;
	[tilespmem:$0x1EF88] =	vst v63  }
0x232: {  	s30 =	simm.s32 $0xA138;
	s0 =	simm.s32 $0x0  }
0x233: {  	[tilespmem:s30], [sflag:$0x7] =	stream.linear.gather [spmem:s0], $0x800, $0x38;
	[tilespmem:$0x1EF88] =	vst v63  }
.Ltmp33:
0x234: {  	_ = 	snop;
	(pc) =	sbr.rel .LBB2_45-.Ltmp33, $4  }
0x235: {  	_ =	swait.ge [sflag:s2], $0x820  }
0x236: {  	[sflag:s2] =	ssyncset.done $0x0  }
0x237: {  	s31 =	simm.s32 $0x8;
	[sflag:s2] =	ssyncadd.s32 $0xFFFFF7E0  }
0x238: {  	s2 =	simm.s32 $0x0;
	[sflag:s31] =	ssyncpa.u1 $0x0  }
.LBB2_51:
0x239: {  	p1 =	slt.u32 s3, $0xC34F9  }
0x23a: {  	s4 =	sand.u32 @p1 $0xFFFF8, s3  }
0x23b: {  	s3 =	sand.u32 @p1 $0x7, s3;
	s5 =	simm.s32 @p1 $0xA0C8;
	s4 =	sadd.s32 @p1 s1, s4  }
0x23c: {  	[tilespmem:s5], [sflag:$0x8] =	stream.linear.gather @p1 [hbm4b:s4+s3], $0x40, $0x38;
	[tilespmem:$0x1EF88] =	vst v63  }
0x23d: {  	s3 =	simm.s32 @p1 $0x8  }
0x23e: {  	_ =	swait.ge @p1 [sflag:s3], $0x40  }
0x23f: {  	[sflag:s3] =	ssyncset.done @p1 $0x0  }
0x240: {  	[sflag:s3] =	ssyncadd.s32 @p1 $0xFFFFFFC0  }
0x241: {  	v1 =	vld @p1 [tilespmem:$0xA0C8];
	_ =	sdelay $0x2  }
0x242: {  	s3 =	sshll.u32 @p1 s2, $0x8  }
0x243: {  	s4 =	sshrl.u32 @p1 s3, $0x2  }
0x244: {  	[tilespmem:s4+$0xA138] =	vst.add.f32.msk @p1 $0xffff, v1  }
0x245: {  	v1 =	vld @p1 [tilespmem:$0xA0D8];
	_ =	sdelay $0x4  }
0x246: {  	[tilespmem:s4+$0xA148] =	vst.add.f32.msk @p1 $0xffff, v1  }
0x247: {  	v1 =	vld @p1 [tilespmem:$0xA0E8];
	_ =	sdelay $0x4  }
0x248: {  	[tilespmem:s4+$0xA158] =	vst.add.f32.msk @p1 $0xffff, v1  }
0x249: {  	v1 =	vld @p1 [tilespmem:$0xA0F8];
	_ =	sdelay $0x3  }
0x24a: {  	s5 =	sshll.u32 @!p1 s2, $0x8  }
0x24b: {  	s5 =	smov.u32 @p1 s3;
	[tilespmem:s4+$0xA168] =	vst.add.f32.msk @p1 $0xffff, v1  }
0x24c: {  	s3 =	sshrl.u32 s5, $0x2;
	[tilespmem:s0+$0xA118] =	vst.msk $0x1, v0  }
0x24d: {  	v0 =	vld [tilespmem:s3+$0xA138];
	_ =	sdelay $0x2  }
0x24e: {  	s31 =	sshll.u32 s0, $0x8  }
0x24f: {  	s4 =	sshra.s32 s31, $0x2  }
0x250: {  	[tilespmem:s4+$0xA138] =	vst v0  }
0x251: {  	v0 =	vld [tilespmem:s3+$0xA148];
	_ =	sdelay $0x4  }
0x252: {  	[tilespmem:s4+$0xA148] =	vst v0  }
0x253: {  	v0 =	vld [tilespmem:s3+$0xA158];
	_ =	sdelay $0x4  }
0x254: {  	[tilespmem:s4+$0xA158] =	vst v0  }
0x255: {  	v0 =	vld [tilespmem:s3+$0xA168];
	_ =	sdelay $0x4  }
0x256: {  	s0 =	sadd.s32 $0x1, s0;
	[tilespmem:s4+$0xA168] =	vst v0  }
.LBB2_52:
0x257: {  	s2 =	sadd.s32 $0x1, s2  }
0x258: {  	p1 =	sne.s32 s2, $0x20  }
.Ltmp34:
0x259: {  	_ = 	snop;
	(pc) =	sbr.rel @!p1 .LBB2_53-.Ltmp34, $1  }
0x25a: {  	_ =	sdelay $0x3  }
.LBB2_45:
0x25b: {  	v0 =	vld.msk [tilespmem:s2+$0xA118], $0x1;
	_ =	sdelay $0x4  }
0x25c: {  	(v2sf) =	vpush v0, $0x0;
	_ =	sdelay $0xe  }
0x25d: {  	s3 =	spop (v2sf)  }
0x25e: {  	p1 =	seq.s32 s3, $0xFFFFFFFF  }
.Ltmp35:
0x25f: {  	_ = 	snop;
	(pc) =	sbr.rel @p1 .LBB2_52-.Ltmp35, $1  }
0x260: {  	_ =	sdelay $0x3  }
0x261: {  	p1 =	slt.s32 s0, $0x1  }
.Ltmp36:
0x262: {  	_ = 	snop;
	(pc) =	sbr.rel @p1 .LBB2_51-.Ltmp36, $1  }
0x263: {  	_ =	sdelay $0x3  }
0x264: {  	s4 =	simm.s32 $0xA118;
	p1 =	por $0x0, $0x0  }
0x265: {  	v1 =	vld.msk @!p1 [tilespmem:s4+$0x0], $0x1;
	_ =	sdelay $0x4  }
0x266: {  	(v2sf) =	vpush @!p1 v1, $0x0;
	_ =	sdelay $0xd  }
0x267: {  	p3 =	sne.s32 s0, $0x1  }
.Ltmp37:
0x268: {  	s5 =	spop @!p1 (v2sf);
	(pc) =	sbr.rel @!p3 .LBB2_49-.Ltmp37, $4  }
0x269: {  	p2 =	seq.s32 @!p1 s3, s5  }
0x26a: {  	s5 =	simm.s32 $0x0;
	p2 =	por !p2, p1  }
0x26b: {  	s7 =	simm.s32 $0xFFFFFFFF;
	s5 =	simm.s32 @p2 $0xFFFFFFFF  }
0x26c: {  	s6 =	simm.s32 $0x1;
	s5 =	smov.u32 @p1 s7  }
.LBB2_48:
0x26d: {  	s7 =	smov.u32 s5;
	p1 =	sne.s32 s5, $0xFFFFFFFF  }
0x26e: {  	s4 =	sadd.s32 $0x1, s4;
	s5 =	smov.u32 s6;
	s6 =	sadd.s32 $0x1, s6  }
0x26f: {  	p2 =	sne.s32 s0, s6;
	v1 =	vld.msk @!p1 [tilespmem:s4+$0x0], $0x1;
	_ =	sdelay $0x4  }
0x270: {  	(v2sf) =	vpush @!p1 v1, $0x0;
	_ =	sdelay $0xe  }
.Ltmp38:
0x271: {  	s8 =	spop @!p1 (v2sf);
	(pc) =	sbr.rel @p2 .LBB2_48-.Ltmp38, $4  }
0x272: {  	p3 =	seq.s32 @!p1 s3, s8  }
0x273: {  	p3 =	por !p3, p1  }
0x274: {  	s5 =	simm.s32 @p3 $0xFFFFFFFF  }
0x275: {  	s5 =	smov.u32 @p1 s7  }
.LBB2_49:
0x276: {  	p1 =	seq.s32 s5, $0xFFFFFFFF  }
.Ltmp39:
0x277: {  	_ = 	snop;
	(pc) =	sbr.rel @p1 .LBB2_51-.Ltmp39, $1  }
0x278: {  	_ =	sdelay $0x3  }
0x279: {  	s3 =	sshll.u32 s2, $0x6  }
0x27a: {  	s3 =	sand.u32 $0x3FFFFFC0, s3  }
0x27b: {  	v0 =	vld [tilespmem:s3+$0xA138];
	_ =	sdelay $0x2  }
0x27c: {  	s4 =	sshll.u32 s5, $0x8  }
0x27d: {  	s4 =	sshra.s32 s4, $0x2  }
0x27e: {  	[tilespmem:s4+$0xA138] =	vst.add.f32.msk $0xffff, v0  }
0x27f: {  	v0 =	vld [tilespmem:s3+$0xA148];
	_ =	sdelay $0x4  }
0x280: {  	[tilespmem:s4+$0xA148] =	vst.add.f32.msk $0xffff, v0  }
0x281: {  	v0 =	vld [tilespmem:s3+$0xA158];
	_ =	sdelay $0x4  }
0x282: {  	[tilespmem:s4+$0xA158] =	vst.add.f32.msk $0xffff, v0  }
0x283: {  	v0 =	vld [tilespmem:s3+$0xA168]  }
.Ltmp40:
0x284: {  	_ = 	snop;
	(pc) =	sbr.rel .LBB2_52-.Ltmp40, $2  }
0x285: {  	_ =	sdelay $0x2  }
0x286: {  	[tilespmem:s4+$0xA168] =	vst.add.f32.msk $0xffff, v0  }
.LBB2_53:
0x287: {  	p1 =	slt.s32 s0, $0x1  }
.Ltmp41:
0x288: {  	_ = 	snop;
	(pc) =	sbr.rel @p1 .LBB2_57-.Ltmp41, $3  }
0x289: {  	_ =	sdelay $0x1  }
0x28a: {  	s2 =	simm.s32 $0x8  }
0x28b: {  	[sflag:s2] =	ssyncpa.u1 $0x1;
	s2 =	simm.s32 $0x0  }
0x28c: {  	s3 =	simm.s32 $0xA118  }
0x28d: {  	v0 =	vld.msk [tilespmem:s3+$0x0], $0x1;
	_ =	sdelay $0x4  }
0x28e: {  	(v2sf) =	vpush v0, $0x0;
	_ =	sdelay $0xe  }
0x28f: {  	s0 =	sadd.s32 $0xFFFFFFFF, s0;
	s4 =	spop (v2sf)  }
0x290: {  	p2 =	sne.s32 s0, $0x0;
	p1 =	sgt.u32 s4, $0xC34F8  }
.Ltmp42:
0x291: {  	s5 =	sand.u32 @!p1 $0xFFFF8, s4;
	(pc) =	sbr.rel @!p2 .LBB2_56-.Ltmp42, $4  }
0x292: {  	s3 =	simm.s32 $0xA138;
	s4 =	sand.u32 @!p1 $0x7, s4;
	s5 =	sadd.s32 @!p1 s1, s5  }
0x293: {  	[hbm4b:s5+s4] =	stream.linear.scatter @!p1 [tilespmem:s3], [sflag:$0x7], $0x40, $0x38;
	[tilespmem:$0x1EF88] =	vst v63  }
0x294: {  	s5 =	simm.s32 $0x0  }
0x295: {  	s4 =	simm.s32 $0xA119;
	s5 =	simm.s32 @!p1 $0x100  }
.LBB2_55:
0x296: {  	v0 =	vld.msk [tilespmem:s4+$0x0], $0x1;
	s0 =	sadd.s32 $0xFFFFFFFF, s0;
	s2 =	sadd.s32 s2, s5  }
0x297: {  	p1 =	sne.s32 s0, $0x0;
	_ =	sdelay $0x3  }
0x298: {  	(v2sf) =	vpush v0, $0x0;
	_ =	sdelay $0xe  }
.Ltmp43:
0x299: {  	s6 =	spop (v2sf);
	(pc) =	sbr.rel @p1 .LBB2_55-.Ltmp43, $4  }
0x29a: {  	s5 =	simm.s32 $0x0;
	p2 =	sgt.u32 s6, $0xC34F8  }
0x29b: {  	s3 =	sadd.s32 $0x40, s3;
	s5 =	simm.s32 @!p2 $0x100;
	s7 =	sand.u32 @!p2 $0xFFFF8, s6  }
0x29c: {  	s4 =	sadd.s32 $0x1, s4;
	s6 =	sand.u32 @!p2 $0x7, s6;
	s7 =	sadd.s32 @!p2 s1, s7  }
0x29d: {  	[hbm4b:s7+s6] =	stream.linear.scatter @!p2 [tilespmem:s3], [sflag:$0x7], $0x40, $0x38;
	[tilespmem:$0x1EF88] =	vst v63  }
.LBB2_56:
0x29e: {  	s0 =	sadd.s32 s2, s5  }
0x29f: {  	s2 =	sshrl.u32 s0, $0x2  }
.LBB2_57:
0x2a0: {  	s0 =	simm.s32 $0x7  }
0x2a1: {  	_ =	swait.ge [sflag:s0], s2  }
0x2a2: {  	s1 =	ssub.s32 $0x0, s2;
	[sflag:s0] =	ssyncset.done $0x0  }
0x2a3: {  	[sflag:s0] =	ssyncadd.s32 s1  }
0x2a4: {  	[sflag:s0] =	ssyncpa.u1 $0x1  }
.LBB2_58:
0x2a5: {  	_ =	sfence;
	s0 =	simm.s32 $0x1  }
0x2a6: {  	[sflag:s0] =	ssyncpa.u1 $0x1  }
0x2a7: {  	_ =	strace $0x9000005C  }
0x2a8: {  	[bflag:$0x2] =	sbarrier.arrive $0xFFFF  }
0x2a9: {  	s0 =	rddreg [dreg:$0x3]  }
0x2aa: {  	s0 =	sadd.s32 @!p0 $0x100000, s0  }
0x2ab: {  	[sflag:s0] =	ssyncadd.tile.s32 @!p0 $0x1;
	_ =	shalt  }
.Lfunc_end2:
_tile_overlayer_lowered:
.L_overlay_start_2:
0x2ac: {  	(tag) =	ssettag $0x2  }
0x2ad: {  	s0 =	rddreg [dreg:$0x0];
	s2 =	stileid.u32  }
0x2ae: {  	s1 =	rddreg [dreg:$0x1];
	p0 =	sne.s32 s2, $0x0  }
0x2af: {  	s3 =	rddreg [dreg:$0x2];
	[bflag:$0x3] =	sbarrier.arrive $0xFFFF;
	s2 =	simm.s32 @!p0 $0x1C01  }
0x2b0: {  	[timem:s3], [sflag:s2] =	dma.local @!p0 [hbm:s0], s1  }
0x2b1: {  	s0 =	simm.s32 @!p0 $0x1  }
0x2b2: {  	_ =	swait.ge @!p0 [sflag:s0], s1  }
0x2b3: {  	s1 =	ssub.s32 @!p0 $0x0, s1;
	[sflag:s0] =	ssyncset.done @!p0 $0x0  }
0x2b4: {  	[sflag:s0] =	ssyncadd.s32 @!p0 s1  }
0x2b5: {  	[bflag:$0x3] =	sbarrier.arrive $0xFFFF  }
0x2b6: {  	_ =	shalt  }

// kernel: scatter_offload_async_start
scs
__scs_entry_jumppad:
0x0: {  	(pc) =	sbr.rel $0x88, $3  }
0x1: {  	(tag) =	ssettag $0x0;
	lr =	simm.s32 $0x1  }
0x2: {  	[smem:$0x3F77] =	sst lr;
	_ =	strace $0xD0000000  }
0x3: {  	_ = 	snop  }
0x4: {  	_ = 	snop  }
0x5: {  	_ = 	snop  }
0x6: {  	_ = 	snop  }
0x7: {  	_ = 	snop  }
__scs_overlays_trampoline_lowered:
0x8: {  	[smem:$0x3F86] =	sst s0  }
0x9: {  	[smem:$0x3F87] =	sst s1  }
0xa: {  	[smem:$0x3F88] =	sst s2  }
0xb: {  	[smem:$0x3F89] =	sst s3  }
0xc: {  	[smem:$0x3F8A] =	sst s4  }
0xd: {  	[smem:$0x3F8B] =	sst s5  }
0xe: {  	[smem:$0x3F8C] =	sst s6  }
0xf: {  	[smem:$0x3F8D] =	sst s7  }
0x10: {  	[smem:$0x3F8E] =	sst s8  }
0x11: {  	[smem:$0x3F8F] =	sst s9;
	s0 =	simm.s32 @!p0 $0x0  }
0x12: {  	s1 =	sld [smem:$0x3F75];
	s0 =	simm.s32 @p0 $0x1  }
0x13: {  	[smem:$0x3F90] =	sst s0;
	s0 =	simm.s32 @!p1 $0x0  }
0x14: {  	s2 =	sld [smem:$0x3F74];
	s0 =	simm.s32 @p1 $0x1  }
0x15: {  	[smem:$0x3F91] =	sst s0;
	s0 =	simm.s32 @!p2 $0x0  }
0x16: {  	s3 =	sld [smem:$0x3FDB];
	s0 =	simm.s32 @p2 $0x1  }
0x17: {  	s4 =	simm.s32 $0x1BF5;
	[smem:$0x3F93] =	sst s0  }
0x18: {  	s0 =	sld [smem:$0x3F76];
	_ =	swait.ge [sflag:s4], $0x0  }
0x19: {  	s7 =	sld [smem:$0x3F77]  }
0x1a: {  	s8 =	sadd.s32 $0xFFFFE003, lr  }
0x1b: {  	s9 =	sadd.s32 $0xFFFFFEF7, lr;
	s5 =	simm.s32 $0xFFFFFFFF;
	p2 =	slt.u32 s8, $0xFFFFF086  }
0x1c: {  	p1 =	slt.u32 s9, $0xF7A;
	s5 =	simm.s32 @!p2 $0x0  }
0x1d: {  	s5 =	simm.s32 @p1 $0x1;
	p0 =	seq.s32 s7, s2  }
0x1e: {  	s7 =	smul.u32 @!p0 $0xF7A, s2;
	p2 =	seq.s32 @!p0 s5, $0x0  }
0x1f: {  	s9 =	smul.u32 $0xF7A, s1;
	s8 =	simm.s32 @!p0 $0x1BF5;
	p2 =	por !p2, p0  }
0x20: {  	[sflag:s8] =	ssyncset.s32 @!p0 $0xFFFFF086;
	s6 =	sadd.s32 @!p0 s3, s7;
	s7 =	simm.s32 @!p0 $0x108  }
0x21: {  	s3 =	sadd.s32 s3, s9;
	s6 =	sadd.s32 @!p0 $0x88, s6;
	s7 =	simm.s32 @p2 $0x1082  }
0x22: {  	[simem:s7], [sflag:s8] =	dma.local @!p0 [hbm:s6], $0xF7A  }
0x23: {  	s9 =	sor.u32 $0xD0000000, s2;
	s6 =	simm.s32 $0x108;
	_ =	swait.ge @!p0 [sflag:s8], $0x0  }
0x24: {  	s3 =	sadd.s32 $0x88, s3;
	s6 =	simm.s32 @!p1 $0x1082;
	[sflag:s4] =	ssyncset.s32 $0xFFFFF086  }
0x25: {  	[simem:s6], [sflag:s4] =	dma.local [hbm:s3], $0xF7A  }
0x26: {  	[smem:$0x3F77] =	sst s1;
	(tag) =	ssettag s2;
	_ =	strace s9  }
0x27: {  	s1 =	sld [smem:$0x3F87]  }
0x28: {  	s2 =	sld [smem:$0x3F88]  }
0x29: {  	s4 =	sld [smem:$0x3F8A]  }
0x2a: {  	p0 =	seq.s32 s5, $0x0;
	s5 =	sld [smem:$0x3F8B]  }
0x2b: {  	s6 =	sld [smem:$0x3F8C]  }
0x2c: {  	s7 =	sld [smem:$0x3F8D]  }
0x2d: {  	s3 =	simm.s32 $0x108;
	s8 =	sld [smem:$0x3F8E]  }
0x2e: {  	s3 =	simm.s32 @!p0 $0x1082;
	s9 =	sld [smem:$0x3F8F]  }
0x2f: {  	lr =	sadd.s32 s0, s3;
	s0 =	sld [smem:$0x3F86]  }
0x30: {  	s3 =	sld [smem:$0x3F89]  }
0x31: {  	[smem:$0x3F92] =	sst s10  }
0x32: {  	s10 =	sld [smem:$0x3F90];
	_ =	sdelay $0x3  }
0x33: {  	p0 =	seq.s32 s10, $0x1;
	s10 =	sld [smem:$0x3F92];
	_ =	sdelay $0x3  }
0x34: {  	[smem:$0x3F92] =	sst s10  }
0x35: {  	s10 =	sld [smem:$0x3F91];
	_ =	sdelay $0x3  }
0x36: {  	p1 =	seq.s32 s10, $0x1;
	s10 =	sld [smem:$0x3F92];
	_ =	sdelay $0x3  }
0x37: {  	[smem:$0x3F92] =	sst s10  }
0x38: {  	s10 =	sld [smem:$0x3F93]  }
0x39: {  	_ = 	snop;
	(pc) =	sbr.ind lr, $3  }
0x3a: {  	_ = 	snop  }
0x3b: {  	_ = 	snop  }
0x3c: {  	p2 =	seq.s32 s10, $0x1;
	s10 =	sld [smem:$0x3F92]  }
0x3d: {  	_ =	shalt  }
0x3e: {  	_ =	shalt  }
0x3f: {  	_ =	shalt  }
0x40: {  	_ =	shalt  }
0x41: {  	_ =	shalt  }
0x42: {  	_ =	shalt  }
0x43: {  	_ =	shalt  }
0x44: {  	_ =	shalt  }
0x45: {  	_ =	shalt  }
0x46: {  	_ =	shalt  }
0x47: {  	_ =	shalt  }
0x48: {  	_ =	shalt  }
0x49: {  	_ =	shalt  }
0x4a: {  	_ =	shalt  }
0x4b: {  	_ =	shalt  }
0x4c: {  	_ =	shalt  }
0x4d: {  	_ =	shalt  }
0x4e: {  	_ =	shalt  }
0x4f: {  	_ =	shalt  }
0x50: {  	_ =	shalt  }
0x51: {  	_ =	shalt  }
0x52: {  	_ =	shalt  }
0x53: {  	_ =	shalt  }
0x54: {  	_ =	shalt  }
0x55: {  	_ =	shalt  }
0x56: {  	_ =	shalt  }
0x57: {  	_ =	shalt  }
0x58: {  	_ =	shalt  }
0x59: {  	_ =	shalt  }
0x5a: {  	_ =	shalt  }
0x5b: {  	_ =	shalt  }
0x5c: {  	_ =	shalt  }
0x5d: {  	_ =	shalt  }
0x5e: {  	_ =	shalt  }
0x5f: {  	_ =	shalt  }
0x60: {  	_ =	shalt  }
0x61: {  	_ =	shalt  }
0x62: {  	_ =	shalt  }
0x63: {  	_ =	shalt  }
0x64: {  	_ =	shalt  }
0x65: {  	_ =	shalt  }
0x66: {  	_ =	shalt  }
0x67: {  	_ =	shalt  }
0x68: {  	_ =	shalt  }
0x69: {  	_ =	shalt  }
0x6a: {  	_ =	shalt  }
0x6b: {  	_ =	shalt  }
0x6c: {  	_ =	shalt  }
0x6d: {  	_ =	shalt  }
0x6e: {  	_ =	shalt  }
0x6f: {  	_ =	shalt  }
0x70: {  	_ =	shalt  }
0x71: {  	_ =	shalt  }
0x72: {  	_ =	shalt  }
0x73: {  	_ =	shalt  }
0x74: {  	_ =	shalt  }
0x75: {  	_ =	shalt  }
0x76: {  	_ =	shalt  }
0x77: {  	_ =	shalt  }
0x78: {  	_ =	shalt  }
0x79: {  	_ =	shalt  }
0x7a: {  	_ =	shalt  }
0x7b: {  	_ =	shalt  }
0x7c: {  	_ =	shalt  }
0x7d: {  	_ =	shalt  }
0x7e: {  	_ =	shalt  }
0x7f: {  	_ =	shalt  }
0x80: {  	_ =	shalt  }
0x81: {  	_ =	shalt  }
0x82: {  	_ =	shalt  }
0x83: {  	_ =	shalt  }
0x84: {  	_ =	shalt  }
0x85: {  	_ =	shalt  }
0x86: {  	_ =	shalt  }
0x87: {  	_ =	shalt  }
.Lfunc_end0:
.L_simem_size_0:
called_computation_lowered:
.L_overlay_start_0:
0x88: {  	s2 =	sld [smem:$0x3FD9]  }
0x89: {  	s3 =	sld [smem:$0x3FFE];
	_ =	sdelay $0x1  }
0x8a: {  	s1 =	srdreg.scid  }
0x8b: {  	s0 =	sand.u32 $0x1, s1  }
0x8c: {  	s15 =	sshll.u32 s0, $0xA;
	s2 =	sadd.s32 s3, s2  }
0x8d: {  	s2 =	sadd.s32 s2, s15  }
0x8e: {  	[smem:$0x3F9E] =	sst s2  }
0x8f: {  	_ = 	snop  }
0x90: {  	(tm) =	ssettm $0x1  }
0x91: {  	s16 =	sld [smem:$0x3FFB];
	_ =	sdelay $0x3  }
0x92: {  	_ =	strace s16  }
0x93: {  	s2 =	sld [smem:$0x3FFC];
	_ =	sdelay $0x3  }
0x94: {  	_ =	strace s2  }
0x95: {  	s2 =	sld [smem:$0x3FFD];
	_ =	sdelay $0x3  }
0x96: {  	_ =	strace s2  }
0x97: {  	_ =	strace $0x8FFFFFFF  }
0x98: {  	s17 =	sld [smem:$0x3FDB];
	_ =	sdelay $0x1  }
0x99: {  	s18 =	simm.s32 $_scs_section_size  }
0x9a: {  	s4 =	simm.s32 $_size__tile_overlayer_lowered;
	s5 =	simm.s32 $_tile_overlayer_lowered  }
0x9b: {  	s6 =	simm.s32 $0x1BFF;
	s19 =	sshll.u32 s5, $0x1;
	s3 =	sadd.s32 s18, s17  }
0x9c: {  	s20 =	simm.s32 $0x0;
	s4 =	sshll.u32 s4, $0x1;
	s5 =	sadd.s32 s19, s3  }
0x9d: {  	[timem:s20], [sflag:s6] =	dma.local [hbm:s5], s4  }
0x9e: {  	_ =	swait.ge [sflag:s6], s4  }
0x9f: {  	s4 =	ssub.s32 $0x0, s4;
	[sflag:s6] =	ssyncset.done $0x0  }
0xa0: {  	[sflag:s6] =	ssyncadd.s32 s4;
	_ =	sdelay $0x1  }
0xa1: {  	s21 =	simm.s32 $0x1B8B  }
0xa2: {  	_ =	swait.ge [sflag:s21], $0x1  }
0xa3: {  	[sflag:s21] =	ssyncset.done $0x0  }
0xa4: {  	s22 =	sld [smem:$0x3FFE];
	[sflag:s21] =	ssyncadd.s32 $0xFFFFFFFF  }
0xa5: {  	s24 =	simm.s32 $0x1B8E;
	s23 =	sld [smem:$0x0]  }
0xa6: {  	s25 =	simm.s32 $execute0_lowered;
	[smem:$0x3FD2] =	sst s24  }
0xa7: {  	s6 =	sshll.u32 s25, $0x1;
	_ =	strace $0x80000049;
	[dreg:$0x1] =	wrdreg $0xFFFFFFFF  }
0xa8: {  	s7 =	simm.s32 $_size_execute0_lowered;
	s6 =	sadd.s32 s3, s6;
	[dreg:$0x0] =	wrdreg $0x0  }
0xa9: {  	s7 =	sshll.u32 s7, $0x1;
	[dreg:$0x2] =	wrdreg s6  }
0xaa: {  	[dreg:$0x3] =	wrdreg s7  }
0xab: {  	[dreg:$0x4] =	wrdreg $0xC0  }
0xac: {  	s26 =	simm.s32 $execute1_lowered;
	_ =	task [dreg:s20], $0x5FFFF  }
0xad: {  	s6 =	sshll.u32 s26, $0x1;
	[dreg:$0x1] =	wrdreg $0xFFFFFFFF  }
0xae: {  	s3 =	sadd.s32 s3, s6;
	[dreg:$0x0] =	wrdreg $0x60  }
0xaf: {  	[dreg:$0x2] =	wrdreg s3  }
0xb0: {  	[dreg:$0x3] =	wrdreg s22  }
0xb1: {  	[dreg:$0x4] =	wrdreg $0x9  }
0xb2: {  	_ =	task.clear_ibuf [dreg:s20], $0x5FFFF;
	_ =	strace $0x90000049  }
0xb3: {  	s28 =	simm.s32 $0x9;
	_ =	strace $0x8000004B  }
0xb4: {  	_ =	swait.ge [sflag:s28], $0x1  }
0xb5: {  	[sflag:s28] =	ssyncadd.s32 $0xFFFFFFFF  }
0xb6: {  	_ =	strace $0x9000004B  }
0xb7: {  	s3 =	sld [smem:$0x0]  }
0xb8: {  	s6 =	sand.u32 $0xFFFFFFFE, s1  }
0xb9: {  	p0 =	sne.s32 s1, s6  }
0xba: {  	s6 =	sshll.u32 @p0 s6, $0xE  }
0xbb: {  	s6 =	sadd.s32 @p0 $0x11BF3, s6;
	s7 =	sshll.u32 @p0 s3, $0x11  }
0xbc: {  	s6 =	sor.u32 @p0 s7, s6  }
0xbd: {  	[sflag:s6] =	ssyncadd.remote.s32 @p0 $0x1;
	_ =	sdelay $0x1  }
0xbe: {  	s6 =	simm.s32 @p0 $0x1BF3  }
0xbf: {  	_ =	swait.eq @p0 [sflag:s6], $0x1  }
0xc0: {  	[sflag:s6] =	ssyncadd.s32 @p0 $0xFFFFFFFF  }
0xc1: {  	s7 =	sshll.u32 @!p0 s1, $0xE  }
0xc2: {  	s7 =	sor.u32 @!p0 $0x4000, s7;
	s6 =	simm.s32 @!p0 $0x1BF3  }
0xc3: {  	s3 =	sshll.u32 @!p0 s3, $0x11;
	s7 =	sadd.s32 @!p0 $0x11BF3, s7;
	_ =	swait.eq @!p0 [sflag:s6], $0x1  }
0xc4: {  	s3 =	sor.u32 @!p0 s3, s7;
	[sflag:s6] =	ssyncadd.s32 @!p0 $0xFFFFFFFF  }
0xc5: {  	[sflag:s3] =	ssyncadd.remote.s32 @!p0 $0x1  }
0xc6: {  	_ =	strace $0x8000004C;
	[dreg:$0x1] =	wrdreg $0xFFFFFFFF  }
0xc7: {  	[dreg:$0x0] =	wrdreg $0x2030  }
0xc8: {  	[dreg:$0x2] =	wrdreg s22  }
0xc9: {  	[dreg:$0x3] =	wrdreg s1  }
0xca: {  	[dreg:$0x4] =	wrdreg s23  }
0xcb: {  	[dreg:$0x5] =	wrdreg $0xA  }
0xcc: {  	_ =	task.clear_ibuf [dreg:s20], $0x6FFFF;
	_ =	strace $0x9000004C  }
0xcd: {  	s29 =	simm.s32 $0xA;
	_ =	strace $0x8000004E  }
0xce: {  	_ =	swait.ge [sflag:s29], $0x1  }
0xcf: {  	[sflag:s29] =	ssyncadd.s32 $0xFFFFFFFF  }
0xd0: {  	_ =	strace $0x9000004E  }
0xd1: {  	_ =	sfence  }
0xd2: {  	s30 =	sld [smem:$0x0];
	_ =	sdelay $0x2  }
0xd3: {  	s31 =	sshll.u32 s1, $0xD;
	s1 =	sshrl.u32 s1, $0x2  }
0xd4: {  	s4 =	sand.u32 $0x4000, s31;
	s1 =	sadd.s32 s1, s30  }
0xd5: {  	s0 =	sor.u32 s4, s0;
	s1 =	sshll.u32 s1, $0x11  }
0xd6: {  	s0 =	sor.u32 s1, s0  }
0xd7: {  	s0 =	sadd.s32 $0x8F2B, s0  }
0xd8: {  	[sflag:s0] =	ssyncadd.remote.s32 $0x1  }
0xd9: {  	_ =	sfence.sel $0xFFFF  }
0xda: {  	[dreg:$0x0] =	wrdreg $0xFFFFFFFF;
	(pc) =	sbr.abs _section_cstart, $3  }
0xdb: {  	[dreg:$0x1] =	wrdreg $0xFFFFFFFF  }
0xdc: {  	_ =	task.clear_ibuf [dreg:s20], $0x2FFFF;
	_ =	strace $0x9FFFFFFF  }
0xdd: {  	(tm) =	ssettm $0x7FFFFFFF  }
tec
execute0_lowered:
.L_overlay_start_1:
0x0: {  	(tag) =	ssettag $0x1  }
0x1: {  	s2 =	rddreg [dreg:$0x0]  }
0x2: {  	s5 =	rddreg [dreg:$0x1]  }
0x3: {  	s0 =	rddreg [dreg:$0x2];
	s3 =	stileid.u32;
	[bflag:$0x3] =	sbarrier.arrive $0xFFFF  }
0x4: {  	s1 =	simm.s32 $_size_execute1_lowered;
	s29 =	srdreg.scid;
	s31 =	simm.s32 $0x2  }
0x5: {  	s13 =	simm.s32 $0x0;
	s8 =	simm.s32 $0x40;
	p0 =	sne.s32 s3, $0x0  }
0x6: {  	s1 =	sshll.u32 s1, $0x1;
	s4 =	simm.s32 @!p0 $0x1C3F;
	s6 =	simm.s32 @!p0 $0x4060  }
0x7: {  	[timem:s6], [sflag:s4] =	dma.local @!p0 [hbm:s2], s1  }
0x8: {  	s9 =	simm.s32 $0x80;
	s11 =	simm.s32 $0x0;
	s2 =	sshll.u32 s29, $0x8  }
.Ltmp0:
0x9: {  	s3 =	sshll.u32 s3, $0x9;
	s30 =	sand.u32 $0x100, s2;
	(pc) =	sbr.rel .LBB2_1-.Ltmp0, $4  }
0xa: {  	s12 =	simm.s32 $0x0;
	s4 =	simm.s32 $0x1;
	s3 =	sor.u32 s3, s30  }
0xb: {  	_ =	strace $0x8000004A;
	s2 =	sadd.s32 $0x35800, s5;
	s7 =	ssub.s32 $0xC300, s3  }
0xc: {  	s5 =	sadd.s32 $0xF8E00, s5;
	[sflag:s4] =	ssyncpa.u1 $0x0;
	s6 =	sshrl.u32 s7, $0xD  }
0xd: {  	[sflag:s31] =	ssyncpa.u1 $0x0;
	s10 =	smov.u32 s3;
	s7 =	sadd.s32 $0x2, s6  }
.LBB2_5:
0xe: {  	_ =	sdelay $0x3  }
0xf: {  	[tilespmem:v3+s18+$0x0 ss:$0x1] =	vst.idx.msk $0xffff, v1  }
0x10: {  	[tilespmem:v3+s17+$0x0 ss:$0x1] =	vst.idx.msk $0xffff, v2  }
0x11: {  	[tilespmem:v3+s16+$0x0 ss:$0x1] =	vst.idx.msk $0xffff, v4  }
0x12: {  	[tilespmem:v3+s19+$0x0 ss:$0x1] =	vst.idx.msk $0xffff, v5  }
.LBB2_6:
0x13: {  	s16 =	sand.u32 $0x1FFFFFF, s11  }
0x14: {  	s17 =	smulhi.u32 $0x14F8B59, s16;
	_ =	sdelay $0x1  }
0x15: {  	s17 =	sshrl.u32 s17, $0x8  }
0x16: {  	s17 =	smul.u32 $0xC350, s17;
	_ =	sdelay $0x1  }
0x17: {  	s16 =	ssub.s32 s16, s17  }
0x18: {  	s16 =	sshll.u32 s16, $0x4  }
0x19: {  	s16 =	sadd.s32 s5, s16  }
0x1a: {  	[hbm4b:s16+s8] =	stream.strided.scatter [tilespmem:s15], [sflag:$0x2], s14, s9, s8, $0x38;
	[tilespmem:$0x10000] =	vst v63  }
.LBB2_7:
0x1b: {  	p1 =	slt.u32 s12, $0x2  }
0x1c: {  	p2 =	sgt.s32 @!p1 s13, $0xC250  }
0x1d: {  	s14 =	smov.u32 s13;
	s15 =	sshra.s32 @!p1 s13, $0x1F;
	p2 =	por !p2, p1  }
0x1e: {  	s13 =	sand.u32 @!p1 s15, s13;
	s14 =	simm.s32 @p2 $0xC250  }
0x1f: {  	s13 =	ssub.s32 @!p1 s14, s13  }
0x20: {  	s13 =	sadd.s32 @!p1 $0xFFFF3DB0, s13  }
0x21: {  	s14 =	sshll.u32 @!p1 s13, $0x8  }
0x22: {  	p2 =	sgt.s32 @!p1 s13, $0xFF;
	s13 =	ssub.s32 @!p1 $0x10000, s14  }
0x23: {  	s15 =	sadd.s32 $0x2000, s10;
	p2 =	por !p2, p1;
	s13 =	sshrl.u32 @!p1 s13, $0x2  }
0x24: {  	s13 =	simm.s32 @!p2 $0x0;
	p2 =	sgt.s32 s15, $0xC34F  }
0x25: {  	s15 =	smov.u32 @p2 s3;
	p2 =	sne.s32 s12, s7  }
.Ltmp1:
0x26: {  	_ = 	snop;
	(pc) =	sbr.rel @!p2 .LBB2_8-.Ltmp1, $4  }
0x27: {  	s14 =	simm.s32 @!p1 $0x2  }
0x28: {  	_ =	swait.ge @!p1 [sflag:s14], s13;
	s16 =	ssub.s32 @!p1 $0x0, s13  }
0x29: {  	s13 =	smov.u32 s11;
	s12 =	sadd.s32 $0x1, s12;
	[sflag:s14] =	ssyncset.done @!p1 $0x0  }
0x2a: {  	s11 =	smov.u32 s10;
	s10 =	smov.u32 s15;
	[sflag:s14] =	ssyncadd.s32 @!p1 s16  }
.LBB2_1:
0x2b: {  	p1 =	sgt.u32 s12, s6  }
0x2c: {  	s15 =	smov.u32 s10;
	p2 =	sgt.s32 @!p1 s10, $0xC250  }
0x2d: {  	s14 =	sand.u32 @!p1 $0x1FFFFFF, s10;
	s16 =	sshra.s32 @!p1 s10, $0x1F;
	p2 =	por !p2, p1  }
0x2e: {  	s17 =	smulhi.u32 @!p1 $0x14F8B59, s14;
	s16 =	sand.u32 @!p1 s16, s10;
	s15 =	simm.s32 @p2 $0xC250  }
0x2f: {  	s15 =	ssub.s32 @!p1 s15, s16  }
0x30: {  	s16 =	sshrl.u32 @!p1 s17, $0x8;
	s15 =	sadd.s32 @!p1 $0xFFFF3DB0, s15  }
0x31: {  	s17 =	sxor.u32 @!p1 $0xFFFFFFFF, s12;
	s16 =	smul.u32 @!p1 $0xC350, s16;
	s18 =	sshll.u32 @!p1 s15, $0x8  }
0x32: {  	s17 =	sshll.u32 @!p1 s17, $0xE;
	p2 =	sgt.s32 @!p1 s15, $0xFF;
	s15 =	ssub.s32 @!p1 $0x10000, s18  }
0x33: {  	s14 =	ssub.s32 @!p1 s14, s16;
	p2 =	por !p2, p1;
	s16 =	sand.u32 @!p1 $0x4000, s17  }
0x34: {  	s17 =	simm.s32 @!p1 $0x40;
	s15 =	sshrl.u32 @!p1 s15, $0x2;
	s14 =	sshll.u32 @!p1 s14, $0x4  }
0x35: {  	s18 =	simm.s32 @!p1 $0x80;
	s15 =	simm.s32 @!p2 $0x0;
	s14 =	sadd.s32 @!p1 s2, s14  }
0x36: {  	[tilespmem:s16], [sflag:$0x1] =	stream.strided.gather @!p1 [hbm4b:s14+s17], s15, s18, s17, $0x38;
	[tilespmem:$0x10000] =	vst v63  }
0x37: {  	p1 =	seq.s32 s12, $0x0  }
0x38: {  	p2 =	sge.u32 @!p1 s12, s7  }
0x39: {  	p1 =	por p1, p2  }
.Ltmp2:
0x3a: {  	_ = 	snop;
	(pc) =	sbr.rel @p1 .LBB2_7-.Ltmp2, $1  }
0x3b: {  	_ =	sdelay $0x3  }
0x3c: {  	p1 =	sgt.s32 s11, $0xC250;
	s14 =	smov.u32 s11;
	s15 =	sshra.s32 s11, $0x1F  }
0x3d: {  	s14 =	simm.s32 @!p1 $0xC250;
	s15 =	sand.u32 s15, s11  }
0x3e: {  	s14 =	ssub.s32 s14, s15  }
0x3f: {  	s14 =	sadd.s32 $0xFFFF3DB0, s14  }
0x40: {  	s31 =	sshll.u32 s14, $0x8  }
0x41: {  	s15 =	ssub.s32 $0x10000, s31  }
0x42: {  	p1 =	sgt.s32 s14, $0xFF;
	s14 =	sshrl.u32 s15, $0x2;
	s15 =	sadd.s32 $0x100, s11  }
0x43: {  	s14 =	simm.s32 @p1 $0x0;
	p1 =	slt.s32 s15, $0xC350  }
0x44: {  	s15 =	simm.s32 @!p1 $0xC350  }
0x45: {  	s20 =	ssub.s32 s15, s11  }
0x46: {  	p1 =	slt.s32 s20, $0x1  }
.Ltmp3:
0x47: {  	_ = 	snop;
	(pc) =	sbr.rel @p1 .LBB2_6-.Ltmp3, $4  }
0x48: {  	_ = 	snop  }
0x49: {  	s16 =	sshll.u32 s12, $0xE;
	_ =	swait.ge [sflag:s4], s14  }
0x4a: {  	s16 =	sand.u32 $0x4000, s16;
	s17 =	ssub.s32 $0x0, s14;
	[sflag:s4] =	ssyncset.done $0x0  }
0x4b: {  	s15 =	sor.u32 $0x8000, s16;
	[sflag:s4] =	ssyncadd.s32 s17  }
0x4c: {  	v0 =	vmov s16;
	_ =	sdelay $0x2  }
0x4d: {  	s31 =	simm.s32 $0x0;
	p1 =	sne.s32 s20, $0x1  }
.Ltmp4:
0x4e: {  	s18 =	sand.u32 $0x3FC0, s31;
	(pc) =	sbr.rel @!p1 .LBB2_5-.Ltmp4, $4  }
0x4f: {  	s17 =	sor.u32 $0x30, s18;
	v1 =	vld.idx.msk [tilespmem:v0+s18+$0x0 ss:$0x1], $0xffff  }
0x50: {  	v3 =	vmov s15;
	s16 =	sor.u32 $0x10, s18;
	v2 =	vld.idx.msk [tilespmem:v0+s17+$0x0 ss:$0x1], $0xffff  }
0x51: {  	s19 =	sor.u32 $0x20, s18;
	v4 =	vld.idx.msk [tilespmem:v0+s16+$0x0 ss:$0x1], $0xffff  }
0x52: {  	s20 =	sadd.s32 $0xFFFFFFFF, s20;
	s21 =	simm.s32 $0x40;
	v5 =	vld.idx.msk [tilespmem:v0+s19+$0x0 ss:$0x1], $0xffff  }
.LBB2_4:
0x53: {  	s22 =	sand.u32 $0x3FC0, s21  }
0x54: {  	p1 =	sne.s32 s20, $0x1;
	s20 =	sadd.s32 $0xFFFFFFFF, s20;
	s23 =	sor.u32 $0x10, s22  }
.Ltmp5:
0x55: {  	s24 =	sor.u32 $0x20, s22;
	s25 =	sor.u32 $0x30, s22;
	[tilespmem:v3+s18+$0x0 ss:$0x1] =	vst.idx.msk $0xffff, v1;
	v1 =	vld.idx.msk [tilespmem:v0+s22+$0x0 ss:$0x1], $0xffff;
	(pc) =	sbr.rel @p1 .LBB2_4-.Ltmp5, $4  }
0x56: {  	s18 =	smov.u32 s22;
	[tilespmem:v3+s17+$0x0 ss:$0x1] =	vst.idx.msk $0xffff, v2;
	v2 =	vld.idx.msk [tilespmem:v0+s25+$0x0 ss:$0x1], $0xffff;
	s17 =	smov.u32 s25  }
0x57: {  	[tilespmem:v3+s16+$0x0 ss:$0x1] =	vst.idx.msk $0xffff, v4;
	v4 =	vld.idx.msk [tilespmem:v0+s23+$0x0 ss:$0x1], $0xffff;
	s16 =	smov.u32 s23  }
0x58: {  	[tilespmem:v3+s19+$0x0 ss:$0x1] =	vst.idx.msk $0xffff, v5;
	v5 =	vld.idx.msk [tilespmem:v0+s24+$0x0 ss:$0x1], $0xffff;
	s19 =	smov.u32 s24  }
0x59: {  	s21 =	sadd.s32 $0x40, s21  }
.Ltmp6:
0x5a: {  	_ = 	snop;
	(pc) =	sbr.rel .LBB2_5-.Ltmp6, $1  }
0x5b: {  	_ =	sdelay $0x3  }
.LBB2_8:
0x5c: {  	_ =	sfence.sel $0x180000  }
0x5d: {  	s2 =	simm.s32 $0x1;
	[bflag:$0x0] =	sbarrier.arrive $0xFFFF  }
0x5e: {  	s31 =	simm.s32 $0x2;
	[sflag:s2] =	ssyncpa.u1 $0x1  }
0x5f: {  	[sflag:s31] =	ssyncpa.u1 $0x1  }
0x60: {  	_ =	strace $0x9000004A  }
0x61: {  	s0 =	sadd.s32 @!p0 $0x100000, s0;
	[bflag:$0x2] =	sbarrier.arrive $0xFFFF  }
0x62: {  	[sflag:s0] =	ssyncadd.tile.s32 @!p0 $0x1;
	s0 =	simm.s32 @!p0 $0x3F  }
0x63: {  	_ =	swait.ge @!p0 [sflag:s0], s1  }
0x64: {  	s1 =	ssub.s32 @!p0 $0x0, s1;
	[sflag:s0] =	ssyncset.done @!p0 $0x0  }
0x65: {  	[sflag:s0] =	ssyncadd.s32 @!p0 s1  }
0x66: {  	[bflag:$0x3] =	sbarrier.arrive $0xFFFF  }
0x67: {  	_ =	shalt  }
.Lfunc_end2:
execute1_lowered:
.L_overlay_start_2:
0x68: {  	(tag) =	ssettag $0x2  }
0x69: {  	s2 =	rddreg [dreg:$0x0]  }
0x6a: {  	s4 =	rddreg [dreg:$0x1];
	_ =	strace $0x8000004D;
	s0 =	simm.s32 $0x1  }
0x6b: {  	s3 =	simm.s32 $0x88;
	v0 =	vimm.s32 $0x0;
	[sflag:s0] =	ssyncpa.u1 $0x0  }
0x6c: {  	[tilespmem:s3+$0x30] =	vst v0  }
0x6d: {  	s1 =	sadd.s32 $0xF8E00, s2;
	s0 =	sadd.s32 $0x4800, s2;
	s6 =	sadd.s32 $0x35E9200, s2;
	[tilespmem:s3+$0x20] =	vst v0  }
0x6e: {  	s2 =	sadd.s32 $0x1D000, s2;
	s7 =	sand.u32 $0x1, s4;
	s4 =	simm.s32 $0x40;
	[tilespmem:s3+$0x10] =	vst v0  }
.LBB3_1:
0x6f: {  	s4 =	sadd.s32 $0x40, s4  }
0x70: {  	[tilespmem:s3+$0x0] =	vst v0;
	s3 =	sadd.s32 $0x40, s3;
	p0 =	slt.u32 s4, $0x5040  }
.Ltmp7:
0x71: {  	(pc) =	sbr.rel @p0 .LBB3_1-.Ltmp7, $4  }
0x72: {  	_ = 	snop  }
0x73: {  	[tilespmem:s3+$0x30] =	vst v0  }
0x74: {  	[tilespmem:s3+$0x20] =	vst v0  }
0x75: {  	[tilespmem:s3+$0x10] =	vst v0  }
0x76: {  	s8 =	stileid.u32  }
0x77: {  	s4 =	smul.u32 $0x4E, s8  }
0x78: {  	s5 =	smin.u32 s8, $0x2  }
0x79: {  	s4 =	sadd.s32 s5, s4  }
0x7a: {  	p0 =	slt.u32 s8, $0x2;
	s12 =	smul.u32 $0x140, s4;
	s4 =	simm.s32 $0x62C0  }
0x7b: {  	s4 =	simm.s32 @!p0 $0x6180  }
0x7c: {  	s25 =	simm.s32 $0x2;
	s4 =	sadd.s32 s4, s12  }
0x7d: {  	s28 =	simm.s32 $0x9;
	s9 =	simm.s32 $0xA;
	s14 =	smin.u32 s4, $0x61A80  }
0x7e: {  	s30 =	simm.s32 $0xB;
	[dreg:$0x4] =	wrdreg s7;
	s4 =	ssub.s32 s14, s12  }
0x7f: {  	s31 =	smul.u32 $0xC350, s7;
	s13 =	simm.s32 $0x1;
	p0 =	sgt.s32 s4, $0x0  }
0x80: {  	s19 =	simm.s32 $0x0;
	s20 =	simm.s32 $0xA808;
	s4 =	simm.s32 @!p0 $0x0  }
0x81: {  	s21 =	simm.s32 $0xFFFFFFFF;
	p1 =	por $0x0, $0x0;
	s26 =	smulhi.u32 $0x66666667, s4  }
0x82: {  	[tilespmem:s3+$0x0] =	vst v0;
	s23 =	simm.s32 $0x0;
	[sflag:s25] =	ssyncpa.u1 $0x0;
	s18 =	sshll.u32 s8, $0x7  }
0x83: {  	s0 =	sadd.s32 s31, s0;
	[dreg:$0xa] =	wrdreg s18;
	s3 =	sshrl.u32 s26, $0x7  }
0x84: {  	v0 =	vimm.s32 $0xFFFFFFFF;
	s17 =	sadd.s32 s31, s2;
	[dreg:$0x9] =	wrdreg s0;
	s29 =	smul.u32 $0x140, s3  }
0x85: {  	s25 =	simm.s32 $0x0;
	[tilespmem:$0xA108] =	vst v0;
	[sflag:s28] =	ssyncpa.u1 $0x0;
	[dreg:$0x8] =	wrdreg s17  }
.Ltmp8:
0x86: {  	p0 =	sne.s32 s4, s29;
	s4 =	simm.s32 $0x1;
	(pc) =	sbr.rel .LBB3_3-.Ltmp8, $4  }
0x87: {  	[sflag:s9] =	ssyncpa.u1 $0x0;
	[dreg:$0x5] =	wrdreg s12;
	s4 =	simm.s32 @!p0 $0x0  }
0x88: {  	[sflag:s30] =	ssyncpa.u1 $0x0;
	[dreg:$0x6] =	wrdreg s14;
	s15 =	sadd.s32 s4, s3  }
0x89: {  	s24 =	smov.u32 s12;
	s22 =	sadd.s32 $0x1, s15;
	[dreg:$0x7] =	wrdreg s15  }
0x8a: {  	v0 =	vlaneseq.u32;
	s26 =	simm.s32 $0x0;
	p0 =	por $0x1, $0x1;
	[dreg:$0xb] =	wrdreg s22  }
.LBB3_22:
0x8b: {  	s0 =	sshrl.u32 s3, $0x2  }
.LBB3_24:
0x8c: {  	s3 =	simm.s32 $0xC  }
0x8d: {  	_ =	swait.ge [sflag:s3], s0  }
0x8e: {  	s31 =	ssub.s32 $0x0, s0;
	v1 =	vmov s4;
	vm0 =	veq.s32 v0, $0x0;
	[sflag:s3] =	ssyncset.done $0x0  }
0x8f: {  	vm15 =	veq.s32 v0, $0x2;
	v1 =	vsel vm0, s2, v1;
	[sflag:s3] =	ssyncadd.s32 s31  }
0x90: {  	v1 =	vsel vm15, s26, v1;
	[sflag:s3] =	ssyncpa.u1 $0x1  }
0x91: {  	[tilespmem:$0xA108] =	vst v1  }
.LBB3_25:
0x92: {  	s0 =	sadd.s32 $0x140, s24  }
0x93: {  	s2 =	smov.u32 s12;
	p2 =	slt.s32 s0, s14  }
0x94: {  	s2 =	smov.u32 @p2 s0;
	p2 =	sne.s32 s25, s22  }
.Ltmp9:
0x95: {  	_ = 	snop;
	(pc) =	sbr.rel @!p2 .LBB3_26-.Ltmp9, $4  }
0x96: {  	_ = 	snop  }
0x97: {  	s26 =	smov.u32 s23;
	s31 =	sadd.s32 $0x1, s25;
	p0 =	por !p0, !p0  }
0x98: {  	s23 =	smov.u32 s24;
	s20 =	sadd.s32 $0x140, s20;
	s21 =	sadd.s32 $0x1, s21  }
0x99: {  	p1 =	por !p1, !p1;
	s25 =	smov.u32 s31;
	s24 =	smov.u32 s2  }
.LBB3_3:
0x9a: {  	p2 =	sge.u32 s25, s15  }
0x9b: {  	s0 =	smulhi.u32 @!p2 $0xAAAAAAAB, s25  }
0x9c: {  	s2 =	smov.u32 s24;
	p3 =	sgt.s32 @!p2 s24, $0x61940  }
0x9d: {  	s3 =	sshra.s32 @!p2 s24, $0x1F;
	p3 =	por !p3, p2;
	s0 =	sshrl.u32 @!p2 s0, $0x1  }
0x9e: {  	s3 =	sand.u32 @!p2 s3, s24;
	s2 =	simm.s32 @p3 $0x61940;
	s0 =	smul.u32 @!p2 $0x3, s0  }
0x9f: {  	s2 =	ssub.s32 @!p2 s2, s3  }
0xa0: {  	s2 =	sadd.s32 @!p2 $0xFFF9E6C0, s2;
	s0 =	ssub.s32 @!p2 s25, s0  }
0xa1: {  	s3 =	sshll.u32 @!p2 s2, $0x2;
	p3 =	sgt.s32 @!p2 s2, $0x13F;
	s0 =	smul.u32 @!p2 $0x500, s0  }
0xa2: {  	s4 =	sand.u32 @!p2 $0x7, s24;
	s2 =	ssub.s32 @!p2 $0x500, s3;
	p3 =	por !p3, p2  }
0xa3: {  	s3 =	sshrl.u32 @!p2 s24, $0x3;
	s2 =	sshrl.u32 @!p2 s2, $0x2;
	s0 =	sshrl.u32 @!p2 s0, $0x2  }
0xa4: {  	s3 =	sadd.s32 @!p2 s3, s17;
	s2 =	simm.s32 @!p3 $0x0;
	s0 =	sadd.s32 @!p2 $0xA948, s0  }
0xa5: {  	[tilespmem:s0], [sflag:$0xA] =	stream.linear.gather @!p2 [hbm4b:s3+s4], s2, $0x38;
	[tilespmem:$0x1EF88] =	vst v63  }
0xa6: {  	s0 =	sadd.s32 $0xFFFFFFFF, s25  }
0xa7: {  	p2 =	sge.u32 s0, s15  }
.Ltmp10:
0xa8: {  	_ = 	snop;
	(pc) =	sbr.rel @p2 .LBB3_7-.Ltmp10, $1  }
0xa9: {  	_ =	sdelay $0x3  }
0xaa: {  	p2 =	sgt.s32 s23, $0x61940;
	s2 =	smov.u32 s23;
	s3 =	sshra.s32 s23, $0x1F  }
0xab: {  	s2 =	simm.s32 @!p2 $0x61940;
	s3 =	sand.u32 s3, s23  }
0xac: {  	s17 =	smulhi.u32 $0xAAAAAAAB, s21;
	s2 =	ssub.s32 s2, s3  }
0xad: {  	s0 =	sand.u32 $0x1, s0;
	s2 =	sadd.s32 $0xFFF9E6C0, s2  }
0xae: {  	s5 =	simm.s32 $0xA;
	s3 =	sshrl.u32 s17, $0x1;
	s4 =	sshll.u32 s2, $0x2  }
0xaf: {  	s7 =	sshrl.u32 s23, $0x3;
	s3 =	smul.u32 $0xFFFFF100, s3;
	s4 =	ssub.s32 $0x500, s4  }
0xb0: {  	s18 =	smul.u32 $0x500, s0;
	p2 =	sgt.s32 s2, $0x13F;
	s2 =	sshrl.u32 s4, $0x2  }
0xb1: {  	s9 =	sand.u32 $0x7, s23;
	s3 =	sshra.s32 s3, $0x2;
	s2 =	simm.s32 @p2 $0x0  }
0xb2: {  	s0 =	sadd.s32 s3, s20;
	s4 =	sshrl.u32 s18, $0x2;
	_ =	swait.ge [sflag:s5], s2  }
0xb3: {  	s22 =	ssub.s32 $0x0, s2;
	[sflag:s5] =	ssyncset.done $0x0;
	s8 =	rddreg [dreg:$0x9]  }
0xb4: {  	s4 =	sadd.s32 $0xAD08, s4;
	[sflag:s5] =	ssyncadd.s32 s22;
	s3 =	sadd.s32 s7, s8  }
0xb5: {  	[tilespmem:s4], [sflag:$0xB] =	stream.linear.gather [hbm4b:s3+s9], s2, $0x38;
	[tilespmem:$0x1EF88] =	vst v63  }
0xb6: {  	v1 =	vld.msk [tilespmem:s0+$0x0], $0xffff;
	_ =	sdelay $0x4  }
0xb7: {  	v1 =	vshll.u32 v1, $0x4  }
0xb8: {  	(v2sf) =	vpush v1, $0x0  }
0xb9: {  	(v2sf) =	vpush v1, $0x1  }
0xba: {  	(v2sf) =	vpush v1, $0x2;
	_ =	sdelay $0x3  }
0xbb: {  	(v2sf) =	vpush v1, $0x3;
	_ =	sdelay $0x1  }
0xbc: {  	(v2sf) =	vpush v1, $0x4  }
0xbd: {  	s2 =	simm.s32 $0x1;
	(v2sf) =	vpush v1, $0x5  }
0xbe: {  	s2 =	simm.s32 @!p0 $0x0  }
0xbf: {  	s2 =	smul.u32 $0x28000, s2;
	(v2sf) =	vpush v1, $0x6;
	_ =	sdelay $0x1  }
0xc0: {  	s2 =	sshrl.u32 s2, $0x2  }
0xc1: {  	s28 =	sadd.s32 $0xB708, s2  }
0xc2: {  	s12 =	sadd.s32 $0xFFFFF880, s28;
	s17 =	sadd.s32 $0xFFFFF900, s28;
	s10 =	spop (v2sf);
	(v2sf) =	vpush v1, $0x7  }
0xc3: {  	s18 =	sadd.s32 $0xFFFFF980, s28;
	s11 =	sand.u32 $0x1FFFFFF0, s10;
	s14 =	spop (v2sf)  }
0xc4: {  	(v2sf) =	vpush v1, $0x8;
	s2 =	sadd.s32 s6, s11;
	s15 =	sand.u32 $0x1FFFFFF0, s14;
	s16 =	spop (v2sf)  }
0xc5: {  	[tilespmem:s12], [sflag:$0x9] =	stream.linear.gather [hbm4b:s2+s19], $0x40, $0x38;
	[tilespmem:$0x1EF88] =	vst v63  }
0xc6: {  	s5 =	sadd.s32 $0xFFFFFA00, s28;
	s2 =	sadd.s32 s6, s15;
	s3 =	sand.u32 $0x1FFFFFF0, s16  }
0xc7: {  	(v2sf) =	vpush v1, $0x9;
	[tilespmem:s17], [sflag:$0x9] =	stream.linear.gather [hbm4b:s2+s19], $0x40, $0x38;
	[tilespmem:$0x1EF88] =	vst v63  }
0xc8: {  	s7 =	sadd.s32 $0xFFFFFA80, s28;
	s22 =	spop (v2sf);
	s3 =	sadd.s32 s6, s3  }
0xc9: {  	(v2sf) =	vpush v1, $0xA;
	[tilespmem:s18], [sflag:$0x9] =	stream.linear.gather [hbm4b:s3+s19], $0x40, $0x38;
	[tilespmem:$0x1EF88] =	vst v63  }
0xca: {  	s11 =	sadd.s32 $0xFFFFFB00, s28;
	s4 =	spop (v2sf);
	(v2sf) =	vpush v1, $0xB;
	s3 =	sand.u32 $0x1FFFFFF0, s22  }
0xcb: {  	s8 =	spop (v2sf);
	s2 =	sadd.s32 s6, s3;
	s3 =	sand.u32 $0x1FFFFFF0, s4  }
0xcc: {  	(v2sf) =	vpush v1, $0xC;
	[tilespmem:s5], [sflag:$0x9] =	stream.linear.gather [hbm4b:s2+s19], $0x40, $0x38;
	[tilespmem:$0x1EF88] =	vst v63  }
0xcd: {  	s9 =	sand.u32 $0x1FFFFFF0, s8;
	s10 =	spop (v2sf);
	s3 =	sadd.s32 s6, s3  }
0xce: {  	(v2sf) =	vpush v1, $0xD;
	[tilespmem:s7], [sflag:$0x9] =	stream.linear.gather [hbm4b:s3+s19], $0x40, $0x38;
	[tilespmem:$0x1EF88] =	vst v63  }
0xcf: {  	s12 =	sadd.s32 $0xFFFFFB80, s28;
	s2 =	sadd.s32 s6, s9;
	s3 =	sand.u32 $0x1FFFFFF0, s10  }
0xd0: {  	[tilespmem:s11], [sflag:$0x9] =	stream.linear.gather [hbm4b:s2+s19], $0x40, $0x38;
	[tilespmem:$0x1EF88] =	vst v63  }
0xd1: {  	s17 =	sadd.s32 $0xFFFFFC00, s28;
	s3 =	sadd.s32 s6, s3;
	s14 =	spop (v2sf)  }
0xd2: {  	[tilespmem:s12], [sflag:$0x9] =	stream.linear.gather [hbm4b:s3+s19], $0x40, $0x38;
	(v2sf) =	vpush v1, $0xE;
	[tilespmem:$0x1EF88] =	vst v63  }
0xd3: {  	s18 =	sadd.s32 $0xFFFFFC80, s28;
	s15 =	sand.u32 $0x1FFFFFF0, s14;
	s16 =	spop (v2sf)  }
0xd4: {  	s5 =	sadd.s32 $0xFFFFFD00, s28;
	(v2sf) =	vpush v1, $0xF;
	s2 =	sadd.s32 s6, s15;
	s3 =	sand.u32 $0x1FFFFFF0, s16  }
0xd5: {  	[tilespmem:s17], [sflag:$0x9] =	stream.linear.gather [hbm4b:s2+s19], $0x40, $0x38;
	[tilespmem:$0x1EF88] =	vst v63  }
0xd6: {  	s7 =	sadd.s32 $0xFFFFFD80, s28;
	s22 =	spop (v2sf);
	s3 =	sadd.s32 s6, s3  }
0xd7: {  	[tilespmem:s18], [sflag:$0x9] =	stream.linear.gather [hbm4b:s3+s19], $0x40, $0x38;
	[tilespmem:$0x1EF88] =	vst v63  }
0xd8: {  	s11 =	sadd.s32 $0xFFFFFE00, s28;
	s4 =	spop (v2sf);
	s3 =	sand.u32 $0x1FFFFFF0, s22  }
0xd9: {  	s8 =	spop (v2sf);
	s2 =	sadd.s32 s6, s3;
	s3 =	sand.u32 $0x1FFFFFF0, s4  }
0xda: {  	[tilespmem:s5], [sflag:$0x9] =	stream.linear.gather [hbm4b:s2+s19], $0x40, $0x38;
	[tilespmem:$0x1EF88] =	vst v63  }
0xdb: {  	s9 =	sand.u32 $0x1FFFFFF0, s8;
	s10 =	spop (v2sf);
	s3 =	sadd.s32 s6, s3  }
0xdc: {  	[tilespmem:s7], [sflag:$0x9] =	stream.linear.gather [hbm4b:s3+s19], $0x40, $0x38;
	[tilespmem:$0x1EF88] =	vst v63  }
0xdd: {  	s14 =	spop (v2sf);
	s2 =	sadd.s32 s6, s9;
	s3 =	sand.u32 $0x1FFFFFF0, s10  }
0xde: {  	[tilespmem:s11], [sflag:$0x9] =	stream.linear.gather [hbm4b:s2+s19], $0x40, $0x38;
	[tilespmem:$0x1EF88] =	vst v63  }
0xdf: {  	s12 =	sadd.s32 $0xFFFFFE80, s28;
	s15 =	sand.u32 $0x1FFFFFF0, s14;
	s3 =	sadd.s32 s6, s3  }
0xe0: {  	[tilespmem:s12], [sflag:$0x9] =	stream.linear.gather [hbm4b:s3+s19], $0x40, $0x38;
	[tilespmem:$0x1EF88] =	vst v63  }
0xe1: {  	s17 =	sadd.s32 $0xFFFFFF00, s28;
	s2 =	sadd.s32 s6, s15;
	s16 =	spop (v2sf)  }
0xe2: {  	[tilespmem:s17], [sflag:$0x9] =	stream.linear.gather [hbm4b:s2+s19], $0x40, $0x38;
	[tilespmem:$0x1EF88] =	vst v63  }
0xe3: {  	s29 =	simm.s32 $0x0;
	s3 =	sand.u32 $0x1FFFFFF0, s16;
	s18 =	spop (v2sf)  }
0xe4: {  	s22 =	sadd.s32 $0xFFFFFF80, s28;
	s3 =	sadd.s32 s6, s3;
	s2 =	sand.u32 $0x1FFFFFF0, s18  }
0xe5: {  	[tilespmem:s22], [sflag:$0x9] =	stream.linear.gather [hbm4b:s3+s19], $0x40, $0x38;
	[tilespmem:$0x1EF88] =	vst v63  }
0xe6: {  	s31 =	sadd.s32 $0x10, s0;
	s30 =	sadd.s32 $0x800, s28;
	s2 =	sadd.s32 s6, s2  }
.LBB3_5:
0xe7: {  	[tilespmem:s28], [sflag:$0x9] =	stream.linear.gather [hbm4b:s2+s19], $0x40, $0x38;
	[tilespmem:$0x1EF88] =	vst v63  }
0xe8: {  	s29 =	sadd.s32 $0x10, s29;
	s28 =	smov.u32 s30  }
0xe9: {  	p2 =	slt.u32 s29, $0x130;
	v1 =	vld.msk [tilespmem:s31+$0x0], $0xffff;
	_ =	sdelay $0x4  }
0xea: {  	v1 =	vshll.u32 v1, $0x4  }
0xeb: {  	(v2sf) =	vpush v1, $0x0  }
0xec: {  	(v2sf) =	vpush v1, $0x1  }
0xed: {  	(v2sf) =	vpush v1, $0x2;
	_ =	sdelay $0x1  }
0xee: {  	(v2sf) =	vpush v1, $0x3;
	_ =	sdelay $0x1  }
0xef: {  	(v2sf) =	vpush v1, $0x4;
	_ =	sdelay $0x1  }
0xf0: {  	(v2sf) =	vpush v1, $0x5;
	_ =	sdelay $0x1  }
0xf1: {  	(v2sf) =	vpush v1, $0x6  }
0xf2: {  	s4 =	sadd.s32 $0xFFFFFE80, s30;
	s0 =	sadd.s32 $0xFFFFFF00, s30  }
0xf3: {  	s3 =	sadd.s32 $0xFFFFFD00, s30;
	s2 =	sadd.s32 $0xFFFFFD80, s30;
	s5 =	sadd.s32 $0xFFFFFE00, s30;
	(v2sf) =	vpush v1, $0x7  }
0xf4: {  	s10 =	sadd.s32 $0xFFFFFB80, s30;
	s9 =	sadd.s32 $0xFFFFFC00, s30;
	s16 =	sadd.s32 $0xFFFFFC80, s30  }
0xf5: {  	s11 =	sadd.s32 $0xFFFFFA00, s30;
	s12 =	sadd.s32 $0xFFFFFA80, s30;
	s15 =	sadd.s32 $0xFFFFFB00, s30;
	(v2sf) =	vpush v1, $0x8  }
0xf6: {  	s18 =	sadd.s32 $0xFFFFF900, s30;
	s7 =	sadd.s32 $0xFFFFF980, s30;
	s22 =	spop (v2sf)  }
0xf7: {  	s8 =	sadd.s32 $0xFFFFF880, s30;
	s22 =	sand.u32 $0x1FFFFFF0, s22;
	s14 =	spop (v2sf);
	(v2sf) =	vpush v1, $0x9  }
0xf8: {  	s22 =	sadd.s32 s6, s22;
	s14 =	sand.u32 $0x1FFFFFF0, s14;
	s17 =	spop (v2sf)  }
0xf9: {  	[tilespmem:s8], [sflag:$0x9] =	stream.linear.gather [hbm4b:s22+s19], $0x40, $0x38;
	(v2sf) =	vpush v1, $0xA;
	[tilespmem:$0x1EF88] =	vst v63  }
0xfa: {  	s8 =	sadd.s32 s6, s14;
	s14 =	sand.u32 $0x1FFFFFF0, s17;
	s17 =	spop (v2sf)  }
0xfb: {  	[tilespmem:s18], [sflag:$0x9] =	stream.linear.gather [hbm4b:s8+s19], $0x40, $0x38;
	(v2sf) =	vpush v1, $0xB;
	[tilespmem:$0x1EF88] =	vst v63  }
0xfc: {  	s8 =	sadd.s32 s6, s14;
	s14 =	sand.u32 $0x1FFFFFF0, s17;
	s17 =	spop (v2sf)  }
0xfd: {  	[tilespmem:s7], [sflag:$0x9] =	stream.linear.gather [hbm4b:s8+s19], $0x40, $0x38;
	(v2sf) =	vpush v1, $0xC;
	[tilespmem:$0x1EF88] =	vst v63  }
0xfe: {  	s7 =	sadd.s32 s6, s14;
	s8 =	sand.u32 $0x1FFFFFF0, s17;
	s14 =	spop (v2sf)  }
0xff: {  	[tilespmem:s11], [sflag:$0x9] =	stream.linear.gather [hbm4b:s7+s19], $0x40, $0x38;
	(v2sf) =	vpush v1, $0xD;
	[tilespmem:$0x1EF88] =	vst v63  }
0x100: {  	s7 =	sadd.s32 s6, s8;
	s8 =	sand.u32 $0x1FFFFFF0, s14;
	s11 =	spop (v2sf)  }
0x101: {  	[tilespmem:s12], [sflag:$0x9] =	stream.linear.gather [hbm4b:s7+s19], $0x40, $0x38;
	(v2sf) =	vpush v1, $0xE;
	[tilespmem:$0x1EF88] =	vst v63  }
0x102: {  	s7 =	sadd.s32 s6, s8;
	s8 =	sand.u32 $0x1FFFFFF0, s11;
	s11 =	spop (v2sf)  }
0x103: {  	[tilespmem:s15], [sflag:$0x9] =	stream.linear.gather [hbm4b:s7+s19], $0x40, $0x38;
	(v2sf) =	vpush v1, $0xF;
	[tilespmem:$0x1EF88] =	vst v63  }
0x104: {  	s7 =	sadd.s32 s6, s8;
	s8 =	sand.u32 $0x1FFFFFF0, s11;
	s11 =	spop (v2sf)  }
0x105: {  	[tilespmem:s10], [sflag:$0x9] =	stream.linear.gather [hbm4b:s7+s19], $0x40, $0x38;
	[tilespmem:$0x1EF88] =	vst v63  }
0x106: {  	s7 =	sadd.s32 s6, s8;
	s8 =	sand.u32 $0x1FFFFFF0, s11;
	s10 =	spop (v2sf)  }
0x107: {  	[tilespmem:s9], [sflag:$0x9] =	stream.linear.gather [hbm4b:s7+s19], $0x40, $0x38;
	[tilespmem:$0x1EF88] =	vst v63  }
0x108: {  	s7 =	sadd.s32 s6, s8;
	s8 =	sand.u32 $0x1FFFFFF0, s10;
	s9 =	spop (v2sf)  }
0x109: {  	[tilespmem:s16], [sflag:$0x9] =	stream.linear.gather [hbm4b:s7+s19], $0x40, $0x38;
	[tilespmem:$0x1EF88] =	vst v63  }
0x10a: {  	s7 =	sadd.s32 s6, s8;
	s8 =	sand.u32 $0x1FFFFFF0, s9;
	s9 =	spop (v2sf)  }
0x10b: {  	[tilespmem:s3], [sflag:$0x9] =	stream.linear.gather [hbm4b:s7+s19], $0x40, $0x38;
	[tilespmem:$0x1EF88] =	vst v63  }
0x10c: {  	s3 =	sadd.s32 s6, s8;
	s7 =	sand.u32 $0x1FFFFFF0, s9;
	s8 =	spop (v2sf)  }
0x10d: {  	[tilespmem:s2], [sflag:$0x9] =	stream.linear.gather [hbm4b:s3+s19], $0x40, $0x38;
	[tilespmem:$0x1EF88] =	vst v63  }
0x10e: {  	s2 =	sadd.s32 s6, s7;
	s3 =	sand.u32 $0x1FFFFFF0, s8;
	s7 =	spop (v2sf)  }
0x10f: {  	[tilespmem:s5], [sflag:$0x9] =	stream.linear.gather [hbm4b:s2+s19], $0x40, $0x38;
	[tilespmem:$0x1EF88] =	vst v63  }
0x110: {  	s2 =	sadd.s32 s6, s3;
	s3 =	sand.u32 $0x1FFFFFF0, s7;
	s5 =	spop (v2sf)  }
0x111: {  	[tilespmem:s4], [sflag:$0x9] =	stream.linear.gather [hbm4b:s2+s19], $0x40, $0x38;
	[tilespmem:$0x1EF88] =	vst v63  }
0x112: {  	s2 =	sadd.s32 s6, s3  }
.Ltmp11:
0x113: {  	s3 =	sand.u32 $0x1FFFFFF0, s5;
	s4 =	spop (v2sf);
	(pc) =	sbr.rel @p2 .LBB3_5-.Ltmp11, $4  }
0x114: {  	[tilespmem:s0], [sflag:$0x9] =	stream.linear.gather [hbm4b:s2+s19], $0x40, $0x38;
	[tilespmem:$0x1EF88] =	vst v63  }
0x115: {  	s0 =	sadd.s32 s6, s3;
	s2 =	sadd.s32 $0xFFFFFF80, s30;
	s3 =	sand.u32 $0x1FFFFFF0, s4  }
0x116: {  	[tilespmem:s2], [sflag:$0x9] =	stream.linear.gather [hbm4b:s0+s19], $0x40, $0x38;
	[tilespmem:$0x1EF88] =	vst v63  }
0x117: {  	s31 =	sadd.s32 $0x10, s31;
	s30 =	sadd.s32 $0x800, s30;
	s2 =	sadd.s32 s6, s3  }
0x118: {  	[tilespmem:s28], [sflag:$0x9] =	stream.linear.gather [hbm4b:s2+s19], $0x40, $0x38;
	[tilespmem:$0x1EF88] =	vst v63  }
0x119: {  	s12 =	rddreg [dreg:$0x5]  }
0x11a: {  	s14 =	rddreg [dreg:$0x6]  }
0x11b: {  	s15 =	rddreg [dreg:$0x7]  }
0x11c: {  	s17 =	rddreg [dreg:$0x8]  }
0x11d: {  	s18 =	rddreg [dreg:$0xa]  }
0x11e: {  	s22 =	rddreg [dreg:$0xb]  }
.LBB3_7:
0x11f: {  	p2 =	slt.u32 s25, $0x2  }
.Ltmp12:
0x120: {  	_ = 	snop;
	(pc) =	sbr.rel @p2 .LBB3_25-.Ltmp12, $1  }
0x121: {  	_ =	sdelay $0x3  }
0x122: {  	p2 =	sgt.s32 s26, $0x61940;
	s0 =	smov.u32 s26;
	s2 =	sshra.s32 s26, $0x1F  }
0x123: {  	s0 =	simm.s32 @!p2 $0x61940;
	s2 =	sand.u32 s2, s26  }
0x124: {  	s0 =	ssub.s32 s0, s2  }
0x125: {  	s0 =	sadd.s32 $0xFFF9E6C0, s0  }
0x126: {  	s3 =	simm.s32 $0x9;
	s29 =	sshll.u32 s0, $0x2  }
0x127: {  	_ =	swait.ge [sflag:s3], $0x5000;
	s2 =	ssub.s32 $0x500, s29  }
0x128: {  	[sflag:s3] =	ssyncset.done $0x0;
	p2 =	sgt.s32 s0, $0x13F;
	s0 =	sshrl.u32 s2, $0x2  }
0x129: {  	s30 =	simm.s32 $0xB;
	[sflag:s3] =	ssyncadd.s32 $0xFFFFB000;
	s0 =	simm.s32 @p2 $0x0  }
0x12a: {  	_ =	swait.ge [sflag:s30], s0  }
0x12b: {  	s0 =	ssub.s32 $0x0, s0;
	[sflag:s30] =	ssyncset.done $0x0  }
0x12c: {  	[sflag:s30] =	ssyncadd.s32 s0  }
0x12d: {  	v1 =	vld [tilespmem:$0xA108];
	_ =	sdelay $0x4  }
0x12e: {  	(v2sf) =	vpush v1, $0x0  }
0x12f: {  	(v2sf) =	vpush v1, $0x1  }
0x130: {  	(v2sf) =	vpush v1, $0x2;
	_ =	sdelay $0x3  }
0x131: {  	s0 =	sadd.s32 $0x140, s26  }
0x132: {  	s4 =	ssub.s32 $0xC3500, s26;
	p2 =	slt.s32 s14, s0  }
0x133: {  	s0 =	smov.u32 @p2 s14;
	p2 =	sgt.s32 s4, $0x0  }
0x134: {  	s0 =	ssub.s32 s0, s26;
	s4 =	simm.s32 @!p2 $0x0  }
0x135: {  	p2 =	slt.s32 s4, s0  }
0x136: {  	s0 =	smov.u32 @p2 s4  }
0x137: {  	s2 =	simm.s32 $0x1;
	p2 =	slt.s32 s0, $0x1  }
.Ltmp13:
0x138: {  	s2 =	simm.s32 @!p1 $0x0;
	(pc) =	sbr.rel @p2 .LBB3_12-.Ltmp13, $4  }
0x139: {  	s7 =	smul.u32 $0x500, s2  }
0x13a: {  	s3 =	spop (v2sf)  }
0x13b: {  	s31 =	sshrl.u32 s7, $0x2;
	s5 =	spop (v2sf)  }
0x13c: {  	s28 =	sadd.s32 $0xAD08, s31;
	s26 =	spop (v2sf)  }
0x13d: {  	s4 =	smin.u32 s0, $0x10  }
0x13e: {  	v1 =	vmov s4  }
0x13f: {  	p3 =	sgt.s32 s0, $0x10;
	vm1 =	vgt.u32 v1, v0  }
.Ltmp14:
0x140: {  	_ = 	snop;
	(pc) =	sbr.rel @!p3 .LBB3_11-.Ltmp14, $2  }
0x141: {  	_ =	sdelay $0x2  }
0x142: {  	s9 =	simm.s32 $0x10;
	s10 =	sadd.s32 $0xFFFFFFF0, s0;
	s4 =	smov.u32 s28;
	vm0 =	vmmov vm1  }
.LBB3_10:
0x143: {  	s7 =	smin.u32 s10, $0x10;
	s9 =	sadd.s32 $0x10, s9;
	v1 =	vld.msk [tilespmem:s4+$0x0 ss:$0x1], vm1  }
0x144: {  	v2 =	vmov s7;
	p3 =	slt.s32 s9, s0  }
0x145: {  	vm1 =	vgt.u32 v2, v0  }
.Ltmp15:
0x146: {  	(pc) =	sbr.rel @p3 .LBB3_10-.Ltmp15, $3  }
0x147: {  	_ =	sdelay $0x1  }
0x148: {  	v1 =	vshll.u32 v1, $0x4  }
0x149: {  	s10 =	sadd.s32 $0xFFFFFFF0, s10;
	[tilespmem:s4+$0x0] =	vst.msk vm0, v1;
	s4 =	sadd.s32 $0x10, s4;
	vm0 =	vmmov vm1  }
.LBB3_11:
0x14a: {  	_ =	sdelay $0x4  }
0x14b: {  	v1 =	vld.msk [tilespmem:s4+$0x0 ss:$0x1], vm1;
	_ =	sdelay $0x4  }
0x14c: {  	v1 =	vshll.u32 v1, $0x4  }
0x14d: {  	[tilespmem:s4+$0x0] =	vst.msk vm0, v1  }
.LBB3_12:
0x14e: {  	s4 =	sand.u32 $0x1, s25  }
0x14f: {  	s4 =	smul.u32 $0x140, s4  }
0x150: {  	p3 =	sne.s32 s5, $0xFFFFFFFF  }
0x151: {  	v1 =	vld.msk @!p3 [tilespmem:s4+$0xAD08], $0x1;
	_ =	sdelay $0x4  }
0x152: {  	(v2sf) =	vpush @!p3 v1, $0x0;
	_ =	sdelay $0xc  }
.Ltmp16:
0x153: {  	_ = 	snop;
	(pc) =	sbr.rel @p2 .LBB3_23-.Ltmp16, $4  }
0x154: {  	_ = 	snop  }
0x155: {  	s29 =	spop @!p3 (v2sf)  }
0x156: {  	s31 =	simm.s32 $0xC;
	s26 =	simm.s32 @!p3 $0x0;
	s4 =	smov.u32 s29  }
0x157: {  	[sflag:s31] =	ssyncpa.u1 $0x0;
	s29 =	smov.u32 @p3 s3;
	s4 =	smov.u32 @p3 s5  }
0x158: {  	v1 =	vld.msk [tilespmem:s28+$0x0], $0x1;
	_ =	sdelay $0x4  }
0x159: {  	(v2sf) =	vpush v1, $0x0;
	_ =	sdelay $0xe  }
0x15a: {  	s2 =	smul.u32 $0x28000, s2;
	s5 =	spop (v2sf)  }
0x15b: {  	s31 =	ssub.s32 $0x0, s0;
	p2 =	seq.s32 s29, s5  }
0x15c: {  	s3 =	smov.u32 s29;
	s2 =	sshrl.u32 s2, $0x2;
	p3 =	sgt.s32 @!p2 s29, $0x0  }
0x15d: {  	s30 =	sadd.s32 $0xAFA8, s2;
	s2 =	sadd.s32 $0x1, s31;
	p3 =	por !p3, p2  }
0x15e: {  	s3 =	simm.s32 @p3 $0x0;
	p3 =	seq.s32 s2, $0x0  }
.Ltmp17:
0x15f: {  	_ = 	snop;
	(pc) =	sbr.rel @p3 .LBB3_15-.Ltmp17, $4  }
0x160: {  	_ = 	snop  }
0x161: {  	s0 =	simm.s32 $0x0;
	s9 =	simm.s32 @!p2 $0x1;
	s3 =	smin.u32 @!p2 s3, $0xC34F8  }
0x162: {  	s10 =	simm.s32 @!p2 $0x50C8;
	s9 =	smov.u32 @p2 s0;
	s7 =	sand.u32 @!p2 $0xFFFF8, s3  }
0x163: {  	s16 =	sand.u32 @!p2 $0x7, s3;
	s3 =	sadd.s32 $0x1, s28;
	s11 =	sadd.s32 @!p2 s1, s7  }
.LBB3_14:
0x164: {  	s7 =	smov.u32 s9  }
0x165: {  	[tilespmem:s10], [sflag:$0x2] =	stream.linear.gather @!p2 [hbm4b:s11+s16], $0x40, $0x38;
	[tilespmem:$0x1EF88] =	vst v63  }
0x166: {  	s2 =	sadd.s32 $0x1, s2;
	s8 =	smov.u32 s5;
	v1 =	vld.msk [tilespmem:s3+$0x0], $0x1  }
0x167: {  	p3 =	seq.s32 s2, $0x0;
	_ =	sdelay $0x3  }
0x168: {  	(v2sf) =	vpush v1, $0x0;
	_ =	sdelay $0xe  }
0x169: {  	s5 =	spop (v2sf)  }
0x16a: {  	p2 =	seq.s32 s8, s5  }
0x16b: {  	p4 =	sgt.s32 @!p2 s8, $0x0;
	s10 =	sshll.u32 @!p2 s9, $0x8;
	s9 =	sadd.s32 @!p2 $0x1, s9  }
.Ltmp18:
0x16c: {  	p4 =	por !p4, p2;
	s10 =	sshra.s32 @!p2 s10, $0x2;
	(pc) =	sbr.rel @!p3 .LBB3_14-.Ltmp18, $4  }
0x16d: {  	s9 =	smov.u32 @p2 s7;
	s8 =	simm.s32 @p4 $0x0;
	s10 =	sadd.s32 @!p2 $0x50C8, s10  }
0x16e: {  	s7 =	smin.u32 @!p2 s8, $0xC34F8  }
0x16f: {  	s8 =	sand.u32 @!p2 $0xFFFF8, s7;
	s16 =	sand.u32 @!p2 $0x7, s7  }
0x170: {  	s3 =	sadd.s32 $0x1, s3;
	s11 =	sadd.s32 @!p2 s1, s8  }
.LBB3_15:
0x171: {  	[tilespmem:s10], [sflag:$0x2] =	stream.linear.gather @!p2 [hbm4b:s11+s16], $0x40, $0x38;
	[tilespmem:$0x1EF88] =	vst v63  }
.Ltmp19:
0x172: {  	s2 =	sshll.u32 s9, $0x6;
	(pc) =	sbr.rel .LBB3_16-.Ltmp19, $4  }
0x173: {  	s3 =	simm.s32 $0x2;
	s2 =	sand.u32 $0x3FFFFFC0, s2  }
0x174: {  	_ =	swait.ge [sflag:s3], s2  }
0x175: {  	s2 =	ssub.s32 $0x0, s2;
	[sflag:s3] =	ssyncset.done $0x0  }
0x176: {  	[sflag:s3] =	ssyncadd.s32 s2;
	s3 =	simm.s32 $0x0  }
.LBB3_17:
0x177: {  	v1 =	vld [tilespmem:s30+$0xFFFFFFE0];
	_ =	sdelay $0x4  }
0x178: {  	[tilespmem:s5+$0x88] =	vst.add.f32.msk $0xffff, v1  }
0x179: {  	v1 =	vld [tilespmem:s30+$0xFFFFFFF0];
	_ =	sdelay $0x4  }
0x17a: {  	[tilespmem:s5+$0x98] =	vst.add.f32.msk $0xffff, v1  }
0x17b: {  	v1 =	vld [tilespmem:s30+$0x0];
	_ =	sdelay $0x4  }
0x17c: {  	[tilespmem:s5+$0xA8] =	vst.add.f32.msk $0xffff, v1  }
0x17d: {  	v1 =	vld [tilespmem:s30+$0x10];
	_ =	sdelay $0x4  }
0x17e: {  	[tilespmem:s5+$0xB8] =	vst.add.f32.msk $0xffff, v1  }
.LBB3_21:
0x17f: {  	s31 =	sadd.s32 $0x1, s31  }
0x180: {  	p2 =	seq.s32 s31, $0x0  }
.Ltmp20:
0x181: {  	_ = 	snop;
	(pc) =	sbr.rel @p2 .LBB3_22-.Ltmp20, $2  }
0x182: {  	_ =	sdelay $0x2  }
0x183: {  	s30 =	sadd.s32 $0x80, s30;
	s28 =	sadd.s32 $0x1, s28;
	s29 =	smov.u32 s2  }
.LBB3_16:
0x184: {  	v1 =	vld.msk [tilespmem:s28+$0x0], $0x1;
	_ =	sdelay $0x4  }
0x185: {  	(v2sf) =	vpush v1, $0x0;
	_ =	sdelay $0xe  }
0x186: {  	s2 =	spop (v2sf)  }
0x187: {  	p2 =	sne.s32 s29, s2  }
.Ltmp21:
0x188: {  	_ = 	snop;
	(pc) =	sbr.rel @!p2 .LBB3_17-.Ltmp21, $3  }
0x189: {  	_ =	sdelay $0x1  }
0x18a: {  	s5 =	sshll.u32 s26, $0x8  }
0x18b: {  	s5 =	sshra.s32 s5, $0x2  }
0x18c: {  	p2 =	seq.s32 s29, s4  }
.Ltmp22:
0x18d: {  	_ = 	snop;
	(pc) =	sbr.rel @!p2 .LBB3_19-.Ltmp22, $1  }
0x18e: {  	_ =	sdelay $0x3  }
.Ltmp23:
0x18f: {  	s5 =	sadd.s32 $0x88, s5;
	(pc) =	sbr.rel .LBB3_20-.Ltmp23, $4  }
0x190: {  	[spmem:s18] =	stream.linear.scatter [tilespmem:s5], [sflag:$0x1], $0x40, $0x38;
	[tilespmem:$0x1EF88] =	vst v63  }
0x191: {  	_ =	swait.ge [sflag:s13], $0x40  }
0x192: {  	[sflag:s13] =	ssyncset.done $0x0  }
0x193: {  	[sflag:s13] =	ssyncadd.s32 $0xFFFFFFC0  }
.LBB3_19:
0x194: {  	s7 =	sshll.u32 s0, $0x8  }
0x195: {  	s7 =	sshra.s32 s7, $0x2  }
0x196: {  	v1 =	vld [tilespmem:s7+$0x50C8];
	_ =	sdelay $0x4  }
0x197: {  	[tilespmem:s5+$0x88] =	vst.add.f32.msk $0xffff, v1  }
0x198: {  	v1 =	vld [tilespmem:s7+$0x50D8];
	_ =	sdelay $0x4  }
0x199: {  	[tilespmem:s5+$0x98] =	vst.add.f32.msk $0xffff, v1  }
0x19a: {  	v1 =	vld [tilespmem:s7+$0x50E8];
	_ =	sdelay $0x4  }
0x19b: {  	[tilespmem:s5+$0xA8] =	vst.add.f32.msk $0xffff, v1  }
0x19c: {  	v1 =	vld [tilespmem:s7+$0x50F8];
	_ =	sdelay $0x2  }
0x19d: {  	p2 =	sgt.u32 s29, $0xC34F8  }
0x19e: {  	s7 =	sand.u32 @!p2 $0xFFFF8, s29  }
0x19f: {  	s8 =	sadd.s32 $0x88, s5;
	[tilespmem:s5+$0xB8] =	vst.add.f32.msk $0xffff, v1;
	s5 =	sadd.s32 @!p2 s1, s7;
	s7 =	sand.u32 @!p2 $0x7, s29  }
0x1a0: {  	[hbm4b:s5+s7] =	stream.linear.scatter @!p2 [tilespmem:s8], [sflag:$0xC], $0x40, $0x38;
	[tilespmem:$0x1EF88] =	vst v63  }
0x1a1: {  	s5 =	simm.s32 $0x0  }
0x1a2: {  	s5 =	simm.s32 @!p2 $0x100  }
0x1a3: {  	s3 =	sadd.s32 s5, s3  }
.LBB3_20:
0x1a4: {  	s5 =	sadd.s32 $0x1, s26  }
0x1a5: {  	s7 =	smulhi.u32 $0xCCCCCCCD, s5;
	_ =	sdelay $0x1  }
0x1a6: {  	v1 =	vld [tilespmem:s30+$0xFFFFFFE0];
	s7 =	sshrl.u32 s7, $0x8  }
0x1a7: {  	s7 =	smul.u32 $0x140, s7;
	_ =	sdelay $0x1  }
0x1a8: {  	s26 =	ssub.s32 s5, s7  }
0x1a9: {  	s5 =	sshll.u32 s26, $0x6  }
0x1aa: {  	[tilespmem:s5+$0x88] =	vst v1  }
0x1ab: {  	v1 =	vld [tilespmem:s30+$0xFFFFFFF0];
	_ =	sdelay $0x4  }
0x1ac: {  	[tilespmem:s5+$0x98] =	vst v1  }
0x1ad: {  	v1 =	vld [tilespmem:s30+$0x0];
	_ =	sdelay $0x4  }
0x1ae: {  	[tilespmem:s5+$0xA8] =	vst v1  }
0x1af: {  	v1 =	vld [tilespmem:s30+$0x10]  }
.Ltmp24:
0x1b0: {  	_ = 	snop;
	(pc) =	sbr.rel .LBB3_21-.Ltmp24, $2  }
0x1b1: {  	_ =	sdelay $0x2  }
0x1b2: {  	s0 =	sadd.s32 $0x1, s0;
	[tilespmem:s5+$0xB8] =	vst v1  }
.LBB3_23:
.Ltmp25:
0x1b3: {  	(pc) =	sbr.rel .LBB3_24-.Ltmp25, $4  }
0x1b4: {  	_ = 	snop  }
0x1b5: {  	s0 =	simm.s32 $0x2  }
0x1b6: {  	_ =	swait.ge [sflag:s0], $0x0  }
0x1b7: {  	s2 =	smov.u32 s29;
	[sflag:s0] =	ssyncset.done $0x0;
	s0 =	simm.s32 $0x0  }
.LBB3_26:
0x1b8: {  	_ =	sfence.sel $0x180000  }
0x1b9: {  	s0 =	simm.s32 $0x9;
	[bflag:$0x0] =	sbarrier.arrive $0xFFFF  }
0x1ba: {  	s24 =	simm.s32 $0xA;
	[sflag:s0] =	ssyncpa.u1 $0x1  }
0x1bb: {  	s25 =	simm.s32 $0xB;
	[sflag:s24] =	ssyncpa.u1 $0x1  }
0x1bc: {  	s26 =	simm.s32 $0x2;
	[sflag:s25] =	ssyncpa.u1 $0x1  }
0x1bd: {  	[sflag:s26] =	ssyncpa.u1 $0x1  }
0x1be: {  	v0 =	vld [tilespmem:$0xA108];
	_ =	sdelay $0x4  }
0x1bf: {  	(v2sf) =	vpush v0, $0x0  }
0x1c0: {  	(v2sf) =	vpush v0, $0x1;
	_ =	sdelay $0x1  }
0x1c1: {  	(v2sf) =	vpush v0, $0x2;
	_ =	sdelay $0xb  }
0x1c2: {  	s0 =	spop (v2sf)  }
0x1c3: {  	s2 =	spop (v2sf)  }
0x1c4: {  	s3 =	smov.u32 s0;
	p0 =	sne.s32 s0, s2  }
0x1c5: {  	s4 =	spop (v2sf);
	s3 =	simm.s32 @!p0 $0xFFFFFFFF  }
0x1c6: {  	v2 =	vimm.s32 $0x1;
	v3 =	vlaneseq.u32;
	p0 =	seq.s32 s4, $0xFFFFFFFF;
	v1 =	vmov s3  }
0x1c7: {  	s14 =	stileid.u32;
	v0 =	vperm.xlane v0, v2;
	p1 =	sne.s32 @!p0 s0, s2;
	v1 =	vperm.xlane v1, v3  }
0x1c8: {  	vm0 =	vcmask $0x3F04;
	s6 =	simm.s32 $0xA108;
	s0 =	simm.s32 @!p0 $0x1;
	p1 =	por !p1, p0  }
0x1c9: {  	s3 =	sshll.u32 s14, $0x1;
	s2 =	sshll.u32 @!p0 s4, $0x8;
	s0 =	simm.s32 @p1 $0x0;
	v0 =	vsel vm0, v1, v0  }
0x1ca: {  	s5 =	sor.u32 $0x800, s3;
	s2 =	sshra.s32 @!p0 s2, $0x2;
	s0 =	sor.u32 @!p0 s0, s3;
	[tilespmem:$0xA108] =	vst v0  }
0x1cb: {  	[spmem:s5] =	stream.linear.scatter [tilespmem:s6], [sflag:$0x1], $0x2, $0x38;
	[tilespmem:$0x1EF88] =	vst v63  }
0x1cc: {  	s2 =	sadd.s32 @!p0 $0x88, s2;
	s0 =	sshll.u32 @!p0 s0, $0x6  }
0x1cd: {  	[spmem:s0] =	stream.linear.scatter @!p0 [tilespmem:s2], [sflag:$0x1], $0x40, $0x38;
	[tilespmem:$0x1EF88] =	vst v63  }
0x1ce: {  	s0 =	simm.s32 @!p0 $0x42  }
0x1cf: {  	s28 =	simm.s32 $0x1;
	s0 =	simm.s32 @p0 $0x2  }
0x1d0: {  	_ =	swait.ge [sflag:s28], s0  }
0x1d1: {  	s0 =	ssub.s32 $0x0, s0;
	[sflag:s28] =	ssyncset.done $0x0  }
0x1d2: {  	p0 =	sne.s32 s14, $0x0;
	[sflag:s28] =	ssyncadd.s32 s0  }
.Ltmp26:
0x1d3: {  	_ =	sfence.stream.spmem;
	(pc) =	sbr.rel @p0 .LBB3_43-.Ltmp26, $4  }
0x1d4: {  	s29 =	simm.s32 $0x3;
	[bflag:$0x0] =	sbarrier.arrive $0xFFFF  }
0x1d5: {  	s30 =	simm.s32 $0x4;
	[sflag:s29] =	ssyncpa.u1 $0x1  }
0x1d6: {  	s31 =	simm.s32 $0x3C;
	[sflag:s30] =	ssyncpa.u1 $0x1  }
0x1d7: {  	s13 =	rddreg [dreg:$0x4];
	[sflag:s31] =	ssyncpa.u1 $0x1  }
0x1d8: {  	_ =	sfence.stream.spmem;
	s0 =	simm.s32 $0x5  }
0x1d9: {  	s2 =	simm.s32 $0x800;
	s3 =	simm.s32 $0xA118;
	[sflag:s0] =	ssyncpa.u1 $0x0  }
0x1da: {  	[tilespmem:s3], [sflag:$0x5] =	stream.linear.gather [spmem:s2], $0x20, $0x38;
	[tilespmem:$0x1EF88] =	vst v63  }
0x1db: {  	s26 =	simm.s32 $0x0;
	s28 =	simm.s32 $0xA138  }
0x1dc: {  	[tilespmem:s28], [sflag:$0x5] =	stream.linear.gather [spmem:s26], $0x800, $0x38;
	[tilespmem:$0x1EF88] =	vst v63  }
0x1dd: {  	_ =	swait.ge [sflag:s0], $0x820  }
0x1de: {  	[sflag:s0] =	ssyncset.done $0x0  }
0x1df: {  	s29 =	simm.s32 $0x0;
	[sflag:s0] =	ssyncadd.s32 $0xFFFFF7E0  }
0x1e0: {  	v0 =	vld.msk [tilespmem:s29+$0xA118], $0x1;
	_ =	sdelay $0x1  }
0x1e1: {  	s30 =	simm.s32 $0x1  }
0x1e2: {  	v1 =	vld.msk [tilespmem:s30+$0xA118], $0x1;
	_ =	sdelay $0x1  }
0x1e3: {  	(v2sf) =	vpush v0, $0x0;
	_ =	sdelay $0x2  }
0x1e4: {  	(v2sf) =	vpush v1, $0x0;
	_ =	sdelay $0x2  }
0x1e5: {  	s31 =	simm.s32 $0x2  }
0x1e6: {  	v0 =	vld.msk [tilespmem:s31+$0xA118], $0x1;
	_ =	sdelay $0x2  }
0x1e7: {  	s2 =	simm.s32 $0xFFFFFFFF;
	s3 =	simm.s32 $0xFFFFFFFF;
	s0 =	simm.s32 $0xC  }
.LBB3_28:
0x1e8: {  	s4 =	smov.u32 s3;
	s5 =	smov.u32 s2  }
0x1e9: {  	s2 =	sshra.s32 s0, $0x2;
	p1 =	sne.s32 s0, $0x7C;
	s0 =	sadd.s32 $0x4, s0;
	(v2sf) =	vpush v0, $0x0  }
0x1ea: {  	v0 =	vld.msk [tilespmem:s2+$0xA118], $0x1  }
.Ltmp27:
0x1eb: {  	(pc) =	sbr.rel @p1 .LBB3_28-.Ltmp27, $4  }
0x1ec: {  	s3 =	spop (v2sf)  }
0x1ed: {  	p2 =	sne.s32 s5, $0xFFFFFFFF;
	s2 =	smov.u32 s3  }
0x1ee: {  	p3 =	seq.s32 s3, $0xFFFFFFFF;
	s2 =	smov.u32 @p2 s5  }
0x1ef: {  	s3 =	smov.u32 @p3 s4;
	s2 =	smov.u32 @p3 s5  }
0x1f0: {  	(v2sf) =	vpush v0, $0x0;
	_ =	sdelay $0x8  }
0x1f1: {  	s0 =	spop (v2sf)  }
0x1f2: {  	p1 =	sne.s32 s2, $0xFFFFFFFF;
	s4 =	smov.u32 s0  }
0x1f3: {  	s6 =	simm.s32 $0x0;
	p2 =	seq.s32 s0, $0xFFFFFFFF;
	s4 =	smov.u32 @p1 s2  }
0x1f4: {  	s9 =	simm.s32 $0xA0C8;
	s4 =	smov.u32 @p2 s2;
	s2 =	spop (v2sf)  }
0x1f5: {  	s0 =	smov.u32 @p2 s3;
	p1 =	sne.s32 s4, $0xFFFFFFFF;
	s5 =	smov.u32 s2  }
.Ltmp28:
0x1f6: {  	p2 =	seq.s32 s2, $0xFFFFFFFF;
	s5 =	smov.u32 @p1 s4;
	(pc) =	sbr.rel .LBB3_30-.Ltmp28, $4  }
0x1f7: {  	s10 =	simm.s32 $0x0;
	s5 =	smov.u32 @p2 s4;
	s7 =	spop (v2sf)  }
0x1f8: {  	s2 =	smov.u32 @p2 s0;
	p1 =	sne.s32 s5, $0xFFFFFFFF;
	s8 =	smov.u32 s7  }
0x1f9: {  	s0 =	simm.s32 $0x6;
	p2 =	seq.s32 s7, $0xFFFFFFFF;
	s8 =	smov.u32 @p1 s5  }
0x1fa: {  	[sflag:s0] =	ssyncpa.u1 $0x0;
	s7 =	smov.u32 @p2 s2;
	s8 =	smov.u32 @p2 s5  }
.LBB3_36:
0x1fb: {  	p1 =	sgt.u32 s2, $0xC34F8  }
0x1fc: {  	p2 =	seq.s32 @!p1 s2, s8  }
0x1fd: {  	p1 =	por p1, p2  }
0x1fe: {  	p2 =	sne.s32 @!p1 s2, s7  }
0x1ff: {  	p1 =	por p1, !p2  }
0x200: {  	s2 =	sshll.u32 @p1 s10, $0x8  }
0x201: {  	s3 =	sand.u32 @!p1 $0xFFFF8, s2  }
0x202: {  	s2 =	sand.u32 @!p1 $0x7, s2;
	s3 =	sadd.s32 @!p1 s1, s3  }
0x203: {  	[tilespmem:s9], [sflag:$0x6] =	stream.linear.gather @!p1 [hbm4b:s3+s2], $0x40, $0x38;
	[tilespmem:$0x1EF88] =	vst v63  }
0x204: {  	_ =	swait.ge @!p1 [sflag:s0], $0x40  }
0x205: {  	[sflag:s0] =	ssyncset.done @!p1 $0x0  }
0x206: {  	[sflag:s0] =	ssyncadd.s32 @!p1 $0xFFFFFFC0  }
0x207: {  	v1 =	vld @!p1 [tilespmem:$0xA0C8];
	_ =	sdelay $0x2  }
0x208: {  	s2 =	sshll.u32 @!p1 s10, $0x8  }
0x209: {  	s3 =	sshrl.u32 @!p1 s2, $0x2  }
0x20a: {  	[tilespmem:s3+$0xA138] =	vst.add.f32.msk @!p1 $0xffff, v1  }
0x20b: {  	v1 =	vld @!p1 [tilespmem:$0xA0D8];
	_ =	sdelay $0x4  }
0x20c: {  	[tilespmem:s3+$0xA148] =	vst.add.f32.msk @!p1 $0xffff, v1  }
0x20d: {  	v1 =	vld @!p1 [tilespmem:$0xA0E8];
	_ =	sdelay $0x4  }
0x20e: {  	[tilespmem:s3+$0xA158] =	vst.add.f32.msk @!p1 $0xffff, v1  }
0x20f: {  	v1 =	vld @!p1 [tilespmem:$0xA0F8];
	_ =	sdelay $0x4  }
0x210: {  	[tilespmem:s3+$0xA168] =	vst.add.f32.msk @!p1 $0xffff, v1  }
0x211: {  	s2 =	sshrl.u32 s2, $0x2;
	[tilespmem:s6+$0xA118] =	vst.msk $0x1, v0  }
0x212: {  	v0 =	vld [tilespmem:s2+$0xA138];
	_ =	sdelay $0x2  }
0x213: {  	s31 =	sshll.u32 s6, $0x8  }
0x214: {  	s3 =	sshra.s32 s31, $0x2  }
0x215: {  	[tilespmem:s3+$0xA138] =	vst v0  }
0x216: {  	v0 =	vld [tilespmem:s2+$0xA148];
	_ =	sdelay $0x4  }
0x217: {  	[tilespmem:s3+$0xA148] =	vst v0  }
0x218: {  	v0 =	vld [tilespmem:s2+$0xA158];
	_ =	sdelay $0x4  }
0x219: {  	[tilespmem:s3+$0xA158] =	vst v0  }
0x21a: {  	v0 =	vld [tilespmem:s2+$0xA168];
	_ =	sdelay $0x4  }
0x21b: {  	s6 =	sadd.s32 $0x1, s6;
	[tilespmem:s3+$0xA168] =	vst v0  }
.LBB3_37:
0x21c: {  	s10 =	sadd.s32 $0x1, s10  }
0x21d: {  	p1 =	sne.s32 s10, $0x20  }
.Ltmp29:
0x21e: {  	_ = 	snop;
	(pc) =	sbr.rel @!p1 .LBB3_38-.Ltmp29, $1  }
0x21f: {  	_ =	sdelay $0x3  }
.LBB3_30:
0x220: {  	v0 =	vld.msk [tilespmem:s10+$0xA118], $0x1;
	_ =	sdelay $0x4  }
0x221: {  	(v2sf) =	vpush v0, $0x0;
	_ =	sdelay $0xe  }
0x222: {  	s2 =	spop (v2sf)  }
0x223: {  	p1 =	seq.s32 s2, $0xFFFFFFFF  }
.Ltmp30:
0x224: {  	_ = 	snop;
	(pc) =	sbr.rel @p1 .LBB3_37-.Ltmp30, $1  }
0x225: {  	_ =	sdelay $0x3  }
0x226: {  	p1 =	slt.s32 s6, $0x1  }
.Ltmp31:
0x227: {  	_ = 	snop;
	(pc) =	sbr.rel @p1 .LBB3_36-.Ltmp31, $1  }
0x228: {  	_ =	sdelay $0x3  }
0x229: {  	s3 =	simm.s32 $0xA118;
	p1 =	por $0x0, $0x0  }
0x22a: {  	v1 =	vld.msk @!p1 [tilespmem:s3+$0x0], $0x1;
	_ =	sdelay $0x4  }
0x22b: {  	(v2sf) =	vpush @!p1 v1, $0x0;
	_ =	sdelay $0xd  }
0x22c: {  	p3 =	sne.s32 s6, $0x1  }
.Ltmp32:
0x22d: {  	s4 =	spop @!p1 (v2sf);
	(pc) =	sbr.rel @!p3 .LBB3_34-.Ltmp32, $4  }
0x22e: {  	p2 =	seq.s32 @!p1 s2, s4  }
0x22f: {  	s4 =	simm.s32 $0x0;
	p2 =	por !p2, p1  }
0x230: {  	s11 =	simm.s32 $0xFFFFFFFF;
	s4 =	simm.s32 @p2 $0xFFFFFFFF  }
0x231: {  	s5 =	simm.s32 $0x1;
	s4 =	smov.u32 @p1 s11  }
.LBB3_33:
0x232: {  	s11 =	smov.u32 s4;
	p1 =	sne.s32 s4, $0xFFFFFFFF  }
0x233: {  	s3 =	sadd.s32 $0x1, s3;
	s4 =	smov.u32 s5;
	s5 =	sadd.s32 $0x1, s5  }
0x234: {  	p2 =	sne.s32 s6, s5;
	v1 =	vld.msk @!p1 [tilespmem:s3+$0x0], $0x1;
	_ =	sdelay $0x4  }
0x235: {  	(v2sf) =	vpush @!p1 v1, $0x0;
	_ =	sdelay $0xe  }
.Ltmp33:
0x236: {  	s12 =	spop @!p1 (v2sf);
	(pc) =	sbr.rel @p2 .LBB3_33-.Ltmp33, $4  }
0x237: {  	p3 =	seq.s32 @!p1 s2, s12  }
0x238: {  	p3 =	por !p3, p1  }
0x239: {  	s4 =	simm.s32 @p3 $0xFFFFFFFF  }
0x23a: {  	s4 =	smov.u32 @p1 s11  }
.LBB3_34:
0x23b: {  	p1 =	seq.s32 s4, $0xFFFFFFFF  }
.Ltmp34:
0x23c: {  	_ = 	snop;
	(pc) =	sbr.rel @p1 .LBB3_36-.Ltmp34, $1  }
0x23d: {  	_ =	sdelay $0x3  }
0x23e: {  	s2 =	sshll.u32 s10, $0x6  }
0x23f: {  	s2 =	sand.u32 $0x3FFFFFC0, s2  }
0x240: {  	v0 =	vld [tilespmem:s2+$0xA138];
	_ =	sdelay $0x2  }
0x241: {  	s3 =	sshll.u32 s4, $0x8  }
0x242: {  	s3 =	sshra.s32 s3, $0x2  }
0x243: {  	[tilespmem:s3+$0xA138] =	vst.add.f32.msk $0xffff, v0  }
0x244: {  	v0 =	vld [tilespmem:s2+$0xA148];
	_ =	sdelay $0x4  }
0x245: {  	[tilespmem:s3+$0xA148] =	vst.add.f32.msk $0xffff, v0  }
0x246: {  	v0 =	vld [tilespmem:s2+$0xA158];
	_ =	sdelay $0x4  }
0x247: {  	[tilespmem:s3+$0xA158] =	vst.add.f32.msk $0xffff, v0  }
0x248: {  	v0 =	vld [tilespmem:s2+$0xA168]  }
.Ltmp35:
0x249: {  	_ = 	snop;
	(pc) =	sbr.rel .LBB3_37-.Ltmp35, $2  }
0x24a: {  	_ =	sdelay $0x2  }
0x24b: {  	[tilespmem:s3+$0xA168] =	vst.add.f32.msk $0xffff, v0  }
.LBB3_38:
0x24c: {  	s0 =	simm.s32 $0x6;
	p1 =	seq.s32 s6, $0x0  }
0x24d: {  	[sflag:s0] =	ssyncpa.u1 $0x1;
	v0 =	vimm.s32 @p1 $0xFFFFFFFF  }
0x24e: {  	s0 =	sadd.s32 $0xFFFFFFFF, s6;
	[tilespmem:$0xA938] =	vst @p1 v0  }
0x24f: {  	v0 =	vld.msk @!p1 [tilespmem:s0+$0xA118], $0x1;
	_ =	sdelay $0x1  }
0x250: {  	v1 =	vld.msk @!p1 [tilespmem:$0xA118], $0x1;
	_ =	sdelay $0x2  }
0x251: {  	p2 =	seq.s32 @!p1 s0, $0x0;
	v0 =	vbroadcast @!p1 v0, $0x0  }
0x252: {  	vm0 =	vmmov @!p1 $0x1;
	p2 =	por !p2, p1  }
0x253: {  	v1 =	vnsel @!p1 vm0, $0xFFFFFFFF, v1;
	vm0 =	vcmask @!p1 $0x308;
	v0 =	vpsel !p2, $0xFFFFFFFF, v0  }
0x254: {  	p2 =	sne.s32 @!p1 s8, s7;
	v0 =	vsel @!p1 vm0, v1, v0  }
0x255: {  	s2 =	simm.s32 @!p1 $0xA138;
	s3 =	simm.s32 @!p1 $0x0;
	p3 =	por !p2, p1;
	[tilespmem:$0xA938] =	vst @!p1 v0  }
0x256: {  	[spmem:s3] =	stream.linear.scatter @!p1 [tilespmem:s2], [sflag:$0x1], $0x40, $0x38;
	[tilespmem:$0x1EF88] =	vst v63  }
0x257: {  	s2 =	sshll.u32 @!p3 s0, $0x8  }
0x258: {  	s2 =	sshra.s32 @!p3 s2, $0x2  }
0x259: {  	s3 =	simm.s32 @!p3 $0x40;
	s2 =	sadd.s32 @!p3 $0xA138, s2  }
0x25a: {  	[spmem:s3] =	stream.linear.scatter @!p3 [tilespmem:s2], [sflag:$0x1], $0x40, $0x38;
	[tilespmem:$0x1EF88] =	vst v63  }
0x25b: {  	s2 =	simm.s32 @!p3 $0x1  }
0x25c: {  	_ =	swait.ge @!p3 [sflag:s2], $0x80  }
0x25d: {  	p1 =	por p2, p1;
	[sflag:s2] =	ssyncset.done @!p3 $0x0  }
0x25e: {  	[sflag:s2] =	ssyncadd.s32 @!p3 $0xFFFFFF80;
	s2 =	simm.s32 @!p1 $0x1  }
0x25f: {  	_ =	swait.ge @!p1 [sflag:s2], $0x40  }
0x260: {  	s29 =	simm.s32 $0xA938;
	[sflag:s2] =	ssyncset.done @!p1 $0x0  }
0x261: {  	s30 =	simm.s32 $0x800;
	s31 =	simm.s32 $0x1;
	[sflag:s2] =	ssyncadd.s32 @!p1 $0xFFFFFFC0  }
0x262: {  	[spmem:s30] =	stream.linear.scatter [tilespmem:s29], [sflag:$0x1], $0x10, $0x38;
	[tilespmem:$0x1EF88] =	vst v63  }
0x263: {  	_ =	swait.ge [sflag:s31], $0x10  }
0x264: {  	[sflag:s31] =	ssyncset.done $0x0  }
0x265: {  	p1 =	seq.s32 s13, $0x0;
	s9 =	rddreg [dreg:$0x1];
	[sflag:s31] =	ssyncadd.s32 $0xFFFFFFF0  }
0x266: {  	s3 =	sshll.u32 @p1 s9, $0xE;
	s8 =	rddreg [dreg:$0x2]  }
0x267: {  	s2 =	sadd.s32 @p1 $0x15C3C, s3;
	s3 =	sshll.u32 @p1 s8, $0x11  }
0x268: {  	_ =	sfence.stream.spmem;
	s2 =	sor.u32 @p1 s3, s2  }
0x269: {  	[sflag:s2] =	ssyncadd.remote.s32 @p1 $0x1;
	s2 =	simm.s32 @p1 $0x4  }
0x26a: {  	s4 =	simm.s32 @!p1 $0x3C;
	s3 =	sand.u32 $0xFFFFFFFE, s9;
	_ =	swait.ge @p1 [sflag:s2], $0x12  }
0x26b: {  	s5 =	simm.s32 @!p1 $0x0;
	s3 =	sadd.s32 @!p1 $0x4, s3;
	[sflag:s2] =	ssyncset.done @p1 $0x0  }
0x26c: {  	s7 =	simm.s32 @!p1 $0x80;
	[sflag:s2] =	ssyncadd.s32 @p1 $0xFFFFFFEE;
	s2 =	sshll.u32 @!p1 s3, $0x1A  }
0x26d: {  	s3 =	sshll.u32 @!p1 s3, $0xD;
	s2 =	sor.u32 @!p1 s2, s8;
	_ =	swait.eq @!p1 [sflag:s4], $0x1  }
0x26e: {  	s3 =	sor.u32 @!p1 $0x1C04, s3;
	s4 =	simm.s32 @!p1 $0x1C03;
	s2 =	sor.u32 @!p1 $0x80004000, s2  }
0x26f: {  	[spmem:s7], [sflag:s3] =	dma.general @!p1 [spmem:s5], [sflag:s4], length:$0x10, [dreg:$0x0], stride_count:$0x0, ici_dest:s2, dma_misc:DstOpCode:WRITE  }
0x270: {  	p2 =	slt.s32 s0, $0x2;
	s5 =	simm.s32 @!p1 $0x100;
	s7 =	simm.s32 @!p1 $0x102  }
0x271: {  	[spmem:s7], [sflag:s3] =	dma.general @!p1 [spmem:s5], [sflag:s4], length:$0x2, [dreg:$0x0], stride_count:$0x0, ici_dest:s2, dma_misc:DstOpCode:WRITE  }
.Ltmp36:
0x272: {  	s2 =	simm.s32 @!p1 $0x3;
	(pc) =	sbr.rel @p2 .LBB3_42-.Ltmp36, $4  }
0x273: {  	s3 =	sshll.u32 @!p1 s9, $0xE;
	_ =	swait.ge @!p1 [sflag:s2], $0x12  }
0x274: {  	s4 =	sshll.u32 @!p1 s8, $0x11;
	s3 =	sadd.s32 @!p1 $0x11C3C, s3;
	[sflag:s2] =	ssyncset.done @!p1 $0x0  }
0x275: {  	[sflag:s2] =	ssyncadd.s32 @!p1 $0xFFFFFFEE;
	s2 =	sor.u32 @!p1 s4, s3  }
0x276: {  	s0 =	simm.s32 $0x0;
	[sflag:s2] =	ssyncadd.remote.s32 @!p1 $0xFFFFFFFF  }
0x277: {  	s0 =	simm.s32 $0xA119  }
0x278: {  	v0 =	vld.msk [tilespmem:s0+$0x0], $0x1;
	_ =	sdelay $0x4  }
0x279: {  	(v2sf) =	vpush v0, $0x0;
	_ =	sdelay $0xc  }
0x27a: {  	s2 =	sadd.s32 $0xFFFFFFFE, s6  }
0x27b: {  	s2 =	sadd.s32 $0xFFFFFFFF, s2  }
0x27c: {  	p2 =	sne.s32 s2, $0x0;
	s3 =	spop (v2sf)  }
.Ltmp37:
0x27d: {  	p1 =	sgt.u32 s3, $0xC34F8;
	(pc) =	sbr.rel @!p2 .LBB3_41-.Ltmp37, $4  }
0x27e: {  	s5 =	simm.s32 $0x0;
	s4 =	sand.u32 @!p1 $0xFFFF8, s3  }
0x27f: {  	s0 =	simm.s32 $0xA178;
	s3 =	sand.u32 @!p1 $0x7, s3;
	s4 =	sadd.s32 @!p1 s1, s4  }
0x280: {  	[hbm4b:s4+s3] =	stream.linear.scatter @!p1 [tilespmem:s0], [sflag:$0x5], $0x40, $0x38;
	[tilespmem:$0x1EF88] =	vst v63  }
0x281: {  	s5 =	simm.s32 @!p1 $0x100;
	s3 =	simm.s32 $0x0;
	s4 =	simm.s32 $0xA11A  }
.LBB3_40:
0x282: {  	v0 =	vld.msk [tilespmem:s4+$0x0], $0x1;
	s2 =	sadd.s32 $0xFFFFFFFF, s2;
	s3 =	sadd.s32 s3, s5  }
0x283: {  	p1 =	sne.s32 s2, $0x0;
	_ =	sdelay $0x3  }
0x284: {  	(v2sf) =	vpush v0, $0x0;
	_ =	sdelay $0xe  }
.Ltmp38:
0x285: {  	s6 =	spop (v2sf);
	(pc) =	sbr.rel @p1 .LBB3_40-.Ltmp38, $4  }
0x286: {  	s5 =	simm.s32 $0x0;
	p2 =	sgt.u32 s6, $0xC34F8  }
0x287: {  	s0 =	sadd.s32 $0x40, s0;
	s5 =	simm.s32 @!p2 $0x100;
	s7 =	sand.u32 @!p2 $0xFFFF8, s6  }
0x288: {  	s4 =	sadd.s32 $0x1, s4;
	s6 =	sand.u32 @!p2 $0x7, s6;
	s7 =	sadd.s32 @!p2 s1, s7  }
0x289: {  	[hbm4b:s7+s6] =	stream.linear.scatter @!p2 [tilespmem:s0], [sflag:$0x5], $0x40, $0x38;
	[tilespmem:$0x1EF88] =	vst v63  }
.LBB3_41:
0x28a: {  	s0 =	sadd.s32 s3, s5  }
0x28b: {  	s0 =	sshrl.u32 s0, $0x2  }
.LBB3_42:
0x28c: {  	s2 =	simm.s32 $0x5  }
0x28d: {  	_ =	swait.ge [sflag:s2], s0  }
0x28e: {  	s31 =	ssub.s32 $0x0, s0;
	[sflag:s2] =	ssyncset.done $0x0  }
0x28f: {  	[sflag:s2] =	ssyncadd.s32 s31  }
0x290: {  	[sflag:s2] =	ssyncpa.u1 $0x1  }
.LBB3_43:
0x291: {  	s0 =	sor.u32 s13, s14  }
0x292: {  	p1 =	sne.s32 s0, $0x0  }
.Ltmp39:
0x293: {  	_ = 	snop;
	(pc) =	sbr.rel @p1 .LBB3_58-.Ltmp39, $3  }
0x294: {  	_ =	sdelay $0x1  }
0x295: {  	[bflag:$0x0] =	sbarrier.arrive $0xFFFF  }
0x296: {  	_ =	sfence  }
0x297: {  	s2 =	simm.s32 $0x7  }
0x298: {  	s0 =	simm.s32 $0x800;
	s3 =	simm.s32 $0xA118;
	[sflag:s2] =	ssyncpa.u1 $0x0  }
0x299: {  	[tilespmem:s3], [sflag:$0x7] =	stream.linear.gather [spmem:s0], $0x20, $0x38;
	[tilespmem:$0x1EF88] =	vst v63  }
0x29a: {  	s30 =	simm.s32 $0xA138;
	s0 =	simm.s32 $0x0  }
0x29b: {  	[tilespmem:s30], [sflag:$0x7] =	stream.linear.gather [spmem:s0], $0x800, $0x38;
	[tilespmem:$0x1EF88] =	vst v63  }
.Ltmp40:
0x29c: {  	_ = 	snop;
	(pc) =	sbr.rel .LBB3_45-.Ltmp40, $4  }
0x29d: {  	_ =	swait.ge [sflag:s2], $0x820  }
0x29e: {  	[sflag:s2] =	ssyncset.done $0x0  }
0x29f: {  	s31 =	simm.s32 $0x8;
	[sflag:s2] =	ssyncadd.s32 $0xFFFFF7E0  }
0x2a0: {  	s2 =	simm.s32 $0x0;
	[sflag:s31] =	ssyncpa.u1 $0x0  }
.LBB3_51:
0x2a1: {  	p1 =	slt.u32 s3, $0xC34F9  }
0x2a2: {  	s4 =	sand.u32 @p1 $0xFFFF8, s3  }
0x2a3: {  	s3 =	sand.u32 @p1 $0x7, s3;
	s5 =	simm.s32 @p1 $0xA0C8;
	s4 =	sadd.s32 @p1 s1, s4  }
0x2a4: {  	[tilespmem:s5], [sflag:$0x8] =	stream.linear.gather @p1 [hbm4b:s4+s3], $0x40, $0x38;
	[tilespmem:$0x1EF88] =	vst v63  }
0x2a5: {  	s3 =	simm.s32 @p1 $0x8  }
0x2a6: {  	_ =	swait.ge @p1 [sflag:s3], $0x40  }
0x2a7: {  	[sflag:s3] =	ssyncset.done @p1 $0x0  }
0x2a8: {  	[sflag:s3] =	ssyncadd.s32 @p1 $0xFFFFFFC0  }
0x2a9: {  	v1 =	vld @p1 [tilespmem:$0xA0C8];
	_ =	sdelay $0x2  }
0x2aa: {  	s3 =	sshll.u32 @p1 s2, $0x8  }
0x2ab: {  	s4 =	sshrl.u32 @p1 s3, $0x2  }
0x2ac: {  	[tilespmem:s4+$0xA138] =	vst.add.f32.msk @p1 $0xffff, v1  }
0x2ad: {  	v1 =	vld @p1 [tilespmem:$0xA0D8];
	_ =	sdelay $0x4  }
0x2ae: {  	[tilespmem:s4+$0xA148] =	vst.add.f32.msk @p1 $0xffff, v1  }
0x2af: {  	v1 =	vld @p1 [tilespmem:$0xA0E8];
	_ =	sdelay $0x4  }
0x2b0: {  	[tilespmem:s4+$0xA158] =	vst.add.f32.msk @p1 $0xffff, v1  }
0x2b1: {  	v1 =	vld @p1 [tilespmem:$0xA0F8];
	_ =	sdelay $0x3  }
0x2b2: {  	s5 =	sshll.u32 @!p1 s2, $0x8  }
0x2b3: {  	s5 =	smov.u32 @p1 s3;
	[tilespmem:s4+$0xA168] =	vst.add.f32.msk @p1 $0xffff, v1  }
0x2b4: {  	s3 =	sshrl.u32 s5, $0x2;
	[tilespmem:s0+$0xA118] =	vst.msk $0x1, v0  }
0x2b5: {  	v0 =	vld [tilespmem:s3+$0xA138];
	_ =	sdelay $0x2  }
0x2b6: {  	s31 =	sshll.u32 s0, $0x8  }
0x2b7: {  	s4 =	sshra.s32 s31, $0x2  }
0x2b8: {  	[tilespmem:s4+$0xA138] =	vst v0  }
0x2b9: {  	v0 =	vld [tilespmem:s3+$0xA148];
	_ =	sdelay $0x4  }
0x2ba: {  	[tilespmem:s4+$0xA148] =	vst v0  }
0x2bb: {  	v0 =	vld [tilespmem:s3+$0xA158];
	_ =	sdelay $0x4  }
0x2bc: {  	[tilespmem:s4+$0xA158] =	vst v0  }
0x2bd: {  	v0 =	vld [tilespmem:s3+$0xA168];
	_ =	sdelay $0x4  }
0x2be: {  	s0 =	sadd.s32 $0x1, s0;
	[tilespmem:s4+$0xA168] =	vst v0  }
.LBB3_52:
0x2bf: {  	s2 =	sadd.s32 $0x1, s2  }
0x2c0: {  	p1 =	sne.s32 s2, $0x20  }
.Ltmp41:
0x2c1: {  	_ = 	snop;
	(pc) =	sbr.rel @!p1 .LBB3_53-.Ltmp41, $1  }
0x2c2: {  	_ =	sdelay $0x3  }
.LBB3_45:
0x2c3: {  	v0 =	vld.msk [tilespmem:s2+$0xA118], $0x1;
	_ =	sdelay $0x4  }
0x2c4: {  	(v2sf) =	vpush v0, $0x0;
	_ =	sdelay $0xe  }
0x2c5: {  	s3 =	spop (v2sf)  }
0x2c6: {  	p1 =	seq.s32 s3, $0xFFFFFFFF  }
.Ltmp42:
0x2c7: {  	_ = 	snop;
	(pc) =	sbr.rel @p1 .LBB3_52-.Ltmp42, $1  }
0x2c8: {  	_ =	sdelay $0x3  }
0x2c9: {  	p1 =	slt.s32 s0, $0x1  }
.Ltmp43:
0x2ca: {  	_ = 	snop;
	(pc) =	sbr.rel @p1 .LBB3_51-.Ltmp43, $1  }
0x2cb: {  	_ =	sdelay $0x3  }
0x2cc: {  	s4 =	simm.s32 $0xA118;
	p1 =	por $0x0, $0x0  }
0x2cd: {  	v1 =	vld.msk @!p1 [tilespmem:s4+$0x0], $0x1;
	_ =	sdelay $0x4  }
0x2ce: {  	(v2sf) =	vpush @!p1 v1, $0x0;
	_ =	sdelay $0xd  }
0x2cf: {  	p3 =	sne.s32 s0, $0x1  }
.Ltmp44:
0x2d0: {  	s5 =	spop @!p1 (v2sf);
	(pc) =	sbr.rel @!p3 .LBB3_49-.Ltmp44, $4  }
0x2d1: {  	p2 =	seq.s32 @!p1 s3, s5  }
0x2d2: {  	s5 =	simm.s32 $0x0;
	p2 =	por !p2, p1  }
0x2d3: {  	s7 =	simm.s32 $0xFFFFFFFF;
	s5 =	simm.s32 @p2 $0xFFFFFFFF  }
0x2d4: {  	s6 =	simm.s32 $0x1;
	s5 =	smov.u32 @p1 s7  }
.LBB3_48:
0x2d5: {  	s7 =	smov.u32 s5;
	p1 =	sne.s32 s5, $0xFFFFFFFF  }
0x2d6: {  	s4 =	sadd.s32 $0x1, s4;
	s5 =	smov.u32 s6;
	s6 =	sadd.s32 $0x1, s6  }
0x2d7: {  	p2 =	sne.s32 s0, s6;
	v1 =	vld.msk @!p1 [tilespmem:s4+$0x0], $0x1;
	_ =	sdelay $0x4  }
0x2d8: {  	(v2sf) =	vpush @!p1 v1, $0x0;
	_ =	sdelay $0xe  }
.Ltmp45:
0x2d9: {  	s8 =	spop @!p1 (v2sf);
	(pc) =	sbr.rel @p2 .LBB3_48-.Ltmp45, $4  }
0x2da: {  	p3 =	seq.s32 @!p1 s3, s8  }
0x2db: {  	p3 =	por !p3, p1  }
0x2dc: {  	s5 =	simm.s32 @p3 $0xFFFFFFFF  }
0x2dd: {  	s5 =	smov.u32 @p1 s7  }
.LBB3_49:
0x2de: {  	p1 =	seq.s32 s5, $0xFFFFFFFF  }
.Ltmp46:
0x2df: {  	_ = 	snop;
	(pc) =	sbr.rel @p1 .LBB3_51-.Ltmp46, $1  }
0x2e0: {  	_ =	sdelay $0x3  }
0x2e1: {  	s3 =	sshll.u32 s2, $0x6  }
0x2e2: {  	s3 =	sand.u32 $0x3FFFFFC0, s3  }
0x2e3: {  	v0 =	vld [tilespmem:s3+$0xA138];
	_ =	sdelay $0x2  }
0x2e4: {  	s4 =	sshll.u32 s5, $0x8  }
0x2e5: {  	s4 =	sshra.s32 s4, $0x2  }
0x2e6: {  	[tilespmem:s4+$0xA138] =	vst.add.f32.msk $0xffff, v0  }
0x2e7: {  	v0 =	vld [tilespmem:s3+$0xA148];
	_ =	sdelay $0x4  }
0x2e8: {  	[tilespmem:s4+$0xA148] =	vst.add.f32.msk $0xffff, v0  }
0x2e9: {  	v0 =	vld [tilespmem:s3+$0xA158];
	_ =	sdelay $0x4  }
0x2ea: {  	[tilespmem:s4+$0xA158] =	vst.add.f32.msk $0xffff, v0  }
0x2eb: {  	v0 =	vld [tilespmem:s3+$0xA168]  }
.Ltmp47:
0x2ec: {  	_ = 	snop;
	(pc) =	sbr.rel .LBB3_52-.Ltmp47, $2  }
0x2ed: {  	_ =	sdelay $0x2  }
0x2ee: {  	[tilespmem:s4+$0xA168] =	vst.add.f32.msk $0xffff, v0  }
.LBB3_53:
0x2ef: {  	p1 =	slt.s32 s0, $0x1  }
.Ltmp48:
0x2f0: {  	_ = 	snop;
	(pc) =	sbr.rel @p1 .LBB3_57-.Ltmp48, $3  }
0x2f1: {  	_ =	sdelay $0x1  }
0x2f2: {  	s2 =	simm.s32 $0x8  }
0x2f3: {  	[sflag:s2] =	ssyncpa.u1 $0x1;
	s2 =	simm.s32 $0x0  }
0x2f4: {  	s3 =	simm.s32 $0xA118  }
0x2f5: {  	v0 =	vld.msk [tilespmem:s3+$0x0], $0x1;
	_ =	sdelay $0x4  }
0x2f6: {  	(v2sf) =	vpush v0, $0x0;
	_ =	sdelay $0xe  }
0x2f7: {  	s0 =	sadd.s32 $0xFFFFFFFF, s0;
	s4 =	spop (v2sf)  }
0x2f8: {  	p2 =	sne.s32 s0, $0x0;
	p1 =	sgt.u32 s4, $0xC34F8  }
.Ltmp49:
0x2f9: {  	s5 =	sand.u32 @!p1 $0xFFFF8, s4;
	(pc) =	sbr.rel @!p2 .LBB3_56-.Ltmp49, $4  }
0x2fa: {  	s3 =	simm.s32 $0xA138;
	s4 =	sand.u32 @!p1 $0x7, s4;
	s5 =	sadd.s32 @!p1 s1, s5  }
0x2fb: {  	[hbm4b:s5+s4] =	stream.linear.scatter @!p1 [tilespmem:s3], [sflag:$0x7], $0x40, $0x38;
	[tilespmem:$0x1EF88] =	vst v63  }
0x2fc: {  	s5 =	simm.s32 $0x0  }
0x2fd: {  	s4 =	simm.s32 $0xA119;
	s5 =	simm.s32 @!p1 $0x100  }
.LBB3_55:
0x2fe: {  	v0 =	vld.msk [tilespmem:s4+$0x0], $0x1;
	s0 =	sadd.s32 $0xFFFFFFFF, s0;
	s2 =	sadd.s32 s2, s5  }
0x2ff: {  	p1 =	sne.s32 s0, $0x0;
	_ =	sdelay $0x3  }
0x300: {  	(v2sf) =	vpush v0, $0x0;
	_ =	sdelay $0xe  }
.Ltmp50:
0x301: {  	s6 =	spop (v2sf);
	(pc) =	sbr.rel @p1 .LBB3_55-.Ltmp50, $4  }
0x302: {  	s5 =	simm.s32 $0x0;
	p2 =	sgt.u32 s6, $0xC34F8  }
0x303: {  	s3 =	sadd.s32 $0x40, s3;
	s5 =	simm.s32 @!p2 $0x100;
	s7 =	sand.u32 @!p2 $0xFFFF8, s6  }
0x304: {  	s4 =	sadd.s32 $0x1, s4;
	s6 =	sand.u32 @!p2 $0x7, s6;
	s7 =	sadd.s32 @!p2 s1, s7  }
0x305: {  	[hbm4b:s7+s6] =	stream.linear.scatter @!p2 [tilespmem:s3], [sflag:$0x7], $0x40, $0x38;
	[tilespmem:$0x1EF88] =	vst v63  }
.LBB3_56:
0x306: {  	s0 =	sadd.s32 s2, s5  }
0x307: {  	s2 =	sshrl.u32 s0, $0x2  }
.LBB3_57:
0x308: {  	s0 =	simm.s32 $0x7  }
0x309: {  	_ =	swait.ge [sflag:s0], s2  }
0x30a: {  	s1 =	ssub.s32 $0x0, s2;
	[sflag:s0] =	ssyncset.done $0x0  }
0x30b: {  	[sflag:s0] =	ssyncadd.s32 s1  }
0x30c: {  	[sflag:s0] =	ssyncpa.u1 $0x1  }
.LBB3_58:
0x30d: {  	_ =	sfence;
	s0 =	simm.s32 $0x1  }
0x30e: {  	[sflag:s0] =	ssyncpa.u1 $0x1  }
0x30f: {  	_ =	strace $0x9000004D  }
0x310: {  	[bflag:$0x2] =	sbarrier.arrive $0xFFFF  }
0x311: {  	s0 =	rddreg [dreg:$0x3]  }
0x312: {  	s0 =	sadd.s32 @!p0 $0x100000, s0  }
0x313: {  	[sflag:s0] =	ssyncadd.tile.s32 @!p0 $0x1;
	_ =	shalt  }
.Lfunc_end3:
_tile_overlayer_lowered:
.L_overlay_start_3:
0x314: {  	(tag) =	ssettag $0x3  }
0x315: {  	s0 =	rddreg [dreg:$0x0];
	s2 =	stileid.u32  }
0x316: {  	s1 =	rddreg [dreg:$0x1];
	p0 =	sne.s32 s2, $0x0  }
0x317: {  	s3 =	rddreg [dreg:$0x2];
	[bflag:$0x3] =	sbarrier.arrive $0xFFFF;
	s2 =	simm.s32 @!p0 $0x1C01  }
0x318: {  	[timem:s3], [sflag:s2] =	dma.local @!p0 [hbm:s0], s1  }
0x319: {  	s0 =	simm.s32 @!p0 $0x1  }
0x31a: {  	_ =	swait.ge @!p0 [sflag:s0], s1  }
0x31b: {  	s1 =	ssub.s32 @!p0 $0x0, s1;
	[sflag:s0] =	ssyncset.done @!p0 $0x0  }
0x31c: {  	[sflag:s0] =	ssyncadd.s32 @!p0 s1  }
0x31d: {  	[bflag:$0x3] =	sbarrier.arrive $0xFFFF  }
0x31e: {  	_ =	shalt  }

</sc_bundles>
